<compile_context>
chip_gen: v7x
topology: tpu7x:2x2x1
jax: 0.10.2.dev20260603
libtpu: 0.0.44.dev20260713+nightly
codegen_flags: <defaults>
</compile_context>

<pallas_src>
import functools

import jax
import jax.numpy as jnp
from jax import lax
from jax.experimental import pallas as pl
from jax.experimental.pallas import tpu as pltpu
from jax.experimental.pallas import tpu_sc as plsc

N = 10000
T = 16
D = 256
G = 3 * D
E = N * T

BN = 2000
NB = N // BN

_EPS = 1e-5



def _prep_body(feat_ref, gamma_ref, beta_ref, w_ih_ref, b_ih_ref,
               w_self_ref, feat_bf_ref, feat_pk_ref, w_ihs_ref, bias_ih_ref,
               w_selfs_ref, bias_self_ref):
    f = feat_ref[...]
    mean = jnp.mean(f, axis=0, keepdims=True)
    var = jnp.mean(f * f, axis=0, keepdims=True) - mean * mean
    scale = gamma_ref[...] * lax.rsqrt(var + _EPS)
    shift = beta_ref[...] - mean * scale
    feat_bf_ref[...] = f.astype(jnp.bfloat16)
    u = lax.bitcast_convert_type(f, jnp.int32)
    ubf = jnp.right_shift(u + 0x7FFF + (jnp.right_shift(u, 16) & 1), 16)
    feat_pk_ref[...] = pltpu.pack_elementwise(
        [ubf[:, :D // 2], ubf[:, D // 2:]], packed_dtype=jnp.int16)
    w_ih = w_ih_ref[...]
    w_ihs_ref[...] = (w_ih * scale).astype(jnp.bfloat16)
    bias_ih_ref[...] = b_ih_ref[...] + lax.dot_general(
        shift, w_ih, (((1,), (1,)), ((), ())),
        preferred_element_type=jnp.float32)
    w_self = w_self_ref[...]
    w_selfs_ref[...] = (w_self * scale).astype(jnp.bfloat16)
    bias_self_ref[...] = lax.dot_general(
        shift, w_self, (((1,), (1,)), ((), ())),
        preferred_element_type=jnp.float32)


def _prep(feat, gamma2, beta2, w_ih, b_ih2, w_self):
    return pl.pallas_call(
        _prep_body,
        out_shape=(
            jax.ShapeDtypeStruct((N, D), jnp.bfloat16),
            jax.ShapeDtypeStruct((N, D // 2), jnp.int32),
            jax.ShapeDtypeStruct((G, D), jnp.bfloat16),
            jax.ShapeDtypeStruct((1, G), jnp.float32),
            jax.ShapeDtypeStruct((D, D), jnp.bfloat16),
            jax.ShapeDtypeStruct((1, D), jnp.float32),
        ),
    )(feat, gamma2, beta2, w_ih, b_ih2, w_self)



_NC, _NS = 2, 16
NW = _NC * _NS
TSPLIT = 4
EH = E // TSPLIT
CH = 160
NCHUNK = EH // CH
NK = -(-NCHUNK // NW)


def _gather_body(src_hbm, idx_hbm, out_hbm, idx_v, buf0, buf1,
                 gsem0, gsem1):
    wid = lax.axis_index("s") * _NC + lax.axis_index("c")
    nk_me = jnp.where(wid < NCHUNK - NW * (NK - 1), NK, NK - 1)
    pltpu.sync_copy(idx_hbm.at[wid], idx_v)

    bufs = ((buf0, gsem0), (buf1, gsem1))
    pltpu.async_copy(src_hbm.at[idx_v.at[pl.ds(0, CH)]], buf0, gsem0)
    pltpu.async_copy(src_hbm.at[idx_v.at[pl.ds(CH, CH)]], buf1, gsem1)
    for k in range(NK):
        buf, gsem = bufs[k % 2]
        row = (wid + NW * k) * CH

        @pl.when(k < nk_me)
        def _():
            pltpu.make_async_copy(
                src_hbm.at[idx_v.at[pl.ds(k * CH, CH)]], buf, gsem).wait()
            pltpu.sync_copy(buf, out_hbm.at[pl.ds(row, CH)])

        if k + 2 < NK:
            @pl.when(k + 2 < nk_me)
            def _():
                pltpu.async_copy(
                    src_hbm.at[idx_v.at[pl.ds((k + 2) * CH, CH)]], buf, gsem)


@functools.cache
def _gather():
    return pl.kernel(
        _gather_body,
        mesh=plsc.VectorSubcoreMesh(core_axis_name="c", subcore_axis_name="s",
                                    num_cores=_NC, num_subcores=_NS),
        out_type=jax.ShapeDtypeStruct((EH, D // 2), jnp.int32),
        scratch_types=[
            pltpu.VMEM((NK * CH,), jnp.int32),
            pltpu.VMEM((CH, D // 2), jnp.int32),
            pltpu.VMEM((CH, D // 2), jnp.int32),
            pltpu.SemaphoreType.DMA,
            pltpu.SemaphoreType.DMA,
        ],
    )




TH = T // TSPLIT


def _gru_steps(mail_ref, h, w_ihs_ref, bias_ih_ref, whh_ref, bhh_ref):
    for tt in range(TH):
        pk = mail_ref[tt]
        lo = pltpu.unpack_elementwise(
            pk, index=0, packed_dtype=jnp.int16, unpacked_dtype=jnp.int32)
        hi = pltpu.unpack_elementwise(
            pk, index=1, packed_dtype=jnp.int16, unpacked_dtype=jnp.int32)
        mail_bf = jnp.concatenate(
            [lax.bitcast_convert_type(lax.shift_left(lo, 16), jnp.float32),
             lax.bitcast_convert_type(lax.shift_left(hi, 16), jnp.float32)],
            axis=1).astype(jnp.bfloat16)
        x = lax.dot_general(
            mail_bf, w_ihs_ref[...],
            (((1,), (1,)), ((), ())),
            preferred_element_type=jnp.float32) + bias_ih_ref[...]
        gh = lax.dot_general(
            h.astype(jnp.bfloat16), whh_ref[...], (((1,), (1,)), ((), ())),
            preferred_element_type=jnp.float32) + bhh_ref[...]
        rz = x[:, :2 * D] + gh[:, :2 * D]
        srz = 0.5 * jnp.tanh(0.5 * rz) + 0.5
        r = srz[:, :D]
        z = srz[:, D:]
        n = jnp.tanh(x[:, 2 * D:] + r * gh[:, 2 * D:])
        h = z * (h - n) + n
    return h


def _gru1_body(mail_ref, w_ihs_ref, bias_ih_ref, whh_ref, bhh_ref,
               hout_ref):
    h = jnp.zeros((BN, D), jnp.float32)
    hout_ref[...] = _gru_steps(mail_ref, h, w_ihs_ref, bias_ih_ref,
                               whh_ref, bhh_ref)


def _gru_mid_body(mail_ref, hin_ref, w_ihs_ref, bias_ih_ref, whh_ref,
                  bhh_ref, hout_ref):
    hout_ref[...] = _gru_steps(mail_ref, hin_ref[...], w_ihs_ref,
                               bias_ih_ref, whh_ref, bhh_ref)


def _gru2_body(mail_ref, hin_ref, feat_bf_ref, w_ihs_ref, bias_ih_ref,
               whh_ref, bhh_ref, w_selfs_ref, bias_self_ref, wneigh_ref,
               out_ref):
    h_new = _gru_steps(mail_ref, hin_ref[...], w_ihs_ref, bias_ih_ref,
                       whh_ref, bhh_ref)
    out_ref[...] = (
        lax.dot_general(feat_bf_ref[...], w_selfs_ref[...],
                        (((1,), (1,)), ((), ())),
                        preferred_element_type=jnp.float32)
        + bias_self_ref[...]
        + lax.dot_general(h_new.astype(jnp.bfloat16), wneigh_ref[...],
                          (((1,), (1,)), ((), ())),
                          preferred_element_type=jnp.float32))


_SMALL_SPECS = [
    pl.BlockSpec((G, D), lambda i: (0, 0)),
    pl.BlockSpec((1, G), lambda i: (0, 0)),
    pl.BlockSpec((G, D), lambda i: (0, 0)),
    pl.BlockSpec((1, G), lambda i: (0, 0)),
]


def _gru1(mailA, w_ihs, bias_ih, w_hh_bf, b_hh2):
    return pl.pallas_call(
        _gru1_body,
        grid=(NB,),
        in_specs=[pl.BlockSpec((TH, BN, D // 2), lambda i: (0, i, 0))]
        + _SMALL_SPECS,
        out_specs=pl.BlockSpec((BN, D), lambda i: (i, 0)),
        out_shape=jax.ShapeDtypeStruct((N, D), jnp.float32),
        compiler_params=pltpu.CompilerParams(
            dimension_semantics=("arbitrary",)),
    )(mailA, w_ihs, bias_ih, w_hh_bf, b_hh2)


def _gru_mid(mailX, h_in, w_ihs, bias_ih, w_hh_bf, b_hh2):
    return pl.pallas_call(
        _gru_mid_body,
        grid=(NB,),
        in_specs=[
            pl.BlockSpec((TH, BN, D // 2), lambda i: (0, i, 0)),
            pl.BlockSpec((BN, D), lambda i: (i, 0)),
        ] + _SMALL_SPECS,
        out_specs=pl.BlockSpec((BN, D), lambda i: (i, 0)),
        out_shape=jax.ShapeDtypeStruct((N, D), jnp.float32),
        compiler_params=pltpu.CompilerParams(
            dimension_semantics=("arbitrary",)),
    )(mailX, h_in, w_ihs, bias_ih, w_hh_bf, b_hh2)


def _gru2(mailB, h_mid, feat_bf, w_ihs, bias_ih, w_hh_bf, b_hh2,
          w_selfs, bias_self, w_neigh_bf):
    return pl.pallas_call(
        _gru2_body,
        grid=(NB,),
        in_specs=[
            pl.BlockSpec((TH, BN, D // 2), lambda i: (0, i, 0)),
            pl.BlockSpec((BN, D), lambda i: (i, 0)),
            pl.BlockSpec((BN, D), lambda i: (i, 0)),
        ] + _SMALL_SPECS + [
            pl.BlockSpec((D, D), lambda i: (0, 0)),
            pl.BlockSpec((1, D), lambda i: (0, 0)),
            pl.BlockSpec((D, D), lambda i: (0, 0)),
        ],
        out_specs=pl.BlockSpec((BN, D), lambda i: (i, 0)),
        out_shape=jax.ShapeDtypeStruct((N, D), jnp.float32),
        compiler_params=pltpu.CompilerParams(
            dimension_semantics=("arbitrary",)),
    )(mailB, h_mid, feat_bf, w_ihs, bias_ih, w_hh_bf, b_hh2,
      w_selfs, bias_self, w_neigh_bf)




def kernel(feat, edge_index, gamma, beta, W_ih, W_hh, b_ih, b_hh,
           W_self, W_neigh):
    src = edge_index[0].astype(jnp.int32)
    src_t = src.reshape(N, T).T.reshape(E)
    cid = jnp.minimum(jnp.arange(NW)[:, None] + NW * jnp.arange(NK)[None, :],
                      NCHUNK - 1)
    srcs = [src_t[q * EH:(q + 1) * EH].reshape(NCHUNK, CH)[cid]
            .reshape(NW, NK * CH) for q in range(TSPLIT)]

    feat_bf, feat_pk, w_ihs, bias_ih, w_selfs, bias_self = _prep(
        feat, gamma.reshape(1, D), beta.reshape(1, D), W_ih,
        b_ih.reshape(1, G), W_self)
    mails = [_gather()(feat_pk, s_).reshape(TH, N, D // 2) for s_ in srcs]
    w_hh_bf = W_hh.astype(jnp.bfloat16)
    b_hh2 = b_hh.reshape(1, G)
    h = _gru1(mails[0], w_ihs, bias_ih, w_hh_bf, b_hh2)
    for q in range(1, TSPLIT - 1):
        h = _gru_mid(mails[q], h, w_ihs, bias_ih, w_hh_bf, b_hh2)
    return _gru2(mails[TSPLIT - 1], h, feat_bf, w_ihs, bias_ih, w_hh_bf,
                 b_hh2, w_selfs, bias_self, W_neigh.astype(jnp.bfloat16))

# --- scband reference (transcript-rebuilt; emitter-appended) ---
"""Pipeline reference for scband-onan-21053929685020 (READ-ONLY COPY).

The authoritative reference and input builder live on the scoring server;
editing this copy changes nothing except your own understanding.
"""

import jax, jax.numpy as jnp
import numpy as np

N = 10000
DEG = 16
D = 256
OUT = 256


def setup_inputs(seed: int = 0) -> dict:
    key = jax.random.key(seed)
    ks = jax.random.split(key, 12)
    feat = jax.random.normal(ks[0], (N, D), dtype=jnp.float32)
    # in-degree-regular graph: every dst node has exactly DEG incoming edges
    src = jax.random.randint(ks[1], (N * DEG,), 0, N)
    dst = jnp.repeat(jnp.arange(N), DEG)
    edge_index = jnp.stack([src, dst]).astype(jnp.int64)
    s = 1.0 / np.sqrt(D)
    W_ih = jax.random.uniform(ks[2], (3 * D, D), minval=-s, maxval=s, dtype=jnp.float32)
    W_hh = jax.random.uniform(ks[3], (3 * D, D), minval=-s, maxval=s, dtype=jnp.float32)
    b_ih = jax.random.uniform(ks[4], (3 * D,), minval=-s, maxval=s, dtype=jnp.float32)
    b_hh = jax.random.uniform(ks[5], (3 * D,), minval=-s, maxval=s, dtype=jnp.float32)
    W_self = jax.random.uniform(ks[6], (OUT, D), minval=-s, maxval=s, dtype=jnp.float32)
    W_neigh = jax.random.uniform(ks[7], (OUT, D), minval=-s, maxval=s, dtype=jnp.float32)
    gamma = jnp.ones((D,), dtype=jnp.float32)
    beta = jnp.zeros((D,), dtype=jnp.float32)
    return {"feat": feat, "edge_index": edge_index, "gamma": gamma, "beta": beta,
            "W_ih": W_ih, "W_hh": W_hh, "b_ih": b_ih, "b_hh": b_hh,
            "W_self": W_self, "W_neigh": W_neigh}


def _gru_last_hidden(mailbox, W_ih, W_hh, b_ih, b_hh):
    # mailbox: [N, T, D]; torch GRU gate order: r, z, n; h0 = 0
    x_proj = jnp.einsum('ntd,gd->ntg', mailbox, W_ih) + b_ih  # [N, T, 3D]

    def step(h, x_t):
        gh = h @ W_hh.T + b_hh
        xr, xz, xn = jnp.split(x_t, 3, axis=-1)
        hr, hz, hn = jnp.split(gh, 3, axis=-1)
        r = jax.nn.sigmoid(xr + hr)
        z = jax.nn.sigmoid(xz + hz)
        n = jnp.tanh(xn + r * hn)
        h_new = (1.0 - z) * n + z * h
        return h_new, None

    h0 = jnp.zeros((mailbox.shape[0], D), dtype=mailbox.dtype)
    xs = jnp.swapaxes(x_proj, 0, 1)  # [T, N, 3D]
    hT, _ = jax.lax.scan(step, h0, xs)
    return hT  # [N, D]


def reference(feat, edge_index, gamma, beta, W_ih, W_hh, b_ih, b_hh, W_self, W_neigh):
    # BatchNorm1d in training mode: batch statistics (biased var), eps=1e-5
    mean = jnp.mean(feat, axis=0)
    var = jnp.var(feat, axis=0)
    fnorm = (feat - mean) / jnp.sqrt(var + 1e-5) * gamma + beta
    # message passing: copy_u -> mailbox per dst node (in-degree-regular => reshape)
    src = edge_index[0]
    msgs = jnp.take(fnorm, src, axis=0)           # [N*DEG, D] gather
    mailbox = msgs.reshape(N, DEG, D)             # dst = repeat(arange(N), DEG)
    neigh = _gru_last_hidden(mailbox, W_ih, W_hh, b_ih, b_hh)
    rst = fnorm @ W_self.T + neigh @ W_neigh.T
    return rst

if __name__ == "__main__":
    import jax
    _d = setup_inputs()
    print(jax.jit(kernel)(*tuple(_d.values())))

</pallas_src>

<mosaic_0001>
#map = affine_map<(d0, d1) -> (0, 0)>
module attributes {stable_mosaic.version = 14 : i64} {
  func.func @_gather_body(%arg0: i32, %arg1: i32, %arg2: memref<10000x128xi32, #tpu.memory_space<hbm>>, %arg3: memref<32x1280xi32, #tpu.memory_space<hbm>>, %arg4: memref<40000x128xi32, #tpu.memory_space<hbm>>, %arg5: memref<1280xi32, #tpu.memory_space<vmem>>, %arg6: memref<160x128xi32, #tpu.memory_space<vmem>>, %arg7: memref<160x128xi32, #tpu.memory_space<vmem>>, %arg8: memref<!tpu.dma_semaphore, #tpu.memory_space<semaphore_mem>>, %arg9: memref<!tpu.dma_semaphore, #tpu.memory_space<semaphore_mem>>) attributes {dimension_semantics = [#tpu.dimension_semantics<core_parallel>, #tpu.dimension_semantics<subcore_parallel>], iteration_bounds = array<i64: 2, 16>, scalar_prefetch = 0 : i64, scratch_operands = 5 : i64, tpu.core_type = #tpu.core_type<sc_vector_subcore>, window_params = [{transform_indices = #map}, {transform_indices = #map}, {transform_indices = #map}]} {
    %mul3A = arith.constant 2 : i32
    %mul3A_0 = arith.muli %arg1, %mul3A : i32
    %add3A = arith.addi %mul3A_0, %arg0 : i32
    %lt3A = arith.constant 26 : i32
    %lt3A_1 = arith.cmpi slt, %add3A, %lt3A : i32
    %jit3A = arith.constant 8 : i32
    %jit3A_2 = arith.constant 7 : i32
    %select_n3A = arith.select %lt3A_1, %jit3A, %jit3A_2 : i32
    "tpu.region"() ({
      %run_scoped3A = tpu.sem_alloc : memref<!tpu.dma_semaphore, #tpu.memory_space<semaphore_mem>>
      %dma_start3A_111 = arith.constant 0 : i32
      %dma_start3A_112 = tpu.memref_slice %arg3[%add3A, %dma_start3A_111] : memref<32x1280xi32, #tpu.memory_space<hbm>> -> memref<1x1280xi32, #tpu.memory_space<hbm>>
      %dma_start3A_113 = tpu.memref_squeeze %dma_start3A_112 : memref<1x1280xi32, #tpu.memory_space<hbm>> -> memref<1280xi32, #tpu.memory_space<hbm>>
      %dma_start3A_114 = arith.constant 0 : i32
      %dma_start3A_115 = tpu.memref_slice %arg3[%add3A, %dma_start3A_114] : memref<32x1280xi32, #tpu.memory_space<hbm>> -> memref<1x1280xi32, #tpu.memory_space<hbm>>
      %dma_start3A_116 = tpu.memref_squeeze %dma_start3A_115 : memref<1x1280xi32, #tpu.memory_space<hbm>> -> memref<1280xi32, #tpu.memory_space<hbm>>
      tpu.enqueue_dma source(%dma_start3A_116 : memref<1280xi32, #tpu.memory_space<hbm>>) target(%arg5 : memref<1280xi32, #tpu.memory_space<vmem>>) target_semaphore(%run_scoped3A : memref<!tpu.dma_semaphore, #tpu.memory_space<semaphore_mem>>)
      %dma_wait3A = arith.constant 0 : i32
      %dma_wait3A_117 = tpu.memref_slice %arg3[%add3A, %dma_wait3A] : memref<32x1280xi32, #tpu.memory_space<hbm>> -> memref<1x1280xi32, #tpu.memory_space<hbm>>
      %dma_wait3A_118 = tpu.memref_squeeze %dma_wait3A_117 : memref<1x1280xi32, #tpu.memory_space<hbm>> -> memref<1280xi32, #tpu.memory_space<hbm>>
      %dma_wait3A_119 = arith.constant 0 : i32
      %dma_wait3A_120 = tpu.memref_slice %arg3[%add3A, %dma_wait3A_119] : memref<32x1280xi32, #tpu.memory_space<hbm>> -> memref<1x1280xi32, #tpu.memory_space<hbm>>
      %dma_wait3A_121 = tpu.memref_squeeze %dma_wait3A_120 : memref<1x1280xi32, #tpu.memory_space<hbm>> -> memref<1280xi32, #tpu.memory_space<hbm>>
      tpu.wait_dma2 semaphore(%run_scoped3A : memref<!tpu.dma_semaphore, #tpu.memory_space<semaphore_mem>>) src(%dma_wait3A_121 : memref<1280xi32, #tpu.memory_space<hbm>>) dst(%arg5 : memref<1280xi32, #tpu.memory_space<vmem>>)
      tpu.yield
    }) : () -> ()
    %dma_start3A = arith.constant 0 : i32
    %dma_start3A_3 = tpu.memref_slice %arg5[%dma_start3A] : memref<1280xi32, #tpu.memory_space<vmem>> -> memref<160xi32, #tpu.memory_space<vmem>>
    %dma_start3A_4 = arith.constant 0 : i32
    %dma_start3A_5 = arith.constant 0 : i32
    %dma_start3A_6 = tpu.memref_slice %arg2[%dma_start3A_4, %dma_start3A_5] : memref<10000x128xi32, #tpu.memory_space<hbm>> -> memref<10000x128xi32, #tpu.memory_space<hbm>>
    tpu.enqueue_indirect_dma source(%dma_start3A_6 : memref<10000x128xi32, #tpu.memory_space<hbm>>) target(%arg6 : memref<160x128xi32, #tpu.memory_space<vmem>>) offsets(%dma_start3A_3 : memref<160xi32, #tpu.memory_space<vmem>>) semaphore(%arg8 : memref<!tpu.dma_semaphore, #tpu.memory_space<semaphore_mem>>)
    %dma_start3A_7 = arith.constant 160 : i32
    %dma_start3A_8 = tpu.memref_slice %arg5[%dma_start3A_7] : memref<1280xi32, #tpu.memory_space<vmem>> -> memref<160xi32, #tpu.memory_space<vmem>>
    %dma_start3A_9 = arith.constant 0 : i32
    %dma_start3A_10 = arith.constant 0 : i32
    %dma_start3A_11 = tpu.memref_slice %arg2[%dma_start3A_9, %dma_start3A_10] : memref<10000x128xi32, #tpu.memory_space<hbm>> -> memref<10000x128xi32, #tpu.memory_space<hbm>>
    tpu.enqueue_indirect_dma source(%dma_start3A_11 : memref<10000x128xi32, #tpu.memory_space<hbm>>) target(%arg7 : memref<160x128xi32, #tpu.memory_space<vmem>>) offsets(%dma_start3A_8 : memref<160xi32, #tpu.memory_space<vmem>>) semaphore(%arg9 : memref<!tpu.dma_semaphore, #tpu.memory_space<semaphore_mem>>)
    %add3A_12 = arith.constant 0 : i32
    %add3A_13 = arith.addi %add3A, %add3A_12 : i32
    %mul3A_14 = arith.constant 160 : i32
    %mul3A_15 = arith.muli %add3A_13, %mul3A_14 : i32
    %gt3A = arith.constant 0 : i32
    %gt3A_16 = arith.cmpi sgt, %select_n3A, %gt3A : i32
    %convert_element_type3A = arith.extui %gt3A_16 : i1 to i32
    %cond3A = arith.constant 0 : i32
    %cond3A_17 = arith.cmpi ne, %convert_element_type3A, %cond3A : i32
    scf.if %cond3A_17 {
      %dma_wait3A = arith.constant 0 : i32
      %dma_wait3A_111 = tpu.memref_slice %arg5[%dma_wait3A] : memref<1280xi32, #tpu.memory_space<vmem>> -> memref<160xi32, #tpu.memory_space<vmem>>
      %dma_wait3A_112 = arith.constant 0 : i32
      %dma_wait3A_113 = arith.constant 0 : i32
      %dma_wait3A_114 = tpu.memref_slice %arg2[%dma_wait3A_112, %dma_wait3A_113] : memref<10000x128xi32, #tpu.memory_space<hbm>> -> memref<10000x128xi32, #tpu.memory_space<hbm>>
      tpu.wait_indirect_dma semaphore(%arg8 : memref<!tpu.dma_semaphore, #tpu.memory_space<semaphore_mem>>) src(%dma_wait3A_114 : memref<10000x128xi32, #tpu.memory_space<hbm>>) dst(%arg6 : memref<160x128xi32, #tpu.memory_space<vmem>>)
      "tpu.region"() ({
        %run_scoped3A = tpu.sem_alloc : memref<!tpu.dma_semaphore, #tpu.memory_space<semaphore_mem>>
        %dma_start3A_115 = arith.constant 0 : i32
        %dma_start3A_116 = tpu.memref_slice %arg4[%mul3A_15, %dma_start3A_115] : memref<40000x128xi32, #tpu.memory_space<hbm>> -> memref<160x128xi32, #tpu.memory_space<hbm>>
        %dma_start3A_117 = arith.constant 0 : i32
        %dma_start3A_118 = tpu.memref_slice %arg4[%mul3A_15, %dma_start3A_117] : memref<40000x128xi32, #tpu.memory_space<hbm>> -> memref<160x128xi32, #tpu.memory_space<hbm>>
        tpu.enqueue_dma source(%arg6 : memref<160x128xi32, #tpu.memory_space<vmem>>) target(%dma_start3A_118 : memref<160x128xi32, #tpu.memory_space<hbm>>) target_semaphore(%run_scoped3A : memref<!tpu.dma_semaphore, #tpu.memory_space<semaphore_mem>>)
        %dma_wait3A_119 = arith.constant 0 : i32
        %dma_wait3A_120 = tpu.memref_slice %arg4[%mul3A_15, %dma_wait3A_119] : memref<40000x128xi32, #tpu.memory_space<hbm>> -> memref<160x128xi32, #tpu.memory_space<hbm>>
        %dma_wait3A_121 = arith.constant 0 : i32
        %dma_wait3A_122 = tpu.memref_slice %arg4[%mul3A_15, %dma_wait3A_121] : memref<40000x128xi32, #tpu.memory_space<hbm>> -> memref<160x128xi32, #tpu.memory_space<hbm>>
        tpu.wait_dma2 semaphore(%run_scoped3A : memref<!tpu.dma_semaphore, #tpu.memory_space<semaphore_mem>>) src(%arg6 : memref<160x128xi32, #tpu.memory_space<vmem>>) dst(%dma_wait3A_122 : memref<160x128xi32, #tpu.memory_space<hbm>>)
        tpu.yield
      }) : () -> ()
    } else {
    }
    %gt3A_18 = arith.constant 2 : i32
    %gt3A_19 = arith.cmpi sgt, %select_n3A, %gt3A_18 : i32
    %convert_element_type3A_20 = arith.extui %gt3A_19 : i1 to i32
    %cond3A_21 = arith.constant 0 : i32
    %cond3A_22 = arith.cmpi ne, %convert_element_type3A_20, %cond3A_21 : i32
    scf.if %cond3A_22 {
      %dma_start3A_111 = arith.constant 320 : i32
      %dma_start3A_112 = tpu.memref_slice %arg5[%dma_start3A_111] : memref<1280xi32, #tpu.memory_space<vmem>> -> memref<160xi32, #tpu.memory_space<vmem>>
      %dma_start3A_113 = arith.constant 0 : i32
      %dma_start3A_114 = arith.constant 0 : i32
      %dma_start3A_115 = tpu.memref_slice %arg2[%dma_start3A_113, %dma_start3A_114] : memref<10000x128xi32, #tpu.memory_space<hbm>> -> memref<10000x128xi32, #tpu.memory_space<hbm>>
      tpu.enqueue_indirect_dma source(%dma_start3A_115 : memref<10000x128xi32, #tpu.memory_space<hbm>>) target(%arg6 : memref<160x128xi32, #tpu.memory_space<vmem>>) offsets(%dma_start3A_112 : memref<160xi32, #tpu.memory_space<vmem>>) semaphore(%arg8 : memref<!tpu.dma_semaphore, #tpu.memory_space<semaphore_mem>>)
    } else {
    }
    %add3A_23 = arith.constant 32 : i32
    %add3A_24 = arith.addi %add3A, %add3A_23 : i32
    %mul3A_25 = arith.constant 160 : i32
    %mul3A_26 = arith.muli %add3A_24, %mul3A_25 : i32
    %gt3A_27 = arith.constant 1 : i32
    %gt3A_28 = arith.cmpi sgt, %select_n3A, %gt3A_27 : i32
    %convert_element_type3A_29 = arith.extui %gt3A_28 : i1 to i32
    %cond3A_30 = arith.constant 0 : i32
    %cond3A_31 = arith.cmpi ne, %convert_element_type3A_29, %cond3A_30 : i32
    scf.if %cond3A_31 {
      %dma_wait3A = arith.constant 160 : i32
      %dma_wait3A_111 = tpu.memref_slice %arg5[%dma_wait3A] : memref<1280xi32, #tpu.memory_space<vmem>> -> memref<160xi32, #tpu.memory_space<vmem>>
      %dma_wait3A_112 = arith.constant 0 : i32
      %dma_wait3A_113 = arith.constant 0 : i32
      %dma_wait3A_114 = tpu.memref_slice %arg2[%dma_wait3A_112, %dma_wait3A_113] : memref<10000x128xi32, #tpu.memory_space<hbm>> -> memref<10000x128xi32, #tpu.memory_space<hbm>>
      tpu.wait_indirect_dma semaphore(%arg9 : memref<!tpu.dma_semaphore, #tpu.memory_space<semaphore_mem>>) src(%dma_wait3A_114 : memref<10000x128xi32, #tpu.memory_space<hbm>>) dst(%arg7 : memref<160x128xi32, #tpu.memory_space<vmem>>)
      "tpu.region"() ({
        %run_scoped3A = tpu.sem_alloc : memref<!tpu.dma_semaphore, #tpu.memory_space<semaphore_mem>>
        %dma_start3A_115 = arith.constant 0 : i32
        %dma_start3A_116 = tpu.memref_slice %arg4[%mul3A_26, %dma_start3A_115] : memref<40000x128xi32, #tpu.memory_space<hbm>> -> memref<160x128xi32, #tpu.memory_space<hbm>>
        %dma_start3A_117 = arith.constant 0 : i32
        %dma_start3A_118 = tpu.memref_slice %arg4[%mul3A_26, %dma_start3A_117] : memref<40000x128xi32, #tpu.memory_space<hbm>> -> memref<160x128xi32, #tpu.memory_space<hbm>>
        tpu.enqueue_dma source(%arg7 : memref<160x128xi32, #tpu.memory_space<vmem>>) target(%dma_start3A_118 : memref<160x128xi32, #tpu.memory_space<hbm>>) target_semaphore(%run_scoped3A : memref<!tpu.dma_semaphore, #tpu.memory_space<semaphore_mem>>)
        %dma_wait3A_119 = arith.constant 0 : i32
        %dma_wait3A_120 = tpu.memref_slice %arg4[%mul3A_26, %dma_wait3A_119] : memref<40000x128xi32, #tpu.memory_space<hbm>> -> memref<160x128xi32, #tpu.memory_space<hbm>>
        %dma_wait3A_121 = arith.constant 0 : i32
        %dma_wait3A_122 = tpu.memref_slice %arg4[%mul3A_26, %dma_wait3A_121] : memref<40000x128xi32, #tpu.memory_space<hbm>> -> memref<160x128xi32, #tpu.memory_space<hbm>>
        tpu.wait_dma2 semaphore(%run_scoped3A : memref<!tpu.dma_semaphore, #tpu.memory_space<semaphore_mem>>) src(%arg7 : memref<160x128xi32, #tpu.memory_space<vmem>>) dst(%dma_wait3A_122 : memref<160x128xi32, #tpu.memory_space<hbm>>)
        tpu.yield
      }) : () -> ()
    } else {
    }
    %gt3A_32 = arith.constant 3 : i32
    %gt3A_33 = arith.cmpi sgt, %select_n3A, %gt3A_32 : i32
    %convert_element_type3A_34 = arith.extui %gt3A_33 : i1 to i32
    %cond3A_35 = arith.constant 0 : i32
    %cond3A_36 = arith.cmpi ne, %convert_element_type3A_34, %cond3A_35 : i32
    scf.if %cond3A_36 {
      %dma_start3A_111 = arith.constant 480 : i32
      %dma_start3A_112 = tpu.memref_slice %arg5[%dma_start3A_111] : memref<1280xi32, #tpu.memory_space<vmem>> -> memref<160xi32, #tpu.memory_space<vmem>>
      %dma_start3A_113 = arith.constant 0 : i32
      %dma_start3A_114 = arith.constant 0 : i32
      %dma_start3A_115 = tpu.memref_slice %arg2[%dma_start3A_113, %dma_start3A_114] : memref<10000x128xi32, #tpu.memory_space<hbm>> -> memref<10000x128xi32, #tpu.memory_space<hbm>>
      tpu.enqueue_indirect_dma source(%dma_start3A_115 : memref<10000x128xi32, #tpu.memory_space<hbm>>) target(%arg7 : memref<160x128xi32, #tpu.memory_space<vmem>>) offsets(%dma_start3A_112 : memref<160xi32, #tpu.memory_space<vmem>>) semaphore(%arg9 : memref<!tpu.dma_semaphore, #tpu.memory_space<semaphore_mem>>)
    } else {
    }
    %add3A_37 = arith.constant 64 : i32
    %add3A_38 = arith.addi %add3A, %add3A_37 : i32
    %mul3A_39 = arith.constant 160 : i32
    %mul3A_40 = arith.muli %add3A_38, %mul3A_39 : i32
    %gt3A_41 = arith.constant 2 : i32
    %gt3A_42 = arith.cmpi sgt, %select_n3A, %gt3A_41 : i32
    %convert_element_type3A_43 = arith.extui %gt3A_42 : i1 to i32
    %cond3A_44 = arith.constant 0 : i32
    %cond3A_45 = arith.cmpi ne, %convert_element_type3A_43, %cond3A_44 : i32
    scf.if %cond3A_45 {
      %dma_wait3A = arith.constant 320 : i32
      %dma_wait3A_111 = tpu.memref_slice %arg5[%dma_wait3A] : memref<1280xi32, #tpu.memory_space<vmem>> -> memref<160xi32, #tpu.memory_space<vmem>>
      %dma_wait3A_112 = arith.constant 0 : i32
      %dma_wait3A_113 = arith.constant 0 : i32
      %dma_wait3A_114 = tpu.memref_slice %arg2[%dma_wait3A_112, %dma_wait3A_113] : memref<10000x128xi32, #tpu.memory_space<hbm>> -> memref<10000x128xi32, #tpu.memory_space<hbm>>
      tpu.wait_indirect_dma semaphore(%arg8 : memref<!tpu.dma_semaphore, #tpu.memory_space<semaphore_mem>>) src(%dma_wait3A_114 : memref<10000x128xi32, #tpu.memory_space<hbm>>) dst(%arg6 : memref<160x128xi32, #tpu.memory_space<vmem>>)
      "tpu.region"() ({
        %run_scoped3A = tpu.sem_alloc : memref<!tpu.dma_semaphore, #tpu.memory_space<semaphore_mem>>
        %dma_start3A_115 = arith.constant 0 : i32
        %dma_start3A_116 = tpu.memref_slice %arg4[%mul3A_40, %dma_start3A_115] : memref<40000x128xi32, #tpu.memory_space<hbm>> -> memref<160x128xi32, #tpu.memory_space<hbm>>
        %dma_start3A_117 = arith.constant 0 : i32
        %dma_start3A_118 = tpu.memref_slice %arg4[%mul3A_40, %dma_start3A_117] : memref<40000x128xi32, #tpu.memory_space<hbm>> -> memref<160x128xi32, #tpu.memory_space<hbm>>
        tpu.enqueue_dma source(%arg6 : memref<160x128xi32, #tpu.memory_space<vmem>>) target(%dma_start3A_118 : memref<160x128xi32, #tpu.memory_space<hbm>>) target_semaphore(%run_scoped3A : memref<!tpu.dma_semaphore, #tpu.memory_space<semaphore_mem>>)
        %dma_wait3A_119 = arith.constant 0 : i32
        %dma_wait3A_120 = tpu.memref_slice %arg4[%mul3A_40, %dma_wait3A_119] : memref<40000x128xi32, #tpu.memory_space<hbm>> -> memref<160x128xi32, #tpu.memory_space<hbm>>
        %dma_wait3A_121 = arith.constant 0 : i32
        %dma_wait3A_122 = tpu.memref_slice %arg4[%mul3A_40, %dma_wait3A_121] : memref<40000x128xi32, #tpu.memory_space<hbm>> -> memref<160x128xi32, #tpu.memory_space<hbm>>
        tpu.wait_dma2 semaphore(%run_scoped3A : memref<!tpu.dma_semaphore, #tpu.memory_space<semaphore_mem>>) src(%arg6 : memref<160x128xi32, #tpu.memory_space<vmem>>) dst(%dma_wait3A_122 : memref<160x128xi32, #tpu.memory_space<hbm>>)
        tpu.yield
      }) : () -> ()
    } else {
    }
    %gt3A_46 = arith.constant 4 : i32
    %gt3A_47 = arith.cmpi sgt, %select_n3A, %gt3A_46 : i32
    %convert_element_type3A_48 = arith.extui %gt3A_47 : i1 to i32
    %cond3A_49 = arith.constant 0 : i32
    %cond3A_50 = arith.cmpi ne, %convert_element_type3A_48, %cond3A_49 : i32
    scf.if %cond3A_50 {
      %dma_start3A_111 = arith.constant 640 : i32
      %dma_start3A_112 = tpu.memref_slice %arg5[%dma_start3A_111] : memref<1280xi32, #tpu.memory_space<vmem>> -> memref<160xi32, #tpu.memory_space<vmem>>
      %dma_start3A_113 = arith.constant 0 : i32
      %dma_start3A_114 = arith.constant 0 : i32
      %dma_start3A_115 = tpu.memref_slice %arg2[%dma_start3A_113, %dma_start3A_114] : memref<10000x128xi32, #tpu.memory_space<hbm>> -> memref<10000x128xi32, #tpu.memory_space<hbm>>
      tpu.enqueue_indirect_dma source(%dma_start3A_115 : memref<10000x128xi32, #tpu.memory_space<hbm>>) target(%arg6 : memref<160x128xi32, #tpu.memory_space<vmem>>) offsets(%dma_start3A_112 : memref<160xi32, #tpu.memory_space<vmem>>) semaphore(%arg8 : memref<!tpu.dma_semaphore, #tpu.memory_space<semaphore_mem>>)
    } else {
    }
    %add3A_51 = arith.constant 96 : i32
    %add3A_52 = arith.addi %add3A, %add3A_51 : i32
    %mul3A_53 = arith.constant 160 : i32
    %mul3A_54 = arith.muli %add3A_52, %mul3A_53 : i32
    %gt3A_55 = arith.constant 3 : i32
    %gt3A_56 = arith.cmpi sgt, %select_n3A, %gt3A_55 : i32
    %convert_element_type3A_57 = arith.extui %gt3A_56 : i1 to i32
    %cond3A_58 = arith.constant 0 : i32
    %cond3A_59 = arith.cmpi ne, %convert_element_type3A_57, %cond3A_58 : i32
    scf.if %cond3A_59 {
      %dma_wait3A = arith.constant 480 : i32
      %dma_wait3A_111 = tpu.memref_slice %arg5[%dma_wait3A] : memref<1280xi32, #tpu.memory_space<vmem>> -> memref<160xi32, #tpu.memory_space<vmem>>
      %dma_wait3A_112 = arith.constant 0 : i32
      %dma_wait3A_113 = arith.constant 0 : i32
      %dma_wait3A_114 = tpu.memref_slice %arg2[%dma_wait3A_112, %dma_wait3A_113] : memref<10000x128xi32, #tpu.memory_space<hbm>> -> memref<10000x128xi32, #tpu.memory_space<hbm>>
      tpu.wait_indirect_dma semaphore(%arg9 : memref<!tpu.dma_semaphore, #tpu.memory_space<semaphore_mem>>) src(%dma_wait3A_114 : memref<10000x128xi32, #tpu.memory_space<hbm>>) dst(%arg7 : memref<160x128xi32, #tpu.memory_space<vmem>>)
      "tpu.region"() ({
        %run_scoped3A = tpu.sem_alloc : memref<!tpu.dma_semaphore, #tpu.memory_space<semaphore_mem>>
        %dma_start3A_115 = arith.constant 0 : i32
        %dma_start3A_116 = tpu.memref_slice %arg4[%mul3A_54, %dma_start3A_115] : memref<40000x128xi32, #tpu.memory_space<hbm>> -> memref<160x128xi32, #tpu.memory_space<hbm>>
        %dma_start3A_117 = arith.constant 0 : i32
        %dma_start3A_118 = tpu.memref_slice %arg4[%mul3A_54, %dma_start3A_117] : memref<40000x128xi32, #tpu.memory_space<hbm>> -> memref<160x128xi32, #tpu.memory_space<hbm>>
        tpu.enqueue_dma source(%arg7 : memref<160x128xi32, #tpu.memory_space<vmem>>) target(%dma_start3A_118 : memref<160x128xi32, #tpu.memory_space<hbm>>) target_semaphore(%run_scoped3A : memref<!tpu.dma_semaphore, #tpu.memory_space<semaphore_mem>>)
        %dma_wait3A_119 = arith.constant 0 : i32
        %dma_wait3A_120 = tpu.memref_slice %arg4[%mul3A_54, %dma_wait3A_119] : memref<40000x128xi32, #tpu.memory_space<hbm>> -> memref<160x128xi32, #tpu.memory_space<hbm>>
        %dma_wait3A_121 = arith.constant 0 : i32
        %dma_wait3A_122 = tpu.memref_slice %arg4[%mul3A_54, %dma_wait3A_121] : memref<40000x128xi32, #tpu.memory_space<hbm>> -> memref<160x128xi32, #tpu.memory_space<hbm>>
        tpu.wait_dma2 semaphore(%run_scoped3A : memref<!tpu.dma_semaphore, #tpu.memory_space<semaphore_mem>>) src(%arg7 : memref<160x128xi32, #tpu.memory_space<vmem>>) dst(%dma_wait3A_122 : memref<160x128xi32, #tpu.memory_space<hbm>>)
        tpu.yield
      }) : () -> ()
    } else {
    }
    %gt3A_60 = arith.constant 5 : i32
    %gt3A_61 = arith.cmpi sgt, %select_n3A, %gt3A_60 : i32
    %convert_element_type3A_62 = arith.extui %gt3A_61 : i1 to i32
    %cond3A_63 = arith.constant 0 : i32
    %cond3A_64 = arith.cmpi ne, %convert_element_type3A_62, %cond3A_63 : i32
    scf.if %cond3A_64 {
      %dma_start3A_111 = arith.constant 800 : i32
      %dma_start3A_112 = tpu.memref_slice %arg5[%dma_start3A_111] : memref<1280xi32, #tpu.memory_space<vmem>> -> memref<160xi32, #tpu.memory_space<vmem>>
      %dma_start3A_113 = arith.constant 0 : i32
      %dma_start3A_114 = arith.constant 0 : i32
      %dma_start3A_115 = tpu.memref_slice %arg2[%dma_start3A_113, %dma_start3A_114] : memref<10000x128xi32, #tpu.memory_space<hbm>> -> memref<10000x128xi32, #tpu.memory_space<hbm>>
      tpu.enqueue_indirect_dma source(%dma_start3A_115 : memref<10000x128xi32, #tpu.memory_space<hbm>>) target(%arg7 : memref<160x128xi32, #tpu.memory_space<vmem>>) offsets(%dma_start3A_112 : memref<160xi32, #tpu.memory_space<vmem>>) semaphore(%arg9 : memref<!tpu.dma_semaphore, #tpu.memory_space<semaphore_mem>>)
    } else {
    }
    %add3A_65 = arith.constant 128 : i32
    %add3A_66 = arith.addi %add3A, %add3A_65 : i32
    %mul3A_67 = arith.constant 160 : i32
    %mul3A_68 = arith.muli %add3A_66, %mul3A_67 : i32
    %gt3A_69 = arith.constant 4 : i32
    %gt3A_70 = arith.cmpi sgt, %select_n3A, %gt3A_69 : i32
    %convert_element_type3A_71 = arith.extui %gt3A_70 : i1 to i32
    %cond3A_72 = arith.constant 0 : i32
    %cond3A_73 = arith.cmpi ne, %convert_element_type3A_71, %cond3A_72 : i32
    scf.if %cond3A_73 {
      %dma_wait3A = arith.constant 640 : i32
      %dma_wait3A_111 = tpu.memref_slice %arg5[%dma_wait3A] : memref<1280xi32, #tpu.memory_space<vmem>> -> memref<160xi32, #tpu.memory_space<vmem>>
      %dma_wait3A_112 = arith.constant 0 : i32
      %dma_wait3A_113 = arith.constant 0 : i32
      %dma_wait3A_114 = tpu.memref_slice %arg2[%dma_wait3A_112, %dma_wait3A_113] : memref<10000x128xi32, #tpu.memory_space<hbm>> -> memref<10000x128xi32, #tpu.memory_space<hbm>>
      tpu.wait_indirect_dma semaphore(%arg8 : memref<!tpu.dma_semaphore, #tpu.memory_space<semaphore_mem>>) src(%dma_wait3A_114 : memref<10000x128xi32, #tpu.memory_space<hbm>>) dst(%arg6 : memref<160x128xi32, #tpu.memory_space<vmem>>)
      "tpu.region"() ({
        %run_scoped3A = tpu.sem_alloc : memref<!tpu.dma_semaphore, #tpu.memory_space<semaphore_mem>>
        %dma_start3A_115 = arith.constant 0 : i32
        %dma_start3A_116 = tpu.memref_slice %arg4[%mul3A_68, %dma_start3A_115] : memref<40000x128xi32, #tpu.memory_space<hbm>> -> memref<160x128xi32, #tpu.memory_space<hbm>>
        %dma_start3A_117 = arith.constant 0 : i32
        %dma_start3A_118 = tpu.memref_slice %arg4[%mul3A_68, %dma_start3A_117] : memref<40000x128xi32, #tpu.memory_space<hbm>> -> memref<160x128xi32, #tpu.memory_space<hbm>>
        tpu.enqueue_dma source(%arg6 : memref<160x128xi32, #tpu.memory_space<vmem>>) target(%dma_start3A_118 : memref<160x128xi32, #tpu.memory_space<hbm>>) target_semaphore(%run_scoped3A : memref<!tpu.dma_semaphore, #tpu.memory_space<semaphore_mem>>)
        %dma_wait3A_119 = arith.constant 0 : i32
        %dma_wait3A_120 = tpu.memref_slice %arg4[%mul3A_68, %dma_wait3A_119] : memref<40000x128xi32, #tpu.memory_space<hbm>> -> memref<160x128xi32, #tpu.memory_space<hbm>>
        %dma_wait3A_121 = arith.constant 0 : i32
        %dma_wait3A_122 = tpu.memref_slice %arg4[%mul3A_68, %dma_wait3A_121] : memref<40000x128xi32, #tpu.memory_space<hbm>> -> memref<160x128xi32, #tpu.memory_space<hbm>>
        tpu.wait_dma2 semaphore(%run_scoped3A : memref<!tpu.dma_semaphore, #tpu.memory_space<semaphore_mem>>) src(%arg6 : memref<160x128xi32, #tpu.memory_space<vmem>>) dst(%dma_wait3A_122 : memref<160x128xi32, #tpu.memory_space<hbm>>)
        tpu.yield
      }) : () -> ()
    } else {
    }
    %gt3A_74 = arith.constant 6 : i32
    %gt3A_75 = arith.cmpi sgt, %select_n3A, %gt3A_74 : i32
    %convert_element_type3A_76 = arith.extui %gt3A_75 : i1 to i32
    %cond3A_77 = arith.constant 0 : i32
    %cond3A_78 = arith.cmpi ne, %convert_element_type3A_76, %cond3A_77 : i32
    scf.if %cond3A_78 {
      %dma_start3A_111 = arith.constant 960 : i32
      %dma_start3A_112 = tpu.memref_slice %arg5[%dma_start3A_111] : memref<1280xi32, #tpu.memory_space<vmem>> -> memref<160xi32, #tpu.memory_space<vmem>>
      %dma_start3A_113 = arith.constant 0 : i32
      %dma_start3A_114 = arith.constant 0 : i32
      %dma_start3A_115 = tpu.memref_slice %arg2[%dma_start3A_113, %dma_start3A_114] : memref<10000x128xi32, #tpu.memory_space<hbm>> -> memref<10000x128xi32, #tpu.memory_space<hbm>>
      tpu.enqueue_indirect_dma source(%dma_start3A_115 : memref<10000x128xi32, #tpu.memory_space<hbm>>) target(%arg6 : memref<160x128xi32, #tpu.memory_space<vmem>>) offsets(%dma_start3A_112 : memref<160xi32, #tpu.memory_space<vmem>>) semaphore(%arg8 : memref<!tpu.dma_semaphore, #tpu.memory_space<semaphore_mem>>)
    } else {
    }
    %add3A_79 = arith.constant 160 : i32
    %add3A_80 = arith.addi %add3A, %add3A_79 : i32
    %mul3A_81 = arith.constant 160 : i32
    %mul3A_82 = arith.muli %add3A_80, %mul3A_81 : i32
    %gt3A_83 = arith.constant 5 : i32
    %gt3A_84 = arith.cmpi sgt, %select_n3A, %gt3A_83 : i32
    %convert_element_type3A_85 = arith.extui %gt3A_84 : i1 to i32
    %cond3A_86 = arith.constant 0 : i32
    %cond3A_87 = arith.cmpi ne, %convert_element_type3A_85, %cond3A_86 : i32
    scf.if %cond3A_87 {
      %dma_wait3A = arith.constant 800 : i32
      %dma_wait3A_111 = tpu.memref_slice %arg5[%dma_wait3A] : memref<1280xi32, #tpu.memory_space<vmem>> -> memref<160xi32, #tpu.memory_space<vmem>>
      %dma_wait3A_112 = arith.constant 0 : i32
      %dma_wait3A_113 = arith.constant 0 : i32
      %dma_wait3A_114 = tpu.memref_slice %arg2[%dma_wait3A_112, %dma_wait3A_113] : memref<10000x128xi32, #tpu.memory_space<hbm>> -> memref<10000x128xi32, #tpu.memory_space<hbm>>
      tpu.wait_indirect_dma semaphore(%arg9 : memref<!tpu.dma_semaphore, #tpu.memory_space<semaphore_mem>>) src(%dma_wait3A_114 : memref<10000x128xi32, #tpu.memory_space<hbm>>) dst(%arg7 : memref<160x128xi32, #tpu.memory_space<vmem>>)
      "tpu.region"() ({
        %run_scoped3A = tpu.sem_alloc : memref<!tpu.dma_semaphore, #tpu.memory_space<semaphore_mem>>
        %dma_start3A_115 = arith.constant 0 : i32
        %dma_start3A_116 = tpu.memref_slice %arg4[%mul3A_82, %dma_start3A_115] : memref<40000x128xi32, #tpu.memory_space<hbm>> -> memref<160x128xi32, #tpu.memory_space<hbm>>
        %dma_start3A_117 = arith.constant 0 : i32
        %dma_start3A_118 = tpu.memref_slice %arg4[%mul3A_82, %dma_start3A_117] : memref<40000x128xi32, #tpu.memory_space<hbm>> -> memref<160x128xi32, #tpu.memory_space<hbm>>
        tpu.enqueue_dma source(%arg7 : memref<160x128xi32, #tpu.memory_space<vmem>>) target(%dma_start3A_118 : memref<160x128xi32, #tpu.memory_space<hbm>>) target_semaphore(%run_scoped3A : memref<!tpu.dma_semaphore, #tpu.memory_space<semaphore_mem>>)
        %dma_wait3A_119 = arith.constant 0 : i32
        %dma_wait3A_120 = tpu.memref_slice %arg4[%mul3A_82, %dma_wait3A_119] : memref<40000x128xi32, #tpu.memory_space<hbm>> -> memref<160x128xi32, #tpu.memory_space<hbm>>
        %dma_wait3A_121 = arith.constant 0 : i32
        %dma_wait3A_122 = tpu.memref_slice %arg4[%mul3A_82, %dma_wait3A_121] : memref<40000x128xi32, #tpu.memory_space<hbm>> -> memref<160x128xi32, #tpu.memory_space<hbm>>
        tpu.wait_dma2 semaphore(%run_scoped3A : memref<!tpu.dma_semaphore, #tpu.memory_space<semaphore_mem>>) src(%arg7 : memref<160x128xi32, #tpu.memory_space<vmem>>) dst(%dma_wait3A_122 : memref<160x128xi32, #tpu.memory_space<hbm>>)
        tpu.yield
      }) : () -> ()
    } else {
    }
    %gt3A_88 = arith.constant 7 : i32
    %gt3A_89 = arith.cmpi sgt, %select_n3A, %gt3A_88 : i32
    %convert_element_type3A_90 = arith.extui %gt3A_89 : i1 to i32
    %cond3A_91 = arith.constant 0 : i32
    %cond3A_92 = arith.cmpi ne, %convert_element_type3A_90, %cond3A_91 : i32
    scf.if %cond3A_92 {
      %dma_start3A_111 = arith.constant 1120 : i32
      %dma_start3A_112 = tpu.memref_slice %arg5[%dma_start3A_111] : memref<1280xi32, #tpu.memory_space<vmem>> -> memref<160xi32, #tpu.memory_space<vmem>>
      %dma_start3A_113 = arith.constant 0 : i32
      %dma_start3A_114 = arith.constant 0 : i32
      %dma_start3A_115 = tpu.memref_slice %arg2[%dma_start3A_113, %dma_start3A_114] : memref<10000x128xi32, #tpu.memory_space<hbm>> -> memref<10000x128xi32, #tpu.memory_space<hbm>>
      tpu.enqueue_indirect_dma source(%dma_start3A_115 : memref<10000x128xi32, #tpu.memory_space<hbm>>) target(%arg7 : memref<160x128xi32, #tpu.memory_space<vmem>>) offsets(%dma_start3A_112 : memref<160xi32, #tpu.memory_space<vmem>>) semaphore(%arg9 : memref<!tpu.dma_semaphore, #tpu.memory_space<semaphore_mem>>)
    } else {
    }
    %add3A_93 = arith.constant 192 : i32
    %add3A_94 = arith.addi %add3A, %add3A_93 : i32
    %mul3A_95 = arith.constant 160 : i32
    %mul3A_96 = arith.muli %add3A_94, %mul3A_95 : i32
    %gt3A_97 = arith.constant 6 : i32
    %gt3A_98 = arith.cmpi sgt, %select_n3A, %gt3A_97 : i32
    %convert_element_type3A_99 = arith.extui %gt3A_98 : i1 to i32
    %cond3A_100 = arith.constant 0 : i32
    %cond3A_101 = arith.cmpi ne, %convert_element_type3A_99, %cond3A_100 : i32
    scf.if %cond3A_101 {
      %dma_wait3A = arith.constant 960 : i32
      %dma_wait3A_111 = tpu.memref_slice %arg5[%dma_wait3A] : memref<1280xi32, #tpu.memory_space<vmem>> -> memref<160xi32, #tpu.memory_space<vmem>>
      %dma_wait3A_112 = arith.constant 0 : i32
      %dma_wait3A_113 = arith.constant 0 : i32
      %dma_wait3A_114 = tpu.memref_slice %arg2[%dma_wait3A_112, %dma_wait3A_113] : memref<10000x128xi32, #tpu.memory_space<hbm>> -> memref<10000x128xi32, #tpu.memory_space<hbm>>
      tpu.wait_indirect_dma semaphore(%arg8 : memref<!tpu.dma_semaphore, #tpu.memory_space<semaphore_mem>>) src(%dma_wait3A_114 : memref<10000x128xi32, #tpu.memory_space<hbm>>) dst(%arg6 : memref<160x128xi32, #tpu.memory_space<vmem>>)
      "tpu.region"() ({
        %run_scoped3A = tpu.sem_alloc : memref<!tpu.dma_semaphore, #tpu.memory_space<semaphore_mem>>
        %dma_start3A_115 = arith.constant 0 : i32
        %dma_start3A_116 = tpu.memref_slice %arg4[%mul3A_96, %dma_start3A_115] : memref<40000x128xi32, #tpu.memory_space<hbm>> -> memref<160x128xi32, #tpu.memory_space<hbm>>
        %dma_start3A_117 = arith.constant 0 : i32
        %dma_start3A_118 = tpu.memref_slice %arg4[%mul3A_96, %dma_start3A_117] : memref<40000x128xi32, #tpu.memory_space<hbm>> -> memref<160x128xi32, #tpu.memory_space<hbm>>
        tpu.enqueue_dma source(%arg6 : memref<160x128xi32, #tpu.memory_space<vmem>>) target(%dma_start3A_118 : memref<160x128xi32, #tpu.memory_space<hbm>>) target_semaphore(%run_scoped3A : memref<!tpu.dma_semaphore, #tpu.memory_space<semaphore_mem>>)
        %dma_wait3A_119 = arith.constant 0 : i32
        %dma_wait3A_120 = tpu.memref_slice %arg4[%mul3A_96, %dma_wait3A_119] : memref<40000x128xi32, #tpu.memory_space<hbm>> -> memref<160x128xi32, #tpu.memory_space<hbm>>
        %dma_wait3A_121 = arith.constant 0 : i32
        %dma_wait3A_122 = tpu.memref_slice %arg4[%mul3A_96, %dma_wait3A_121] : memref<40000x128xi32, #tpu.memory_space<hbm>> -> memref<160x128xi32, #tpu.memory_space<hbm>>
        tpu.wait_dma2 semaphore(%run_scoped3A : memref<!tpu.dma_semaphore, #tpu.memory_space<semaphore_mem>>) src(%arg6 : memref<160x128xi32, #tpu.memory_space<vmem>>) dst(%dma_wait3A_122 : memref<160x128xi32, #tpu.memory_space<hbm>>)
        tpu.yield
      }) : () -> ()
    } else {
    }
    %add3A_102 = arith.constant 224 : i32
    %add3A_103 = arith.addi %add3A, %add3A_102 : i32
    %mul3A_104 = arith.constant 160 : i32
    %mul3A_105 = arith.muli %add3A_103, %mul3A_104 : i32
    %gt3A_106 = arith.constant 7 : i32
    %gt3A_107 = arith.cmpi sgt, %select_n3A, %gt3A_106 : i32
    %convert_element_type3A_108 = arith.extui %gt3A_107 : i1 to i32
    %cond3A_109 = arith.constant 0 : i32
    %cond3A_110 = arith.cmpi ne, %convert_element_type3A_108, %cond3A_109 : i32
    scf.if %cond3A_110 {
      %dma_wait3A = arith.constant 1120 : i32
      %dma_wait3A_111 = tpu.memref_slice %arg5[%dma_wait3A] : memref<1280xi32, #tpu.memory_space<vmem>> -> memref<160xi32, #tpu.memory_space<vmem>>
      %dma_wait3A_112 = arith.constant 0 : i32
      %dma_wait3A_113 = arith.constant 0 : i32
      %dma_wait3A_114 = tpu.memref_slice %arg2[%dma_wait3A_112, %dma_wait3A_113] : memref<10000x128xi32, #tpu.memory_space<hbm>> -> memref<10000x128xi32, #tpu.memory_space<hbm>>
      tpu.wait_indirect_dma semaphore(%arg9 : memref<!tpu.dma_semaphore, #tpu.memory_space<semaphore_mem>>) src(%dma_wait3A_114 : memref<10000x128xi32, #tpu.memory_space<hbm>>) dst(%arg7 : memref<160x128xi32, #tpu.memory_space<vmem>>)
      "tpu.region"() ({
        %run_scoped3A = tpu.sem_alloc : memref<!tpu.dma_semaphore, #tpu.memory_space<semaphore_mem>>
        %dma_start3A_115 = arith.constant 0 : i32
        %dma_start3A_116 = tpu.memref_slice %arg4[%mul3A_105, %dma_start3A_115] : memref<40000x128xi32, #tpu.memory_space<hbm>> -> memref<160x128xi32, #tpu.memory_space<hbm>>
        %dma_start3A_117 = arith.constant 0 : i32
        %dma_start3A_118 = tpu.memref_slice %arg4[%mul3A_105, %dma_start3A_117] : memref<40000x128xi32, #tpu.memory_space<hbm>> -> memref<160x128xi32, #tpu.memory_space<hbm>>
        tpu.enqueue_dma source(%arg7 : memref<160x128xi32, #tpu.memory_space<vmem>>) target(%dma_start3A_118 : memref<160x128xi32, #tpu.memory_space<hbm>>) target_semaphore(%run_scoped3A : memref<!tpu.dma_semaphore, #tpu.memory_space<semaphore_mem>>)
        %dma_wait3A_119 = arith.constant 0 : i32
        %dma_wait3A_120 = tpu.memref_slice %arg4[%mul3A_105, %dma_wait3A_119] : memref<40000x128xi32, #tpu.memory_space<hbm>> -> memref<160x128xi32, #tpu.memory_space<hbm>>
        %dma_wait3A_121 = arith.constant 0 : i32
        %dma_wait3A_122 = tpu.memref_slice %arg4[%mul3A_105, %dma_wait3A_121] : memref<40000x128xi32, #tpu.memory_space<hbm>> -> memref<160x128xi32, #tpu.memory_space<hbm>>
        tpu.wait_dma2 semaphore(%run_scoped3A : memref<!tpu.dma_semaphore, #tpu.memory_space<semaphore_mem>>) src(%arg7 : memref<160x128xi32, #tpu.memory_space<vmem>>) dst(%dma_wait3A_122 : memref<160x128xi32, #tpu.memory_space<hbm>>)
        tpu.yield
      }) : () -> ()
    } else {
    }
    return
  }
}

#map = affine_map<(d0, d1) -> (0, 0)>
module attributes {stable_mosaic.version = 14 : i64} {
  func.func @_gather_body(%arg0: i32, %arg1: i32, %arg2: memref<10000x128xi32, #tpu.memory_space<hbm>>, %arg3: memref<32x1280xi32, #tpu.memory_space<hbm>>, %arg4: memref<40000x128xi32, #tpu.memory_space<hbm>>, %arg5: memref<1280xi32, #tpu.memory_space<vmem>>, %arg6: memref<160x128xi32, #tpu.memory_space<vmem>>, %arg7: memref<160x128xi32, #tpu.memory_space<vmem>>, %arg8: memref<!tpu.dma_semaphore, #tpu.memory_space<semaphore_mem>>, %arg9: memref<!tpu.dma_semaphore, #tpu.memory_space<semaphore_mem>>) attributes {dimension_semantics = [#tpu.dimension_semantics<core_parallel>, #tpu.dimension_semantics<subcore_parallel>], iteration_bounds = array<i64: 2, 16>, scalar_prefetch = 0 : i64, scratch_operands = 5 : i64, tpu.core_type = #tpu.core_type<sc_vector_subcore>, window_params = [{transform_indices = #map}, {transform_indices = #map}, {transform_indices = #map}]} {
    %mul3A = arith.constant 2 : i32
    %mul3A_0 = arith.muli %arg1, %mul3A : i32
    %add3A = arith.addi %mul3A_0, %arg0 : i32
    %lt3A = arith.constant 26 : i32
    %lt3A_1 = arith.cmpi slt, %add3A, %lt3A : i32
    %jit3A = arith.constant 8 : i32
    %jit3A_2 = arith.constant 7 : i32
    %select_n3A = arith.select %lt3A_1, %jit3A, %jit3A_2 : i32
    "tpu.region"() ({
      %run_scoped3A = tpu.sem_alloc : memref<!tpu.dma_semaphore, #tpu.memory_space<semaphore_mem>>
      %dma_start3A_111 = arith.constant 0 : i32
      %dma_start3A_112 = tpu.memref_slice %arg3[%add3A, %dma_start3A_111] : memref<32x1280xi32, #tpu.memory_space<hbm>> -> memref<1x1280xi32, #tpu.memory_space<hbm>>
      %dma_start3A_113 = tpu.memref_squeeze %dma_start3A_112 : memref<1x1280xi32, #tpu.memory_space<hbm>> -> memref<1280xi32, #tpu.memory_space<hbm>>
      %dma_start3A_114 = arith.constant 0 : i32
      %dma_start3A_115 = tpu.memref_slice %arg3[%add3A, %dma_start3A_114] : memref<32x1280xi32, #tpu.memory_space<hbm>> -> memref<1x1280xi32, #tpu.memory_space<hbm>>
      %dma_start3A_116 = tpu.memref_squeeze %dma_start3A_115 : memref<1x1280xi32, #tpu.memory_space<hbm>> -> memref<1280xi32, #tpu.memory_space<hbm>>
      tpu.enqueue_dma source(%dma_start3A_116 : memref<1280xi32, #tpu.memory_space<hbm>>) target(%arg5 : memref<1280xi32, #tpu.memory_space<vmem>>) target_semaphore(%run_scoped3A : memref<!tpu.dma_semaphore, #tpu.memory_space<semaphore_mem>>)
      %dma_wait3A = arith.constant 0 : i32
      %dma_wait3A_117 = tpu.memref_slice %arg3[%add3A, %dma_wait3A] : memref<32x1280xi32, #tpu.memory_space<hbm>> -> memref<1x1280xi32, #tpu.memory_space<hbm>>
      %dma_wait3A_118 = tpu.memref_squeeze %dma_wait3A_117 : memref<1x1280xi32, #tpu.memory_space<hbm>> -> memref<1280xi32, #tpu.memory_space<hbm>>
      %dma_wait3A_119 = arith.constant 0 : i32
      %dma_wait3A_120 = tpu.memref_slice %arg3[%add3A, %dma_wait3A_119] : memref<32x1280xi32, #tpu.memory_space<hbm>> -> memref<1x1280xi32, #tpu.memory_space<hbm>>
      %dma_wait3A_121 = tpu.memref_squeeze %dma_wait3A_120 : memref<1x1280xi32, #tpu.memory_space<hbm>> -> memref<1280xi32, #tpu.memory_space<hbm>>
      tpu.wait_dma2 semaphore(%run_scoped3A : memref<!tpu.dma_semaphore, #tpu.memory_space<semaphore_mem>>) src(%dma_wait3A_121 : memref<1280xi32, #tpu.memory_space<hbm>>) dst(%arg5 : memref<1280xi32, #tpu.memory_space<vmem>>)
      tpu.yield
    }) : () -> ()
    %dma_start3A = arith.constant 0 : i32
    %dma_start3A_3 = tpu.memref_slice %arg5[%dma_start3A] : memref<1280xi32, #tpu.memory_space<vmem>> -> memref<160xi32, #tpu.memory_space<vmem>>
    %dma_start3A_4 = arith.constant 0 : i32
    %dma_start3A_5 = arith.constant 0 : i32
    %dma_start3A_6 = tpu.memref_slice %arg2[%dma_start3A_4, %dma_start3A_5] : memref<10000x128xi32, #tpu.memory_space<hbm>> -> memref<10000x128xi32, #tpu.memory_space<hbm>>
    tpu.enqueue_indirect_dma source(%dma_start3A_6 : memref<10000x128xi32, #tpu.memory_space<hbm>>) target(%arg6 : memref<160x128xi32, #tpu.memory_space<vmem>>) offsets(%dma_start3A_3 : memref<160xi32, #tpu.memory_space<vmem>>) semaphore(%arg8 : memref<!tpu.dma_semaphore, #tpu.memory_space<semaphore_mem>>)
    %dma_start3A_7 = arith.constant 160 : i32
    %dma_start3A_8 = tpu.memref_slice %arg5[%dma_start3A_7] : memref<1280xi32, #tpu.memory_space<vmem>> -> memref<160xi32, #tpu.memory_space<vmem>>
    %dma_start3A_9 = arith.constant 0 : i32
    %dma_start3A_10 = arith.constant 0 : i32
    %dma_start3A_11 = tpu.memref_slice %arg2[%dma_start3A_9, %dma_start3A_10] : memref<10000x128xi32, #tpu.memory_space<hbm>> -> memref<10000x128xi32, #tpu.memory_space<hbm>>
    tpu.enqueue_indirect_dma source(%dma_start3A_11 : memref<10000x128xi32, #tpu.memory_space<hbm>>) target(%arg7 : memref<160x128xi32, #tpu.memory_space<vmem>>) offsets(%dma_start3A_8 : memref<160xi32, #tpu.memory_space<vmem>>) semaphore(%arg9 : memref<!tpu.dma_semaphore, #tpu.memory_space<semaphore_mem>>)
    %add3A_12 = arith.constant 0 : i32
    %add3A_13 = arith.addi %add3A, %add3A_12 : i32
    %mul3A_14 = arith.constant 160 : i32
    %mul3A_15 = arith.muli %add3A_13, %mul3A_14 : i32
    %gt3A = arith.constant 0 : i32
    %gt3A_16 = arith.cmpi sgt, %select_n3A, %gt3A : i32
    %convert_element_type3A = arith.extui %gt3A_16 : i1 to i32
    %cond3A = arith.constant 0 : i32
    %cond3A_17 = arith.cmpi ne, %convert_element_type3A, %cond3A : i32
    scf.if %cond3A_17 {
      %dma_wait3A = arith.constant 0 : i32
      %dma_wait3A_111 = tpu.memref_slice %arg5[%dma_wait3A] : memref<1280xi32, #tpu.memory_space<vmem>> -> memref<160xi32, #tpu.memory_space<vmem>>
      %dma_wait3A_112 = arith.constant 0 : i32
      %dma_wait3A_113 = arith.constant 0 : i32
      %dma_wait3A_114 = tpu.memref_slice %arg2[%dma_wait3A_112, %dma_wait3A_113] : memref<10000x128xi32, #tpu.memory_space<hbm>> -> memref<10000x128xi32, #tpu.memory_space<hbm>>
      tpu.wait_indirect_dma semaphore(%arg8 : memref<!tpu.dma_semaphore, #tpu.memory_space<semaphore_mem>>) src(%dma_wait3A_114 : memref<10000x128xi32, #tpu.memory_space<hbm>>) dst(%arg6 : memref<160x128xi32, #tpu.memory_space<vmem>>)
      "tpu.region"() ({
        %run_scoped3A = tpu.sem_alloc : memref<!tpu.dma_semaphore, #tpu.memory_space<semaphore_mem>>
        %dma_start3A_115 = arith.constant 0 : i32
        %dma_start3A_116 = tpu.memref_slice %arg4[%mul3A_15, %dma_start3A_115] : memref<40000x128xi32, #tpu.memory_space<hbm>> -> memref<160x128xi32, #tpu.memory_space<hbm>>
        %dma_start3A_117 = arith.constant 0 : i32
        %dma_start3A_118 = tpu.memref_slice %arg4[%mul3A_15, %dma_start3A_117] : memref<40000x128xi32, #tpu.memory_space<hbm>> -> memref<160x128xi32, #tpu.memory_space<hbm>>
        tpu.enqueue_dma source(%arg6 : memref<160x128xi32, #tpu.memory_space<vmem>>) target(%dma_start3A_118 : memref<160x128xi32, #tpu.memory_space<hbm>>) target_semaphore(%run_scoped3A : memref<!tpu.dma_semaphore, #tpu.memory_space<semaphore_mem>>)
        %dma_wait3A_119 = arith.constant 0 : i32
        %dma_wait3A_120 = tpu.memref_slice %arg4[%mul3A_15, %dma_wait3A_119] : memref<40000x128xi32, #tpu.memory_space<hbm>> -> memref<160x128xi32, #tpu.memory_space<hbm>>
        %dma_wait3A_121 = arith.constant 0 : i32
        %dma_wait3A_122 = tpu.memref_slice %arg4[%mul3A_15, %dma_wait3A_121] : memref<40000x128xi32, #tpu.memory_space<hbm>> -> memref<160x128xi32, #tpu.memory_space<hbm>>
        tpu.wait_dma2 semaphore(%run_scoped3A : memref<!tpu.dma_semaphore, #tpu.memory_space<semaphore_mem>>) src(%arg6 : memref<160x128xi32, #tpu.memory_space<vmem>>) dst(%dma_wait3A_122 : memref<160x128xi32, #tpu.memory_space<hbm>>)
        tpu.yield
      }) : () -> ()
    } else {
    }
    %gt3A_18 = arith.constant 2 : i32
    %gt3A_19 = arith.cmpi sgt, %select_n3A, %gt3A_18 : i32
    %convert_element_type3A_20 = arith.extui %gt3A_19 : i1 to i32
    %cond3A_21 = arith.constant 0 : i32
    %cond3A_22 = arith.cmpi ne, %convert_element_type3A_20, %cond3A_21 : i32
    scf.if %cond3A_22 {
      %dma_start3A_111 = arith.constant 320 : i32
      %dma_start3A_112 = tpu.memref_slice %arg5[%dma_start3A_111] : memref<1280xi32, #tpu.memory_space<vmem>> -> memref<160xi32, #tpu.memory_space<vmem>>
      %dma_start3A_113 = arith.constant 0 : i32
      %dma_start3A_114 = arith.constant 0 : i32
      %dma_start3A_115 = tpu.memref_slice %arg2[%dma_start3A_113, %dma_start3A_114] : memref<10000x128xi32, #tpu.memory_space<hbm>> -> memref<10000x128xi32, #tpu.memory_space<hbm>>
      tpu.enqueue_indirect_dma source(%dma_start3A_115 : memref<10000x128xi32, #tpu.memory_space<hbm>>) target(%arg6 : memref<160x128xi32, #tpu.memory_space<vmem>>) offsets(%dma_start3A_112 : memref<160xi32, #tpu.memory_space<vmem>>) semaphore(%arg8 : memref<!tpu.dma_semaphore, #tpu.memory_space<semaphore_mem>>)
    } else {
    }
    %add3A_23 = arith.constant 32 : i32
    %add3A_24 = arith.addi %add3A, %add3A_23 : i32
    %mul3A_25 = arith.constant 160 : i32
    %mul3A_26 = arith.muli %add3A_24, %mul3A_25 : i32
    %gt3A_27 = arith.constant 1 : i32
    %gt3A_28 = arith.cmpi sgt, %select_n3A, %gt3A_27 : i32
    %convert_element_type3A_29 = arith.extui %gt3A_28 : i1 to i32
    %cond3A_30 = arith.constant 0 : i32
    %cond3A_31 = arith.cmpi ne, %convert_element_type3A_29, %cond3A_30 : i32
    scf.if %cond3A_31 {
      %dma_wait3A = arith.constant 160 : i32
      %dma_wait3A_111 = tpu.memref_slice %arg5[%dma_wait3A] : memref<1280xi32, #tpu.memory_space<vmem>> -> memref<160xi32, #tpu.memory_space<vmem>>
      %dma_wait3A_112 = arith.constant 0 : i32
      %dma_wait3A_113 = arith.constant 0 : i32
      %dma_wait3A_114 = tpu.memref_slice %arg2[%dma_wait3A_112, %dma_wait3A_113] : memref<10000x128xi32, #tpu.memory_space<hbm>> -> memref<10000x128xi32, #tpu.memory_space<hbm>>
      tpu.wait_indirect_dma semaphore(%arg9 : memref<!tpu.dma_semaphore, #tpu.memory_space<semaphore_mem>>) src(%dma_wait3A_114 : memref<10000x128xi32, #tpu.memory_space<hbm>>) dst(%arg7 : memref<160x128xi32, #tpu.memory_space<vmem>>)
      "tpu.region"() ({
        %run_scoped3A = tpu.sem_alloc : memref<!tpu.dma_semaphore, #tpu.memory_space<semaphore_mem>>
        %dma_start3A_115 = arith.constant 0 : i32
        %dma_start3A_116 = tpu.memref_slice %arg4[%mul3A_26, %dma_start3A_115] : memref<40000x128xi32, #tpu.memory_space<hbm>> -> memref<160x128xi32, #tpu.memory_space<hbm>>
        %dma_start3A_117 = arith.constant 0 : i32
        %dma_start3A_118 = tpu.memref_slice %arg4[%mul3A_26, %dma_start3A_117] : memref<40000x128xi32, #tpu.memory_space<hbm>> -> memref<160x128xi32, #tpu.memory_space<hbm>>
        tpu.enqueue_dma source(%arg7 : memref<160x128xi32, #tpu.memory_space<vmem>>) target(%dma_start3A_118 : memref<160x128xi32, #tpu.memory_space<hbm>>) target_semaphore(%run_scoped3A : memref<!tpu.dma_semaphore, #tpu.memory_space<semaphore_mem>>)
        %dma_wait3A_119 = arith.constant 0 : i32
        %dma_wait3A_120 = tpu.memref_slice %arg4[%mul3A_26, %dma_wait3A_119] : memref<40000x128xi32, #tpu.memory_space<hbm>> -> memref<160x128xi32, #tpu.memory_space<hbm>>
        %dma_wait3A_121 = arith.constant 0 : i32
        %dma_wait3A_122 = tpu.memref_slice %arg4[%mul3A_26, %dma_wait3A_121] : memref<40000x128xi32, #tpu.memory_space<hbm>> -> memref<160x128xi32, #tpu.memory_space<hbm>>
        tpu.wait_dma2 semaphore(%run_scoped3A : memref<!tpu.dma_semaphore, #tpu.memory_space<semaphore_mem>>) src(%arg7 : memref<160x128xi32, #tpu.memory_space<vmem>>) dst(%dma_wait3A_122 : memref<160x128xi32, #tpu.memory_space<hbm>>)
        tpu.yield
      }) : () -> ()
    } else {
    }
    %gt3A_32 = arith.constant 3 : i32
    %gt3A_33 = arith.cmpi sgt, %select_n3A, %gt3A_32 : i32
    %convert_element_type3A_34 = arith.extui %gt3A_33 : i1 to i32
    %cond3A_35 = arith.constant 0 : i32
    %cond3A_36 = arith.cmpi ne, %convert_element_type3A_34, %cond3A_35 : i32
    scf.if %cond3A_36 {
      %dma_start3A_111 = arith.constant 480 : i32
      %dma_start3A_112 = tpu.memref_slice %arg5[%dma_start3A_111] : memref<1280xi32, #tpu.memory_space<vmem>> -> memref<160xi32, #tpu.memory_space<vmem>>
      %dma_start3A_113 = arith.constant 0 : i32
      %dma_start3A_114 = arith.constant 0 : i32
      %dma_start3A_115 = tpu.memref_slice %arg2[%dma_start3A_113, %dma_start3A_114] : memref<10000x128xi32, #tpu.memory_space<hbm>> -> memref<10000x128xi32, #tpu.memory_space<hbm>>
      tpu.enqueue_indirect_dma source(%dma_start3A_115 : memref<10000x128xi32, #tpu.memory_space<hbm>>) target(%arg7 : memref<160x128xi32, #tpu.memory_space<vmem>>) offsets(%dma_start3A_112 : memref<160xi32, #tpu.memory_space<vmem>>) semaphore(%arg9 : memref<!tpu.dma_semaphore, #tpu.memory_space<semaphore_mem>>)
    } else {
    }
    %add3A_37 = arith.constant 64 : i32
    %add3A_38 = arith.addi %add3A, %add3A_37 : i32
    %mul3A_39 = arith.constant 160 : i32
    %mul3A_40 = arith.muli %add3A_38, %mul3A_39 : i32
    %gt3A_41 = arith.constant 2 : i32
    %gt3A_42 = arith.cmpi sgt, %select_n3A, %gt3A_41 : i32
    %convert_element_type3A_43 = arith.extui %gt3A_42 : i1 to i32
    %cond3A_44 = arith.constant 0 : i32
    %cond3A_45 = arith.cmpi ne, %convert_element_type3A_43, %cond3A_44 : i32
    scf.if %cond3A_45 {
      %dma_wait3A = arith.constant 320 : i32
      %dma_wait3A_111 = tpu.memref_slice %arg5[%dma_wait3A] : memref<1280xi32, #tpu.memory_space<vmem>> -> memref<160xi32, #tpu.memory_space<vmem>>
      %dma_wait3A_112 = arith.constant 0 : i32
      %dma_wait3A_113 = arith.constant 0 : i32
      %dma_wait3A_114 = tpu.memref_slice %arg2[%dma_wait3A_112, %dma_wait3A_113] : memref<10000x128xi32, #tpu.memory_space<hbm>> -> memref<10000x128xi32, #tpu.memory_space<hbm>>
      tpu.wait_indirect_dma semaphore(%arg8 : memref<!tpu.dma_semaphore, #tpu.memory_space<semaphore_mem>>) src(%dma_wait3A_114 : memref<10000x128xi32, #tpu.memory_space<hbm>>) dst(%arg6 : memref<160x128xi32, #tpu.memory_space<vmem>>)
      "tpu.region"() ({
        %run_scoped3A = tpu.sem_alloc : memref<!tpu.dma_semaphore, #tpu.memory_space<semaphore_mem>>
        %dma_start3A_115 = arith.constant 0 : i32
        %dma_start3A_116 = tpu.memref_slice %arg4[%mul3A_40, %dma_start3A_115] : memref<40000x128xi32, #tpu.memory_space<hbm>> -> memref<160x128xi32, #tpu.memory_space<hbm>>
        %dma_start3A_117 = arith.constant 0 : i32
        %dma_start3A_118 = tpu.memref_slice %arg4[%mul3A_40, %dma_start3A_117] : memref<40000x128xi32, #tpu.memory_space<hbm>> -> memref<160x128xi32, #tpu.memory_space<hbm>>
        tpu.enqueue_dma source(%arg6 : memref<160x128xi32, #tpu.memory_space<vmem>>) target(%dma_start3A_118 : memref<160x128xi32, #tpu.memory_space<hbm>>) target_semaphore(%run_scoped3A : memref<!tpu.dma_semaphore, #tpu.memory_space<semaphore_mem>>)
        %dma_wait3A_119 = arith.constant 0 : i32
        %dma_wait3A_120 = tpu.memref_slice %arg4[%mul3A_40, %dma_wait3A_119] : memref<40000x128xi32, #tpu.memory_space<hbm>> -> memref<160x128xi32, #tpu.memory_space<hbm>>
        %dma_wait3A_121 = arith.constant 0 : i32
        %dma_wait3A_122 = tpu.memref_slice %arg4[%mul3A_40, %dma_wait3A_121] : memref<40000x128xi32, #tpu.memory_space<hbm>> -> memref<160x128xi32, #tpu.memory_space<hbm>>
        tpu.wait_dma2 semaphore(%run_scoped3A : memref<!tpu.dma_semaphore, #tpu.memory_space<semaphore_mem>>) src(%arg6 : memref<160x128xi32, #tpu.memory_space<vmem>>) dst(%dma_wait3A_122 : memref<160x128xi32, #tpu.memory_space<hbm>>)
        tpu.yield
      }) : () -> ()
    } else {
    }
    %gt3A_46 = arith.constant 4 : i32
    %gt3A_47 = arith.cmpi sgt, %select_n3A, %gt3A_46 : i32
    %convert_element_type3A_48 = arith.extui %gt3A_47 : i1 to i32
    %cond3A_49 = arith.constant 0 : i32
    %cond3A_50 = arith.cmpi ne, %convert_element_type3A_48, %cond3A_49 : i32
    scf.if %cond3A_50 {
      %dma_start3A_111 = arith.constant 640 : i32
      %dma_start3A_112 = tpu.memref_slice %arg5[%dma_start3A_111] : memref<1280xi32, #tpu.memory_space<vmem>> -> memref<160xi32, #tpu.memory_space<vmem>>
      %dma_start3A_113 = arith.constant 0 : i32
      %dma_start3A_114 = arith.constant 0 : i32
      %dma_start3A_115 = tpu.memref_slice %arg2[%dma_start3A_113, %dma_start3A_114] : memref<10000x128xi32, #tpu.memory_space<hbm>> -> memref<10000x128xi32, #tpu.memory_space<hbm>>
      tpu.enqueue_indirect_dma source(%dma_start3A_115 : memref<10000x128xi32, #tpu.memory_space<hbm>>) target(%arg6 : memref<160x128xi32, #tpu.memory_space<vmem>>) offsets(%dma_start3A_112 : memref<160xi32, #tpu.memory_space<vmem>>) semaphore(%arg8 : memref<!tpu.dma_semaphore, #tpu.memory_space<semaphore_mem>>)
    } else {
    }
    %add3A_51 = arith.constant 96 : i32
    %add3A_52 = arith.addi %add3A, %add3A_51 : i32
    %mul3A_53 = arith.constant 160 : i32
    %mul3A_54 = arith.muli %add3A_52, %mul3A_53 : i32
    %gt3A_55 = arith.constant 3 : i32
    %gt3A_56 = arith.cmpi sgt, %select_n3A, %gt3A_55 : i32
    %convert_element_type3A_57 = arith.extui %gt3A_56 : i1 to i32
    %cond3A_58 = arith.constant 0 : i32
    %cond3A_59 = arith.cmpi ne, %convert_element_type3A_57, %cond3A_58 : i32
    scf.if %cond3A_59 {
      %dma_wait3A = arith.constant 480 : i32
      %dma_wait3A_111 = tpu.memref_slice %arg5[%dma_wait3A] : memref<1280xi32, #tpu.memory_space<vmem>> -> memref<160xi32, #tpu.memory_space<vmem>>
      %dma_wait3A_112 = arith.constant 0 : i32
      %dma_wait3A_113 = arith.constant 0 : i32
      %dma_wait3A_114 = tpu.memref_slice %arg2[%dma_wait3A_112, %dma_wait3A_113] : memref<10000x128xi32, #tpu.memory_space<hbm>> -> memref<10000x128xi32, #tpu.memory_space<hbm>>
      tpu.wait_indirect_dma semaphore(%arg9 : memref<!tpu.dma_semaphore, #tpu.memory_space<semaphore_mem>>) src(%dma_wait3A_114 : memref<10000x128xi32, #tpu.memory_space<hbm>>) dst(%arg7 : memref<160x128xi32, #tpu.memory_space<vmem>>)
      "tpu.region"() ({
        %run_scoped3A = tpu.sem_alloc : memref<!tpu.dma_semaphore, #tpu.memory_space<semaphore_mem>>
        %dma_start3A_115 = arith.constant 0 : i32
        %dma_start3A_116 = tpu.memref_slice %arg4[%mul3A_54, %dma_start3A_115] : memref<40000x128xi32, #tpu.memory_space<hbm>> -> memref<160x128xi32, #tpu.memory_space<hbm>>
        %dma_start3A_117 = arith.constant 0 : i32
        %dma_start3A_118 = tpu.memref_slice %arg4[%mul3A_54, %dma_start3A_117] : memref<40000x128xi32, #tpu.memory_space<hbm>> -> memref<160x128xi32, #tpu.memory_space<hbm>>
        tpu.enqueue_dma source(%arg7 : memref<160x128xi32, #tpu.memory_space<vmem>>) target(%dma_start3A_118 : memref<160x128xi32, #tpu.memory_space<hbm>>) target_semaphore(%run_scoped3A : memref<!tpu.dma_semaphore, #tpu.memory_space<semaphore_mem>>)
        %dma_wait3A_119 = arith.constant 0 : i32
        %dma_wait3A_120 = tpu.memref_slice %arg4[%mul3A_54, %dma_wait3A_119] : memref<40000x128xi32, #tpu.memory_space<hbm>> -> memref<160x128xi32, #tpu.memory_space<hbm>>
        %dma_wait3A_121 = arith.constant 0 : i32
        %dma_wait3A_122 = tpu.memref_slice %arg4[%mul3A_54, %dma_wait3A_121] : memref<40000x128xi32, #tpu.memory_space<hbm>> -> memref<160x128xi32, #tpu.memory_space<hbm>>
        tpu.wait_dma2 semaphore(%run_scoped3A : memref<!tpu.dma_semaphore, #tpu.memory_space<semaphore_mem>>) src(%arg7 : memref<160x128xi32, #tpu.memory_space<vmem>>) dst(%dma_wait3A_122 : memref<160x128xi32, #tpu.memory_space<hbm>>)
        tpu.yield
      }) : () -> ()
    } else {
    }
    %gt3A_60 = arith.constant 5 : i32
    %gt3A_61 = arith.cmpi sgt, %select_n3A, %gt3A_60 : i32
    %convert_element_type3A_62 = arith.extui %gt3A_61 : i1 to i32
    %cond3A_63 = arith.constant 0 : i32
    %cond3A_64 = arith.cmpi ne, %convert_element_type3A_62, %cond3A_63 : i32
    scf.if %cond3A_64 {
      %dma_start3A_111 = arith.constant 800 : i32
      %dma_start3A_112 = tpu.memref_slice %arg5[%dma_start3A_111] : memref<1280xi32, #tpu.memory_space<vmem>> -> memref<160xi32, #tpu.memory_space<vmem>>
      %dma_start3A_113 = arith.constant 0 : i32
      %dma_start3A_114 = arith.constant 0 : i32
      %dma_start3A_115 = tpu.memref_slice %arg2[%dma_start3A_113, %dma_start3A_114] : memref<10000x128xi32, #tpu.memory_space<hbm>> -> memref<10000x128xi32, #tpu.memory_space<hbm>>
      tpu.enqueue_indirect_dma source(%dma_start3A_115 : memref<10000x128xi32, #tpu.memory_space<hbm>>) target(%arg7 : memref<160x128xi32, #tpu.memory_space<vmem>>) offsets(%dma_start3A_112 : memref<160xi32, #tpu.memory_space<vmem>>) semaphore(%arg9 : memref<!tpu.dma_semaphore, #tpu.memory_space<semaphore_mem>>)
    } else {
    }
    %add3A_65 = arith.constant 128 : i32
    %add3A_66 = arith.addi %add3A, %add3A_65 : i32
    %mul3A_67 = arith.constant 160 : i32
    %mul3A_68 = arith.muli %add3A_66, %mul3A_67 : i32
    %gt3A_69 = arith.constant 4 : i32
    %gt3A_70 = arith.cmpi sgt, %select_n3A, %gt3A_69 : i32
    %convert_element_type3A_71 = arith.extui %gt3A_70 : i1 to i32
    %cond3A_72 = arith.constant 0 : i32
    %cond3A_73 = arith.cmpi ne, %convert_element_type3A_71, %cond3A_72 : i32
    scf.if %cond3A_73 {
      %dma_wait3A = arith.constant 640 : i32
      %dma_wait3A_111 = tpu.memref_slice %arg5[%dma_wait3A] : memref<1280xi32, #tpu.memory_space<vmem>> -> memref<160xi32, #tpu.memory_space<vmem>>
      %dma_wait3A_112 = arith.constant 0 : i32
      %dma_wait3A_113 = arith.constant 0 : i32
      %dma_wait3A_114 = tpu.memref_slice %arg2[%dma_wait3A_112, %dma_wait3A_113] : memref<10000x128xi32, #tpu.memory_space<hbm>> -> memref<10000x128xi32, #tpu.memory_space<hbm>>
      tpu.wait_indirect_dma semaphore(%arg8 : memref<!tpu.dma_semaphore, #tpu.memory_space<semaphore_mem>>) src(%dma_wait3A_114 : memref<10000x128xi32, #tpu.memory_space<hbm>>) dst(%arg6 : memref<160x128xi32, #tpu.memory_space<vmem>>)
      "tpu.region"() ({
        %run_scoped3A = tpu.sem_alloc : memref<!tpu.dma_semaphore, #tpu.memory_space<semaphore_mem>>
        %dma_start3A_115 = arith.constant 0 : i32
        %dma_start3A_116 = tpu.memref_slice %arg4[%mul3A_68, %dma_start3A_115] : memref<40000x128xi32, #tpu.memory_space<hbm>> -> memref<160x128xi32, #tpu.memory_space<hbm>>
        %dma_start3A_117 = arith.constant 0 : i32
        %dma_start3A_118 = tpu.memref_slice %arg4[%mul3A_68, %dma_start3A_117] : memref<40000x128xi32, #tpu.memory_space<hbm>> -> memref<160x128xi32, #tpu.memory_space<hbm>>
        tpu.enqueue_dma source(%arg6 : memref<160x128xi32, #tpu.memory_space<vmem>>) target(%dma_start3A_118 : memref<160x128xi32, #tpu.memory_space<hbm>>) target_semaphore(%run_scoped3A : memref<!tpu.dma_semaphore, #tpu.memory_space<semaphore_mem>>)
        %dma_wait3A_119 = arith.constant 0 : i32
        %dma_wait3A_120 = tpu.memref_slice %arg4[%mul3A_68, %dma_wait3A_119] : memref<40000x128xi32, #tpu.memory_space<hbm>> -> memref<160x128xi32, #tpu.memory_space<hbm>>
        %dma_wait3A_121 = arith.constant 0 : i32
        %dma_wait3A_122 = tpu.memref_slice %arg4[%mul3A_68, %dma_wait3A_121] : memref<40000x128xi32, #tpu.memory_space<hbm>> -> memref<160x128xi32, #tpu.memory_space<hbm>>
        tpu.wait_dma2 semaphore(%run_scoped3A : memref<!tpu.dma_semaphore, #tpu.memory_space<semaphore_mem>>) src(%arg6 : memref<160x128xi32, #tpu.memory_space<vmem>>) dst(%dma_wait3A_122 : memref<160x128xi32, #tpu.memory_space<hbm>>)
        tpu.yield
      }) : () -> ()
    } else {
    }
    %gt3A_74 = arith.constant 6 : i32
    %gt3A_75 = arith.cmpi sgt, %select_n3A, %gt3A_74 : i32
    %convert_element_type3A_76 = arith.extui %gt3A_75 : i1 to i32
    %cond3A_77 = arith.constant 0 : i32
    %cond3A_78 = arith.cmpi ne, %convert_element_type3A_76, %cond3A_77 : i32
    scf.if %cond3A_78 {
      %dma_start3A_111 = arith.constant 960 : i32
      %dma_start3A_112 = tpu.memref_slice %arg5[%dma_start3A_111] : memref<1280xi32, #tpu.memory_space<vmem>> -> memref<160xi32, #tpu.memory_space<vmem>>
      %dma_start3A_113 = arith.constant 0 : i32
      %dma_start3A_114 = arith.constant 0 : i32
      %dma_start3A_115 = tpu.memref_slice %arg2[%dma_start3A_113, %dma_start3A_114] : memref<10000x128xi32, #tpu.memory_space<hbm>> -> memref<10000x128xi32, #tpu.memory_space<hbm>>
      tpu.enqueue_indirect_dma source(%dma_start3A_115 : memref<10000x128xi32, #tpu.memory_space<hbm>>) target(%arg6 : memref<160x128xi32, #tpu.memory_space<vmem>>) offsets(%dma_start3A_112 : memref<160xi32, #tpu.memory_space<vmem>>) semaphore(%arg8 : memref<!tpu.dma_semaphore, #tpu.memory_space<semaphore_mem>>)
    } else {
    }
    %add3A_79 = arith.constant 160 : i32
    %add3A_80 = arith.addi %add3A, %add3A_79 : i32
    %mul3A_81 = arith.constant 160 : i32
    %mul3A_82 = arith.muli %add3A_80, %mul3A_81 : i32
    %gt3A_83 = arith.constant 5 : i32
    %gt3A_84 = arith.cmpi sgt, %select_n3A, %gt3A_83 : i32
    %convert_element_type3A_85 = arith.extui %gt3A_84 : i1 to i32
    %cond3A_86 = arith.constant 0 : i32
    %cond3A_87 = arith.cmpi ne, %convert_element_type3A_85, %cond3A_86 : i32
    scf.if %cond3A_87 {
      %dma_wait3A = arith.constant 800 : i32
      %dma_wait3A_111 = tpu.memref_slice %arg5[%dma_wait3A] : memref<1280xi32, #tpu.memory_space<vmem>> -> memref<160xi32, #tpu.memory_space<vmem>>
      %dma_wait3A_112 = arith.constant 0 : i32
      %dma_wait3A_113 = arith.constant 0 : i32
      %dma_wait3A_114 = tpu.memref_slice %arg2[%dma_wait3A_112, %dma_wait3A_113] : memref<10000x128xi32, #tpu.memory_space<hbm>> -> memref<10000x128xi32, #tpu.memory_space<hbm>>
      tpu.wait_indirect_dma semaphore(%arg9 : memref<!tpu.dma_semaphore, #tpu.memory_space<semaphore_mem>>) src(%dma_wait3A_114 : memref<10000x128xi32, #tpu.memory_space<hbm>>) dst(%arg7 : memref<160x128xi32, #tpu.memory_space<vmem>>)
      "tpu.region"() ({
        %run_scoped3A = tpu.sem_alloc : memref<!tpu.dma_semaphore, #tpu.memory_space<semaphore_mem>>
        %dma_start3A_115 = arith.constant 0 : i32
        %dma_start3A_116 = tpu.memref_slice %arg4[%mul3A_82, %dma_start3A_115] : memref<40000x128xi32, #tpu.memory_space<hbm>> -> memref<160x128xi32, #tpu.memory_space<hbm>>
        %dma_start3A_117 = arith.constant 0 : i32
        %dma_start3A_118 = tpu.memref_slice %arg4[%mul3A_82, %dma_start3A_117] : memref<40000x128xi32, #tpu.memory_space<hbm>> -> memref<160x128xi32, #tpu.memory_space<hbm>>
        tpu.enqueue_dma source(%arg7 : memref<160x128xi32, #tpu.memory_space<vmem>>) target(%dma_start3A_118 : memref<160x128xi32, #tpu.memory_space<hbm>>) target_semaphore(%run_scoped3A : memref<!tpu.dma_semaphore, #tpu.memory_space<semaphore_mem>>)
        %dma_wait3A_119 = arith.constant 0 : i32
        %dma_wait3A_120 = tpu.memref_slice %arg4[%mul3A_82, %dma_wait3A_119] : memref<40000x128xi32, #tpu.memory_space<hbm>> -> memref<160x128xi32, #tpu.memory_space<hbm>>
        %dma_wait3A_121 = arith.constant 0 : i32
        %dma_wait3A_122 = tpu.memref_slice %arg4[%mul3A_82, %dma_wait3A_121] : memref<40000x128xi32, #tpu.memory_space<hbm>> -> memref<160x128xi32, #tpu.memory_space<hbm>>
        tpu.wait_dma2 semaphore(%run_scoped3A : memref<!tpu.dma_semaphore, #tpu.memory_space<semaphore_mem>>) src(%arg7 : memref<160x128xi32, #tpu.memory_space<vmem>>) dst(%dma_wait3A_122 : memref<160x128xi32, #tpu.memory_space<hbm>>)
        tpu.yield
      }) : () -> ()
    } else {
    }
    %gt3A_88 = arith.constant 7 : i32
    %gt3A_89 = arith.cmpi sgt, %select_n3A, %gt3A_88 : i32
    %convert_element_type3A_90 = arith.extui %gt3A_89 : i1 to i32
    %cond3A_91 = arith.constant 0 : i32
    %cond3A_92 = arith.cmpi ne, %convert_element_type3A_90, %cond3A_91 : i32
    scf.if %cond3A_92 {
      %dma_start3A_111 = arith.constant 1120 : i32
      %dma_start3A_112 = tpu.memref_slice %arg5[%dma_start3A_111] : memref<1280xi32, #tpu.memory_space<vmem>> -> memref<160xi32, #tpu.memory_space<vmem>>
      %dma_start3A_113 = arith.constant 0 : i32
      %dma_start3A_114 = arith.constant 0 : i32
      %dma_start3A_115 = tpu.memref_slice %arg2[%dma_start3A_113, %dma_start3A_114] : memref<10000x128xi32, #tpu.memory_space<hbm>> -> memref<10000x128xi32, #tpu.memory_space<hbm>>
      tpu.enqueue_indirect_dma source(%dma_start3A_115 : memref<10000x128xi32, #tpu.memory_space<hbm>>) target(%arg7 : memref<160x128xi32, #tpu.memory_space<vmem>>) offsets(%dma_start3A_112 : memref<160xi32, #tpu.memory_space<vmem>>) semaphore(%arg9 : memref<!tpu.dma_semaphore, #tpu.memory_space<semaphore_mem>>)
    } else {
    }
    %add3A_93 = arith.constant 192 : i32
    %add3A_94 = arith.addi %add3A, %add3A_93 : i32
    %mul3A_95 = arith.constant 160 : i32
    %mul3A_96 = arith.muli %add3A_94, %mul3A_95 : i32
    %gt3A_97 = arith.constant 6 : i32
    %gt3A_98 = arith.cmpi sgt, %select_n3A, %gt3A_97 : i32
    %convert_element_type3A_99 = arith.extui %gt3A_98 : i1 to i32
    %cond3A_100 = arith.constant 0 : i32
    %cond3A_101 = arith.cmpi ne, %convert_element_type3A_99, %cond3A_100 : i32
    scf.if %cond3A_101 {
      %dma_wait3A = arith.constant 960 : i32
      %dma_wait3A_111 = tpu.memref_slice %arg5[%dma_wait3A] : memref<1280xi32, #tpu.memory_space<vmem>> -> memref<160xi32, #tpu.memory_space<vmem>>
      %dma_wait3A_112 = arith.constant 0 : i32
      %dma_wait3A_113 = arith.constant 0 : i32
      %dma_wait3A_114 = tpu.memref_slice %arg2[%dma_wait3A_112, %dma_wait3A_113] : memref<10000x128xi32, #tpu.memory_space<hbm>> -> memref<10000x128xi32, #tpu.memory_space<hbm>>
      tpu.wait_indirect_dma semaphore(%arg8 : memref<!tpu.dma_semaphore, #tpu.memory_space<semaphore_mem>>) src(%dma_wait3A_114 : memref<10000x128xi32, #tpu.memory_space<hbm>>) dst(%arg6 : memref<160x128xi32, #tpu.memory_space<vmem>>)
      "tpu.region"() ({
        %run_scoped3A = tpu.sem_alloc : memref<!tpu.dma_semaphore, #tpu.memory_space<semaphore_mem>>
        %dma_start3A_115 = arith.constant 0 : i32
        %dma_start3A_116 = tpu.memref_slice %arg4[%mul3A_96, %dma_start3A_115] : memref<40000x128xi32, #tpu.memory_space<hbm>> -> memref<160x128xi32, #tpu.memory_space<hbm>>
        %dma_start3A_117 = arith.constant 0 : i32
        %dma_start3A_118 = tpu.memref_slice %arg4[%mul3A_96, %dma_start3A_117] : memref<40000x128xi32, #tpu.memory_space<hbm>> -> memref<160x128xi32, #tpu.memory_space<hbm>>
        tpu.enqueue_dma source(%arg6 : memref<160x128xi32, #tpu.memory_space<vmem>>) target(%dma_start3A_118 : memref<160x128xi32, #tpu.memory_space<hbm>>) target_semaphore(%run_scoped3A : memref<!tpu.dma_semaphore, #tpu.memory_space<semaphore_mem>>)
        %dma_wait3A_119 = arith.constant 0 : i32
        %dma_wait3A_120 = tpu.memref_slice %arg4[%mul3A_96, %dma_wait3A_119] : memref<40000x128xi32, #tpu.memory_space<hbm>> -> memref<160x128xi32, #tpu.memory_space<hbm>>
        %dma_wait3A_121 = arith.constant 0 : i32
        %dma_wait3A_122 = tpu.memref_slice %arg4[%mul3A_96, %dma_wait3A_121] : memref<40000x128xi32, #tpu.memory_space<hbm>> -> memref<160x128xi32, #tpu.memory_space<hbm>>
        tpu.wait_dma2 semaphore(%run_scoped3A : memref<!tpu.dma_semaphore, #tpu.memory_space<semaphore_mem>>) src(%arg6 : memref<160x128xi32, #tpu.memory_space<vmem>>) dst(%dma_wait3A_122 : memref<160x128xi32, #tpu.memory_space<hbm>>)
        tpu.yield
      }) : () -> ()
    } else {
    }
    %add3A_102 = arith.constant 224 : i32
    %add3A_103 = arith.addi %add3A, %add3A_102 : i32
    %mul3A_104 = arith.constant 160 : i32
    %mul3A_105 = arith.muli %add3A_103, %mul3A_104 : i32
    %gt3A_106 = arith.constant 7 : i32
    %gt3A_107 = arith.cmpi sgt, %select_n3A, %gt3A_106 : i32
    %convert_element_type3A_108 = arith.extui %gt3A_107 : i1 to i32
    %cond3A_109 = arith.constant 0 : i32
    %cond3A_110 = arith.cmpi ne, %convert_element_type3A_108, %cond3A_109 : i32
    scf.if %cond3A_110 {
      %dma_wait3A = arith.constant 1120 : i32
      %dma_wait3A_111 = tpu.memref_slice %arg5[%dma_wait3A] : memref<1280xi32, #tpu.memory_space<vmem>> -> memref<160xi32, #tpu.memory_space<vmem>>
      %dma_wait3A_112 = arith.constant 0 : i32
      %dma_wait3A_113 = arith.constant 0 : i32
      %dma_wait3A_114 = tpu.memref_slice %arg2[%dma_wait3A_112, %dma_wait3A_113] : memref<10000x128xi32, #tpu.memory_space<hbm>> -> memref<10000x128xi32, #tpu.memory_space<hbm>>
      tpu.wait_indirect_dma semaphore(%arg9 : memref<!tpu.dma_semaphore, #tpu.memory_space<semaphore_mem>>) src(%dma_wait3A_114 : memref<10000x128xi32, #tpu.memory_space<hbm>>) dst(%arg7 : memref<160x128xi32, #tpu.memory_space<vmem>>)
      "tpu.region"() ({
        %run_scoped3A = tpu.sem_alloc : memref<!tpu.dma_semaphore, #tpu.memory_space<semaphore_mem>>
        %dma_start3A_115 = arith.constant 0 : i32
        %dma_start3A_116 = tpu.memref_slice %arg4[%mul3A_105, %dma_start3A_115] : memref<40000x128xi32, #tpu.memory_space<hbm>> -> memref<160x128xi32, #tpu.memory_space<hbm>>
        %dma_start3A_117 = arith.constant 0 : i32
        %dma_start3A_118 = tpu.memref_slice %arg4[%mul3A_105, %dma_start3A_117] : memref<40000x128xi32, #tpu.memory_space<hbm>> -> memref<160x128xi32, #tpu.memory_space<hbm>>
        tpu.enqueue_dma source(%arg7 : memref<160x128xi32, #tpu.memory_space<vmem>>) target(%dma_start3A_118 : memref<160x128xi32, #tpu.memory_space<hbm>>) target_semaphore(%run_scoped3A : memref<!tpu.dma_semaphore, #tpu.memory_space<semaphore_mem>>)
        %dma_wait3A_119 = arith.constant 0 : i32
        %dma_wait3A_120 = tpu.memref_slice %arg4[%mul3A_105, %dma_wait3A_119] : memref<40000x128xi32, #tpu.memory_space<hbm>> -> memref<160x128xi32, #tpu.memory_space<hbm>>
        %dma_wait3A_121 = arith.constant 0 : i32
        %dma_wait3A_122 = tpu.memref_slice %arg4[%mul3A_105, %dma_wait3A_121] : memref<40000x128xi32, #tpu.memory_space<hbm>> -> memref<160x128xi32, #tpu.memory_space<hbm>>
        tpu.wait_dma2 semaphore(%run_scoped3A : memref<!tpu.dma_semaphore, #tpu.memory_space<semaphore_mem>>) src(%arg7 : memref<160x128xi32, #tpu.memory_space<vmem>>) dst(%dma_wait3A_122 : memref<160x128xi32, #tpu.memory_space<hbm>>)
        tpu.yield
      }) : () -> ()
    } else {
    }
    return
  }
}

#map = affine_map<(d0, d1) -> (0, 0)>
module attributes {stable_mosaic.version = 14 : i64} {
  func.func @_gather_body(%arg0: i32, %arg1: i32, %arg2: memref<10000x128xi32, #tpu.memory_space<hbm>>, %arg3: memref<32x1280xi32, #tpu.memory_space<hbm>>, %arg4: memref<40000x128xi32, #tpu.memory_space<hbm>>, %arg5: memref<1280xi32, #tpu.memory_space<vmem>>, %arg6: memref<160x128xi32, #tpu.memory_space<vmem>>, %arg7: memref<160x128xi32, #tpu.memory_space<vmem>>, %arg8: memref<!tpu.dma_semaphore, #tpu.memory_space<semaphore_mem>>, %arg9: memref<!tpu.dma_semaphore, #tpu.memory_space<semaphore_mem>>) attributes {dimension_semantics = [#tpu.dimension_semantics<core_parallel>, #tpu.dimension_semantics<subcore_parallel>], iteration_bounds = array<i64: 2, 16>, scalar_prefetch = 0 : i64, scratch_operands = 5 : i64, tpu.core_type = #tpu.core_type<sc_vector_subcore>, window_params = [{transform_indices = #map}, {transform_indices = #map}, {transform_indices = #map}]} {
    %mul3A = arith.constant 2 : i32
    %mul3A_0 = arith.muli %arg1, %mul3A : i32
    %add3A = arith.addi %mul3A_0, %arg0 : i32
    %lt3A = arith.constant 26 : i32
    %lt3A_1 = arith.cmpi slt, %add3A, %lt3A : i32
    %jit3A = arith.constant 8 : i32
    %jit3A_2 = arith.constant 7 : i32
    %select_n3A = arith.select %lt3A_1, %jit3A, %jit3A_2 : i32
    "tpu.region"() ({
      %run_scoped3A = tpu.sem_alloc : memref<!tpu.dma_semaphore, #tpu.memory_space<semaphore_mem>>
      %dma_start3A_111 = arith.constant 0 : i32
      %dma_start3A_112 = tpu.memref_slice %arg3[%add3A, %dma_start3A_111] : memref<32x1280xi32, #tpu.memory_space<hbm>> -> memref<1x1280xi32, #tpu.memory_space<hbm>>
      %dma_start3A_113 = tpu.memref_squeeze %dma_start3A_112 : memref<1x1280xi32, #tpu.memory_space<hbm>> -> memref<1280xi32, #tpu.memory_space<hbm>>
      %dma_start3A_114 = arith.constant 0 : i32
      %dma_start3A_115 = tpu.memref_slice %arg3[%add3A, %dma_start3A_114] : memref<32x1280xi32, #tpu.memory_space<hbm>> -> memref<1x1280xi32, #tpu.memory_space<hbm>>
      %dma_start3A_116 = tpu.memref_squeeze %dma_start3A_115 : memref<1x1280xi32, #tpu.memory_space<hbm>> -> memref<1280xi32, #tpu.memory_space<hbm>>
      tpu.enqueue_dma source(%dma_start3A_116 : memref<1280xi32, #tpu.memory_space<hbm>>) target(%arg5 : memref<1280xi32, #tpu.memory_space<vmem>>) target_semaphore(%run_scoped3A : memref<!tpu.dma_semaphore, #tpu.memory_space<semaphore_mem>>)
      %dma_wait3A = arith.constant 0 : i32
      %dma_wait3A_117 = tpu.memref_slice %arg3[%add3A, %dma_wait3A] : memref<32x1280xi32, #tpu.memory_space<hbm>> -> memref<1x1280xi32, #tpu.memory_space<hbm>>
      %dma_wait3A_118 = tpu.memref_squeeze %dma_wait3A_117 : memref<1x1280xi32, #tpu.memory_space<hbm>> -> memref<1280xi32, #tpu.memory_space<hbm>>
      %dma_wait3A_119 = arith.constant 0 : i32
      %dma_wait3A_120 = tpu.memref_slice %arg3[%add3A, %dma_wait3A_119] : memref<32x1280xi32, #tpu.memory_space<hbm>> -> memref<1x1280xi32, #tpu.memory_space<hbm>>
      %dma_wait3A_121 = tpu.memref_squeeze %dma_wait3A_120 : memref<1x1280xi32, #tpu.memory_space<hbm>> -> memref<1280xi32, #tpu.memory_space<hbm>>
      tpu.wait_dma2 semaphore(%run_scoped3A : memref<!tpu.dma_semaphore, #tpu.memory_space<semaphore_mem>>) src(%dma_wait3A_121 : memref<1280xi32, #tpu.memory_space<hbm>>) dst(%arg5 : memref<1280xi32, #tpu.memory_space<vmem>>)
      tpu.yield
    }) : () -> ()
    %dma_start3A = arith.constant 0 : i32
    %dma_start3A_3 = tpu.memref_slice %arg5[%dma_start3A] : memref<1280xi32, #tpu.memory_space<vmem>> -> memref<160xi32, #tpu.memory_space<vmem>>
    %dma_start3A_4 = arith.constant 0 : i32
    %dma_start3A_5 = arith.constant 0 : i32
    %dma_start3A_6 = tpu.memref_slice %arg2[%dma_start3A_4, %dma_start3A_5] : memref<10000x128xi32, #tpu.memory_space<hbm>> -> memref<10000x128xi32, #tpu.memory_space<hbm>>
    tpu.enqueue_indirect_dma source(%dma_start3A_6 : memref<10000x128xi32, #tpu.memory_space<hbm>>) target(%arg6 : memref<160x128xi32, #tpu.memory_space<vmem>>) offsets(%dma_start3A_3 : memref<160xi32, #tpu.memory_space<vmem>>) semaphore(%arg8 : memref<!tpu.dma_semaphore, #tpu.memory_space<semaphore_mem>>)
    %dma_start3A_7 = arith.constant 160 : i32
    %dma_start3A_8 = tpu.memref_slice %arg5[%dma_start3A_7] : memref<1280xi32, #tpu.memory_space<vmem>> -> memref<160xi32, #tpu.memory_space<vmem>>
    %dma_start3A_9 = arith.constant 0 : i32
    %dma_start3A_10 = arith.constant 0 : i32
    %dma_start3A_11 = tpu.memref_slice %arg2[%dma_start3A_9, %dma_start3A_10] : memref<10000x128xi32, #tpu.memory_space<hbm>> -> memref<10000x128xi32, #tpu.memory_space<hbm>>
    tpu.enqueue_indirect_dma source(%dma_start3A_11 : memref<10000x128xi32, #tpu.memory_space<hbm>>) target(%arg7 : memref<160x128xi32, #tpu.memory_space<vmem>>) offsets(%dma_start3A_8 : memref<160xi32, #tpu.memory_space<vmem>>) semaphore(%arg9 : memref<!tpu.dma_semaphore, #tpu.memory_space<semaphore_mem>>)
    %add3A_12 = arith.constant 0 : i32
    %add3A_13 = arith.addi %add3A, %add3A_12 : i32
    %mul3A_14 = arith.constant 160 : i32
    %mul3A_15 = arith.muli %add3A_13, %mul3A_14 : i32
    %gt3A = arith.constant 0 : i32
    %gt3A_16 = arith.cmpi sgt, %select_n3A, %gt3A : i32
    %convert_element_type3A = arith.extui %gt3A_16 : i1 to i32
    %cond3A = arith.constant 0 : i32
    %cond3A_17 = arith.cmpi ne, %convert_element_type3A, %cond3A : i32
    scf.if %cond3A_17 {
      %dma_wait3A = arith.constant 0 : i32
      %dma_wait3A_111 = tpu.memref_slice %arg5[%dma_wait3A] : memref<1280xi32, #tpu.memory_space<vmem>> -> memref<160xi32, #tpu.memory_space<vmem>>
      %dma_wait3A_112 = arith.constant 0 : i32
      %dma_wait3A_113 = arith.constant 0 : i32
      %dma_wait3A_114 = tpu.memref_slice %arg2[%dma_wait3A_112, %dma_wait3A_113] : memref<10000x128xi32, #tpu.memory_space<hbm>> -> memref<10000x128xi32, #tpu.memory_space<hbm>>
      tpu.wait_indirect_dma semaphore(%arg8 : memref<!tpu.dma_semaphore, #tpu.memory_space<semaphore_mem>>) src(%dma_wait3A_114 : memref<10000x128xi32, #tpu.memory_space<hbm>>) dst(%arg6 : memref<160x128xi32, #tpu.memory_space<vmem>>)
      "tpu.region"() ({
        %run_scoped3A = tpu.sem_alloc : memref<!tpu.dma_semaphore, #tpu.memory_space<semaphore_mem>>
        %dma_start3A_115 = arith.constant 0 : i32
        %dma_start3A_116 = tpu.memref_slice %arg4[%mul3A_15, %dma_start3A_115] : memref<40000x128xi32, #tpu.memory_space<hbm>> -> memref<160x128xi32, #tpu.memory_space<hbm>>
        %dma_start3A_117 = arith.constant 0 : i32
        %dma_start3A_118 = tpu.memref_slice %arg4[%mul3A_15, %dma_start3A_117] : memref<40000x128xi32, #tpu.memory_space<hbm>> -> memref<160x128xi32, #tpu.memory_space<hbm>>
        tpu.enqueue_dma source(%arg6 : memref<160x128xi32, #tpu.memory_space<vmem>>) target(%dma_start3A_118 : memref<160x128xi32, #tpu.memory_space<hbm>>) target_semaphore(%run_scoped3A : memref<!tpu.dma_semaphore, #tpu.memory_space<semaphore_mem>>)
        %dma_wait3A_119 = arith.constant 0 : i32
        %dma_wait3A_120 = tpu.memref_slice %arg4[%mul3A_15, %dma_wait3A_119] : memref<40000x128xi32, #tpu.memory_space<hbm>> -> memref<160x128xi32, #tpu.memory_space<hbm>>
        %dma_wait3A_121 = arith.constant 0 : i32
        %dma_wait3A_122 = tpu.memref_slice %arg4[%mul3A_15, %dma_wait3A_121] : memref<40000x128xi32, #tpu.memory_space<hbm>> -> memref<160x128xi32, #tpu.memory_space<hbm>>
        tpu.wait_dma2 semaphore(%run_scoped3A : memref<!tpu.dma_semaphore, #tpu.memory_space<semaphore_mem>>) src(%arg6 : memref<160x128xi32, #tpu.memory_space<vmem>>) dst(%dma_wait3A_122 : memref<160x128xi32, #tpu.memory_space<hbm>>)
        tpu.yield
      }) : () -> ()
    } else {
    }
    %gt3A_18 = arith.constant 2 : i32
    %gt3A_19 = arith.cmpi sgt, %select_n3A, %gt3A_18 : i32
    %convert_element_type3A_20 = arith.extui %gt3A_19 : i1 to i32
    %cond3A_21 = arith.constant 0 : i32
    %cond3A_22 = arith.cmpi ne, %convert_element_type3A_20, %cond3A_21 : i32
    scf.if %cond3A_22 {
      %dma_start3A_111 = arith.constant 320 : i32
      %dma_start3A_112 = tpu.memref_slice %arg5[%dma_start3A_111] : memref<1280xi32, #tpu.memory_space<vmem>> -> memref<160xi32, #tpu.memory_space<vmem>>
      %dma_start3A_113 = arith.constant 0 : i32
      %dma_start3A_114 = arith.constant 0 : i32
      %dma_start3A_115 = tpu.memref_slice %arg2[%dma_start3A_113, %dma_start3A_114] : memref<10000x128xi32, #tpu.memory_space<hbm>> -> memref<10000x128xi32, #tpu.memory_space<hbm>>
      tpu.enqueue_indirect_dma source(%dma_start3A_115 : memref<10000x128xi32, #tpu.memory_space<hbm>>) target(%arg6 : memref<160x128xi32, #tpu.memory_space<vmem>>) offsets(%dma_start3A_112 : memref<160xi32, #tpu.memory_space<vmem>>) semaphore(%arg8 : memref<!tpu.dma_semaphore, #tpu.memory_space<semaphore_mem>>)
    } else {
    }
    %add3A_23 = arith.constant 32 : i32
    %add3A_24 = arith.addi %add3A, %add3A_23 : i32
    %mul3A_25 = arith.constant 160 : i32
    %mul3A_26 = arith.muli %add3A_24, %mul3A_25 : i32
    %gt3A_27 = arith.constant 1 : i32
    %gt3A_28 = arith.cmpi sgt, %select_n3A, %gt3A_27 : i32
    %convert_element_type3A_29 = arith.extui %gt3A_28 : i1 to i32
    %cond3A_30 = arith.constant 0 : i32
    %cond3A_31 = arith.cmpi ne, %convert_element_type3A_29, %cond3A_30 : i32
    scf.if %cond3A_31 {
      %dma_wait3A = arith.constant 160 : i32
      %dma_wait3A_111 = tpu.memref_slice %arg5[%dma_wait3A] : memref<1280xi32, #tpu.memory_space<vmem>> -> memref<160xi32, #tpu.memory_space<vmem>>
      %dma_wait3A_112 = arith.constant 0 : i32
      %dma_wait3A_113 = arith.constant 0 : i32
      %dma_wait3A_114 = tpu.memref_slice %arg2[%dma_wait3A_112, %dma_wait3A_113] : memref<10000x128xi32, #tpu.memory_space<hbm>> -> memref<10000x128xi32, #tpu.memory_space<hbm>>
      tpu.wait_indirect_dma semaphore(%arg9 : memref<!tpu.dma_semaphore, #tpu.memory_space<semaphore_mem>>) src(%dma_wait3A_114 : memref<10000x128xi32, #tpu.memory_space<hbm>>) dst(%arg7 : memref<160x128xi32, #tpu.memory_space<vmem>>)
      "tpu.region"() ({
        %run_scoped3A = tpu.sem_alloc : memref<!tpu.dma_semaphore, #tpu.memory_space<semaphore_mem>>
        %dma_start3A_115 = arith.constant 0 : i32
        %dma_start3A_116 = tpu.memref_slice %arg4[%mul3A_26, %dma_start3A_115] : memref<40000x128xi32, #tpu.memory_space<hbm>> -> memref<160x128xi32, #tpu.memory_space<hbm>>
        %dma_start3A_117 = arith.constant 0 : i32
        %dma_start3A_118 = tpu.memref_slice %arg4[%mul3A_26, %dma_start3A_117] : memref<40000x128xi32, #tpu.memory_space<hbm>> -> memref<160x128xi32, #tpu.memory_space<hbm>>
        tpu.enqueue_dma source(%arg7 : memref<160x128xi32, #tpu.memory_space<vmem>>) target(%dma_start3A_118 : memref<160x128xi32, #tpu.memory_space<hbm>>) target_semaphore(%run_scoped3A : memref<!tpu.dma_semaphore, #tpu.memory_space<semaphore_mem>>)
        %dma_wait3A_119 = arith.constant 0 : i32
        %dma_wait3A_120 = tpu.memref_slice %arg4[%mul3A_26, %dma_wait3A_119] : memref<40000x128xi32, #tpu.memory_space<hbm>> -> memref<160x128xi32, #tpu.memory_space<hbm>>
        %dma_wait3A_121 = arith.constant 0 : i32
        %dma_wait3A_122 = tpu.memref_slice %arg4[%mul3A_26, %dma_wait3A_121] : memref<40000x128xi32, #tpu.memory_space<hbm>> -> memref<160x128xi32, #tpu.memory_space<hbm>>
        tpu.wait_dma2 semaphore(%run_scoped3A : memref<!tpu.dma_semaphore, #tpu.memory_space<semaphore_mem>>) src(%arg7 : memref<160x128xi32, #tpu.memory_space<vmem>>) dst(%dma_wait3A_122 : memref<160x128xi32, #tpu.memory_space<hbm>>)
        tpu.yield
      }) : () -> ()
    } else {
    }
    %gt3A_32 = arith.constant 3 : i32
    %gt3A_33 = arith.cmpi sgt, %select_n3A, %gt3A_32 : i32
    %convert_element_type3A_34 = arith.extui %gt3A_33 : i1 to i32
    %cond3A_35 = arith.constant 0 : i32
    %cond3A_36 = arith.cmpi ne, %convert_element_type3A_34, %cond3A_35 : i32
    scf.if %cond3A_36 {
      %dma_start3A_111 = arith.constant 480 : i32
      %dma_start3A_112 = tpu.memref_slice %arg5[%dma_start3A_111] : memref<1280xi32, #tpu.memory_space<vmem>> -> memref<160xi32, #tpu.memory_space<vmem>>
      %dma_start3A_113 = arith.constant 0 : i32
      %dma_start3A_114 = arith.constant 0 : i32
      %dma_start3A_115 = tpu.memref_slice %arg2[%dma_start3A_113, %dma_start3A_114] : memref<10000x128xi32, #tpu.memory_space<hbm>> -> memref<10000x128xi32, #tpu.memory_space<hbm>>
      tpu.enqueue_indirect_dma source(%dma_start3A_115 : memref<10000x128xi32, #tpu.memory_space<hbm>>) target(%arg7 : memref<160x128xi32, #tpu.memory_space<vmem>>) offsets(%dma_start3A_112 : memref<160xi32, #tpu.memory_space<vmem>>) semaphore(%arg9 : memref<!tpu.dma_semaphore, #tpu.memory_space<semaphore_mem>>)
    } else {
    }
    %add3A_37 = arith.constant 64 : i32
    %add3A_38 = arith.addi %add3A, %add3A_37 : i32
    %mul3A_39 = arith.constant 160 : i32
    %mul3A_40 = arith.muli %add3A_38, %mul3A_39 : i32
    %gt3A_41 = arith.constant 2 : i32
    %gt3A_42 = arith.cmpi sgt, %select_n3A, %gt3A_41 : i32
    %convert_element_type3A_43 = arith.extui %gt3A_42 : i1 to i32
    %cond3A_44 = arith.constant 0 : i32
    %cond3A_45 = arith.cmpi ne, %convert_element_type3A_43, %cond3A_44 : i32
    scf.if %cond3A_45 {
      %dma_wait3A = arith.constant 320 : i32
      %dma_wait3A_111 = tpu.memref_slice %arg5[%dma_wait3A] : memref<1280xi32, #tpu.memory_space<vmem>> -> memref<160xi32, #tpu.memory_space<vmem>>
      %dma_wait3A_112 = arith.constant 0 : i32
      %dma_wait3A_113 = arith.constant 0 : i32
      %dma_wait3A_114 = tpu.memref_slice %arg2[%dma_wait3A_112, %dma_wait3A_113] : memref<10000x128xi32, #tpu.memory_space<hbm>> -> memref<10000x128xi32, #tpu.memory_space<hbm>>
      tpu.wait_indirect_dma semaphore(%arg8 : memref<!tpu.dma_semaphore, #tpu.memory_space<semaphore_mem>>) src(%dma_wait3A_114 : memref<10000x128xi32, #tpu.memory_space<hbm>>) dst(%arg6 : memref<160x128xi32, #tpu.memory_space<vmem>>)
      "tpu.region"() ({
        %run_scoped3A = tpu.sem_alloc : memref<!tpu.dma_semaphore, #tpu.memory_space<semaphore_mem>>
        %dma_start3A_115 = arith.constant 0 : i32
        %dma_start3A_116 = tpu.memref_slice %arg4[%mul3A_40, %dma_start3A_115] : memref<40000x128xi32, #tpu.memory_space<hbm>> -> memref<160x128xi32, #tpu.memory_space<hbm>>
        %dma_start3A_117 = arith.constant 0 : i32
        %dma_start3A_118 = tpu.memref_slice %arg4[%mul3A_40, %dma_start3A_117] : memref<40000x128xi32, #tpu.memory_space<hbm>> -> memref<160x128xi32, #tpu.memory_space<hbm>>
        tpu.enqueue_dma source(%arg6 : memref<160x128xi32, #tpu.memory_space<vmem>>) target(%dma_start3A_118 : memref<160x128xi32, #tpu.memory_space<hbm>>) target_semaphore(%run_scoped3A : memref<!tpu.dma_semaphore, #tpu.memory_space<semaphore_mem>>)
        %dma_wait3A_119 = arith.constant 0 : i32
        %dma_wait3A_120 = tpu.memref_slice %arg4[%mul3A_40, %dma_wait3A_119] : memref<40000x128xi32, #tpu.memory_space<hbm>> -> memref<160x128xi32, #tpu.memory_space<hbm>>
        %dma_wait3A_121 = arith.constant 0 : i32
        %dma_wait3A_122 = tpu.memref_slice %arg4[%mul3A_40, %dma_wait3A_121] : memref<40000x128xi32, #tpu.memory_space<hbm>> -> memref<160x128xi32, #tpu.memory_space<hbm>>
        tpu.wait_dma2 semaphore(%run_scoped3A : memref<!tpu.dma_semaphore, #tpu.memory_space<semaphore_mem>>) src(%arg6 : memref<160x128xi32, #tpu.memory_space<vmem>>) dst(%dma_wait3A_122 : memref<160x128xi32, #tpu.memory_space<hbm>>)
        tpu.yield
      }) : () -> ()
    } else {
    }
    %gt3A_46 = arith.constant 4 : i32
    %gt3A_47 = arith.cmpi sgt, %select_n3A, %gt3A_46 : i32
    %convert_element_type3A_48 = arith.extui %gt3A_47 : i1 to i32
    %cond3A_49 = arith.constant 0 : i32
    %cond3A_50 = arith.cmpi ne, %convert_element_type3A_48, %cond3A_49 : i32
    scf.if %cond3A_50 {
      %dma_start3A_111 = arith.constant 640 : i32
      %dma_start3A_112 = tpu.memref_slice %arg5[%dma_start3A_111] : memref<1280xi32, #tpu.memory_space<vmem>> -> memref<160xi32, #tpu.memory_space<vmem>>
      %dma_start3A_113 = arith.constant 0 : i32
      %dma_start3A_114 = arith.constant 0 : i32
      %dma_start3A_115 = tpu.memref_slice %arg2[%dma_start3A_113, %dma_start3A_114] : memref<10000x128xi32, #tpu.memory_space<hbm>> -> memref<10000x128xi32, #tpu.memory_space<hbm>>
      tpu.enqueue_indirect_dma source(%dma_start3A_115 : memref<10000x128xi32, #tpu.memory_space<hbm>>) target(%arg6 : memref<160x128xi32, #tpu.memory_space<vmem>>) offsets(%dma_start3A_112 : memref<160xi32, #tpu.memory_space<vmem>>) semaphore(%arg8 : memref<!tpu.dma_semaphore, #tpu.memory_space<semaphore_mem>>)
    } else {
    }
    %add3A_51 = arith.constant 96 : i32
    %add3A_52 = arith.addi %add3A, %add3A_51 : i32
    %mul3A_53 = arith.constant 160 : i32
    %mul3A_54 = arith.muli %add3A_52, %mul3A_53 : i32
    %gt3A_55 = arith.constant 3 : i32
    %gt3A_56 = arith.cmpi sgt, %select_n3A, %gt3A_55 : i32
    %convert_element_type3A_57 = arith.extui %gt3A_56 : i1 to i32
    %cond3A_58 = arith.constant 0 : i32
    %cond3A_59 = arith.cmpi ne, %convert_element_type3A_57, %cond3A_58 : i32
    scf.if %cond3A_59 {
      %dma_wait3A = arith.constant 480 : i32
      %dma_wait3A_111 = tpu.memref_slice %arg5[%dma_wait3A] : memref<1280xi32, #tpu.memory_space<vmem>> -> memref<160xi32, #tpu.memory_space<vmem>>
      %dma_wait3A_112 = arith.constant 0 : i32
      %dma_wait3A_113 = arith.constant 0 : i32
      %dma_wait3A_114 = tpu.memref_slice %arg2[%dma_wait3A_112, %dma_wait3A_113] : memref<10000x128xi32, #tpu.memory_space<hbm>> -> memref<10000x128xi32, #tpu.memory_space<hbm>>
      tpu.wait_indirect_dma semaphore(%arg9 : memref<!tpu.dma_semaphore, #tpu.memory_space<semaphore_mem>>) src(%dma_wait3A_114 : memref<10000x128xi32, #tpu.memory_space<hbm>>) dst(%arg7 : memref<160x128xi32, #tpu.memory_space<vmem>>)
      "tpu.region"() ({
        %run_scoped3A = tpu.sem_alloc : memref<!tpu.dma_semaphore, #tpu.memory_space<semaphore_mem>>
        %dma_start3A_115 = arith.constant 0 : i32
        %dma_start3A_116 = tpu.memref_slice %arg4[%mul3A_54, %dma_start3A_115] : memref<40000x128xi32, #tpu.memory_space<hbm>> -> memref<160x128xi32, #tpu.memory_space<hbm>>
        %dma_start3A_117 = arith.constant 0 : i32
        %dma_start3A_118 = tpu.memref_slice %arg4[%mul3A_54, %dma_start3A_117] : memref<40000x128xi32, #tpu.memory_space<hbm>> -> memref<160x128xi32, #tpu.memory_space<hbm>>
        tpu.enqueue_dma source(%arg7 : memref<160x128xi32, #tpu.memory_space<vmem>>) target(%dma_start3A_118 : memref<160x128xi32, #tpu.memory_space<hbm>>) target_semaphore(%run_scoped3A : memref<!tpu.dma_semaphore, #tpu.memory_space<semaphore_mem>>)
        %dma_wait3A_119 = arith.constant 0 : i32
        %dma_wait3A_120 = tpu.memref_slice %arg4[%mul3A_54, %dma_wait3A_119] : memref<40000x128xi32, #tpu.memory_space<hbm>> -> memref<160x128xi32, #tpu.memory_space<hbm>>
        %dma_wait3A_121 = arith.constant 0 : i32
        %dma_wait3A_122 = tpu.memref_slice %arg4[%mul3A_54, %dma_wait3A_121] : memref<40000x128xi32, #tpu.memory_space<hbm>> -> memref<160x128xi32, #tpu.memory_space<hbm>>
        tpu.wait_dma2 semaphore(%run_scoped3A : memref<!tpu.dma_semaphore, #tpu.memory_space<semaphore_mem>>) src(%arg7 : memref<160x128xi32, #tpu.memory_space<vmem>>) dst(%dma_wait3A_122 : memref<160x128xi32, #tpu.memory_space<hbm>>)
        tpu.yield
      }) : () -> ()
    } else {
    }
    %gt3A_60 = arith.constant 5 : i32
    %gt3A_61 = arith.cmpi sgt, %select_n3A, %gt3A_60 : i32
    %convert_element_type3A_62 = arith.extui %gt3A_61 : i1 to i32
    %cond3A_63 = arith.constant 0 : i32
    %cond3A_64 = arith.cmpi ne, %convert_element_type3A_62, %cond3A_63 : i32
    scf.if %cond3A_64 {
      %dma_start3A_111 = arith.constant 800 : i32
      %dma_start3A_112 = tpu.memref_slice %arg5[%dma_start3A_111] : memref<1280xi32, #tpu.memory_space<vmem>> -> memref<160xi32, #tpu.memory_space<vmem>>
      %dma_start3A_113 = arith.constant 0 : i32
      %dma_start3A_114 = arith.constant 0 : i32
      %dma_start3A_115 = tpu.memref_slice %arg2[%dma_start3A_113, %dma_start3A_114] : memref<10000x128xi32, #tpu.memory_space<hbm>> -> memref<10000x128xi32, #tpu.memory_space<hbm>>
      tpu.enqueue_indirect_dma source(%dma_start3A_115 : memref<10000x128xi32, #tpu.memory_space<hbm>>) target(%arg7 : memref<160x128xi32, #tpu.memory_space<vmem>>) offsets(%dma_start3A_112 : memref<160xi32, #tpu.memory_space<vmem>>) semaphore(%arg9 : memref<!tpu.dma_semaphore, #tpu.memory_space<semaphore_mem>>)
    } else {
    }
    %add3A_65 = arith.constant 128 : i32
    %add3A_66 = arith.addi %add3A, %add3A_65 : i32
    %mul3A_67 = arith.constant 160 : i32
    %mul3A_68 = arith.muli %add3A_66, %mul3A_67 : i32
    %gt3A_69 = arith.constant 4 : i32
    %gt3A_70 = arith.cmpi sgt, %select_n3A, %gt3A_69 : i32
    %convert_element_type3A_71 = arith.extui %gt3A_70 : i1 to i32
    %cond3A_72 = arith.constant 0 : i32
    %cond3A_73 = arith.cmpi ne, %convert_element_type3A_71, %cond3A_72 : i32
    scf.if %cond3A_73 {
      %dma_wait3A = arith.constant 640 : i32
      %dma_wait3A_111 = tpu.memref_slice %arg5[%dma_wait3A] : memref<1280xi32, #tpu.memory_space<vmem>> -> memref<160xi32, #tpu.memory_space<vmem>>
      %dma_wait3A_112 = arith.constant 0 : i32
      %dma_wait3A_113 = arith.constant 0 : i32
      %dma_wait3A_114 = tpu.memref_slice %arg2[%dma_wait3A_112, %dma_wait3A_113] : memref<10000x128xi32, #tpu.memory_space<hbm>> -> memref<10000x128xi32, #tpu.memory_space<hbm>>
      tpu.wait_indirect_dma semaphore(%arg8 : memref<!tpu.dma_semaphore, #tpu.memory_space<semaphore_mem>>) src(%dma_wait3A_114 : memref<10000x128xi32, #tpu.memory_space<hbm>>) dst(%arg6 : memref<160x128xi32, #tpu.memory_space<vmem>>)
      "tpu.region"() ({
        %run_scoped3A = tpu.sem_alloc : memref<!tpu.dma_semaphore, #tpu.memory_space<semaphore_mem>>
        %dma_start3A_115 = arith.constant 0 : i32
        %dma_start3A_116 = tpu.memref_slice %arg4[%mul3A_68, %dma_start3A_115] : memref<40000x128xi32, #tpu.memory_space<hbm>> -> memref<160x128xi32, #tpu.memory_space<hbm>>
        %dma_start3A_117 = arith.constant 0 : i32
        %dma_start3A_118 = tpu.memref_slice %arg4[%mul3A_68, %dma_start3A_117] : memref<40000x128xi32, #tpu.memory_space<hbm>> -> memref<160x128xi32, #tpu.memory_space<hbm>>
        tpu.enqueue_dma source(%arg6 : memref<160x128xi32, #tpu.memory_space<vmem>>) target(%dma_start3A_118 : memref<160x128xi32, #tpu.memory_space<hbm>>) target_semaphore(%run_scoped3A : memref<!tpu.dma_semaphore, #tpu.memory_space<semaphore_mem>>)
        %dma_wait3A_119 = arith.constant 0 : i32
        %dma_wait3A_120 = tpu.memref_slice %arg4[%mul3A_68, %dma_wait3A_119] : memref<40000x128xi32, #tpu.memory_space<hbm>> -> memref<160x128xi32, #tpu.memory_space<hbm>>
        %dma_wait3A_121 = arith.constant 0 : i32
        %dma_wait3A_122 = tpu.memref_slice %arg4[%mul3A_68, %dma_wait3A_121] : memref<40000x128xi32, #tpu.memory_space<hbm>> -> memref<160x128xi32, #tpu.memory_space<hbm>>
        tpu.wait_dma2 semaphore(%run_scoped3A : memref<!tpu.dma_semaphore, #tpu.memory_space<semaphore_mem>>) src(%arg6 : memref<160x128xi32, #tpu.memory_space<vmem>>) dst(%dma_wait3A_122 : memref<160x128xi32, #tpu.memory_space<hbm>>)
        tpu.yield
      }) : () -> ()
    } else {
    }
    %gt3A_74 = arith.constant 6 : i32
    %gt3A_75 = arith.cmpi sgt, %select_n3A, %gt3A_74 : i32
    %convert_element_type3A_76 = arith.extui %gt3A_75 : i1 to i32
    %cond3A_77 = arith.constant 0 : i32
    %cond3A_78 = arith.cmpi ne, %convert_element_type3A_76, %cond3A_77 : i32
    scf.if %cond3A_78 {
      %dma_start3A_111 = arith.constant 960 : i32
      %dma_start3A_112 = tpu.memref_slice %arg5[%dma_start3A_111] : memref<1280xi32, #tpu.memory_space<vmem>> -> memref<160xi32, #tpu.memory_space<vmem>>
      %dma_start3A_113 = arith.constant 0 : i32
      %dma_start3A_114 = arith.constant 0 : i32
      %dma_start3A_115 = tpu.memref_slice %arg2[%dma_start3A_113, %dma_start3A_114] : memref<10000x128xi32, #tpu.memory_space<hbm>> -> memref<10000x128xi32, #tpu.memory_space<hbm>>
      tpu.enqueue_indirect_dma source(%dma_start3A_115 : memref<10000x128xi32, #tpu.memory_space<hbm>>) target(%arg6 : memref<160x128xi32, #tpu.memory_space<vmem>>) offsets(%dma_start3A_112 : memref<160xi32, #tpu.memory_space<vmem>>) semaphore(%arg8 : memref<!tpu.dma_semaphore, #tpu.memory_space<semaphore_mem>>)
    } else {
    }
    %add3A_79 = arith.constant 160 : i32
    %add3A_80 = arith.addi %add3A, %add3A_79 : i32
    %mul3A_81 = arith.constant 160 : i32
    %mul3A_82 = arith.muli %add3A_80, %mul3A_81 : i32
    %gt3A_83 = arith.constant 5 : i32
    %gt3A_84 = arith.cmpi sgt, %select_n3A, %gt3A_83 : i32
    %convert_element_type3A_85 = arith.extui %gt3A_84 : i1 to i32
    %cond3A_86 = arith.constant 0 : i32
    %cond3A_87 = arith.cmpi ne, %convert_element_type3A_85, %cond3A_86 : i32
    scf.if %cond3A_87 {
      %dma_wait3A = arith.constant 800 : i32
      %dma_wait3A_111 = tpu.memref_slice %arg5[%dma_wait3A] : memref<1280xi32, #tpu.memory_space<vmem>> -> memref<160xi32, #tpu.memory_space<vmem>>
      %dma_wait3A_112 = arith.constant 0 : i32
      %dma_wait3A_113 = arith.constant 0 : i32
      %dma_wait3A_114 = tpu.memref_slice %arg2[%dma_wait3A_112, %dma_wait3A_113] : memref<10000x128xi32, #tpu.memory_space<hbm>> -> memref<10000x128xi32, #tpu.memory_space<hbm>>
      tpu.wait_indirect_dma semaphore(%arg9 : memref<!tpu.dma_semaphore, #tpu.memory_space<semaphore_mem>>) src(%dma_wait3A_114 : memref<10000x128xi32, #tpu.memory_space<hbm>>) dst(%arg7 : memref<160x128xi32, #tpu.memory_space<vmem>>)
      "tpu.region"() ({
        %run_scoped3A = tpu.sem_alloc : memref<!tpu.dma_semaphore, #tpu.memory_space<semaphore_mem>>
        %dma_start3A_115 = arith.constant 0 : i32
        %dma_start3A_116 = tpu.memref_slice %arg4[%mul3A_82, %dma_start3A_115] : memref<40000x128xi32, #tpu.memory_space<hbm>> -> memref<160x128xi32, #tpu.memory_space<hbm>>
        %dma_start3A_117 = arith.constant 0 : i32
        %dma_start3A_118 = tpu.memref_slice %arg4[%mul3A_82, %dma_start3A_117] : memref<40000x128xi32, #tpu.memory_space<hbm>> -> memref<160x128xi32, #tpu.memory_space<hbm>>
        tpu.enqueue_dma source(%arg7 : memref<160x128xi32, #tpu.memory_space<vmem>>) target(%dma_start3A_118 : memref<160x128xi32, #tpu.memory_space<hbm>>) target_semaphore(%run_scoped3A : memref<!tpu.dma_semaphore, #tpu.memory_space<semaphore_mem>>)
        %dma_wait3A_119 = arith.constant 0 : i32
        %dma_wait3A_120 = tpu.memref_slice %arg4[%mul3A_82, %dma_wait3A_119] : memref<40000x128xi32, #tpu.memory_space<hbm>> -> memref<160x128xi32, #tpu.memory_space<hbm>>
        %dma_wait3A_121 = arith.constant 0 : i32
        %dma_wait3A_122 = tpu.memref_slice %arg4[%mul3A_82, %dma_wait3A_121] : memref<40000x128xi32, #tpu.memory_space<hbm>> -> memref<160x128xi32, #tpu.memory_space<hbm>>
        tpu.wait_dma2 semaphore(%run_scoped3A : memref<!tpu.dma_semaphore, #tpu.memory_space<semaphore_mem>>) src(%arg7 : memref<160x128xi32, #tpu.memory_space<vmem>>) dst(%dma_wait3A_122 : memref<160x128xi32, #tpu.memory_space<hbm>>)
        tpu.yield
      }) : () -> ()
    } else {
    }
    %gt3A_88 = arith.constant 7 : i32
    %gt3A_89 = arith.cmpi sgt, %select_n3A, %gt3A_88 : i32
    %convert_element_type3A_90 = arith.extui %gt3A_89 : i1 to i32
    %cond3A_91 = arith.constant 0 : i32
    %cond3A_92 = arith.cmpi ne, %convert_element_type3A_90, %cond3A_91 : i32
    scf.if %cond3A_92 {
      %dma_start3A_111 = arith.constant 1120 : i32
      %dma_start3A_112 = tpu.memref_slice %arg5[%dma_start3A_111] : memref<1280xi32, #tpu.memory_space<vmem>> -> memref<160xi32, #tpu.memory_space<vmem>>
      %dma_start3A_113 = arith.constant 0 : i32
      %dma_start3A_114 = arith.constant 0 : i32
      %dma_start3A_115 = tpu.memref_slice %arg2[%dma_start3A_113, %dma_start3A_114] : memref<10000x128xi32, #tpu.memory_space<hbm>> -> memref<10000x128xi32, #tpu.memory_space<hbm>>
      tpu.enqueue_indirect_dma source(%dma_start3A_115 : memref<10000x128xi32, #tpu.memory_space<hbm>>) target(%arg7 : memref<160x128xi32, #tpu.memory_space<vmem>>) offsets(%dma_start3A_112 : memref<160xi32, #tpu.memory_space<vmem>>) semaphore(%arg9 : memref<!tpu.dma_semaphore, #tpu.memory_space<semaphore_mem>>)
    } else {
    }
    %add3A_93 = arith.constant 192 : i32
    %add3A_94 = arith.addi %add3A, %add3A_93 : i32
    %mul3A_95 = arith.constant 160 : i32
    %mul3A_96 = arith.muli %add3A_94, %mul3A_95 : i32
    %gt3A_97 = arith.constant 6 : i32
    %gt3A_98 = arith.cmpi sgt, %select_n3A, %gt3A_97 : i32
    %convert_element_type3A_99 = arith.extui %gt3A_98 : i1 to i32
    %cond3A_100 = arith.constant 0 : i32
    %cond3A_101 = arith.cmpi ne, %convert_element_type3A_99, %cond3A_100 : i32
    scf.if %cond3A_101 {
      %dma_wait3A = arith.constant 960 : i32
      %dma_wait3A_111 = tpu.memref_slice %arg5[%dma_wait3A] : memref<1280xi32, #tpu.memory_space<vmem>> -> memref<160xi32, #tpu.memory_space<vmem>>
      %dma_wait3A_112 = arith.constant 0 : i32
      %dma_wait3A_113 = arith.constant 0 : i32
      %dma_wait3A_114 = tpu.memref_slice %arg2[%dma_wait3A_112, %dma_wait3A_113] : memref<10000x128xi32, #tpu.memory_space<hbm>> -> memref<10000x128xi32, #tpu.memory_space<hbm>>
      tpu.wait_indirect_dma semaphore(%arg8 : memref<!tpu.dma_semaphore, #tpu.memory_space<semaphore_mem>>) src(%dma_wait3A_114 : memref<10000x128xi32, #tpu.memory_space<hbm>>) dst(%arg6 : memref<160x128xi32, #tpu.memory_space<vmem>>)
      "tpu.region"() ({
        %run_scoped3A = tpu.sem_alloc : memref<!tpu.dma_semaphore, #tpu.memory_space<semaphore_mem>>
        %dma_start3A_115 = arith.constant 0 : i32
        %dma_start3A_116 = tpu.memref_slice %arg4[%mul3A_96, %dma_start3A_115] : memref<40000x128xi32, #tpu.memory_space<hbm>> -> memref<160x128xi32, #tpu.memory_space<hbm>>
        %dma_start3A_117 = arith.constant 0 : i32
        %dma_start3A_118 = tpu.memref_slice %arg4[%mul3A_96, %dma_start3A_117] : memref<40000x128xi32, #tpu.memory_space<hbm>> -> memref<160x128xi32, #tpu.memory_space<hbm>>
        tpu.enqueue_dma source(%arg6 : memref<160x128xi32, #tpu.memory_space<vmem>>) target(%dma_start3A_118 : memref<160x128xi32, #tpu.memory_space<hbm>>) target_semaphore(%run_scoped3A : memref<!tpu.dma_semaphore, #tpu.memory_space<semaphore_mem>>)
        %dma_wait3A_119 = arith.constant 0 : i32
        %dma_wait3A_120 = tpu.memref_slice %arg4[%mul3A_96, %dma_wait3A_119] : memref<40000x128xi32, #tpu.memory_space<hbm>> -> memref<160x128xi32, #tpu.memory_space<hbm>>
        %dma_wait3A_121 = arith.constant 0 : i32
        %dma_wait3A_122 = tpu.memref_slice %arg4[%mul3A_96, %dma_wait3A_121] : memref<40000x128xi32, #tpu.memory_space<hbm>> -> memref<160x128xi32, #tpu.memory_space<hbm>>
        tpu.wait_dma2 semaphore(%run_scoped3A : memref<!tpu.dma_semaphore, #tpu.memory_space<semaphore_mem>>) src(%arg6 : memref<160x128xi32, #tpu.memory_space<vmem>>) dst(%dma_wait3A_122 : memref<160x128xi32, #tpu.memory_space<hbm>>)
        tpu.yield
      }) : () -> ()
    } else {
    }
    %add3A_102 = arith.constant 224 : i32
    %add3A_103 = arith.addi %add3A, %add3A_102 : i32
    %mul3A_104 = arith.constant 160 : i32
    %mul3A_105 = arith.muli %add3A_103, %mul3A_104 : i32
    %gt3A_106 = arith.constant 7 : i32
    %gt3A_107 = arith.cmpi sgt, %select_n3A, %gt3A_106 : i32
    %convert_element_type3A_108 = arith.extui %gt3A_107 : i1 to i32
    %cond3A_109 = arith.constant 0 : i32
    %cond3A_110 = arith.cmpi ne, %convert_element_type3A_108, %cond3A_109 : i32
    scf.if %cond3A_110 {
      %dma_wait3A = arith.constant 1120 : i32
      %dma_wait3A_111 = tpu.memref_slice %arg5[%dma_wait3A] : memref<1280xi32, #tpu.memory_space<vmem>> -> memref<160xi32, #tpu.memory_space<vmem>>
      %dma_wait3A_112 = arith.constant 0 : i32
      %dma_wait3A_113 = arith.constant 0 : i32
      %dma_wait3A_114 = tpu.memref_slice %arg2[%dma_wait3A_112, %dma_wait3A_113] : memref<10000x128xi32, #tpu.memory_space<hbm>> -> memref<10000x128xi32, #tpu.memory_space<hbm>>
      tpu.wait_indirect_dma semaphore(%arg9 : memref<!tpu.dma_semaphore, #tpu.memory_space<semaphore_mem>>) src(%dma_wait3A_114 : memref<10000x128xi32, #tpu.memory_space<hbm>>) dst(%arg7 : memref<160x128xi32, #tpu.memory_space<vmem>>)
      "tpu.region"() ({
        %run_scoped3A = tpu.sem_alloc : memref<!tpu.dma_semaphore, #tpu.memory_space<semaphore_mem>>
        %dma_start3A_115 = arith.constant 0 : i32
        %dma_start3A_116 = tpu.memref_slice %arg4[%mul3A_105, %dma_start3A_115] : memref<40000x128xi32, #tpu.memory_space<hbm>> -> memref<160x128xi32, #tpu.memory_space<hbm>>
        %dma_start3A_117 = arith.constant 0 : i32
        %dma_start3A_118 = tpu.memref_slice %arg4[%mul3A_105, %dma_start3A_117] : memref<40000x128xi32, #tpu.memory_space<hbm>> -> memref<160x128xi32, #tpu.memory_space<hbm>>
        tpu.enqueue_dma source(%arg7 : memref<160x128xi32, #tpu.memory_space<vmem>>) target(%dma_start3A_118 : memref<160x128xi32, #tpu.memory_space<hbm>>) target_semaphore(%run_scoped3A : memref<!tpu.dma_semaphore, #tpu.memory_space<semaphore_mem>>)
        %dma_wait3A_119 = arith.constant 0 : i32
        %dma_wait3A_120 = tpu.memref_slice %arg4[%mul3A_105, %dma_wait3A_119] : memref<40000x128xi32, #tpu.memory_space<hbm>> -> memref<160x128xi32, #tpu.memory_space<hbm>>
        %dma_wait3A_121 = arith.constant 0 : i32
        %dma_wait3A_122 = tpu.memref_slice %arg4[%mul3A_105, %dma_wait3A_121] : memref<40000x128xi32, #tpu.memory_space<hbm>> -> memref<160x128xi32, #tpu.memory_space<hbm>>
        tpu.wait_dma2 semaphore(%run_scoped3A : memref<!tpu.dma_semaphore, #tpu.memory_space<semaphore_mem>>) src(%arg7 : memref<160x128xi32, #tpu.memory_space<vmem>>) dst(%dma_wait3A_122 : memref<160x128xi32, #tpu.memory_space<hbm>>)
        tpu.yield
      }) : () -> ()
    } else {
    }
    return
  }
}

#map = affine_map<(d0, d1) -> (0, 0)>
module attributes {stable_mosaic.version = 14 : i64} {
  func.func @_gather_body(%arg0: i32, %arg1: i32, %arg2: memref<10000x128xi32, #tpu.memory_space<hbm>>, %arg3: memref<32x1280xi32, #tpu.memory_space<hbm>>, %arg4: memref<40000x128xi32, #tpu.memory_space<hbm>>, %arg5: memref<1280xi32, #tpu.memory_space<vmem>>, %arg6: memref<160x128xi32, #tpu.memory_space<vmem>>, %arg7: memref<160x128xi32, #tpu.memory_space<vmem>>, %arg8: memref<!tpu.dma_semaphore, #tpu.memory_space<semaphore_mem>>, %arg9: memref<!tpu.dma_semaphore, #tpu.memory_space<semaphore_mem>>) attributes {dimension_semantics = [#tpu.dimension_semantics<core_parallel>, #tpu.dimension_semantics<subcore_parallel>], iteration_bounds = array<i64: 2, 16>, scalar_prefetch = 0 : i64, scratch_operands = 5 : i64, tpu.core_type = #tpu.core_type<sc_vector_subcore>, window_params = [{transform_indices = #map}, {transform_indices = #map}, {transform_indices = #map}]} {
    %mul3A = arith.constant 2 : i32
    %mul3A_0 = arith.muli %arg1, %mul3A : i32
    %add3A = arith.addi %mul3A_0, %arg0 : i32
    %lt3A = arith.constant 26 : i32
    %lt3A_1 = arith.cmpi slt, %add3A, %lt3A : i32
    %jit3A = arith.constant 8 : i32
    %jit3A_2 = arith.constant 7 : i32
    %select_n3A = arith.select %lt3A_1, %jit3A, %jit3A_2 : i32
    "tpu.region"() ({
      %run_scoped3A = tpu.sem_alloc : memref<!tpu.dma_semaphore, #tpu.memory_space<semaphore_mem>>
      %dma_start3A_111 = arith.constant 0 : i32
      %dma_start3A_112 = tpu.memref_slice %arg3[%add3A, %dma_start3A_111] : memref<32x1280xi32, #tpu.memory_space<hbm>> -> memref<1x1280xi32, #tpu.memory_space<hbm>>
      %dma_start3A_113 = tpu.memref_squeeze %dma_start3A_112 : memref<1x1280xi32, #tpu.memory_space<hbm>> -> memref<1280xi32, #tpu.memory_space<hbm>>
      %dma_start3A_114 = arith.constant 0 : i32
      %dma_start3A_115 = tpu.memref_slice %arg3[%add3A, %dma_start3A_114] : memref<32x1280xi32, #tpu.memory_space<hbm>> -> memref<1x1280xi32, #tpu.memory_space<hbm>>
      %dma_start3A_116 = tpu.memref_squeeze %dma_start3A_115 : memref<1x1280xi32, #tpu.memory_space<hbm>> -> memref<1280xi32, #tpu.memory_space<hbm>>
      tpu.enqueue_dma source(%dma_start3A_116 : memref<1280xi32, #tpu.memory_space<hbm>>) target(%arg5 : memref<1280xi32, #tpu.memory_space<vmem>>) target_semaphore(%run_scoped3A : memref<!tpu.dma_semaphore, #tpu.memory_space<semaphore_mem>>)
      %dma_wait3A = arith.constant 0 : i32
      %dma_wait3A_117 = tpu.memref_slice %arg3[%add3A, %dma_wait3A] : memref<32x1280xi32, #tpu.memory_space<hbm>> -> memref<1x1280xi32, #tpu.memory_space<hbm>>
      %dma_wait3A_118 = tpu.memref_squeeze %dma_wait3A_117 : memref<1x1280xi32, #tpu.memory_space<hbm>> -> memref<1280xi32, #tpu.memory_space<hbm>>
      %dma_wait3A_119 = arith.constant 0 : i32
      %dma_wait3A_120 = tpu.memref_slice %arg3[%add3A, %dma_wait3A_119] : memref<32x1280xi32, #tpu.memory_space<hbm>> -> memref<1x1280xi32, #tpu.memory_space<hbm>>
      %dma_wait3A_121 = tpu.memref_squeeze %dma_wait3A_120 : memref<1x1280xi32, #tpu.memory_space<hbm>> -> memref<1280xi32, #tpu.memory_space<hbm>>
      tpu.wait_dma2 semaphore(%run_scoped3A : memref<!tpu.dma_semaphore, #tpu.memory_space<semaphore_mem>>) src(%dma_wait3A_121 : memref<1280xi32, #tpu.memory_space<hbm>>) dst(%arg5 : memref<1280xi32, #tpu.memory_space<vmem>>)
      tpu.yield
    }) : () -> ()
    %dma_start3A = arith.constant 0 : i32
    %dma_start3A_3 = tpu.memref_slice %arg5[%dma_start3A] : memref<1280xi32, #tpu.memory_space<vmem>> -> memref<160xi32, #tpu.memory_space<vmem>>
    %dma_start3A_4 = arith.constant 0 : i32
    %dma_start3A_5 = arith.constant 0 : i32
    %dma_start3A_6 = tpu.memref_slice %arg2[%dma_start3A_4, %dma_start3A_5] : memref<10000x128xi32, #tpu.memory_space<hbm>> -> memref<10000x128xi32, #tpu.memory_space<hbm>>
    tpu.enqueue_indirect_dma source(%dma_start3A_6 : memref<10000x128xi32, #tpu.memory_space<hbm>>) target(%arg6 : memref<160x128xi32, #tpu.memory_space<vmem>>) offsets(%dma_start3A_3 : memref<160xi32, #tpu.memory_space<vmem>>) semaphore(%arg8 : memref<!tpu.dma_semaphore, #tpu.memory_space<semaphore_mem>>)
    %dma_start3A_7 = arith.constant 160 : i32
    %dma_start3A_8 = tpu.memref_slice %arg5[%dma_start3A_7] : memref<1280xi32, #tpu.memory_space<vmem>> -> memref<160xi32, #tpu.memory_space<vmem>>
    %dma_start3A_9 = arith.constant 0 : i32
    %dma_start3A_10 = arith.constant 0 : i32
    %dma_start3A_11 = tpu.memref_slice %arg2[%dma_start3A_9, %dma_start3A_10] : memref<10000x128xi32, #tpu.memory_space<hbm>> -> memref<10000x128xi32, #tpu.memory_space<hbm>>
    tpu.enqueue_indirect_dma source(%dma_start3A_11 : memref<10000x128xi32, #tpu.memory_space<hbm>>) target(%arg7 : memref<160x128xi32, #tpu.memory_space<vmem>>) offsets(%dma_start3A_8 : memref<160xi32, #tpu.memory_space<vmem>>) semaphore(%arg9 : memref<!tpu.dma_semaphore, #tpu.memory_space<semaphore_mem>>)
    %add3A_12 = arith.constant 0 : i32
    %add3A_13 = arith.addi %add3A, %add3A_12 : i32
    %mul3A_14 = arith.constant 160 : i32
    %mul3A_15 = arith.muli %add3A_13, %mul3A_14 : i32
    %gt3A = arith.constant 0 : i32
    %gt3A_16 = arith.cmpi sgt, %select_n3A, %gt3A : i32
    %convert_element_type3A = arith.extui %gt3A_16 : i1 to i32
    %cond3A = arith.constant 0 : i32
    %cond3A_17 = arith.cmpi ne, %convert_element_type3A, %cond3A : i32
    scf.if %cond3A_17 {
      %dma_wait3A = arith.constant 0 : i32
      %dma_wait3A_111 = tpu.memref_slice %arg5[%dma_wait3A] : memref<1280xi32, #tpu.memory_space<vmem>> -> memref<160xi32, #tpu.memory_space<vmem>>
      %dma_wait3A_112 = arith.constant 0 : i32
      %dma_wait3A_113 = arith.constant 0 : i32
      %dma_wait3A_114 = tpu.memref_slice %arg2[%dma_wait3A_112, %dma_wait3A_113] : memref<10000x128xi32, #tpu.memory_space<hbm>> -> memref<10000x128xi32, #tpu.memory_space<hbm>>
      tpu.wait_indirect_dma semaphore(%arg8 : memref<!tpu.dma_semaphore, #tpu.memory_space<semaphore_mem>>) src(%dma_wait3A_114 : memref<10000x128xi32, #tpu.memory_space<hbm>>) dst(%arg6 : memref<160x128xi32, #tpu.memory_space<vmem>>)
      "tpu.region"() ({
        %run_scoped3A = tpu.sem_alloc : memref<!tpu.dma_semaphore, #tpu.memory_space<semaphore_mem>>
        %dma_start3A_115 = arith.constant 0 : i32
        %dma_start3A_116 = tpu.memref_slice %arg4[%mul3A_15, %dma_start3A_115] : memref<40000x128xi32, #tpu.memory_space<hbm>> -> memref<160x128xi32, #tpu.memory_space<hbm>>
        %dma_start3A_117 = arith.constant 0 : i32
        %dma_start3A_118 = tpu.memref_slice %arg4[%mul3A_15, %dma_start3A_117] : memref<40000x128xi32, #tpu.memory_space<hbm>> -> memref<160x128xi32, #tpu.memory_space<hbm>>
        tpu.enqueue_dma source(%arg6 : memref<160x128xi32, #tpu.memory_space<vmem>>) target(%dma_start3A_118 : memref<160x128xi32, #tpu.memory_space<hbm>>) target_semaphore(%run_scoped3A : memref<!tpu.dma_semaphore, #tpu.memory_space<semaphore_mem>>)
        %dma_wait3A_119 = arith.constant 0 : i32
        %dma_wait3A_120 = tpu.memref_slice %arg4[%mul3A_15, %dma_wait3A_119] : memref<40000x128xi32, #tpu.memory_space<hbm>> -> memref<160x128xi32, #tpu.memory_space<hbm>>
        %dma_wait3A_121 = arith.constant 0 : i32
        %dma_wait3A_122 = tpu.memref_slice %arg4[%mul3A_15, %dma_wait3A_121] : memref<40000x128xi32, #tpu.memory_space<hbm>> -> memref<160x128xi32, #tpu.memory_space<hbm>>
        tpu.wait_dma2 semaphore(%run_scoped3A : memref<!tpu.dma_semaphore, #tpu.memory_space<semaphore_mem>>) src(%arg6 : memref<160x128xi32, #tpu.memory_space<vmem>>) dst(%dma_wait3A_122 : memref<160x128xi32, #tpu.memory_space<hbm>>)
        tpu.yield
      }) : () -> ()
    } else {
    }
    %gt3A_18 = arith.constant 2 : i32
    %gt3A_19 = arith.cmpi sgt, %select_n3A, %gt3A_18 : i32
    %convert_element_type3A_20 = arith.extui %gt3A_19 : i1 to i32
    %cond3A_21 = arith.constant 0 : i32
    %cond3A_22 = arith.cmpi ne, %convert_element_type3A_20, %cond3A_21 : i32
    scf.if %cond3A_22 {
      %dma_start3A_111 = arith.constant 320 : i32
      %dma_start3A_112 = tpu.memref_slice %arg5[%dma_start3A_111] : memref<1280xi32, #tpu.memory_space<vmem>> -> memref<160xi32, #tpu.memory_space<vmem>>
      %dma_start3A_113 = arith.constant 0 : i32
      %dma_start3A_114 = arith.constant 0 : i32
      %dma_start3A_115 = tpu.memref_slice %arg2[%dma_start3A_113, %dma_start3A_114] : memref<10000x128xi32, #tpu.memory_space<hbm>> -> memref<10000x128xi32, #tpu.memory_space<hbm>>
      tpu.enqueue_indirect_dma source(%dma_start3A_115 : memref<10000x128xi32, #tpu.memory_space<hbm>>) target(%arg6 : memref<160x128xi32, #tpu.memory_space<vmem>>) offsets(%dma_start3A_112 : memref<160xi32, #tpu.memory_space<vmem>>) semaphore(%arg8 : memref<!tpu.dma_semaphore, #tpu.memory_space<semaphore_mem>>)
    } else {
    }
    %add3A_23 = arith.constant 32 : i32
    %add3A_24 = arith.addi %add3A, %add3A_23 : i32
    %mul3A_25 = arith.constant 160 : i32
    %mul3A_26 = arith.muli %add3A_24, %mul3A_25 : i32
    %gt3A_27 = arith.constant 1 : i32
    %gt3A_28 = arith.cmpi sgt, %select_n3A, %gt3A_27 : i32
    %convert_element_type3A_29 = arith.extui %gt3A_28 : i1 to i32
    %cond3A_30 = arith.constant 0 : i32
    %cond3A_31 = arith.cmpi ne, %convert_element_type3A_29, %cond3A_30 : i32
    scf.if %cond3A_31 {
      %dma_wait3A = arith.constant 160 : i32
      %dma_wait3A_111 = tpu.memref_slice %arg5[%dma_wait3A] : memref<1280xi32, #tpu.memory_space<vmem>> -> memref<160xi32, #tpu.memory_space<vmem>>
      %dma_wait3A_112 = arith.constant 0 : i32
      %dma_wait3A_113 = arith.constant 0 : i32
      %dma_wait3A_114 = tpu.memref_slice %arg2[%dma_wait3A_112, %dma_wait3A_113] : memref<10000x128xi32, #tpu.memory_space<hbm>> -> memref<10000x128xi32, #tpu.memory_space<hbm>>
      tpu.wait_indirect_dma semaphore(%arg9 : memref<!tpu.dma_semaphore, #tpu.memory_space<semaphore_mem>>) src(%dma_wait3A_114 : memref<10000x128xi32, #tpu.memory_space<hbm>>) dst(%arg7 : memref<160x128xi32, #tpu.memory_space<vmem>>)
      "tpu.region"() ({
        %run_scoped3A = tpu.sem_alloc : memref<!tpu.dma_semaphore, #tpu.memory_space<semaphore_mem>>
        %dma_start3A_115 = arith.constant 0 : i32
        %dma_start3A_116 = tpu.memref_slice %arg4[%mul3A_26, %dma_start3A_115] : memref<40000x128xi32, #tpu.memory_space<hbm>> -> memref<160x128xi32, #tpu.memory_space<hbm>>
        %dma_start3A_117 = arith.constant 0 : i32
        %dma_start3A_118 = tpu.memref_slice %arg4[%mul3A_26, %dma_start3A_117] : memref<40000x128xi32, #tpu.memory_space<hbm>> -> memref<160x128xi32, #tpu.memory_space<hbm>>
        tpu.enqueue_dma source(%arg7 : memref<160x128xi32, #tpu.memory_space<vmem>>) target(%dma_start3A_118 : memref<160x128xi32, #tpu.memory_space<hbm>>) target_semaphore(%run_scoped3A : memref<!tpu.dma_semaphore, #tpu.memory_space<semaphore_mem>>)
        %dma_wait3A_119 = arith.constant 0 : i32
        %dma_wait3A_120 = tpu.memref_slice %arg4[%mul3A_26, %dma_wait3A_119] : memref<40000x128xi32, #tpu.memory_space<hbm>> -> memref<160x128xi32, #tpu.memory_space<hbm>>
        %dma_wait3A_121 = arith.constant 0 : i32
        %dma_wait3A_122 = tpu.memref_slice %arg4[%mul3A_26, %dma_wait3A_121] : memref<40000x128xi32, #tpu.memory_space<hbm>> -> memref<160x128xi32, #tpu.memory_space<hbm>>
        tpu.wait_dma2 semaphore(%run_scoped3A : memref<!tpu.dma_semaphore, #tpu.memory_space<semaphore_mem>>) src(%arg7 : memref<160x128xi32, #tpu.memory_space<vmem>>) dst(%dma_wait3A_122 : memref<160x128xi32, #tpu.memory_space<hbm>>)
        tpu.yield
      }) : () -> ()
    } else {
    }
    %gt3A_32 = arith.constant 3 : i32
    %gt3A_33 = arith.cmpi sgt, %select_n3A, %gt3A_32 : i32
    %convert_element_type3A_34 = arith.extui %gt3A_33 : i1 to i32
    %cond3A_35 = arith.constant 0 : i32
    %cond3A_36 = arith.cmpi ne, %convert_element_type3A_34, %cond3A_35 : i32
    scf.if %cond3A_36 {
      %dma_start3A_111 = arith.constant 480 : i32
      %dma_start3A_112 = tpu.memref_slice %arg5[%dma_start3A_111] : memref<1280xi32, #tpu.memory_space<vmem>> -> memref<160xi32, #tpu.memory_space<vmem>>
      %dma_start3A_113 = arith.constant 0 : i32
      %dma_start3A_114 = arith.constant 0 : i32
      %dma_start3A_115 = tpu.memref_slice %arg2[%dma_start3A_113, %dma_start3A_114] : memref<10000x128xi32, #tpu.memory_space<hbm>> -> memref<10000x128xi32, #tpu.memory_space<hbm>>
      tpu.enqueue_indirect_dma source(%dma_start3A_115 : memref<10000x128xi32, #tpu.memory_space<hbm>>) target(%arg7 : memref<160x128xi32, #tpu.memory_space<vmem>>) offsets(%dma_start3A_112 : memref<160xi32, #tpu.memory_space<vmem>>) semaphore(%arg9 : memref<!tpu.dma_semaphore, #tpu.memory_space<semaphore_mem>>)
    } else {
    }
    %add3A_37 = arith.constant 64 : i32
    %add3A_38 = arith.addi %add3A, %add3A_37 : i32
    %mul3A_39 = arith.constant 160 : i32
    %mul3A_40 = arith.muli %add3A_38, %mul3A_39 : i32
    %gt3A_41 = arith.constant 2 : i32
    %gt3A_42 = arith.cmpi sgt, %select_n3A, %gt3A_41 : i32
    %convert_element_type3A_43 = arith.extui %gt3A_42 : i1 to i32
    %cond3A_44 = arith.constant 0 : i32
    %cond3A_45 = arith.cmpi ne, %convert_element_type3A_43, %cond3A_44 : i32
    scf.if %cond3A_45 {
      %dma_wait3A = arith.constant 320 : i32
      %dma_wait3A_111 = tpu.memref_slice %arg5[%dma_wait3A] : memref<1280xi32, #tpu.memory_space<vmem>> -> memref<160xi32, #tpu.memory_space<vmem>>
      %dma_wait3A_112 = arith.constant 0 : i32
      %dma_wait3A_113 = arith.constant 0 : i32
      %dma_wait3A_114 = tpu.memref_slice %arg2[%dma_wait3A_112, %dma_wait3A_113] : memref<10000x128xi32, #tpu.memory_space<hbm>> -> memref<10000x128xi32, #tpu.memory_space<hbm>>
      tpu.wait_indirect_dma semaphore(%arg8 : memref<!tpu.dma_semaphore, #tpu.memory_space<semaphore_mem>>) src(%dma_wait3A_114 : memref<10000x128xi32, #tpu.memory_space<hbm>>) dst(%arg6 : memref<160x128xi32, #tpu.memory_space<vmem>>)
      "tpu.region"() ({
        %run_scoped3A = tpu.sem_alloc : memref<!tpu.dma_semaphore, #tpu.memory_space<semaphore_mem>>
        %dma_start3A_115 = arith.constant 0 : i32
        %dma_start3A_116 = tpu.memref_slice %arg4[%mul3A_40, %dma_start3A_115] : memref<40000x128xi32, #tpu.memory_space<hbm>> -> memref<160x128xi32, #tpu.memory_space<hbm>>
        %dma_start3A_117 = arith.constant 0 : i32
        %dma_start3A_118 = tpu.memref_slice %arg4[%mul3A_40, %dma_start3A_117] : memref<40000x128xi32, #tpu.memory_space<hbm>> -> memref<160x128xi32, #tpu.memory_space<hbm>>
        tpu.enqueue_dma source(%arg6 : memref<160x128xi32, #tpu.memory_space<vmem>>) target(%dma_start3A_118 : memref<160x128xi32, #tpu.memory_space<hbm>>) target_semaphore(%run_scoped3A : memref<!tpu.dma_semaphore, #tpu.memory_space<semaphore_mem>>)
        %dma_wait3A_119 = arith.constant 0 : i32
        %dma_wait3A_120 = tpu.memref_slice %arg4[%mul3A_40, %dma_wait3A_119] : memref<40000x128xi32, #tpu.memory_space<hbm>> -> memref<160x128xi32, #tpu.memory_space<hbm>>
        %dma_wait3A_121 = arith.constant 0 : i32
        %dma_wait3A_122 = tpu.memref_slice %arg4[%mul3A_40, %dma_wait3A_121] : memref<40000x128xi32, #tpu.memory_space<hbm>> -> memref<160x128xi32, #tpu.memory_space<hbm>>
        tpu.wait_dma2 semaphore(%run_scoped3A : memref<!tpu.dma_semaphore, #tpu.memory_space<semaphore_mem>>) src(%arg6 : memref<160x128xi32, #tpu.memory_space<vmem>>) dst(%dma_wait3A_122 : memref<160x128xi32, #tpu.memory_space<hbm>>)
        tpu.yield
      }) : () -> ()
    } else {
    }
    %gt3A_46 = arith.constant 4 : i32
    %gt3A_47 = arith.cmpi sgt, %select_n3A, %gt3A_46 : i32
    %convert_element_type3A_48 = arith.extui %gt3A_47 : i1 to i32
    %cond3A_49 = arith.constant 0 : i32
    %cond3A_50 = arith.cmpi ne, %convert_element_type3A_48, %cond3A_49 : i32
    scf.if %cond3A_50 {
      %dma_start3A_111 = arith.constant 640 : i32
      %dma_start3A_112 = tpu.memref_slice %arg5[%dma_start3A_111] : memref<1280xi32, #tpu.memory_space<vmem>> -> memref<160xi32, #tpu.memory_space<vmem>>
      %dma_start3A_113 = arith.constant 0 : i32
      %dma_start3A_114 = arith.constant 0 : i32
      %dma_start3A_115 = tpu.memref_slice %arg2[%dma_start3A_113, %dma_start3A_114] : memref<10000x128xi32, #tpu.memory_space<hbm>> -> memref<10000x128xi32, #tpu.memory_space<hbm>>
      tpu.enqueue_indirect_dma source(%dma_start3A_115 : memref<10000x128xi32, #tpu.memory_space<hbm>>) target(%arg6 : memref<160x128xi32, #tpu.memory_space<vmem>>) offsets(%dma_start3A_112 : memref<160xi32, #tpu.memory_space<vmem>>) semaphore(%arg8 : memref<!tpu.dma_semaphore, #tpu.memory_space<semaphore_mem>>)
    } else {
    }
    %add3A_51 = arith.constant 96 : i32
    %add3A_52 = arith.addi %add3A, %add3A_51 : i32
    %mul3A_53 = arith.constant 160 : i32
    %mul3A_54 = arith.muli %add3A_52, %mul3A_53 : i32
    %gt3A_55 = arith.constant 3 : i32
    %gt3A_56 = arith.cmpi sgt, %select_n3A, %gt3A_55 : i32
    %convert_element_type3A_57 = arith.extui %gt3A_56 : i1 to i32
    %cond3A_58 = arith.constant 0 : i32
    %cond3A_59 = arith.cmpi ne, %convert_element_type3A_57, %cond3A_58 : i32
    scf.if %cond3A_59 {
      %dma_wait3A = arith.constant 480 : i32
      %dma_wait3A_111 = tpu.memref_slice %arg5[%dma_wait3A] : memref<1280xi32, #tpu.memory_space<vmem>> -> memref<160xi32, #tpu.memory_space<vmem>>
      %dma_wait3A_112 = arith.constant 0 : i32
      %dma_wait3A_113 = arith.constant 0 : i32
      %dma_wait3A_114 = tpu.memref_slice %arg2[%dma_wait3A_112, %dma_wait3A_113] : memref<10000x128xi32, #tpu.memory_space<hbm>> -> memref<10000x128xi32, #tpu.memory_space<hbm>>
      tpu.wait_indirect_dma semaphore(%arg9 : memref<!tpu.dma_semaphore, #tpu.memory_space<semaphore_mem>>) src(%dma_wait3A_114 : memref<10000x128xi32, #tpu.memory_space<hbm>>) dst(%arg7 : memref<160x128xi32, #tpu.memory_space<vmem>>)
      "tpu.region"() ({
        %run_scoped3A = tpu.sem_alloc : memref<!tpu.dma_semaphore, #tpu.memory_space<semaphore_mem>>
        %dma_start3A_115 = arith.constant 0 : i32
        %dma_start3A_116 = tpu.memref_slice %arg4[%mul3A_54, %dma_start3A_115] : memref<40000x128xi32, #tpu.memory_space<hbm>> -> memref<160x128xi32, #tpu.memory_space<hbm>>
        %dma_start3A_117 = arith.constant 0 : i32
        %dma_start3A_118 = tpu.memref_slice %arg4[%mul3A_54, %dma_start3A_117] : memref<40000x128xi32, #tpu.memory_space<hbm>> -> memref<160x128xi32, #tpu.memory_space<hbm>>
        tpu.enqueue_dma source(%arg7 : memref<160x128xi32, #tpu.memory_space<vmem>>) target(%dma_start3A_118 : memref<160x128xi32, #tpu.memory_space<hbm>>) target_semaphore(%run_scoped3A : memref<!tpu.dma_semaphore, #tpu.memory_space<semaphore_mem>>)
        %dma_wait3A_119 = arith.constant 0 : i32
        %dma_wait3A_120 = tpu.memref_slice %arg4[%mul3A_54, %dma_wait3A_119] : memref<40000x128xi32, #tpu.memory_space<hbm>> -> memref<160x128xi32, #tpu.memory_space<hbm>>
        %dma_wait3A_121 = arith.constant 0 : i32
        %dma_wait3A_122 = tpu.memref_slice %arg4[%mul3A_54, %dma_wait3A_121] : memref<40000x128xi32, #tpu.memory_space<hbm>> -> memref<160x128xi32, #tpu.memory_space<hbm>>
        tpu.wait_dma2 semaphore(%run_scoped3A : memref<!tpu.dma_semaphore, #tpu.memory_space<semaphore_mem>>) src(%arg7 : memref<160x128xi32, #tpu.memory_space<vmem>>) dst(%dma_wait3A_122 : memref<160x128xi32, #tpu.memory_space<hbm>>)
        tpu.yield
      }) : () -> ()
    } else {
    }
    %gt3A_60 = arith.constant 5 : i32
    %gt3A_61 = arith.cmpi sgt, %select_n3A, %gt3A_60 : i32
    %convert_element_type3A_62 = arith.extui %gt3A_61 : i1 to i32
    %cond3A_63 = arith.constant 0 : i32
    %cond3A_64 = arith.cmpi ne, %convert_element_type3A_62, %cond3A_63 : i32
    scf.if %cond3A_64 {
      %dma_start3A_111 = arith.constant 800 : i32
      %dma_start3A_112 = tpu.memref_slice %arg5[%dma_start3A_111] : memref<1280xi32, #tpu.memory_space<vmem>> -> memref<160xi32, #tpu.memory_space<vmem>>
      %dma_start3A_113 = arith.constant 0 : i32
      %dma_start3A_114 = arith.constant 0 : i32
      %dma_start3A_115 = tpu.memref_slice %arg2[%dma_start3A_113, %dma_start3A_114] : memref<10000x128xi32, #tpu.memory_space<hbm>> -> memref<10000x128xi32, #tpu.memory_space<hbm>>
      tpu.enqueue_indirect_dma source(%dma_start3A_115 : memref<10000x128xi32, #tpu.memory_space<hbm>>) target(%arg7 : memref<160x128xi32, #tpu.memory_space<vmem>>) offsets(%dma_start3A_112 : memref<160xi32, #tpu.memory_space<vmem>>) semaphore(%arg9 : memref<!tpu.dma_semaphore, #tpu.memory_space<semaphore_mem>>)
    } else {
    }
    %add3A_65 = arith.constant 128 : i32
    %add3A_66 = arith.addi %add3A, %add3A_65 : i32
    %mul3A_67 = arith.constant 160 : i32
    %mul3A_68 = arith.muli %add3A_66, %mul3A_67 : i32
    %gt3A_69 = arith.constant 4 : i32
    %gt3A_70 = arith.cmpi sgt, %select_n3A, %gt3A_69 : i32
    %convert_element_type3A_71 = arith.extui %gt3A_70 : i1 to i32
    %cond3A_72 = arith.constant 0 : i32
    %cond3A_73 = arith.cmpi ne, %convert_element_type3A_71, %cond3A_72 : i32
    scf.if %cond3A_73 {
      %dma_wait3A = arith.constant 640 : i32
      %dma_wait3A_111 = tpu.memref_slice %arg5[%dma_wait3A] : memref<1280xi32, #tpu.memory_space<vmem>> -> memref<160xi32, #tpu.memory_space<vmem>>
      %dma_wait3A_112 = arith.constant 0 : i32
      %dma_wait3A_113 = arith.constant 0 : i32
      %dma_wait3A_114 = tpu.memref_slice %arg2[%dma_wait3A_112, %dma_wait3A_113] : memref<10000x128xi32, #tpu.memory_space<hbm>> -> memref<10000x128xi32, #tpu.memory_space<hbm>>
      tpu.wait_indirect_dma semaphore(%arg8 : memref<!tpu.dma_semaphore, #tpu.memory_space<semaphore_mem>>) src(%dma_wait3A_114 : memref<10000x128xi32, #tpu.memory_space<hbm>>) dst(%arg6 : memref<160x128xi32, #tpu.memory_space<vmem>>)
      "tpu.region"() ({
        %run_scoped3A = tpu.sem_alloc : memref<!tpu.dma_semaphore, #tpu.memory_space<semaphore_mem>>
        %dma_start3A_115 = arith.constant 0 : i32
        %dma_start3A_116 = tpu.memref_slice %arg4[%mul3A_68, %dma_start3A_115] : memref<40000x128xi32, #tpu.memory_space<hbm>> -> memref<160x128xi32, #tpu.memory_space<hbm>>
        %dma_start3A_117 = arith.constant 0 : i32
        %dma_start3A_118 = tpu.memref_slice %arg4[%mul3A_68, %dma_start3A_117] : memref<40000x128xi32, #tpu.memory_space<hbm>> -> memref<160x128xi32, #tpu.memory_space<hbm>>
        tpu.enqueue_dma source(%arg6 : memref<160x128xi32, #tpu.memory_space<vmem>>) target(%dma_start3A_118 : memref<160x128xi32, #tpu.memory_space<hbm>>) target_semaphore(%run_scoped3A : memref<!tpu.dma_semaphore, #tpu.memory_space<semaphore_mem>>)
        %dma_wait3A_119 = arith.constant 0 : i32
        %dma_wait3A_120 = tpu.memref_slice %arg4[%mul3A_68, %dma_wait3A_119] : memref<40000x128xi32, #tpu.memory_space<hbm>> -> memref<160x128xi32, #tpu.memory_space<hbm>>
        %dma_wait3A_121 = arith.constant 0 : i32
        %dma_wait3A_122 = tpu.memref_slice %arg4[%mul3A_68, %dma_wait3A_121] : memref<40000x128xi32, #tpu.memory_space<hbm>> -> memref<160x128xi32, #tpu.memory_space<hbm>>
        tpu.wait_dma2 semaphore(%run_scoped3A : memref<!tpu.dma_semaphore, #tpu.memory_space<semaphore_mem>>) src(%arg6 : memref<160x128xi32, #tpu.memory_space<vmem>>) dst(%dma_wait3A_122 : memref<160x128xi32, #tpu.memory_space<hbm>>)
        tpu.yield
      }) : () -> ()
    } else {
    }
    %gt3A_74 = arith.constant 6 : i32
    %gt3A_75 = arith.cmpi sgt, %select_n3A, %gt3A_74 : i32
    %convert_element_type3A_76 = arith.extui %gt3A_75 : i1 to i32
    %cond3A_77 = arith.constant 0 : i32
    %cond3A_78 = arith.cmpi ne, %convert_element_type3A_76, %cond3A_77 : i32
    scf.if %cond3A_78 {
      %dma_start3A_111 = arith.constant 960 : i32
      %dma_start3A_112 = tpu.memref_slice %arg5[%dma_start3A_111] : memref<1280xi32, #tpu.memory_space<vmem>> -> memref<160xi32, #tpu.memory_space<vmem>>
      %dma_start3A_113 = arith.constant 0 : i32
      %dma_start3A_114 = arith.constant 0 : i32
      %dma_start3A_115 = tpu.memref_slice %arg2[%dma_start3A_113, %dma_start3A_114] : memref<10000x128xi32, #tpu.memory_space<hbm>> -> memref<10000x128xi32, #tpu.memory_space<hbm>>
      tpu.enqueue_indirect_dma source(%dma_start3A_115 : memref<10000x128xi32, #tpu.memory_space<hbm>>) target(%arg6 : memref<160x128xi32, #tpu.memory_space<vmem>>) offsets(%dma_start3A_112 : memref<160xi32, #tpu.memory_space<vmem>>) semaphore(%arg8 : memref<!tpu.dma_semaphore, #tpu.memory_space<semaphore_mem>>)
    } else {
    }
    %add3A_79 = arith.constant 160 : i32
    %add3A_80 = arith.addi %add3A, %add3A_79 : i32
    %mul3A_81 = arith.constant 160 : i32
    %mul3A_82 = arith.muli %add3A_80, %mul3A_81 : i32
    %gt3A_83 = arith.constant 5 : i32
    %gt3A_84 = arith.cmpi sgt, %select_n3A, %gt3A_83 : i32
    %convert_element_type3A_85 = arith.extui %gt3A_84 : i1 to i32
    %cond3A_86 = arith.constant 0 : i32
    %cond3A_87 = arith.cmpi ne, %convert_element_type3A_85, %cond3A_86 : i32
    scf.if %cond3A_87 {
      %dma_wait3A = arith.constant 800 : i32
      %dma_wait3A_111 = tpu.memref_slice %arg5[%dma_wait3A] : memref<1280xi32, #tpu.memory_space<vmem>> -> memref<160xi32, #tpu.memory_space<vmem>>
      %dma_wait3A_112 = arith.constant 0 : i32
      %dma_wait3A_113 = arith.constant 0 : i32
      %dma_wait3A_114 = tpu.memref_slice %arg2[%dma_wait3A_112, %dma_wait3A_113] : memref<10000x128xi32, #tpu.memory_space<hbm>> -> memref<10000x128xi32, #tpu.memory_space<hbm>>
      tpu.wait_indirect_dma semaphore(%arg9 : memref<!tpu.dma_semaphore, #tpu.memory_space<semaphore_mem>>) src(%dma_wait3A_114 : memref<10000x128xi32, #tpu.memory_space<hbm>>) dst(%arg7 : memref<160x128xi32, #tpu.memory_space<vmem>>)
      "tpu.region"() ({
        %run_scoped3A = tpu.sem_alloc : memref<!tpu.dma_semaphore, #tpu.memory_space<semaphore_mem>>
        %dma_start3A_115 = arith.constant 0 : i32
        %dma_start3A_116 = tpu.memref_slice %arg4[%mul3A_82, %dma_start3A_115] : memref<40000x128xi32, #tpu.memory_space<hbm>> -> memref<160x128xi32, #tpu.memory_space<hbm>>
        %dma_start3A_117 = arith.constant 0 : i32
        %dma_start3A_118 = tpu.memref_slice %arg4[%mul3A_82, %dma_start3A_117] : memref<40000x128xi32, #tpu.memory_space<hbm>> -> memref<160x128xi32, #tpu.memory_space<hbm>>
        tpu.enqueue_dma source(%arg7 : memref<160x128xi32, #tpu.memory_space<vmem>>) target(%dma_start3A_118 : memref<160x128xi32, #tpu.memory_space<hbm>>) target_semaphore(%run_scoped3A : memref<!tpu.dma_semaphore, #tpu.memory_space<semaphore_mem>>)
        %dma_wait3A_119 = arith.constant 0 : i32
        %dma_wait3A_120 = tpu.memref_slice %arg4[%mul3A_82, %dma_wait3A_119] : memref<40000x128xi32, #tpu.memory_space<hbm>> -> memref<160x128xi32, #tpu.memory_space<hbm>>
        %dma_wait3A_121 = arith.constant 0 : i32
        %dma_wait3A_122 = tpu.memref_slice %arg4[%mul3A_82, %dma_wait3A_121] : memref<40000x128xi32, #tpu.memory_space<hbm>> -> memref<160x128xi32, #tpu.memory_space<hbm>>
        tpu.wait_dma2 semaphore(%run_scoped3A : memref<!tpu.dma_semaphore, #tpu.memory_space<semaphore_mem>>) src(%arg7 : memref<160x128xi32, #tpu.memory_space<vmem>>) dst(%dma_wait3A_122 : memref<160x128xi32, #tpu.memory_space<hbm>>)
        tpu.yield
      }) : () -> ()
    } else {
    }
    %gt3A_88 = arith.constant 7 : i32
    %gt3A_89 = arith.cmpi sgt, %select_n3A, %gt3A_88 : i32
    %convert_element_type3A_90 = arith.extui %gt3A_89 : i1 to i32
    %cond3A_91 = arith.constant 0 : i32
    %cond3A_92 = arith.cmpi ne, %convert_element_type3A_90, %cond3A_91 : i32
    scf.if %cond3A_92 {
      %dma_start3A_111 = arith.constant 1120 : i32
      %dma_start3A_112 = tpu.memref_slice %arg5[%dma_start3A_111] : memref<1280xi32, #tpu.memory_space<vmem>> -> memref<160xi32, #tpu.memory_space<vmem>>
      %dma_start3A_113 = arith.constant 0 : i32
      %dma_start3A_114 = arith.constant 0 : i32
      %dma_start3A_115 = tpu.memref_slice %arg2[%dma_start3A_113, %dma_start3A_114] : memref<10000x128xi32, #tpu.memory_space<hbm>> -> memref<10000x128xi32, #tpu.memory_space<hbm>>
      tpu.enqueue_indirect_dma source(%dma_start3A_115 : memref<10000x128xi32, #tpu.memory_space<hbm>>) target(%arg7 : memref<160x128xi32, #tpu.memory_space<vmem>>) offsets(%dma_start3A_112 : memref<160xi32, #tpu.memory_space<vmem>>) semaphore(%arg9 : memref<!tpu.dma_semaphore, #tpu.memory_space<semaphore_mem>>)
    } else {
    }
    %add3A_93 = arith.constant 192 : i32
    %add3A_94 = arith.addi %add3A, %add3A_93 : i32
    %mul3A_95 = arith.constant 160 : i32
    %mul3A_96 = arith.muli %add3A_94, %mul3A_95 : i32
    %gt3A_97 = arith.constant 6 : i32
    %gt3A_98 = arith.cmpi sgt, %select_n3A, %gt3A_97 : i32
    %convert_element_type3A_99 = arith.extui %gt3A_98 : i1 to i32
    %cond3A_100 = arith.constant 0 : i32
    %cond3A_101 = arith.cmpi ne, %convert_element_type3A_99, %cond3A_100 : i32
    scf.if %cond3A_101 {
      %dma_wait3A = arith.constant 960 : i32
      %dma_wait3A_111 = tpu.memref_slice %arg5[%dma_wait3A] : memref<1280xi32, #tpu.memory_space<vmem>> -> memref<160xi32, #tpu.memory_space<vmem>>
      %dma_wait3A_112 = arith.constant 0 : i32
      %dma_wait3A_113 = arith.constant 0 : i32
      %dma_wait3A_114 = tpu.memref_slice %arg2[%dma_wait3A_112, %dma_wait3A_113] : memref<10000x128xi32, #tpu.memory_space<hbm>> -> memref<10000x128xi32, #tpu.memory_space<hbm>>
      tpu.wait_indirect_dma semaphore(%arg8 : memref<!tpu.dma_semaphore, #tpu.memory_space<semaphore_mem>>) src(%dma_wait3A_114 : memref<10000x128xi32, #tpu.memory_space<hbm>>) dst(%arg6 : memref<160x128xi32, #tpu.memory_space<vmem>>)
      "tpu.region"() ({
        %run_scoped3A = tpu.sem_alloc : memref<!tpu.dma_semaphore, #tpu.memory_space<semaphore_mem>>
        %dma_start3A_115 = arith.constant 0 : i32
        %dma_start3A_116 = tpu.memref_slice %arg4[%mul3A_96, %dma_start3A_115] : memref<40000x128xi32, #tpu.memory_space<hbm>> -> memref<160x128xi32, #tpu.memory_space<hbm>>
        %dma_start3A_117 = arith.constant 0 : i32
        %dma_start3A_118 = tpu.memref_slice %arg4[%mul3A_96, %dma_start3A_117] : memref<40000x128xi32, #tpu.memory_space<hbm>> -> memref<160x128xi32, #tpu.memory_space<hbm>>
        tpu.enqueue_dma source(%arg6 : memref<160x128xi32, #tpu.memory_space<vmem>>) target(%dma_start3A_118 : memref<160x128xi32, #tpu.memory_space<hbm>>) target_semaphore(%run_scoped3A : memref<!tpu.dma_semaphore, #tpu.memory_space<semaphore_mem>>)
        %dma_wait3A_119 = arith.constant 0 : i32
        %dma_wait3A_120 = tpu.memref_slice %arg4[%mul3A_96, %dma_wait3A_119] : memref<40000x128xi32, #tpu.memory_space<hbm>> -> memref<160x128xi32, #tpu.memory_space<hbm>>
        %dma_wait3A_121 = arith.constant 0 : i32
        %dma_wait3A_122 = tpu.memref_slice %arg4[%mul3A_96, %dma_wait3A_121] : memref<40000x128xi32, #tpu.memory_space<hbm>> -> memref<160x128xi32, #tpu.memory_space<hbm>>
        tpu.wait_dma2 semaphore(%run_scoped3A : memref<!tpu.dma_semaphore, #tpu.memory_space<semaphore_mem>>) src(%arg6 : memref<160x128xi32, #tpu.memory_space<vmem>>) dst(%dma_wait3A_122 : memref<160x128xi32, #tpu.memory_space<hbm>>)
        tpu.yield
      }) : () -> ()
    } else {
    }
    %add3A_102 = arith.constant 224 : i32
    %add3A_103 = arith.addi %add3A, %add3A_102 : i32
    %mul3A_104 = arith.constant 160 : i32
    %mul3A_105 = arith.muli %add3A_103, %mul3A_104 : i32
    %gt3A_106 = arith.constant 7 : i32
    %gt3A_107 = arith.cmpi sgt, %select_n3A, %gt3A_106 : i32
    %convert_element_type3A_108 = arith.extui %gt3A_107 : i1 to i32
    %cond3A_109 = arith.constant 0 : i32
    %cond3A_110 = arith.cmpi ne, %convert_element_type3A_108, %cond3A_109 : i32
    scf.if %cond3A_110 {
      %dma_wait3A = arith.constant 1120 : i32
      %dma_wait3A_111 = tpu.memref_slice %arg5[%dma_wait3A] : memref<1280xi32, #tpu.memory_space<vmem>> -> memref<160xi32, #tpu.memory_space<vmem>>
      %dma_wait3A_112 = arith.constant 0 : i32
      %dma_wait3A_113 = arith.constant 0 : i32
      %dma_wait3A_114 = tpu.memref_slice %arg2[%dma_wait3A_112, %dma_wait3A_113] : memref<10000x128xi32, #tpu.memory_space<hbm>> -> memref<10000x128xi32, #tpu.memory_space<hbm>>
      tpu.wait_indirect_dma semaphore(%arg9 : memref<!tpu.dma_semaphore, #tpu.memory_space<semaphore_mem>>) src(%dma_wait3A_114 : memref<10000x128xi32, #tpu.memory_space<hbm>>) dst(%arg7 : memref<160x128xi32, #tpu.memory_space<vmem>>)
      "tpu.region"() ({
        %run_scoped3A = tpu.sem_alloc : memref<!tpu.dma_semaphore, #tpu.memory_space<semaphore_mem>>
        %dma_start3A_115 = arith.constant 0 : i32
        %dma_start3A_116 = tpu.memref_slice %arg4[%mul3A_105, %dma_start3A_115] : memref<40000x128xi32, #tpu.memory_space<hbm>> -> memref<160x128xi32, #tpu.memory_space<hbm>>
        %dma_start3A_117 = arith.constant 0 : i32
        %dma_start3A_118 = tpu.memref_slice %arg4[%mul3A_105, %dma_start3A_117] : memref<40000x128xi32, #tpu.memory_space<hbm>> -> memref<160x128xi32, #tpu.memory_space<hbm>>
        tpu.enqueue_dma source(%arg7 : memref<160x128xi32, #tpu.memory_space<vmem>>) target(%dma_start3A_118 : memref<160x128xi32, #tpu.memory_space<hbm>>) target_semaphore(%run_scoped3A : memref<!tpu.dma_semaphore, #tpu.memory_space<semaphore_mem>>)
        %dma_wait3A_119 = arith.constant 0 : i32
        %dma_wait3A_120 = tpu.memref_slice %arg4[%mul3A_105, %dma_wait3A_119] : memref<40000x128xi32, #tpu.memory_space<hbm>> -> memref<160x128xi32, #tpu.memory_space<hbm>>
        %dma_wait3A_121 = arith.constant 0 : i32
        %dma_wait3A_122 = tpu.memref_slice %arg4[%mul3A_105, %dma_wait3A_121] : memref<40000x128xi32, #tpu.memory_space<hbm>> -> memref<160x128xi32, #tpu.memory_space<hbm>>
        tpu.wait_dma2 semaphore(%run_scoped3A : memref<!tpu.dma_semaphore, #tpu.memory_space<semaphore_mem>>) src(%arg7 : memref<160x128xi32, #tpu.memory_space<vmem>>) dst(%dma_wait3A_122 : memref<160x128xi32, #tpu.memory_space<hbm>>)
        tpu.yield
      }) : () -> ()
    } else {
    }
    return
  }
}

module attributes {stable_mosaic.version = 14 : i64} {
  func.func @_prep_body(%arg0: memref<10000x256xf32, #tpu.memory_space<vmem>>, %arg1: memref<1x256xf32, #tpu.memory_space<vmem>>, %arg2: memref<1x256xf32, #tpu.memory_space<vmem>>, %arg3: memref<768x256xf32, #tpu.memory_space<vmem>>, %arg4: memref<1x768xf32, #tpu.memory_space<vmem>>, %arg5: memref<256x256xf32, #tpu.memory_space<vmem>>, %arg6: memref<10000x256xbf16, #tpu.memory_space<vmem>>, %arg7: memref<10000x128xi32, #tpu.memory_space<vmem>>, %arg8: memref<768x256xbf16, #tpu.memory_space<vmem>>, %arg9: memref<1x768xf32, #tpu.memory_space<vmem>>, %arg10: memref<256x256xbf16, #tpu.memory_space<vmem>>, %arg11: memref<1x256xf32, #tpu.memory_space<vmem>>) attributes {dimension_semantics = [], scalar_prefetch = 0 : i64, scratch_operands = 0 : i64, tpu.core_type = #tpu.core_type<tc>} {
    %get3A = arith.constant 0 : index
    %get3A_0 = arith.constant 0 : index
    %get3A_1 = vector.load %arg0[%get3A, %get3A_0] : memref<10000x256xf32, #tpu.memory_space<vmem>>, vector<10000x256xf32>
    %reduce_sum3A = arith.constant dense<0.000000e+00> : vector<256xf32>
    %reduce_sum3A_2 = vector.multi_reduction <add>, %get3A_1, %reduce_sum3A [0] : vector<10000x256xf32> to vector<256xf32>
    %broadcast_in_dim3A = vector.shape_cast %reduce_sum3A_2 : vector<256xf32> to vector<1x256xf32>
    %div3A = arith.constant 1.000000e+04 : f32
    %div3A_3 = vector.broadcast %div3A : f32 to vector<1x256xf32>
    %div3A_4 = arith.divf %broadcast_in_dim3A, %div3A_3 : vector<1x256xf32>
    %mul3A = arith.mulf %get3A_1, %get3A_1 : vector<10000x256xf32>
    %reduce_sum3A_5 = arith.constant dense<0.000000e+00> : vector<256xf32>
    %reduce_sum3A_6 = vector.multi_reduction <add>, %mul3A, %reduce_sum3A_5 [0] : vector<10000x256xf32> to vector<256xf32>
    %broadcast_in_dim3A_7 = vector.shape_cast %reduce_sum3A_6 : vector<256xf32> to vector<1x256xf32>
    %div3A_8 = arith.constant 1.000000e+04 : f32
    %div3A_9 = vector.broadcast %div3A_8 : f32 to vector<1x256xf32>
    %div3A_10 = arith.divf %broadcast_in_dim3A_7, %div3A_9 : vector<1x256xf32>
    %mul3A_11 = arith.mulf %div3A_4, %div3A_4 : vector<1x256xf32>
    %sub3A = arith.subf %div3A_10, %mul3A_11 : vector<1x256xf32>
    %get3A_12 = arith.constant 0 : index
    %get3A_13 = arith.constant 0 : index
    %get3A_14 = vector.load %arg1[%get3A_12, %get3A_13] : memref<1x256xf32, #tpu.memory_space<vmem>>, vector<1x256xf32>
    %add3A = arith.constant 9.99999974E-6 : f32
    %add3A_15 = vector.broadcast %add3A : f32 to vector<1x256xf32>
    %add3A_16 = arith.addf %sub3A, %add3A_15 : vector<1x256xf32>
    %rsqrt3A = math.rsqrt %add3A_16 : vector<1x256xf32>
    %mul3A_17 = arith.mulf %get3A_14, %rsqrt3A : vector<1x256xf32>
    %get3A_18 = arith.constant 0 : index
    %get3A_19 = arith.constant 0 : index
    %get3A_20 = vector.load %arg2[%get3A_18, %get3A_19] : memref<1x256xf32, #tpu.memory_space<vmem>>, vector<1x256xf32>
    %mul3A_21 = arith.mulf %div3A_4, %mul3A_17 : vector<1x256xf32>
    %sub3A_22 = arith.subf %get3A_20, %mul3A_21 : vector<1x256xf32>
    %convert_element_type3A = arith.truncf %get3A_1 : vector<10000x256xf32> to vector<10000x256xbf16>
    %swap3A = arith.constant 0 : index
    %swap3A_23 = arith.constant 0 : index
    %swap3A_24 = vector.load %arg6[%swap3A, %swap3A_23] : memref<10000x256xbf16, #tpu.memory_space<vmem>>, vector<10000x256xbf16>
    tpu.vector_store %arg6[%swap3A, %swap3A_23], %convert_element_type3A {strides = array<i32>} : memref<10000x256xbf16, #tpu.memory_space<vmem>>, vector<10000x256xbf16>,
    %bitcast_convert_type3A = tpu.bitcast %get3A_1 : vector<10000x256xf32> -> vector<10000x256xi32>
    %add3A_25 = arith.constant 32767 : i32
    %add3A_26 = vector.broadcast %add3A_25 : i32 to vector<10000x256xi32>
    %add3A_27 = arith.addi %bitcast_convert_type3A, %add3A_26 : vector<10000x256xi32>
    %shift_right_arithmetic3A = arith.constant 16 : i32
    %shift_right_arithmetic3A_28 = vector.broadcast %shift_right_arithmetic3A : i32 to vector<10000x256xi32>
    %shift_right_arithmetic3A_29 = arith.shrsi %bitcast_convert_type3A, %shift_right_arithmetic3A_28 : vector<10000x256xi32>
    %and3A = arith.constant 1 : i32
    %and3A_30 = vector.broadcast %and3A : i32 to vector<10000x256xi32>
    %and3A_31 = arith.andi %shift_right_arithmetic3A_29, %and3A_30 : vector<10000x256xi32>
    %add3A_32 = arith.addi %add3A_27, %and3A_31 : vector<10000x256xi32>
    %shift_right_arithmetic3A_33 = arith.constant 16 : i32
    %shift_right_arithmetic3A_34 = vector.broadcast %shift_right_arithmetic3A_33 : i32 to vector<10000x256xi32>
    %shift_right_arithmetic3A_35 = arith.shrsi %add3A_32, %shift_right_arithmetic3A_34 : vector<10000x256xi32>
    %slice3A = vector.extract_strided_slice %shift_right_arithmetic3A_35 {offsets = [0, 0], sizes = [10000, 128], strides = [1, 1]} : vector<10000x256xi32> to vector<10000x128xi32>
    %slice3A_36 = vector.extract_strided_slice %shift_right_arithmetic3A_35 {offsets = [0, 128], sizes = [10000, 128], strides = [1, 1]} : vector<10000x256xi32> to vector<10000x128xi32>
    %pack_elementwise3A = tpu.pack_elementwise %slice3A, %slice3A_36 {target_type = i16} : vector<10000x128xi32>, vector<10000x128xi32> -> vector<10000x128xi32>
    %swap3A_37 = arith.constant 0 : index
    %swap3A_38 = arith.constant 0 : index
    %swap3A_39 = vector.load %arg7[%swap3A_37, %swap3A_38] : memref<10000x128xi32, #tpu.memory_space<vmem>>, vector<10000x128xi32>
    tpu.vector_store %arg7[%swap3A_37, %swap3A_38], %pack_elementwise3A {strides = array<i32>} : memref<10000x128xi32, #tpu.memory_space<vmem>>, vector<10000x128xi32>,
    %get3A_40 = arith.constant 0 : index
    %get3A_41 = arith.constant 0 : index
    %get3A_42 = vector.load %arg3[%get3A_40, %get3A_41] : memref<768x256xf32, #tpu.memory_space<vmem>>, vector<768x256xf32>
    %mul3A_43 = vector.broadcast %mul3A_17 : vector<1x256xf32> to vector<768x256xf32>
    %mul3A_44 = arith.mulf %get3A_42, %mul3A_43 : vector<768x256xf32>
    %convert_element_type3A_45 = arith.truncf %mul3A_44 : vector<768x256xf32> to vector<768x256xbf16>
    %swap3A_46 = arith.constant 0 : index
    %swap3A_47 = arith.constant 0 : index
    %swap3A_48 = vector.load %arg8[%swap3A_46, %swap3A_47] : memref<768x256xbf16, #tpu.memory_space<vmem>>, vector<768x256xbf16>
    tpu.vector_store %arg8[%swap3A_46, %swap3A_47], %convert_element_type3A_45 {strides = array<i32>} : memref<768x256xbf16, #tpu.memory_space<vmem>>, vector<768x256xbf16>,
    %get3A_49 = arith.constant 0 : index
    %get3A_50 = arith.constant 0 : index
    %get3A_51 = vector.load %arg4[%get3A_49, %get3A_50] : memref<1x768xf32, #tpu.memory_space<vmem>>, vector<1x768xf32>
    %dot_general3A = arith.constant dense<0.000000e+00> : vector<1x768xf32>
    %dot_general3A_52 = tpu.matmul %sub3A_22, %get3A_42, %dot_general3A {dimension_numbers = #tpu.dot_dimension_numbers<[1], [1], [0], [0], [0, 0, 1, 0], [], []>, transpose_lhs_hint = false} : vector<1x256xf32>, vector<768x256xf32>, vector<1x768xf32> -> vector<1x768xf32>
    %add3A_53 = arith.addf %get3A_51, %dot_general3A_52 : vector<1x768xf32>
    %swap3A_54 = arith.constant 0 : index
    %swap3A_55 = arith.constant 0 : index
    %swap3A_56 = vector.load %arg9[%swap3A_54, %swap3A_55] : memref<1x768xf32, #tpu.memory_space<vmem>>, vector<1x768xf32>
    tpu.vector_store %arg9[%swap3A_54, %swap3A_55], %add3A_53 {strides = array<i32>} : memref<1x768xf32, #tpu.memory_space<vmem>>, vector<1x768xf32>,
    %get3A_57 = arith.constant 0 : index
    %get3A_58 = arith.constant 0 : index
    %get3A_59 = vector.load %arg5[%get3A_57, %get3A_58] : memref<256x256xf32, #tpu.memory_space<vmem>>, vector<256x256xf32>
    %mul3A_60 = vector.broadcast %mul3A_17 : vector<1x256xf32> to vector<256x256xf32>
    %mul3A_61 = arith.mulf %get3A_59, %mul3A_60 : vector<256x256xf32>
    %convert_element_type3A_62 = arith.truncf %mul3A_61 : vector<256x256xf32> to vector<256x256xbf16>
    %swap3A_63 = arith.constant 0 : index
    %swap3A_64 = arith.constant 0 : index
    %swap3A_65 = vector.load %arg10[%swap3A_63, %swap3A_64] : memref<256x256xbf16, #tpu.memory_space<vmem>>, vector<256x256xbf16>
    tpu.vector_store %arg10[%swap3A_63, %swap3A_64], %convert_element_type3A_62 {strides = array<i32>} : memref<256x256xbf16, #tpu.memory_space<vmem>>, vector<256x256xbf16>,
    %dot_general3A_66 = arith.constant dense<0.000000e+00> : vector<1x256xf32>
    %dot_general3A_67 = tpu.matmul %sub3A_22, %get3A_59, %dot_general3A_66 {dimension_numbers = #tpu.dot_dimension_numbers<[1], [1], [0], [0], [0, 0, 1, 0], [], []>, transpose_lhs_hint = false} : vector<1x256xf32>, vector<256x256xf32>, vector<1x256xf32> -> vector<1x256xf32>
    %swap3A_68 = arith.constant 0 : index
    %swap3A_69 = arith.constant 0 : index
    %swap3A_70 = vector.load %arg11[%swap3A_68, %swap3A_69] : memref<1x256xf32, #tpu.memory_space<vmem>>, vector<1x256xf32>
    tpu.vector_store %arg11[%swap3A_68, %swap3A_69], %dot_general3A_67 {strides = array<i32>} : memref<1x256xf32, #tpu.memory_space<vmem>>, vector<1x256xf32>,
    return
  }
}

module attributes {stable_mosaic.version = 14 : i64} {
  func.func @_gru1_body(%arg0: i32, %arg1: memref<4x2000x128xi32, #tpu.memory_space<vmem>>, %arg2: memref<768x256xbf16, #tpu.memory_space<vmem>>, %arg3: memref<1x768xf32, #tpu.memory_space<vmem>>, %arg4: memref<768x256xbf16, #tpu.memory_space<vmem>>, %arg5: memref<1x768xf32, #tpu.memory_space<vmem>>, %arg6: memref<2000x256xf32, #tpu.memory_space<vmem>>) attributes {dimension_semantics = [#tpu.dimension_semantics<arbitrary>], iteration_bounds = array<i64: 5>, scalar_prefetch = 0 : i64, scratch_operands = 0 : i64, tpu.core_type = #tpu.core_type<tc>, window_params = [{transform_indices = @transform_0, window_bounds = array<i64: 4, 2000, 128>}, {pipeline_mode = #tpu.pipeline_mode<synchronous>, transform_indices = @transform_1, window_bounds = array<i64: 768, 256>}, {pipeline_mode = #tpu.pipeline_mode<synchronous>, transform_indices = @transform_2, window_bounds = array<i64: 1, 768>}, {pipeline_mode = #tpu.pipeline_mode<synchronous>, transform_indices = @transform_3, window_bounds = array<i64: 768, 256>}, {pipeline_mode = #tpu.pipeline_mode<synchronous>, transform_indices = @transform_4, window_bounds = array<i64: 1, 768>}, {transform_indices = @transform_5, window_bounds = array<i64: 2000, 256>}]} {
    %broadcast_in_dim3A = arith.constant 0.000000e+00 : f32
    %broadcast_in_dim3A_0 = vector.broadcast %broadcast_in_dim3A : f32 to vector<2000x256xf32>
    %get3A = arith.constant 0 : index
    %get3A_1 = arith.constant 0 : index
    %get3A_2 = arith.constant 0 : index
    %get3A_3 = vector.load %arg1[%get3A, %get3A_1, %get3A_2] : memref<4x2000x128xi32, #tpu.memory_space<vmem>>, vector<1x2000x128xi32>
    %get3A_4 = vector.shape_cast %get3A_3 : vector<1x2000x128xi32> to vector<2000x128xi32>
    %unpack_elementwise3A = tpu.unpack_elementwise %get3A_4, 0 {source_type = i16} : vector<2000x128xi32> -> vector<2000x128xi32>
    %unpack_elementwise3A_5 = tpu.unpack_elementwise %get3A_4, 1 {source_type = i16} : vector<2000x128xi32> -> vector<2000x128xi32>
    %shift_left3A = arith.constant 16 : i32
    %shift_left3A_6 = vector.broadcast %shift_left3A : i32 to vector<2000x128xi32>
    %shift_left3A_7 = arith.shli %unpack_elementwise3A, %shift_left3A_6 : vector<2000x128xi32>
    %bitcast_convert_type3A = tpu.bitcast %shift_left3A_7 : vector<2000x128xi32> -> vector<2000x128xf32>
    %shift_left3A_8 = arith.constant 16 : i32
    %shift_left3A_9 = vector.broadcast %shift_left3A_8 : i32 to vector<2000x128xi32>
    %shift_left3A_10 = arith.shli %unpack_elementwise3A_5, %shift_left3A_9 : vector<2000x128xi32>
    %bitcast_convert_type3A_11 = tpu.bitcast %shift_left3A_10 : vector<2000x128xi32> -> vector<2000x128xf32>
    %concatenate3A = tpu.concatenate %bitcast_convert_type3A, %bitcast_convert_type3A_11 in 1 : vector<2000x128xf32>, vector<2000x128xf32> -> vector<2000x256xf32>
    %convert_element_type3A = arith.truncf %concatenate3A : vector<2000x256xf32> to vector<2000x256xbf16>
    %get3A_12 = arith.constant 0 : index
    %get3A_13 = arith.constant 0 : index
    %get3A_14 = vector.load %arg2[%get3A_12, %get3A_13] : memref<768x256xbf16, #tpu.memory_space<vmem>>, vector<768x256xbf16>
    %dot_general3A = arith.constant dense<0.000000e+00> : vector<2000x768xf32>
    %dot_general3A_15 = tpu.matmul %convert_element_type3A, %get3A_14, %dot_general3A {dimension_numbers = #tpu.dot_dimension_numbers<[1], [1], [0], [0], [0, 0, 1, 0], [], []>, transpose_lhs_hint = false} : vector<2000x256xbf16>, vector<768x256xbf16>, vector<2000x768xf32> -> vector<2000x768xf32>
    %get3A_16 = arith.constant 0 : index
    %get3A_17 = arith.constant 0 : index
    %get3A_18 = vector.load %arg3[%get3A_16, %get3A_17] : memref<1x768xf32, #tpu.memory_space<vmem>>, vector<1x768xf32>
    %add3A = vector.broadcast %get3A_18 : vector<1x768xf32> to vector<2000x768xf32>
    %add3A_19 = arith.addf %dot_general3A_15, %add3A : vector<2000x768xf32>
    %convert_element_type3A_20 = arith.truncf %broadcast_in_dim3A_0 : vector<2000x256xf32> to vector<2000x256xbf16>
    %get3A_21 = arith.constant 0 : index
    %get3A_22 = arith.constant 0 : index
    %get3A_23 = vector.load %arg4[%get3A_21, %get3A_22] : memref<768x256xbf16, #tpu.memory_space<vmem>>, vector<768x256xbf16>
    %dot_general3A_24 = arith.constant dense<0.000000e+00> : vector<2000x768xf32>
    %dot_general3A_25 = tpu.matmul %convert_element_type3A_20, %get3A_23, %dot_general3A_24 {dimension_numbers = #tpu.dot_dimension_numbers<[1], [1], [0], [0], [0, 0, 1, 0], [], []>, transpose_lhs_hint = false} : vector<2000x256xbf16>, vector<768x256xbf16>, vector<2000x768xf32> -> vector<2000x768xf32>
    %get3A_26 = arith.constant 0 : index
    %get3A_27 = arith.constant 0 : index
    %get3A_28 = vector.load %arg5[%get3A_26, %get3A_27] : memref<1x768xf32, #tpu.memory_space<vmem>>, vector<1x768xf32>
    %add3A_29 = vector.broadcast %get3A_28 : vector<1x768xf32> to vector<2000x768xf32>
    %add3A_30 = arith.addf %dot_general3A_25, %add3A_29 : vector<2000x768xf32>
    %slice3A = vector.extract_strided_slice %add3A_19 {offsets = [0, 0], sizes = [2000, 512], strides = [1, 1]} : vector<2000x768xf32> to vector<2000x512xf32>
    %slice3A_31 = vector.extract_strided_slice %add3A_30 {offsets = [0, 0], sizes = [2000, 512], strides = [1, 1]} : vector<2000x768xf32> to vector<2000x512xf32>
    %add3A_32 = arith.addf %slice3A, %slice3A_31 : vector<2000x512xf32>
    %mul3A = arith.constant 5.000000e-01 : f32
    %mul3A_33 = vector.broadcast %mul3A : f32 to vector<2000x512xf32>
    %mul3A_34 = arith.mulf %mul3A_33, %add3A_32 : vector<2000x512xf32>
    %tanh3A = math.tanh %mul3A_34 : vector<2000x512xf32>
    %mul3A_35 = arith.constant 5.000000e-01 : f32
    %mul3A_36 = vector.broadcast %mul3A_35 : f32 to vector<2000x512xf32>
    %mul3A_37 = arith.mulf %mul3A_36, %tanh3A : vector<2000x512xf32>
    %add3A_38 = arith.constant 5.000000e-01 : f32
    %add3A_39 = vector.broadcast %add3A_38 : f32 to vector<2000x512xf32>
    %add3A_40 = arith.addf %mul3A_37, %add3A_39 : vector<2000x512xf32>
    %slice3A_41 = vector.extract_strided_slice %add3A_40 {offsets = [0, 0], sizes = [2000, 256], strides = [1, 1]} : vector<2000x512xf32> to vector<2000x256xf32>
    %slice3A_42 = vector.extract_strided_slice %add3A_40 {offsets = [0, 256], sizes = [2000, 256], strides = [1, 1]} : vector<2000x512xf32> to vector<2000x256xf32>
    %slice3A_43 = vector.extract_strided_slice %add3A_19 {offsets = [0, 512], sizes = [2000, 256], strides = [1, 1]} : vector<2000x768xf32> to vector<2000x256xf32>
    %slice3A_44 = vector.extract_strided_slice %add3A_30 {offsets = [0, 512], sizes = [2000, 256], strides = [1, 1]} : vector<2000x768xf32> to vector<2000x256xf32>
    %mul3A_45 = arith.mulf %slice3A_41, %slice3A_44 : vector<2000x256xf32>
    %add3A_46 = arith.addf %slice3A_43, %mul3A_45 : vector<2000x256xf32>
    %tanh3A_47 = math.tanh %add3A_46 : vector<2000x256xf32>
    %sub3A = arith.subf %broadcast_in_dim3A_0, %tanh3A_47 : vector<2000x256xf32>
    %mul3A_48 = arith.mulf %slice3A_42, %sub3A : vector<2000x256xf32>
    %add3A_49 = arith.addf %mul3A_48, %tanh3A_47 : vector<2000x256xf32>
    %get3A_50 = arith.constant 1 : index
    %get3A_51 = arith.constant 0 : index
    %get3A_52 = arith.constant 0 : index
    %get3A_53 = vector.load %arg1[%get3A_50, %get3A_51, %get3A_52] : memref<4x2000x128xi32, #tpu.memory_space<vmem>>, vector<1x2000x128xi32>
    %get3A_54 = vector.shape_cast %get3A_53 : vector<1x2000x128xi32> to vector<2000x128xi32>
    %unpack_elementwise3A_55 = tpu.unpack_elementwise %get3A_54, 0 {source_type = i16} : vector<2000x128xi32> -> vector<2000x128xi32>
    %unpack_elementwise3A_56 = tpu.unpack_elementwise %get3A_54, 1 {source_type = i16} : vector<2000x128xi32> -> vector<2000x128xi32>
    %shift_left3A_57 = arith.constant 16 : i32
    %shift_left3A_58 = vector.broadcast %shift_left3A_57 : i32 to vector<2000x128xi32>
    %shift_left3A_59 = arith.shli %unpack_elementwise3A_55, %shift_left3A_58 : vector<2000x128xi32>
    %bitcast_convert_type3A_60 = tpu.bitcast %shift_left3A_59 : vector<2000x128xi32> -> vector<2000x128xf32>
    %shift_left3A_61 = arith.constant 16 : i32
    %shift_left3A_62 = vector.broadcast %shift_left3A_61 : i32 to vector<2000x128xi32>
    %shift_left3A_63 = arith.shli %unpack_elementwise3A_56, %shift_left3A_62 : vector<2000x128xi32>
    %bitcast_convert_type3A_64 = tpu.bitcast %shift_left3A_63 : vector<2000x128xi32> -> vector<2000x128xf32>
    %concatenate3A_65 = tpu.concatenate %bitcast_convert_type3A_60, %bitcast_convert_type3A_64 in 1 : vector<2000x128xf32>, vector<2000x128xf32> -> vector<2000x256xf32>
    %convert_element_type3A_66 = arith.truncf %concatenate3A_65 : vector<2000x256xf32> to vector<2000x256xbf16>
    %get3A_67 = arith.constant 0 : index
    %get3A_68 = arith.constant 0 : index
    %get3A_69 = vector.load %arg2[%get3A_67, %get3A_68] : memref<768x256xbf16, #tpu.memory_space<vmem>>, vector<768x256xbf16>
    %dot_general3A_70 = arith.constant dense<0.000000e+00> : vector<2000x768xf32>
    %dot_general3A_71 = tpu.matmul %convert_element_type3A_66, %get3A_69, %dot_general3A_70 {dimension_numbers = #tpu.dot_dimension_numbers<[1], [1], [0], [0], [0, 0, 1, 0], [], []>, transpose_lhs_hint = false} : vector<2000x256xbf16>, vector<768x256xbf16>, vector<2000x768xf32> -> vector<2000x768xf32>
    %get3A_72 = arith.constant 0 : index
    %get3A_73 = arith.constant 0 : index
    %get3A_74 = vector.load %arg3[%get3A_72, %get3A_73] : memref<1x768xf32, #tpu.memory_space<vmem>>, vector<1x768xf32>
    %add3A_75 = vector.broadcast %get3A_74 : vector<1x768xf32> to vector<2000x768xf32>
    %add3A_76 = arith.addf %dot_general3A_71, %add3A_75 : vector<2000x768xf32>
    %convert_element_type3A_77 = arith.truncf %add3A_49 : vector<2000x256xf32> to vector<2000x256xbf16>
    %get3A_78 = arith.constant 0 : index
    %get3A_79 = arith.constant 0 : index
    %get3A_80 = vector.load %arg4[%get3A_78, %get3A_79] : memref<768x256xbf16, #tpu.memory_space<vmem>>, vector<768x256xbf16>
    %dot_general3A_81 = arith.constant dense<0.000000e+00> : vector<2000x768xf32>
    %dot_general3A_82 = tpu.matmul %convert_element_type3A_77, %get3A_80, %dot_general3A_81 {dimension_numbers = #tpu.dot_dimension_numbers<[1], [1], [0], [0], [0, 0, 1, 0], [], []>, transpose_lhs_hint = false} : vector<2000x256xbf16>, vector<768x256xbf16>, vector<2000x768xf32> -> vector<2000x768xf32>
    %get3A_83 = arith.constant 0 : index
    %get3A_84 = arith.constant 0 : index
    %get3A_85 = vector.load %arg5[%get3A_83, %get3A_84] : memref<1x768xf32, #tpu.memory_space<vmem>>, vector<1x768xf32>
    %add3A_86 = vector.broadcast %get3A_85 : vector<1x768xf32> to vector<2000x768xf32>
    %add3A_87 = arith.addf %dot_general3A_82, %add3A_86 : vector<2000x768xf32>
    %slice3A_88 = vector.extract_strided_slice %add3A_76 {offsets = [0, 0], sizes = [2000, 512], strides = [1, 1]} : vector<2000x768xf32> to vector<2000x512xf32>
    %slice3A_89 = vector.extract_strided_slice %add3A_87 {offsets = [0, 0], sizes = [2000, 512], strides = [1, 1]} : vector<2000x768xf32> to vector<2000x512xf32>
    %add3A_90 = arith.addf %slice3A_88, %slice3A_89 : vector<2000x512xf32>
    %mul3A_91 = arith.constant 5.000000e-01 : f32
    %mul3A_92 = vector.broadcast %mul3A_91 : f32 to vector<2000x512xf32>
    %mul3A_93 = arith.mulf %mul3A_92, %add3A_90 : vector<2000x512xf32>
    %tanh3A_94 = math.tanh %mul3A_93 : vector<2000x512xf32>
    %mul3A_95 = arith.constant 5.000000e-01 : f32
    %mul3A_96 = vector.broadcast %mul3A_95 : f32 to vector<2000x512xf32>
    %mul3A_97 = arith.mulf %mul3A_96, %tanh3A_94 : vector<2000x512xf32>
    %add3A_98 = arith.constant 5.000000e-01 : f32
    %add3A_99 = vector.broadcast %add3A_98 : f32 to vector<2000x512xf32>
    %add3A_100 = arith.addf %mul3A_97, %add3A_99 : vector<2000x512xf32>
    %slice3A_101 = vector.extract_strided_slice %add3A_100 {offsets = [0, 0], sizes = [2000, 256], strides = [1, 1]} : vector<2000x512xf32> to vector<2000x256xf32>
    %slice3A_102 = vector.extract_strided_slice %add3A_100 {offsets = [0, 256], sizes = [2000, 256], strides = [1, 1]} : vector<2000x512xf32> to vector<2000x256xf32>
    %slice3A_103 = vector.extract_strided_slice %add3A_76 {offsets = [0, 512], sizes = [2000, 256], strides = [1, 1]} : vector<2000x768xf32> to vector<2000x256xf32>
    %slice3A_104 = vector.extract_strided_slice %add3A_87 {offsets = [0, 512], sizes = [2000, 256], strides = [1, 1]} : vector<2000x768xf32> to vector<2000x256xf32>
    %mul3A_105 = arith.mulf %slice3A_101, %slice3A_104 : vector<2000x256xf32>
    %add3A_106 = arith.addf %slice3A_103, %mul3A_105 : vector<2000x256xf32>
    %tanh3A_107 = math.tanh %add3A_106 : vector<2000x256xf32>
    %sub3A_108 = arith.subf %add3A_49, %tanh3A_107 : vector<2000x256xf32>
    %mul3A_109 = arith.mulf %slice3A_102, %sub3A_108 : vector<2000x256xf32>
    %add3A_110 = arith.addf %mul3A_109, %tanh3A_107 : vector<2000x256xf32>
    %get3A_111 = arith.constant 2 : index
    %get3A_112 = arith.constant 0 : index
    %get3A_113 = arith.constant 0 : index
    %get3A_114 = vector.load %arg1[%get3A_111, %get3A_112, %get3A_113] : memref<4x2000x128xi32, #tpu.memory_space<vmem>>, vector<1x2000x128xi32>
    %get3A_115 = vector.shape_cast %get3A_114 : vector<1x2000x128xi32> to vector<2000x128xi32>
    %unpack_elementwise3A_116 = tpu.unpack_elementwise %get3A_115, 0 {source_type = i16} : vector<2000x128xi32> -> vector<2000x128xi32>
    %unpack_elementwise3A_117 = tpu.unpack_elementwise %get3A_115, 1 {source_type = i16} : vector<2000x128xi32> -> vector<2000x128xi32>
    %shift_left3A_118 = arith.constant 16 : i32
    %shift_left3A_119 = vector.broadcast %shift_left3A_118 : i32 to vector<2000x128xi32>
    %shift_left3A_120 = arith.shli %unpack_elementwise3A_116, %shift_left3A_119 : vector<2000x128xi32>
    %bitcast_convert_type3A_121 = tpu.bitcast %shift_left3A_120 : vector<2000x128xi32> -> vector<2000x128xf32>
    %shift_left3A_122 = arith.constant 16 : i32
    %shift_left3A_123 = vector.broadcast %shift_left3A_122 : i32 to vector<2000x128xi32>
    %shift_left3A_124 = arith.shli %unpack_elementwise3A_117, %shift_left3A_123 : vector<2000x128xi32>
    %bitcast_convert_type3A_125 = tpu.bitcast %shift_left3A_124 : vector<2000x128xi32> -> vector<2000x128xf32>
    %concatenate3A_126 = tpu.concatenate %bitcast_convert_type3A_121, %bitcast_convert_type3A_125 in 1 : vector<2000x128xf32>, vector<2000x128xf32> -> vector<2000x256xf32>
    %convert_element_type3A_127 = arith.truncf %concatenate3A_126 : vector<2000x256xf32> to vector<2000x256xbf16>
    %get3A_128 = arith.constant 0 : index
    %get3A_129 = arith.constant 0 : index
    %get3A_130 = vector.load %arg2[%get3A_128, %get3A_129] : memref<768x256xbf16, #tpu.memory_space<vmem>>, vector<768x256xbf16>
    %dot_general3A_131 = arith.constant dense<0.000000e+00> : vector<2000x768xf32>
    %dot_general3A_132 = tpu.matmul %convert_element_type3A_127, %get3A_130, %dot_general3A_131 {dimension_numbers = #tpu.dot_dimension_numbers<[1], [1], [0], [0], [0, 0, 1, 0], [], []>, transpose_lhs_hint = false} : vector<2000x256xbf16>, vector<768x256xbf16>, vector<2000x768xf32> -> vector<2000x768xf32>
    %get3A_133 = arith.constant 0 : index
    %get3A_134 = arith.constant 0 : index
    %get3A_135 = vector.load %arg3[%get3A_133, %get3A_134] : memref<1x768xf32, #tpu.memory_space<vmem>>, vector<1x768xf32>
    %add3A_136 = vector.broadcast %get3A_135 : vector<1x768xf32> to vector<2000x768xf32>
    %add3A_137 = arith.addf %dot_general3A_132, %add3A_136 : vector<2000x768xf32>
    %convert_element_type3A_138 = arith.truncf %add3A_110 : vector<2000x256xf32> to vector<2000x256xbf16>
    %get3A_139 = arith.constant 0 : index
    %get3A_140 = arith.constant 0 : index
    %get3A_141 = vector.load %arg4[%get3A_139, %get3A_140] : memref<768x256xbf16, #tpu.memory_space<vmem>>, vector<768x256xbf16>
    %dot_general3A_142 = arith.constant dense<0.000000e+00> : vector<2000x768xf32>
    %dot_general3A_143 = tpu.matmul %convert_element_type3A_138, %get3A_141, %dot_general3A_142 {dimension_numbers = #tpu.dot_dimension_numbers<[1], [1], [0], [0], [0, 0, 1, 0], [], []>, transpose_lhs_hint = false} : vector<2000x256xbf16>, vector<768x256xbf16>, vector<2000x768xf32> -> vector<2000x768xf32>
    %get3A_144 = arith.constant 0 : index
    %get3A_145 = arith.constant 0 : index
    %get3A_146 = vector.load %arg5[%get3A_144, %get3A_145] : memref<1x768xf32, #tpu.memory_space<vmem>>, vector<1x768xf32>
    %add3A_147 = vector.broadcast %get3A_146 : vector<1x768xf32> to vector<2000x768xf32>
    %add3A_148 = arith.addf %dot_general3A_143, %add3A_147 : vector<2000x768xf32>
    %slice3A_149 = vector.extract_strided_slice %add3A_137 {offsets = [0, 0], sizes = [2000, 512], strides = [1, 1]} : vector<2000x768xf32> to vector<2000x512xf32>
    %slice3A_150 = vector.extract_strided_slice %add3A_148 {offsets = [0, 0], sizes = [2000, 512], strides = [1, 1]} : vector<2000x768xf32> to vector<2000x512xf32>
    %add3A_151 = arith.addf %slice3A_149, %slice3A_150 : vector<2000x512xf32>
    %mul3A_152 = arith.constant 5.000000e-01 : f32
    %mul3A_153 = vector.broadcast %mul3A_152 : f32 to vector<2000x512xf32>
    %mul3A_154 = arith.mulf %mul3A_153, %add3A_151 : vector<2000x512xf32>
    %tanh3A_155 = math.tanh %mul3A_154 : vector<2000x512xf32>
    %mul3A_156 = arith.constant 5.000000e-01 : f32
    %mul3A_157 = vector.broadcast %mul3A_156 : f32 to vector<2000x512xf32>
    %mul3A_158 = arith.mulf %mul3A_157, %tanh3A_155 : vector<2000x512xf32>
    %add3A_159 = arith.constant 5.000000e-01 : f32
    %add3A_160 = vector.broadcast %add3A_159 : f32 to vector<2000x512xf32>
    %add3A_161 = arith.addf %mul3A_158, %add3A_160 : vector<2000x512xf32>
    %slice3A_162 = vector.extract_strided_slice %add3A_161 {offsets = [0, 0], sizes = [2000, 256], strides = [1, 1]} : vector<2000x512xf32> to vector<2000x256xf32>
    %slice3A_163 = vector.extract_strided_slice %add3A_161 {offsets = [0, 256], sizes = [2000, 256], strides = [1, 1]} : vector<2000x512xf32> to vector<2000x256xf32>
    %slice3A_164 = vector.extract_strided_slice %add3A_137 {offsets = [0, 512], sizes = [2000, 256], strides = [1, 1]} : vector<2000x768xf32> to vector<2000x256xf32>
    %slice3A_165 = vector.extract_strided_slice %add3A_148 {offsets = [0, 512], sizes = [2000, 256], strides = [1, 1]} : vector<2000x768xf32> to vector<2000x256xf32>
    %mul3A_166 = arith.mulf %slice3A_162, %slice3A_165 : vector<2000x256xf32>
    %add3A_167 = arith.addf %slice3A_164, %mul3A_166 : vector<2000x256xf32>
    %tanh3A_168 = math.tanh %add3A_167 : vector<2000x256xf32>
    %sub3A_169 = arith.subf %add3A_110, %tanh3A_168 : vector<2000x256xf32>
    %mul3A_170 = arith.mulf %slice3A_163, %sub3A_169 : vector<2000x256xf32>
    %add3A_171 = arith.addf %mul3A_170, %tanh3A_168 : vector<2000x256xf32>
    %get3A_172 = arith.constant 3 : index
    %get3A_173 = arith.constant 0 : index
    %get3A_174 = arith.constant 0 : index
    %get3A_175 = vector.load %arg1[%get3A_172, %get3A_173, %get3A_174] : memref<4x2000x128xi32, #tpu.memory_space<vmem>>, vector<1x2000x128xi32>
    %get3A_176 = vector.shape_cast %get3A_175 : vector<1x2000x128xi32> to vector<2000x128xi32>
    %unpack_elementwise3A_177 = tpu.unpack_elementwise %get3A_176, 0 {source_type = i16} : vector<2000x128xi32> -> vector<2000x128xi32>
    %unpack_elementwise3A_178 = tpu.unpack_elementwise %get3A_176, 1 {source_type = i16} : vector<2000x128xi32> -> vector<2000x128xi32>
    %shift_left3A_179 = arith.constant 16 : i32
    %shift_left3A_180 = vector.broadcast %shift_left3A_179 : i32 to vector<2000x128xi32>
    %shift_left3A_181 = arith.shli %unpack_elementwise3A_177, %shift_left3A_180 : vector<2000x128xi32>
    %bitcast_convert_type3A_182 = tpu.bitcast %shift_left3A_181 : vector<2000x128xi32> -> vector<2000x128xf32>
    %shift_left3A_183 = arith.constant 16 : i32
    %shift_left3A_184 = vector.broadcast %shift_left3A_183 : i32 to vector<2000x128xi32>
    %shift_left3A_185 = arith.shli %unpack_elementwise3A_178, %shift_left3A_184 : vector<2000x128xi32>
    %bitcast_convert_type3A_186 = tpu.bitcast %shift_left3A_185 : vector<2000x128xi32> -> vector<2000x128xf32>
    %concatenate3A_187 = tpu.concatenate %bitcast_convert_type3A_182, %bitcast_convert_type3A_186 in 1 : vector<2000x128xf32>, vector<2000x128xf32> -> vector<2000x256xf32>
    %convert_element_type3A_188 = arith.truncf %concatenate3A_187 : vector<2000x256xf32> to vector<2000x256xbf16>
    %get3A_189 = arith.constant 0 : index
    %get3A_190 = arith.constant 0 : index
    %get3A_191 = vector.load %arg2[%get3A_189, %get3A_190] : memref<768x256xbf16, #tpu.memory_space<vmem>>, vector<768x256xbf16>
    %dot_general3A_192 = arith.constant dense<0.000000e+00> : vector<2000x768xf32>
    %dot_general3A_193 = tpu.matmul %convert_element_type3A_188, %get3A_191, %dot_general3A_192 {dimension_numbers = #tpu.dot_dimension_numbers<[1], [1], [0], [0], [0, 0, 1, 0], [], []>, transpose_lhs_hint = false} : vector<2000x256xbf16>, vector<768x256xbf16>, vector<2000x768xf32> -> vector<2000x768xf32>
    %get3A_194 = arith.constant 0 : index
    %get3A_195 = arith.constant 0 : index
    %get3A_196 = vector.load %arg3[%get3A_194, %get3A_195] : memref<1x768xf32, #tpu.memory_space<vmem>>, vector<1x768xf32>
    %add3A_197 = vector.broadcast %get3A_196 : vector<1x768xf32> to vector<2000x768xf32>
    %add3A_198 = arith.addf %dot_general3A_193, %add3A_197 : vector<2000x768xf32>
    %convert_element_type3A_199 = arith.truncf %add3A_171 : vector<2000x256xf32> to vector<2000x256xbf16>
    %get3A_200 = arith.constant 0 : index
    %get3A_201 = arith.constant 0 : index
    %get3A_202 = vector.load %arg4[%get3A_200, %get3A_201] : memref<768x256xbf16, #tpu.memory_space<vmem>>, vector<768x256xbf16>
    %dot_general3A_203 = arith.constant dense<0.000000e+00> : vector<2000x768xf32>
    %dot_general3A_204 = tpu.matmul %convert_element_type3A_199, %get3A_202, %dot_general3A_203 {dimension_numbers = #tpu.dot_dimension_numbers<[1], [1], [0], [0], [0, 0, 1, 0], [], []>, transpose_lhs_hint = false} : vector<2000x256xbf16>, vector<768x256xbf16>, vector<2000x768xf32> -> vector<2000x768xf32>
    %get3A_205 = arith.constant 0 : index
    %get3A_206 = arith.constant 0 : index
    %get3A_207 = vector.load %arg5[%get3A_205, %get3A_206] : memref<1x768xf32, #tpu.memory_space<vmem>>, vector<1x768xf32>
    %add3A_208 = vector.broadcast %get3A_207 : vector<1x768xf32> to vector<2000x768xf32>
    %add3A_209 = arith.addf %dot_general3A_204, %add3A_208 : vector<2000x768xf32>
    %slice3A_210 = vector.extract_strided_slice %add3A_198 {offsets = [0, 0], sizes = [2000, 512], strides = [1, 1]} : vector<2000x768xf32> to vector<2000x512xf32>
    %slice3A_211 = vector.extract_strided_slice %add3A_209 {offsets = [0, 0], sizes = [2000, 512], strides = [1, 1]} : vector<2000x768xf32> to vector<2000x512xf32>
    %add3A_212 = arith.addf %slice3A_210, %slice3A_211 : vector<2000x512xf32>
    %mul3A_213 = arith.constant 5.000000e-01 : f32
    %mul3A_214 = vector.broadcast %mul3A_213 : f32 to vector<2000x512xf32>
    %mul3A_215 = arith.mulf %mul3A_214, %add3A_212 : vector<2000x512xf32>
    %tanh3A_216 = math.tanh %mul3A_215 : vector<2000x512xf32>
    %mul3A_217 = arith.constant 5.000000e-01 : f32
    %mul3A_218 = vector.broadcast %mul3A_217 : f32 to vector<2000x512xf32>
    %mul3A_219 = arith.mulf %mul3A_218, %tanh3A_216 : vector<2000x512xf32>
    %add3A_220 = arith.constant 5.000000e-01 : f32
    %add3A_221 = vector.broadcast %add3A_220 : f32 to vector<2000x512xf32>
    %add3A_222 = arith.addf %mul3A_219, %add3A_221 : vector<2000x512xf32>
    %slice3A_223 = vector.extract_strided_slice %add3A_222 {offsets = [0, 0], sizes = [2000, 256], strides = [1, 1]} : vector<2000x512xf32> to vector<2000x256xf32>
    %slice3A_224 = vector.extract_strided_slice %add3A_222 {offsets = [0, 256], sizes = [2000, 256], strides = [1, 1]} : vector<2000x512xf32> to vector<2000x256xf32>
    %slice3A_225 = vector.extract_strided_slice %add3A_198 {offsets = [0, 512], sizes = [2000, 256], strides = [1, 1]} : vector<2000x768xf32> to vector<2000x256xf32>
    %slice3A_226 = vector.extract_strided_slice %add3A_209 {offsets = [0, 512], sizes = [2000, 256], strides = [1, 1]} : vector<2000x768xf32> to vector<2000x256xf32>
    %mul3A_227 = arith.mulf %slice3A_223, %slice3A_226 : vector<2000x256xf32>
    %add3A_228 = arith.addf %slice3A_225, %mul3A_227 : vector<2000x256xf32>
    %tanh3A_229 = math.tanh %add3A_228 : vector<2000x256xf32>
    %sub3A_230 = arith.subf %add3A_171, %tanh3A_229 : vector<2000x256xf32>
    %mul3A_231 = arith.mulf %slice3A_224, %sub3A_230 : vector<2000x256xf32>
    %add3A_232 = arith.addf %mul3A_231, %tanh3A_229 : vector<2000x256xf32>
    %swap3A = arith.constant 0 : index
    %swap3A_233 = arith.constant 0 : index
    %swap3A_234 = vector.load %arg6[%swap3A, %swap3A_233] : memref<2000x256xf32, #tpu.memory_space<vmem>>, vector<2000x256xf32>
    tpu.vector_store %arg6[%swap3A, %swap3A_233], %add3A_232 {strides = array<i32>} : memref<2000x256xf32, #tpu.memory_space<vmem>>, vector<2000x256xf32>,
    return
  }
  func.func @transform_0(%arg0: i32) -> (i32, i32, i32) {
    %c0_i32 = arith.constant 0 : i32
    %c0_i32_0 = arith.constant 0 : i32
    %c0_i32_1 = arith.constant 0 : i32
    return %c0_i32, %arg0, %c0_i32_0 : i32, i32, i32
  }
  func.func @transform_1(%arg0: i32) -> (i32, i32) {
    %c0_i32 = arith.constant 0 : i32
    %c0_i32_0 = arith.constant 0 : i32
    %c0_i32_1 = arith.constant 0 : i32
    return %c0_i32, %c0_i32_0 : i32, i32
  }
  func.func @transform_2(%arg0: i32) -> (i32, i32) {
    %c0_i32 = arith.constant 0 : i32
    %c0_i32_0 = arith.constant 0 : i32
    %c0_i32_1 = arith.constant 0 : i32
    return %c0_i32, %c0_i32_0 : i32, i32
  }
  func.func @transform_3(%arg0: i32) -> (i32, i32) {
    %c0_i32 = arith.constant 0 : i32
    %c0_i32_0 = arith.constant 0 : i32
    %c0_i32_1 = arith.constant 0 : i32
    return %c0_i32, %c0_i32_0 : i32, i32
  }
  func.func @transform_4(%arg0: i32) -> (i32, i32) {
    %c0_i32 = arith.constant 0 : i32
    %c0_i32_0 = arith.constant 0 : i32
    %c0_i32_1 = arith.constant 0 : i32
    return %c0_i32, %c0_i32_0 : i32, i32
  }
  func.func @transform_5(%arg0: i32) -> (i32, i32) {
    %c0_i32 = arith.constant 0 : i32
    %c0_i32_0 = arith.constant 0 : i32
    return %arg0, %c0_i32 : i32, i32
  }
}

module attributes {stable_mosaic.version = 14 : i64} {
  func.func @_gru_mid_body(%arg0: i32, %arg1: memref<4x2000x128xi32, #tpu.memory_space<vmem>>, %arg2: memref<2000x256xf32, #tpu.memory_space<vmem>>, %arg3: memref<768x256xbf16, #tpu.memory_space<vmem>>, %arg4: memref<1x768xf32, #tpu.memory_space<vmem>>, %arg5: memref<768x256xbf16, #tpu.memory_space<vmem>>, %arg6: memref<1x768xf32, #tpu.memory_space<vmem>>, %arg7: memref<2000x256xf32, #tpu.memory_space<vmem>>) attributes {dimension_semantics = [#tpu.dimension_semantics<arbitrary>], iteration_bounds = array<i64: 5>, scalar_prefetch = 0 : i64, scratch_operands = 0 : i64, tpu.core_type = #tpu.core_type<tc>, window_params = [{transform_indices = @transform_0, window_bounds = array<i64: 4, 2000, 128>}, {transform_indices = @transform_1, window_bounds = array<i64: 2000, 256>}, {pipeline_mode = #tpu.pipeline_mode<synchronous>, transform_indices = @transform_2, window_bounds = array<i64: 768, 256>}, {pipeline_mode = #tpu.pipeline_mode<synchronous>, transform_indices = @transform_3, window_bounds = array<i64: 1, 768>}, {pipeline_mode = #tpu.pipeline_mode<synchronous>, transform_indices = @transform_4, window_bounds = array<i64: 768, 256>}, {pipeline_mode = #tpu.pipeline_mode<synchronous>, transform_indices = @transform_5, window_bounds = array<i64: 1, 768>}, {transform_indices = @transform_6, window_bounds = array<i64: 2000, 256>}]} {
    %get3A = arith.constant 0 : index
    %get3A_0 = arith.constant 0 : index
    %get3A_1 = vector.load %arg2[%get3A, %get3A_0] : memref<2000x256xf32, #tpu.memory_space<vmem>>, vector<2000x256xf32>
    %get3A_2 = arith.constant 0 : index
    %get3A_3 = arith.constant 0 : index
    %get3A_4 = arith.constant 0 : index
    %get3A_5 = vector.load %arg1[%get3A_2, %get3A_3, %get3A_4] : memref<4x2000x128xi32, #tpu.memory_space<vmem>>, vector<1x2000x128xi32>
    %get3A_6 = vector.shape_cast %get3A_5 : vector<1x2000x128xi32> to vector<2000x128xi32>
    %unpack_elementwise3A = tpu.unpack_elementwise %get3A_6, 0 {source_type = i16} : vector<2000x128xi32> -> vector<2000x128xi32>
    %unpack_elementwise3A_7 = tpu.unpack_elementwise %get3A_6, 1 {source_type = i16} : vector<2000x128xi32> -> vector<2000x128xi32>
    %shift_left3A = arith.constant 16 : i32
    %shift_left3A_8 = vector.broadcast %shift_left3A : i32 to vector<2000x128xi32>
    %shift_left3A_9 = arith.shli %unpack_elementwise3A, %shift_left3A_8 : vector<2000x128xi32>
    %bitcast_convert_type3A = tpu.bitcast %shift_left3A_9 : vector<2000x128xi32> -> vector<2000x128xf32>
    %shift_left3A_10 = arith.constant 16 : i32
    %shift_left3A_11 = vector.broadcast %shift_left3A_10 : i32 to vector<2000x128xi32>
    %shift_left3A_12 = arith.shli %unpack_elementwise3A_7, %shift_left3A_11 : vector<2000x128xi32>
    %bitcast_convert_type3A_13 = tpu.bitcast %shift_left3A_12 : vector<2000x128xi32> -> vector<2000x128xf32>
    %concatenate3A = tpu.concatenate %bitcast_convert_type3A, %bitcast_convert_type3A_13 in 1 : vector<2000x128xf32>, vector<2000x128xf32> -> vector<2000x256xf32>
    %convert_element_type3A = arith.truncf %concatenate3A : vector<2000x256xf32> to vector<2000x256xbf16>
    %get3A_14 = arith.constant 0 : index
    %get3A_15 = arith.constant 0 : index
    %get3A_16 = vector.load %arg3[%get3A_14, %get3A_15] : memref<768x256xbf16, #tpu.memory_space<vmem>>, vector<768x256xbf16>
    %dot_general3A = arith.constant dense<0.000000e+00> : vector<2000x768xf32>
    %dot_general3A_17 = tpu.matmul %convert_element_type3A, %get3A_16, %dot_general3A {dimension_numbers = #tpu.dot_dimension_numbers<[1], [1], [0], [0], [0, 0, 1, 0], [], []>, transpose_lhs_hint = false} : vector<2000x256xbf16>, vector<768x256xbf16>, vector<2000x768xf32> -> vector<2000x768xf32>
    %get3A_18 = arith.constant 0 : index
    %get3A_19 = arith.constant 0 : index
    %get3A_20 = vector.load %arg4[%get3A_18, %get3A_19] : memref<1x768xf32, #tpu.memory_space<vmem>>, vector<1x768xf32>
    %add3A = vector.broadcast %get3A_20 : vector<1x768xf32> to vector<2000x768xf32>
    %add3A_21 = arith.addf %dot_general3A_17, %add3A : vector<2000x768xf32>
    %convert_element_type3A_22 = arith.truncf %get3A_1 : vector<2000x256xf32> to vector<2000x256xbf16>
    %get3A_23 = arith.constant 0 : index
    %get3A_24 = arith.constant 0 : index
    %get3A_25 = vector.load %arg5[%get3A_23, %get3A_24] : memref<768x256xbf16, #tpu.memory_space<vmem>>, vector<768x256xbf16>
    %dot_general3A_26 = arith.constant dense<0.000000e+00> : vector<2000x768xf32>
    %dot_general3A_27 = tpu.matmul %convert_element_type3A_22, %get3A_25, %dot_general3A_26 {dimension_numbers = #tpu.dot_dimension_numbers<[1], [1], [0], [0], [0, 0, 1, 0], [], []>, transpose_lhs_hint = false} : vector<2000x256xbf16>, vector<768x256xbf16>, vector<2000x768xf32> -> vector<2000x768xf32>
    %get3A_28 = arith.constant 0 : index
    %get3A_29 = arith.constant 0 : index
    %get3A_30 = vector.load %arg6[%get3A_28, %get3A_29] : memref<1x768xf32, #tpu.memory_space<vmem>>, vector<1x768xf32>
    %add3A_31 = vector.broadcast %get3A_30 : vector<1x768xf32> to vector<2000x768xf32>
    %add3A_32 = arith.addf %dot_general3A_27, %add3A_31 : vector<2000x768xf32>
    %slice3A = vector.extract_strided_slice %add3A_21 {offsets = [0, 0], sizes = [2000, 512], strides = [1, 1]} : vector<2000x768xf32> to vector<2000x512xf32>
    %slice3A_33 = vector.extract_strided_slice %add3A_32 {offsets = [0, 0], sizes = [2000, 512], strides = [1, 1]} : vector<2000x768xf32> to vector<2000x512xf32>
    %add3A_34 = arith.addf %slice3A, %slice3A_33 : vector<2000x512xf32>
    %mul3A = arith.constant 5.000000e-01 : f32
    %mul3A_35 = vector.broadcast %mul3A : f32 to vector<2000x512xf32>
    %mul3A_36 = arith.mulf %mul3A_35, %add3A_34 : vector<2000x512xf32>
    %tanh3A = math.tanh %mul3A_36 : vector<2000x512xf32>
    %mul3A_37 = arith.constant 5.000000e-01 : f32
    %mul3A_38 = vector.broadcast %mul3A_37 : f32 to vector<2000x512xf32>
    %mul3A_39 = arith.mulf %mul3A_38, %tanh3A : vector<2000x512xf32>
    %add3A_40 = arith.constant 5.000000e-01 : f32
    %add3A_41 = vector.broadcast %add3A_40 : f32 to vector<2000x512xf32>
    %add3A_42 = arith.addf %mul3A_39, %add3A_41 : vector<2000x512xf32>
    %slice3A_43 = vector.extract_strided_slice %add3A_42 {offsets = [0, 0], sizes = [2000, 256], strides = [1, 1]} : vector<2000x512xf32> to vector<2000x256xf32>
    %slice3A_44 = vector.extract_strided_slice %add3A_42 {offsets = [0, 256], sizes = [2000, 256], strides = [1, 1]} : vector<2000x512xf32> to vector<2000x256xf32>
    %slice3A_45 = vector.extract_strided_slice %add3A_21 {offsets = [0, 512], sizes = [2000, 256], strides = [1, 1]} : vector<2000x768xf32> to vector<2000x256xf32>
    %slice3A_46 = vector.extract_strided_slice %add3A_32 {offsets = [0, 512], sizes = [2000, 256], strides = [1, 1]} : vector<2000x768xf32> to vector<2000x256xf32>
    %mul3A_47 = arith.mulf %slice3A_43, %slice3A_46 : vector<2000x256xf32>
    %add3A_48 = arith.addf %slice3A_45, %mul3A_47 : vector<2000x256xf32>
    %tanh3A_49 = math.tanh %add3A_48 : vector<2000x256xf32>
    %sub3A = arith.subf %get3A_1, %tanh3A_49 : vector<2000x256xf32>
    %mul3A_50 = arith.mulf %slice3A_44, %sub3A : vector<2000x256xf32>
    %add3A_51 = arith.addf %mul3A_50, %tanh3A_49 : vector<2000x256xf32>
    %get3A_52 = arith.constant 1 : index
    %get3A_53 = arith.constant 0 : index
    %get3A_54 = arith.constant 0 : index
    %get3A_55 = vector.load %arg1[%get3A_52, %get3A_53, %get3A_54] : memref<4x2000x128xi32, #tpu.memory_space<vmem>>, vector<1x2000x128xi32>
    %get3A_56 = vector.shape_cast %get3A_55 : vector<1x2000x128xi32> to vector<2000x128xi32>
    %unpack_elementwise3A_57 = tpu.unpack_elementwise %get3A_56, 0 {source_type = i16} : vector<2000x128xi32> -> vector<2000x128xi32>
    %unpack_elementwise3A_58 = tpu.unpack_elementwise %get3A_56, 1 {source_type = i16} : vector<2000x128xi32> -> vector<2000x128xi32>
    %shift_left3A_59 = arith.constant 16 : i32
    %shift_left3A_60 = vector.broadcast %shift_left3A_59 : i32 to vector<2000x128xi32>
    %shift_left3A_61 = arith.shli %unpack_elementwise3A_57, %shift_left3A_60 : vector<2000x128xi32>
    %bitcast_convert_type3A_62 = tpu.bitcast %shift_left3A_61 : vector<2000x128xi32> -> vector<2000x128xf32>
    %shift_left3A_63 = arith.constant 16 : i32
    %shift_left3A_64 = vector.broadcast %shift_left3A_63 : i32 to vector<2000x128xi32>
    %shift_left3A_65 = arith.shli %unpack_elementwise3A_58, %shift_left3A_64 : vector<2000x128xi32>
    %bitcast_convert_type3A_66 = tpu.bitcast %shift_left3A_65 : vector<2000x128xi32> -> vector<2000x128xf32>
    %concatenate3A_67 = tpu.concatenate %bitcast_convert_type3A_62, %bitcast_convert_type3A_66 in 1 : vector<2000x128xf32>, vector<2000x128xf32> -> vector<2000x256xf32>
    %convert_element_type3A_68 = arith.truncf %concatenate3A_67 : vector<2000x256xf32> to vector<2000x256xbf16>
    %get3A_69 = arith.constant 0 : index
    %get3A_70 = arith.constant 0 : index
    %get3A_71 = vector.load %arg3[%get3A_69, %get3A_70] : memref<768x256xbf16, #tpu.memory_space<vmem>>, vector<768x256xbf16>
    %dot_general3A_72 = arith.constant dense<0.000000e+00> : vector<2000x768xf32>
    %dot_general3A_73 = tpu.matmul %convert_element_type3A_68, %get3A_71, %dot_general3A_72 {dimension_numbers = #tpu.dot_dimension_numbers<[1], [1], [0], [0], [0, 0, 1, 0], [], []>, transpose_lhs_hint = false} : vector<2000x256xbf16>, vector<768x256xbf16>, vector<2000x768xf32> -> vector<2000x768xf32>
    %get3A_74 = arith.constant 0 : index
    %get3A_75 = arith.constant 0 : index
    %get3A_76 = vector.load %arg4[%get3A_74, %get3A_75] : memref<1x768xf32, #tpu.memory_space<vmem>>, vector<1x768xf32>
    %add3A_77 = vector.broadcast %get3A_76 : vector<1x768xf32> to vector<2000x768xf32>
    %add3A_78 = arith.addf %dot_general3A_73, %add3A_77 : vector<2000x768xf32>
    %convert_element_type3A_79 = arith.truncf %add3A_51 : vector<2000x256xf32> to vector<2000x256xbf16>
    %get3A_80 = arith.constant 0 : index
    %get3A_81 = arith.constant 0 : index
    %get3A_82 = vector.load %arg5[%get3A_80, %get3A_81] : memref<768x256xbf16, #tpu.memory_space<vmem>>, vector<768x256xbf16>
    %dot_general3A_83 = arith.constant dense<0.000000e+00> : vector<2000x768xf32>
    %dot_general3A_84 = tpu.matmul %convert_element_type3A_79, %get3A_82, %dot_general3A_83 {dimension_numbers = #tpu.dot_dimension_numbers<[1], [1], [0], [0], [0, 0, 1, 0], [], []>, transpose_lhs_hint = false} : vector<2000x256xbf16>, vector<768x256xbf16>, vector<2000x768xf32> -> vector<2000x768xf32>
    %get3A_85 = arith.constant 0 : index
    %get3A_86 = arith.constant 0 : index
    %get3A_87 = vector.load %arg6[%get3A_85, %get3A_86] : memref<1x768xf32, #tpu.memory_space<vmem>>, vector<1x768xf32>
    %add3A_88 = vector.broadcast %get3A_87 : vector<1x768xf32> to vector<2000x768xf32>
    %add3A_89 = arith.addf %dot_general3A_84, %add3A_88 : vector<2000x768xf32>
    %slice3A_90 = vector.extract_strided_slice %add3A_78 {offsets = [0, 0], sizes = [2000, 512], strides = [1, 1]} : vector<2000x768xf32> to vector<2000x512xf32>
    %slice3A_91 = vector.extract_strided_slice %add3A_89 {offsets = [0, 0], sizes = [2000, 512], strides = [1, 1]} : vector<2000x768xf32> to vector<2000x512xf32>
    %add3A_92 = arith.addf %slice3A_90, %slice3A_91 : vector<2000x512xf32>
    %mul3A_93 = arith.constant 5.000000e-01 : f32
    %mul3A_94 = vector.broadcast %mul3A_93 : f32 to vector<2000x512xf32>
    %mul3A_95 = arith.mulf %mul3A_94, %add3A_92 : vector<2000x512xf32>
    %tanh3A_96 = math.tanh %mul3A_95 : vector<2000x512xf32>
    %mul3A_97 = arith.constant 5.000000e-01 : f32
    %mul3A_98 = vector.broadcast %mul3A_97 : f32 to vector<2000x512xf32>
    %mul3A_99 = arith.mulf %mul3A_98, %tanh3A_96 : vector<2000x512xf32>
    %add3A_100 = arith.constant 5.000000e-01 : f32
    %add3A_101 = vector.broadcast %add3A_100 : f32 to vector<2000x512xf32>
    %add3A_102 = arith.addf %mul3A_99, %add3A_101 : vector<2000x512xf32>
    %slice3A_103 = vector.extract_strided_slice %add3A_102 {offsets = [0, 0], sizes = [2000, 256], strides = [1, 1]} : vector<2000x512xf32> to vector<2000x256xf32>
    %slice3A_104 = vector.extract_strided_slice %add3A_102 {offsets = [0, 256], sizes = [2000, 256], strides = [1, 1]} : vector<2000x512xf32> to vector<2000x256xf32>
    %slice3A_105 = vector.extract_strided_slice %add3A_78 {offsets = [0, 512], sizes = [2000, 256], strides = [1, 1]} : vector<2000x768xf32> to vector<2000x256xf32>
    %slice3A_106 = vector.extract_strided_slice %add3A_89 {offsets = [0, 512], sizes = [2000, 256], strides = [1, 1]} : vector<2000x768xf32> to vector<2000x256xf32>
    %mul3A_107 = arith.mulf %slice3A_103, %slice3A_106 : vector<2000x256xf32>
    %add3A_108 = arith.addf %slice3A_105, %mul3A_107 : vector<2000x256xf32>
    %tanh3A_109 = math.tanh %add3A_108 : vector<2000x256xf32>
    %sub3A_110 = arith.subf %add3A_51, %tanh3A_109 : vector<2000x256xf32>
    %mul3A_111 = arith.mulf %slice3A_104, %sub3A_110 : vector<2000x256xf32>
    %add3A_112 = arith.addf %mul3A_111, %tanh3A_109 : vector<2000x256xf32>
    %get3A_113 = arith.constant 2 : index
    %get3A_114 = arith.constant 0 : index
    %get3A_115 = arith.constant 0 : index
    %get3A_116 = vector.load %arg1[%get3A_113, %get3A_114, %get3A_115] : memref<4x2000x128xi32, #tpu.memory_space<vmem>>, vector<1x2000x128xi32>
    %get3A_117 = vector.shape_cast %get3A_116 : vector<1x2000x128xi32> to vector<2000x128xi32>
    %unpack_elementwise3A_118 = tpu.unpack_elementwise %get3A_117, 0 {source_type = i16} : vector<2000x128xi32> -> vector<2000x128xi32>
    %unpack_elementwise3A_119 = tpu.unpack_elementwise %get3A_117, 1 {source_type = i16} : vector<2000x128xi32> -> vector<2000x128xi32>
    %shift_left3A_120 = arith.constant 16 : i32
    %shift_left3A_121 = vector.broadcast %shift_left3A_120 : i32 to vector<2000x128xi32>
    %shift_left3A_122 = arith.shli %unpack_elementwise3A_118, %shift_left3A_121 : vector<2000x128xi32>
    %bitcast_convert_type3A_123 = tpu.bitcast %shift_left3A_122 : vector<2000x128xi32> -> vector<2000x128xf32>
    %shift_left3A_124 = arith.constant 16 : i32
    %shift_left3A_125 = vector.broadcast %shift_left3A_124 : i32 to vector<2000x128xi32>
    %shift_left3A_126 = arith.shli %unpack_elementwise3A_119, %shift_left3A_125 : vector<2000x128xi32>
    %bitcast_convert_type3A_127 = tpu.bitcast %shift_left3A_126 : vector<2000x128xi32> -> vector<2000x128xf32>
    %concatenate3A_128 = tpu.concatenate %bitcast_convert_type3A_123, %bitcast_convert_type3A_127 in 1 : vector<2000x128xf32>, vector<2000x128xf32> -> vector<2000x256xf32>
    %convert_element_type3A_129 = arith.truncf %concatenate3A_128 : vector<2000x256xf32> to vector<2000x256xbf16>
    %get3A_130 = arith.constant 0 : index
    %get3A_131 = arith.constant 0 : index
    %get3A_132 = vector.load %arg3[%get3A_130, %get3A_131] : memref<768x256xbf16, #tpu.memory_space<vmem>>, vector<768x256xbf16>
    %dot_general3A_133 = arith.constant dense<0.000000e+00> : vector<2000x768xf32>
    %dot_general3A_134 = tpu.matmul %convert_element_type3A_129, %get3A_132, %dot_general3A_133 {dimension_numbers = #tpu.dot_dimension_numbers<[1], [1], [0], [0], [0, 0, 1, 0], [], []>, transpose_lhs_hint = false} : vector<2000x256xbf16>, vector<768x256xbf16>, vector<2000x768xf32> -> vector<2000x768xf32>
    %get3A_135 = arith.constant 0 : index
    %get3A_136 = arith.constant 0 : index
    %get3A_137 = vector.load %arg4[%get3A_135, %get3A_136] : memref<1x768xf32, #tpu.memory_space<vmem>>, vector<1x768xf32>
    %add3A_138 = vector.broadcast %get3A_137 : vector<1x768xf32> to vector<2000x768xf32>
    %add3A_139 = arith.addf %dot_general3A_134, %add3A_138 : vector<2000x768xf32>
    %convert_element_type3A_140 = arith.truncf %add3A_112 : vector<2000x256xf32> to vector<2000x256xbf16>
    %get3A_141 = arith.constant 0 : index
    %get3A_142 = arith.constant 0 : index
    %get3A_143 = vector.load %arg5[%get3A_141, %get3A_142] : memref<768x256xbf16, #tpu.memory_space<vmem>>, vector<768x256xbf16>
    %dot_general3A_144 = arith.constant dense<0.000000e+00> : vector<2000x768xf32>
    %dot_general3A_145 = tpu.matmul %convert_element_type3A_140, %get3A_143, %dot_general3A_144 {dimension_numbers = #tpu.dot_dimension_numbers<[1], [1], [0], [0], [0, 0, 1, 0], [], []>, transpose_lhs_hint = false} : vector<2000x256xbf16>, vector<768x256xbf16>, vector<2000x768xf32> -> vector<2000x768xf32>
    %get3A_146 = arith.constant 0 : index
    %get3A_147 = arith.constant 0 : index
    %get3A_148 = vector.load %arg6[%get3A_146, %get3A_147] : memref<1x768xf32, #tpu.memory_space<vmem>>, vector<1x768xf32>
    %add3A_149 = vector.broadcast %get3A_148 : vector<1x768xf32> to vector<2000x768xf32>
    %add3A_150 = arith.addf %dot_general3A_145, %add3A_149 : vector<2000x768xf32>
    %slice3A_151 = vector.extract_strided_slice %add3A_139 {offsets = [0, 0], sizes = [2000, 512], strides = [1, 1]} : vector<2000x768xf32> to vector<2000x512xf32>
    %slice3A_152 = vector.extract_strided_slice %add3A_150 {offsets = [0, 0], sizes = [2000, 512], strides = [1, 1]} : vector<2000x768xf32> to vector<2000x512xf32>
    %add3A_153 = arith.addf %slice3A_151, %slice3A_152 : vector<2000x512xf32>
    %mul3A_154 = arith.constant 5.000000e-01 : f32
    %mul3A_155 = vector.broadcast %mul3A_154 : f32 to vector<2000x512xf32>
    %mul3A_156 = arith.mulf %mul3A_155, %add3A_153 : vector<2000x512xf32>
    %tanh3A_157 = math.tanh %mul3A_156 : vector<2000x512xf32>
    %mul3A_158 = arith.constant 5.000000e-01 : f32
    %mul3A_159 = vector.broadcast %mul3A_158 : f32 to vector<2000x512xf32>
    %mul3A_160 = arith.mulf %mul3A_159, %tanh3A_157 : vector<2000x512xf32>
    %add3A_161 = arith.constant 5.000000e-01 : f32
    %add3A_162 = vector.broadcast %add3A_161 : f32 to vector<2000x512xf32>
    %add3A_163 = arith.addf %mul3A_160, %add3A_162 : vector<2000x512xf32>
    %slice3A_164 = vector.extract_strided_slice %add3A_163 {offsets = [0, 0], sizes = [2000, 256], strides = [1, 1]} : vector<2000x512xf32> to vector<2000x256xf32>
    %slice3A_165 = vector.extract_strided_slice %add3A_163 {offsets = [0, 256], sizes = [2000, 256], strides = [1, 1]} : vector<2000x512xf32> to vector<2000x256xf32>
    %slice3A_166 = vector.extract_strided_slice %add3A_139 {offsets = [0, 512], sizes = [2000, 256], strides = [1, 1]} : vector<2000x768xf32> to vector<2000x256xf32>
    %slice3A_167 = vector.extract_strided_slice %add3A_150 {offsets = [0, 512], sizes = [2000, 256], strides = [1, 1]} : vector<2000x768xf32> to vector<2000x256xf32>
    %mul3A_168 = arith.mulf %slice3A_164, %slice3A_167 : vector<2000x256xf32>
    %add3A_169 = arith.addf %slice3A_166, %mul3A_168 : vector<2000x256xf32>
    %tanh3A_170 = math.tanh %add3A_169 : vector<2000x256xf32>
    %sub3A_171 = arith.subf %add3A_112, %tanh3A_170 : vector<2000x256xf32>
    %mul3A_172 = arith.mulf %slice3A_165, %sub3A_171 : vector<2000x256xf32>
    %add3A_173 = arith.addf %mul3A_172, %tanh3A_170 : vector<2000x256xf32>
    %get3A_174 = arith.constant 3 : index
    %get3A_175 = arith.constant 0 : index
    %get3A_176 = arith.constant 0 : index
    %get3A_177 = vector.load %arg1[%get3A_174, %get3A_175, %get3A_176] : memref<4x2000x128xi32, #tpu.memory_space<vmem>>, vector<1x2000x128xi32>
    %get3A_178 = vector.shape_cast %get3A_177 : vector<1x2000x128xi32> to vector<2000x128xi32>
    %unpack_elementwise3A_179 = tpu.unpack_elementwise %get3A_178, 0 {source_type = i16} : vector<2000x128xi32> -> vector<2000x128xi32>
    %unpack_elementwise3A_180 = tpu.unpack_elementwise %get3A_178, 1 {source_type = i16} : vector<2000x128xi32> -> vector<2000x128xi32>
    %shift_left3A_181 = arith.constant 16 : i32
    %shift_left3A_182 = vector.broadcast %shift_left3A_181 : i32 to vector<2000x128xi32>
    %shift_left3A_183 = arith.shli %unpack_elementwise3A_179, %shift_left3A_182 : vector<2000x128xi32>
    %bitcast_convert_type3A_184 = tpu.bitcast %shift_left3A_183 : vector<2000x128xi32> -> vector<2000x128xf32>
    %shift_left3A_185 = arith.constant 16 : i32
    %shift_left3A_186 = vector.broadcast %shift_left3A_185 : i32 to vector<2000x128xi32>
    %shift_left3A_187 = arith.shli %unpack_elementwise3A_180, %shift_left3A_186 : vector<2000x128xi32>
    %bitcast_convert_type3A_188 = tpu.bitcast %shift_left3A_187 : vector<2000x128xi32> -> vector<2000x128xf32>
    %concatenate3A_189 = tpu.concatenate %bitcast_convert_type3A_184, %bitcast_convert_type3A_188 in 1 : vector<2000x128xf32>, vector<2000x128xf32> -> vector<2000x256xf32>
    %convert_element_type3A_190 = arith.truncf %concatenate3A_189 : vector<2000x256xf32> to vector<2000x256xbf16>
    %get3A_191 = arith.constant 0 : index
    %get3A_192 = arith.constant 0 : index
    %get3A_193 = vector.load %arg3[%get3A_191, %get3A_192] : memref<768x256xbf16, #tpu.memory_space<vmem>>, vector<768x256xbf16>
    %dot_general3A_194 = arith.constant dense<0.000000e+00> : vector<2000x768xf32>
    %dot_general3A_195 = tpu.matmul %convert_element_type3A_190, %get3A_193, %dot_general3A_194 {dimension_numbers = #tpu.dot_dimension_numbers<[1], [1], [0], [0], [0, 0, 1, 0], [], []>, transpose_lhs_hint = false} : vector<2000x256xbf16>, vector<768x256xbf16>, vector<2000x768xf32> -> vector<2000x768xf32>
    %get3A_196 = arith.constant 0 : index
    %get3A_197 = arith.constant 0 : index
    %get3A_198 = vector.load %arg4[%get3A_196, %get3A_197] : memref<1x768xf32, #tpu.memory_space<vmem>>, vector<1x768xf32>
    %add3A_199 = vector.broadcast %get3A_198 : vector<1x768xf32> to vector<2000x768xf32>
    %add3A_200 = arith.addf %dot_general3A_195, %add3A_199 : vector<2000x768xf32>
    %convert_element_type3A_201 = arith.truncf %add3A_173 : vector<2000x256xf32> to vector<2000x256xbf16>
    %get3A_202 = arith.constant 0 : index
    %get3A_203 = arith.constant 0 : index
    %get3A_204 = vector.load %arg5[%get3A_202, %get3A_203] : memref<768x256xbf16, #tpu.memory_space<vmem>>, vector<768x256xbf16>
    %dot_general3A_205 = arith.constant dense<0.000000e+00> : vector<2000x768xf32>
    %dot_general3A_206 = tpu.matmul %convert_element_type3A_201, %get3A_204, %dot_general3A_205 {dimension_numbers = #tpu.dot_dimension_numbers<[1], [1], [0], [0], [0, 0, 1, 0], [], []>, transpose_lhs_hint = false} : vector<2000x256xbf16>, vector<768x256xbf16>, vector<2000x768xf32> -> vector<2000x768xf32>
    %get3A_207 = arith.constant 0 : index
    %get3A_208 = arith.constant 0 : index
    %get3A_209 = vector.load %arg6[%get3A_207, %get3A_208] : memref<1x768xf32, #tpu.memory_space<vmem>>, vector<1x768xf32>
    %add3A_210 = vector.broadcast %get3A_209 : vector<1x768xf32> to vector<2000x768xf32>
    %add3A_211 = arith.addf %dot_general3A_206, %add3A_210 : vector<2000x768xf32>
    %slice3A_212 = vector.extract_strided_slice %add3A_200 {offsets = [0, 0], sizes = [2000, 512], strides = [1, 1]} : vector<2000x768xf32> to vector<2000x512xf32>
    %slice3A_213 = vector.extract_strided_slice %add3A_211 {offsets = [0, 0], sizes = [2000, 512], strides = [1, 1]} : vector<2000x768xf32> to vector<2000x512xf32>
    %add3A_214 = arith.addf %slice3A_212, %slice3A_213 : vector<2000x512xf32>
    %mul3A_215 = arith.constant 5.000000e-01 : f32
    %mul3A_216 = vector.broadcast %mul3A_215 : f32 to vector<2000x512xf32>
    %mul3A_217 = arith.mulf %mul3A_216, %add3A_214 : vector<2000x512xf32>
    %tanh3A_218 = math.tanh %mul3A_217 : vector<2000x512xf32>
    %mul3A_219 = arith.constant 5.000000e-01 : f32
    %mul3A_220 = vector.broadcast %mul3A_219 : f32 to vector<2000x512xf32>
    %mul3A_221 = arith.mulf %mul3A_220, %tanh3A_218 : vector<2000x512xf32>
    %add3A_222 = arith.constant 5.000000e-01 : f32
    %add3A_223 = vector.broadcast %add3A_222 : f32 to vector<2000x512xf32>
    %add3A_224 = arith.addf %mul3A_221, %add3A_223 : vector<2000x512xf32>
    %slice3A_225 = vector.extract_strided_slice %add3A_224 {offsets = [0, 0], sizes = [2000, 256], strides = [1, 1]} : vector<2000x512xf32> to vector<2000x256xf32>
    %slice3A_226 = vector.extract_strided_slice %add3A_224 {offsets = [0, 256], sizes = [2000, 256], strides = [1, 1]} : vector<2000x512xf32> to vector<2000x256xf32>
    %slice3A_227 = vector.extract_strided_slice %add3A_200 {offsets = [0, 512], sizes = [2000, 256], strides = [1, 1]} : vector<2000x768xf32> to vector<2000x256xf32>
    %slice3A_228 = vector.extract_strided_slice %add3A_211 {offsets = [0, 512], sizes = [2000, 256], strides = [1, 1]} : vector<2000x768xf32> to vector<2000x256xf32>
    %mul3A_229 = arith.mulf %slice3A_225, %slice3A_228 : vector<2000x256xf32>
    %add3A_230 = arith.addf %slice3A_227, %mul3A_229 : vector<2000x256xf32>
    %tanh3A_231 = math.tanh %add3A_230 : vector<2000x256xf32>
    %sub3A_232 = arith.subf %add3A_173, %tanh3A_231 : vector<2000x256xf32>
    %mul3A_233 = arith.mulf %slice3A_226, %sub3A_232 : vector<2000x256xf32>
    %add3A_234 = arith.addf %mul3A_233, %tanh3A_231 : vector<2000x256xf32>
    %swap3A = arith.constant 0 : index
    %swap3A_235 = arith.constant 0 : index
    %swap3A_236 = vector.load %arg7[%swap3A, %swap3A_235] : memref<2000x256xf32, #tpu.memory_space<vmem>>, vector<2000x256xf32>
    tpu.vector_store %arg7[%swap3A, %swap3A_235], %add3A_234 {strides = array<i32>} : memref<2000x256xf32, #tpu.memory_space<vmem>>, vector<2000x256xf32>,
    return
  }
  func.func @transform_0(%arg0: i32) -> (i32, i32, i32) {
    %c0_i32 = arith.constant 0 : i32
    %c0_i32_0 = arith.constant 0 : i32
    %c0_i32_1 = arith.constant 0 : i32
    return %c0_i32, %arg0, %c0_i32_0 : i32, i32, i32
  }
  func.func @transform_1(%arg0: i32) -> (i32, i32) {
    %c0_i32 = arith.constant 0 : i32
    %c0_i32_0 = arith.constant 0 : i32
    return %arg0, %c0_i32 : i32, i32
  }
  func.func @transform_2(%arg0: i32) -> (i32, i32) {
    %c0_i32 = arith.constant 0 : i32
    %c0_i32_0 = arith.constant 0 : i32
    %c0_i32_1 = arith.constant 0 : i32
    return %c0_i32, %c0_i32_0 : i32, i32
  }
  func.func @transform_3(%arg0: i32) -> (i32, i32) {
    %c0_i32 = arith.constant 0 : i32
    %c0_i32_0 = arith.constant 0 : i32
    %c0_i32_1 = arith.constant 0 : i32
    return %c0_i32, %c0_i32_0 : i32, i32
  }
  func.func @transform_4(%arg0: i32) -> (i32, i32) {
    %c0_i32 = arith.constant 0 : i32
    %c0_i32_0 = arith.constant 0 : i32
    %c0_i32_1 = arith.constant 0 : i32
    return %c0_i32, %c0_i32_0 : i32, i32
  }
  func.func @transform_5(%arg0: i32) -> (i32, i32) {
    %c0_i32 = arith.constant 0 : i32
    %c0_i32_0 = arith.constant 0 : i32
    %c0_i32_1 = arith.constant 0 : i32
    return %c0_i32, %c0_i32_0 : i32, i32
  }
  func.func @transform_6(%arg0: i32) -> (i32, i32) {
    %c0_i32 = arith.constant 0 : i32
    %c0_i32_0 = arith.constant 0 : i32
    return %arg0, %c0_i32 : i32, i32
  }
}

module attributes {stable_mosaic.version = 14 : i64} {
  func.func @_gru2_body(%arg0: i32, %arg1: memref<4x2000x128xi32, #tpu.memory_space<vmem>>, %arg2: memref<2000x256xf32, #tpu.memory_space<vmem>>, %arg3: memref<2000x256xbf16, #tpu.memory_space<vmem>>, %arg4: memref<768x256xbf16, #tpu.memory_space<vmem>>, %arg5: memref<1x768xf32, #tpu.memory_space<vmem>>, %arg6: memref<768x256xbf16, #tpu.memory_space<vmem>>, %arg7: memref<1x768xf32, #tpu.memory_space<vmem>>, %arg8: memref<256x256xbf16, #tpu.memory_space<vmem>>, %arg9: memref<1x256xf32, #tpu.memory_space<vmem>>, %arg10: memref<256x256xbf16, #tpu.memory_space<vmem>>, %arg11: memref<2000x256xf32, #tpu.memory_space<vmem>>) attributes {dimension_semantics = [#tpu.dimension_semantics<arbitrary>], iteration_bounds = array<i64: 5>, scalar_prefetch = 0 : i64, scratch_operands = 0 : i64, tpu.core_type = #tpu.core_type<tc>, window_params = [{transform_indices = @transform_0, window_bounds = array<i64: 4, 2000, 128>}, {transform_indices = @transform_1, window_bounds = array<i64: 2000, 256>}, {transform_indices = @transform_2, window_bounds = array<i64: 2000, 256>}, {pipeline_mode = #tpu.pipeline_mode<synchronous>, transform_indices = @transform_3, window_bounds = array<i64: 768, 256>}, {pipeline_mode = #tpu.pipeline_mode<synchronous>, transform_indices = @transform_4, window_bounds = array<i64: 1, 768>}, {pipeline_mode = #tpu.pipeline_mode<synchronous>, transform_indices = @transform_5, window_bounds = array<i64: 768, 256>}, {pipeline_mode = #tpu.pipeline_mode<synchronous>, transform_indices = @transform_6, window_bounds = array<i64: 1, 768>}, {pipeline_mode = #tpu.pipeline_mode<synchronous>, transform_indices = @transform_7, window_bounds = array<i64: 256, 256>}, {pipeline_mode = #tpu.pipeline_mode<synchronous>, transform_indices = @transform_8, window_bounds = array<i64: 1, 256>}, {pipeline_mode = #tpu.pipeline_mode<synchronous>, transform_indices = @transform_9, window_bounds = array<i64: 256, 256>}, {transform_indices = @transform_10, window_bounds = array<i64: 2000, 256>}]} {
    %get3A = arith.constant 0 : index
    %get3A_0 = arith.constant 0 : index
    %get3A_1 = vector.load %arg2[%get3A, %get3A_0] : memref<2000x256xf32, #tpu.memory_space<vmem>>, vector<2000x256xf32>
    %get3A_2 = arith.constant 0 : index
    %get3A_3 = arith.constant 0 : index
    %get3A_4 = arith.constant 0 : index
    %get3A_5 = vector.load %arg1[%get3A_2, %get3A_3, %get3A_4] : memref<4x2000x128xi32, #tpu.memory_space<vmem>>, vector<1x2000x128xi32>
    %get3A_6 = vector.shape_cast %get3A_5 : vector<1x2000x128xi32> to vector<2000x128xi32>
    %unpack_elementwise3A = tpu.unpack_elementwise %get3A_6, 0 {source_type = i16} : vector<2000x128xi32> -> vector<2000x128xi32>
    %unpack_elementwise3A_7 = tpu.unpack_elementwise %get3A_6, 1 {source_type = i16} : vector<2000x128xi32> -> vector<2000x128xi32>
    %shift_left3A = arith.constant 16 : i32
    %shift_left3A_8 = vector.broadcast %shift_left3A : i32 to vector<2000x128xi32>
    %shift_left3A_9 = arith.shli %unpack_elementwise3A, %shift_left3A_8 : vector<2000x128xi32>
    %bitcast_convert_type3A = tpu.bitcast %shift_left3A_9 : vector<2000x128xi32> -> vector<2000x128xf32>
    %shift_left3A_10 = arith.constant 16 : i32
    %shift_left3A_11 = vector.broadcast %shift_left3A_10 : i32 to vector<2000x128xi32>
    %shift_left3A_12 = arith.shli %unpack_elementwise3A_7, %shift_left3A_11 : vector<2000x128xi32>
    %bitcast_convert_type3A_13 = tpu.bitcast %shift_left3A_12 : vector<2000x128xi32> -> vector<2000x128xf32>
    %concatenate3A = tpu.concatenate %bitcast_convert_type3A, %bitcast_convert_type3A_13 in 1 : vector<2000x128xf32>, vector<2000x128xf32> -> vector<2000x256xf32>
    %convert_element_type3A = arith.truncf %concatenate3A : vector<2000x256xf32> to vector<2000x256xbf16>
    %get3A_14 = arith.constant 0 : index
    %get3A_15 = arith.constant 0 : index
    %get3A_16 = vector.load %arg4[%get3A_14, %get3A_15] : memref<768x256xbf16, #tpu.memory_space<vmem>>, vector<768x256xbf16>
    %dot_general3A = arith.constant dense<0.000000e+00> : vector<2000x768xf32>
    %dot_general3A_17 = tpu.matmul %convert_element_type3A, %get3A_16, %dot_general3A {dimension_numbers = #tpu.dot_dimension_numbers<[1], [1], [0], [0], [0, 0, 1, 0], [], []>, transpose_lhs_hint = false} : vector<2000x256xbf16>, vector<768x256xbf16>, vector<2000x768xf32> -> vector<2000x768xf32>
    %get3A_18 = arith.constant 0 : index
    %get3A_19 = arith.constant 0 : index
    %get3A_20 = vector.load %arg5[%get3A_18, %get3A_19] : memref<1x768xf32, #tpu.memory_space<vmem>>, vector<1x768xf32>
    %add3A = vector.broadcast %get3A_20 : vector<1x768xf32> to vector<2000x768xf32>
    %add3A_21 = arith.addf %dot_general3A_17, %add3A : vector<2000x768xf32>
    %convert_element_type3A_22 = arith.truncf %get3A_1 : vector<2000x256xf32> to vector<2000x256xbf16>
    %get3A_23 = arith.constant 0 : index
    %get3A_24 = arith.constant 0 : index
    %get3A_25 = vector.load %arg6[%get3A_23, %get3A_24] : memref<768x256xbf16, #tpu.memory_space<vmem>>, vector<768x256xbf16>
    %dot_general3A_26 = arith.constant dense<0.000000e+00> : vector<2000x768xf32>
    %dot_general3A_27 = tpu.matmul %convert_element_type3A_22, %get3A_25, %dot_general3A_26 {dimension_numbers = #tpu.dot_dimension_numbers<[1], [1], [0], [0], [0, 0, 1, 0], [], []>, transpose_lhs_hint = false} : vector<2000x256xbf16>, vector<768x256xbf16>, vector<2000x768xf32> -> vector<2000x768xf32>
    %get3A_28 = arith.constant 0 : index
    %get3A_29 = arith.constant 0 : index
    %get3A_30 = vector.load %arg7[%get3A_28, %get3A_29] : memref<1x768xf32, #tpu.memory_space<vmem>>, vector<1x768xf32>
    %add3A_31 = vector.broadcast %get3A_30 : vector<1x768xf32> to vector<2000x768xf32>
    %add3A_32 = arith.addf %dot_general3A_27, %add3A_31 : vector<2000x768xf32>
    %slice3A = vector.extract_strided_slice %add3A_21 {offsets = [0, 0], sizes = [2000, 512], strides = [1, 1]} : vector<2000x768xf32> to vector<2000x512xf32>
    %slice3A_33 = vector.extract_strided_slice %add3A_32 {offsets = [0, 0], sizes = [2000, 512], strides = [1, 1]} : vector<2000x768xf32> to vector<2000x512xf32>
    %add3A_34 = arith.addf %slice3A, %slice3A_33 : vector<2000x512xf32>
    %mul3A = arith.constant 5.000000e-01 : f32
    %mul3A_35 = vector.broadcast %mul3A : f32 to vector<2000x512xf32>
    %mul3A_36 = arith.mulf %mul3A_35, %add3A_34 : vector<2000x512xf32>
    %tanh3A = math.tanh %mul3A_36 : vector<2000x512xf32>
    %mul3A_37 = arith.constant 5.000000e-01 : f32
    %mul3A_38 = vector.broadcast %mul3A_37 : f32 to vector<2000x512xf32>
    %mul3A_39 = arith.mulf %mul3A_38, %tanh3A : vector<2000x512xf32>
    %add3A_40 = arith.constant 5.000000e-01 : f32
    %add3A_41 = vector.broadcast %add3A_40 : f32 to vector<2000x512xf32>
    %add3A_42 = arith.addf %mul3A_39, %add3A_41 : vector<2000x512xf32>
    %slice3A_43 = vector.extract_strided_slice %add3A_42 {offsets = [0, 0], sizes = [2000, 256], strides = [1, 1]} : vector<2000x512xf32> to vector<2000x256xf32>
    %slice3A_44 = vector.extract_strided_slice %add3A_42 {offsets = [0, 256], sizes = [2000, 256], strides = [1, 1]} : vector<2000x512xf32> to vector<2000x256xf32>
    %slice3A_45 = vector.extract_strided_slice %add3A_21 {offsets = [0, 512], sizes = [2000, 256], strides = [1, 1]} : vector<2000x768xf32> to vector<2000x256xf32>
    %slice3A_46 = vector.extract_strided_slice %add3A_32 {offsets = [0, 512], sizes = [2000, 256], strides = [1, 1]} : vector<2000x768xf32> to vector<2000x256xf32>
    %mul3A_47 = arith.mulf %slice3A_43, %slice3A_46 : vector<2000x256xf32>
    %add3A_48 = arith.addf %slice3A_45, %mul3A_47 : vector<2000x256xf32>
    %tanh3A_49 = math.tanh %add3A_48 : vector<2000x256xf32>
    %sub3A = arith.subf %get3A_1, %tanh3A_49 : vector<2000x256xf32>
    %mul3A_50 = arith.mulf %slice3A_44, %sub3A : vector<2000x256xf32>
    %add3A_51 = arith.addf %mul3A_50, %tanh3A_49 : vector<2000x256xf32>
    %get3A_52 = arith.constant 1 : index
    %get3A_53 = arith.constant 0 : index
    %get3A_54 = arith.constant 0 : index
    %get3A_55 = vector.load %arg1[%get3A_52, %get3A_53, %get3A_54] : memref<4x2000x128xi32, #tpu.memory_space<vmem>>, vector<1x2000x128xi32>
    %get3A_56 = vector.shape_cast %get3A_55 : vector<1x2000x128xi32> to vector<2000x128xi32>
    %unpack_elementwise3A_57 = tpu.unpack_elementwise %get3A_56, 0 {source_type = i16} : vector<2000x128xi32> -> vector<2000x128xi32>
    %unpack_elementwise3A_58 = tpu.unpack_elementwise %get3A_56, 1 {source_type = i16} : vector<2000x128xi32> -> vector<2000x128xi32>
    %shift_left3A_59 = arith.constant 16 : i32
    %shift_left3A_60 = vector.broadcast %shift_left3A_59 : i32 to vector<2000x128xi32>
    %shift_left3A_61 = arith.shli %unpack_elementwise3A_57, %shift_left3A_60 : vector<2000x128xi32>
    %bitcast_convert_type3A_62 = tpu.bitcast %shift_left3A_61 : vector<2000x128xi32> -> vector<2000x128xf32>
    %shift_left3A_63 = arith.constant 16 : i32
    %shift_left3A_64 = vector.broadcast %shift_left3A_63 : i32 to vector<2000x128xi32>
    %shift_left3A_65 = arith.shli %unpack_elementwise3A_58, %shift_left3A_64 : vector<2000x128xi32>
    %bitcast_convert_type3A_66 = tpu.bitcast %shift_left3A_65 : vector<2000x128xi32> -> vector<2000x128xf32>
    %concatenate3A_67 = tpu.concatenate %bitcast_convert_type3A_62, %bitcast_convert_type3A_66 in 1 : vector<2000x128xf32>, vector<2000x128xf32> -> vector<2000x256xf32>
    %convert_element_type3A_68 = arith.truncf %concatenate3A_67 : vector<2000x256xf32> to vector<2000x256xbf16>
    %get3A_69 = arith.constant 0 : index
    %get3A_70 = arith.constant 0 : index
    %get3A_71 = vector.load %arg4[%get3A_69, %get3A_70] : memref<768x256xbf16, #tpu.memory_space<vmem>>, vector<768x256xbf16>
    %dot_general3A_72 = arith.constant dense<0.000000e+00> : vector<2000x768xf32>
    %dot_general3A_73 = tpu.matmul %convert_element_type3A_68, %get3A_71, %dot_general3A_72 {dimension_numbers = #tpu.dot_dimension_numbers<[1], [1], [0], [0], [0, 0, 1, 0], [], []>, transpose_lhs_hint = false} : vector<2000x256xbf16>, vector<768x256xbf16>, vector<2000x768xf32> -> vector<2000x768xf32>
    %get3A_74 = arith.constant 0 : index
    %get3A_75 = arith.constant 0 : index
    %get3A_76 = vector.load %arg5[%get3A_74, %get3A_75] : memref<1x768xf32, #tpu.memory_space<vmem>>, vector<1x768xf32>
    %add3A_77 = vector.broadcast %get3A_76 : vector<1x768xf32> to vector<2000x768xf32>
    %add3A_78 = arith.addf %dot_general3A_73, %add3A_77 : vector<2000x768xf32>
    %convert_element_type3A_79 = arith.truncf %add3A_51 : vector<2000x256xf32> to vector<2000x256xbf16>
    %get3A_80 = arith.constant 0 : index
    %get3A_81 = arith.constant 0 : index
    %get3A_82 = vector.load %arg6[%get3A_80, %get3A_81] : memref<768x256xbf16, #tpu.memory_space<vmem>>, vector<768x256xbf16>
    %dot_general3A_83 = arith.constant dense<0.000000e+00> : vector<2000x768xf32>
    %dot_general3A_84 = tpu.matmul %convert_element_type3A_79, %get3A_82, %dot_general3A_83 {dimension_numbers = #tpu.dot_dimension_numbers<[1], [1], [0], [0], [0, 0, 1, 0], [], []>, transpose_lhs_hint = false} : vector<2000x256xbf16>, vector<768x256xbf16>, vector<2000x768xf32> -> vector<2000x768xf32>
    %get3A_85 = arith.constant 0 : index
    %get3A_86 = arith.constant 0 : index
    %get3A_87 = vector.load %arg7[%get3A_85, %get3A_86] : memref<1x768xf32, #tpu.memory_space<vmem>>, vector<1x768xf32>
    %add3A_88 = vector.broadcast %get3A_87 : vector<1x768xf32> to vector<2000x768xf32>
    %add3A_89 = arith.addf %dot_general3A_84, %add3A_88 : vector<2000x768xf32>
    %slice3A_90 = vector.extract_strided_slice %add3A_78 {offsets = [0, 0], sizes = [2000, 512], strides = [1, 1]} : vector<2000x768xf32> to vector<2000x512xf32>
    %slice3A_91 = vector.extract_strided_slice %add3A_89 {offsets = [0, 0], sizes = [2000, 512], strides = [1, 1]} : vector<2000x768xf32> to vector<2000x512xf32>
    %add3A_92 = arith.addf %slice3A_90, %slice3A_91 : vector<2000x512xf32>
    %mul3A_93 = arith.constant 5.000000e-01 : f32
    %mul3A_94 = vector.broadcast %mul3A_93 : f32 to vector<2000x512xf32>
    %mul3A_95 = arith.mulf %mul3A_94, %add3A_92 : vector<2000x512xf32>
    %tanh3A_96 = math.tanh %mul3A_95 : vector<2000x512xf32>
    %mul3A_97 = arith.constant 5.000000e-01 : f32
    %mul3A_98 = vector.broadcast %mul3A_97 : f32 to vector<2000x512xf32>
    %mul3A_99 = arith.mulf %mul3A_98, %tanh3A_96 : vector<2000x512xf32>
    %add3A_100 = arith.constant 5.000000e-01 : f32
    %add3A_101 = vector.broadcast %add3A_100 : f32 to vector<2000x512xf32>
    %add3A_102 = arith.addf %mul3A_99, %add3A_101 : vector<2000x512xf32>
    %slice3A_103 = vector.extract_strided_slice %add3A_102 {offsets = [0, 0], sizes = [2000, 256], strides = [1, 1]} : vector<2000x512xf32> to vector<2000x256xf32>
    %slice3A_104 = vector.extract_strided_slice %add3A_102 {offsets = [0, 256], sizes = [2000, 256], strides = [1, 1]} : vector<2000x512xf32> to vector<2000x256xf32>
    %slice3A_105 = vector.extract_strided_slice %add3A_78 {offsets = [0, 512], sizes = [2000, 256], strides = [1, 1]} : vector<2000x768xf32> to vector<2000x256xf32>
    %slice3A_106 = vector.extract_strided_slice %add3A_89 {offsets = [0, 512], sizes = [2000, 256], strides = [1, 1]} : vector<2000x768xf32> to vector<2000x256xf32>
    %mul3A_107 = arith.mulf %slice3A_103, %slice3A_106 : vector<2000x256xf32>
    %add3A_108 = arith.addf %slice3A_105, %mul3A_107 : vector<2000x256xf32>
    %tanh3A_109 = math.tanh %add3A_108 : vector<2000x256xf32>
    %sub3A_110 = arith.subf %add3A_51, %tanh3A_109 : vector<2000x256xf32>
    %mul3A_111 = arith.mulf %slice3A_104, %sub3A_110 : vector<2000x256xf32>
    %add3A_112 = arith.addf %mul3A_111, %tanh3A_109 : vector<2000x256xf32>
    %get3A_113 = arith.constant 2 : index
    %get3A_114 = arith.constant 0 : index
    %get3A_115 = arith.constant 0 : index
    %get3A_116 = vector.load %arg1[%get3A_113, %get3A_114, %get3A_115] : memref<4x2000x128xi32, #tpu.memory_space<vmem>>, vector<1x2000x128xi32>
    %get3A_117 = vector.shape_cast %get3A_116 : vector<1x2000x128xi32> to vector<2000x128xi32>
    %unpack_elementwise3A_118 = tpu.unpack_elementwise %get3A_117, 0 {source_type = i16} : vector<2000x128xi32> -> vector<2000x128xi32>
    %unpack_elementwise3A_119 = tpu.unpack_elementwise %get3A_117, 1 {source_type = i16} : vector<2000x128xi32> -> vector<2000x128xi32>
    %shift_left3A_120 = arith.constant 16 : i32
    %shift_left3A_121 = vector.broadcast %shift_left3A_120 : i32 to vector<2000x128xi32>
    %shift_left3A_122 = arith.shli %unpack_elementwise3A_118, %shift_left3A_121 : vector<2000x128xi32>
    %bitcast_convert_type3A_123 = tpu.bitcast %shift_left3A_122 : vector<2000x128xi32> -> vector<2000x128xf32>
    %shift_left3A_124 = arith.constant 16 : i32
    %shift_left3A_125 = vector.broadcast %shift_left3A_124 : i32 to vector<2000x128xi32>
    %shift_left3A_126 = arith.shli %unpack_elementwise3A_119, %shift_left3A_125 : vector<2000x128xi32>
    %bitcast_convert_type3A_127 = tpu.bitcast %shift_left3A_126 : vector<2000x128xi32> -> vector<2000x128xf32>
    %concatenate3A_128 = tpu.concatenate %bitcast_convert_type3A_123, %bitcast_convert_type3A_127 in 1 : vector<2000x128xf32>, vector<2000x128xf32> -> vector<2000x256xf32>
    %convert_element_type3A_129 = arith.truncf %concatenate3A_128 : vector<2000x256xf32> to vector<2000x256xbf16>
    %get3A_130 = arith.constant 0 : index
    %get3A_131 = arith.constant 0 : index
    %get3A_132 = vector.load %arg4[%get3A_130, %get3A_131] : memref<768x256xbf16, #tpu.memory_space<vmem>>, vector<768x256xbf16>
    %dot_general3A_133 = arith.constant dense<0.000000e+00> : vector<2000x768xf32>
    %dot_general3A_134 = tpu.matmul %convert_element_type3A_129, %get3A_132, %dot_general3A_133 {dimension_numbers = #tpu.dot_dimension_numbers<[1], [1], [0], [0], [0, 0, 1, 0], [], []>, transpose_lhs_hint = false} : vector<2000x256xbf16>, vector<768x256xbf16>, vector<2000x768xf32> -> vector<2000x768xf32>
    %get3A_135 = arith.constant 0 : index
    %get3A_136 = arith.constant 0 : index
    %get3A_137 = vector.load %arg5[%get3A_135, %get3A_136] : memref<1x768xf32, #tpu.memory_space<vmem>>, vector<1x768xf32>
    %add3A_138 = vector.broadcast %get3A_137 : vector<1x768xf32> to vector<2000x768xf32>
    %add3A_139 = arith.addf %dot_general3A_134, %add3A_138 : vector<2000x768xf32>
    %convert_element_type3A_140 = arith.truncf %add3A_112 : vector<2000x256xf32> to vector<2000x256xbf16>
    %get3A_141 = arith.constant 0 : index
    %get3A_142 = arith.constant 0 : index
    %get3A_143 = vector.load %arg6[%get3A_141, %get3A_142] : memref<768x256xbf16, #tpu.memory_space<vmem>>, vector<768x256xbf16>
    %dot_general3A_144 = arith.constant dense<0.000000e+00> : vector<2000x768xf32>
    %dot_general3A_145 = tpu.matmul %convert_element_type3A_140, %get3A_143, %dot_general3A_144 {dimension_numbers = #tpu.dot_dimension_numbers<[1], [1], [0], [0], [0, 0, 1, 0], [], []>, transpose_lhs_hint = false} : vector<2000x256xbf16>, vector<768x256xbf16>, vector<2000x768xf32> -> vector<2000x768xf32>
    %get3A_146 = arith.constant 0 : index
    %get3A_147 = arith.constant 0 : index
    %get3A_148 = vector.load %arg7[%get3A_146, %get3A_147] : memref<1x768xf32, #tpu.memory_space<vmem>>, vector<1x768xf32>
    %add3A_149 = vector.broadcast %get3A_148 : vector<1x768xf32> to vector<2000x768xf32>
    %add3A_150 = arith.addf %dot_general3A_145, %add3A_149 : vector<2000x768xf32>
    %slice3A_151 = vector.extract_strided_slice %add3A_139 {offsets = [0, 0], sizes = [2000, 512], strides = [1, 1]} : vector<2000x768xf32> to vector<2000x512xf32>
    %slice3A_152 = vector.extract_strided_slice %add3A_150 {offsets = [0, 0], sizes = [2000, 512], strides = [1, 1]} : vector<2000x768xf32> to vector<2000x512xf32>
    %add3A_153 = arith.addf %slice3A_151, %slice3A_152 : vector<2000x512xf32>
    %mul3A_154 = arith.constant 5.000000e-01 : f32
    %mul3A_155 = vector.broadcast %mul3A_154 : f32 to vector<2000x512xf32>
    %mul3A_156 = arith.mulf %mul3A_155, %add3A_153 : vector<2000x512xf32>
    %tanh3A_157 = math.tanh %mul3A_156 : vector<2000x512xf32>
    %mul3A_158 = arith.constant 5.000000e-01 : f32
    %mul3A_159 = vector.broadcast %mul3A_158 : f32 to vector<2000x512xf32>
    %mul3A_160 = arith.mulf %mul3A_159, %tanh3A_157 : vector<2000x512xf32>
    %add3A_161 = arith.constant 5.000000e-01 : f32
    %add3A_162 = vector.broadcast %add3A_161 : f32 to vector<2000x512xf32>
    %add3A_163 = arith.addf %mul3A_160, %add3A_162 : vector<2000x512xf32>
    %slice3A_164 = vector.extract_strided_slice %add3A_163 {offsets = [0, 0], sizes = [2000, 256], strides = [1, 1]} : vector<2000x512xf32> to vector<2000x256xf32>
    %slice3A_165 = vector.extract_strided_slice %add3A_163 {offsets = [0, 256], sizes = [2000, 256], strides = [1, 1]} : vector<2000x512xf32> to vector<2000x256xf32>
    %slice3A_166 = vector.extract_strided_slice %add3A_139 {offsets = [0, 512], sizes = [2000, 256], strides = [1, 1]} : vector<2000x768xf32> to vector<2000x256xf32>
    %slice3A_167 = vector.extract_strided_slice %add3A_150 {offsets = [0, 512], sizes = [2000, 256], strides = [1, 1]} : vector<2000x768xf32> to vector<2000x256xf32>
    %mul3A_168 = arith.mulf %slice3A_164, %slice3A_167 : vector<2000x256xf32>
    %add3A_169 = arith.addf %slice3A_166, %mul3A_168 : vector<2000x256xf32>
    %tanh3A_170 = math.tanh %add3A_169 : vector<2000x256xf32>
    %sub3A_171 = arith.subf %add3A_112, %tanh3A_170 : vector<2000x256xf32>
    %mul3A_172 = arith.mulf %slice3A_165, %sub3A_171 : vector<2000x256xf32>
    %add3A_173 = arith.addf %mul3A_172, %tanh3A_170 : vector<2000x256xf32>
    %get3A_174 = arith.constant 3 : index
    %get3A_175 = arith.constant 0 : index
    %get3A_176 = arith.constant 0 : index
    %get3A_177 = vector.load %arg1[%get3A_174, %get3A_175, %get3A_176] : memref<4x2000x128xi32, #tpu.memory_space<vmem>>, vector<1x2000x128xi32>
    %get3A_178 = vector.shape_cast %get3A_177 : vector<1x2000x128xi32> to vector<2000x128xi32>
    %unpack_elementwise3A_179 = tpu.unpack_elementwise %get3A_178, 0 {source_type = i16} : vector<2000x128xi32> -> vector<2000x128xi32>
    %unpack_elementwise3A_180 = tpu.unpack_elementwise %get3A_178, 1 {source_type = i16} : vector<2000x128xi32> -> vector<2000x128xi32>
    %shift_left3A_181 = arith.constant 16 : i32
    %shift_left3A_182 = vector.broadcast %shift_left3A_181 : i32 to vector<2000x128xi32>
    %shift_left3A_183 = arith.shli %unpack_elementwise3A_179, %shift_left3A_182 : vector<2000x128xi32>
    %bitcast_convert_type3A_184 = tpu.bitcast %shift_left3A_183 : vector<2000x128xi32> -> vector<2000x128xf32>
    %shift_left3A_185 = arith.constant 16 : i32
    %shift_left3A_186 = vector.broadcast %shift_left3A_185 : i32 to vector<2000x128xi32>
    %shift_left3A_187 = arith.shli %unpack_elementwise3A_180, %shift_left3A_186 : vector<2000x128xi32>
    %bitcast_convert_type3A_188 = tpu.bitcast %shift_left3A_187 : vector<2000x128xi32> -> vector<2000x128xf32>
    %concatenate3A_189 = tpu.concatenate %bitcast_convert_type3A_184, %bitcast_convert_type3A_188 in 1 : vector<2000x128xf32>, vector<2000x128xf32> -> vector<2000x256xf32>
    %convert_element_type3A_190 = arith.truncf %concatenate3A_189 : vector<2000x256xf32> to vector<2000x256xbf16>
    %get3A_191 = arith.constant 0 : index
    %get3A_192 = arith.constant 0 : index
    %get3A_193 = vector.load %arg4[%get3A_191, %get3A_192] : memref<768x256xbf16, #tpu.memory_space<vmem>>, vector<768x256xbf16>
    %dot_general3A_194 = arith.constant dense<0.000000e+00> : vector<2000x768xf32>
    %dot_general3A_195 = tpu.matmul %convert_element_type3A_190, %get3A_193, %dot_general3A_194 {dimension_numbers = #tpu.dot_dimension_numbers<[1], [1], [0], [0], [0, 0, 1, 0], [], []>, transpose_lhs_hint = false} : vector<2000x256xbf16>, vector<768x256xbf16>, vector<2000x768xf32> -> vector<2000x768xf32>
    %get3A_196 = arith.constant 0 : index
    %get3A_197 = arith.constant 0 : index
    %get3A_198 = vector.load %arg5[%get3A_196, %get3A_197] : memref<1x768xf32, #tpu.memory_space<vmem>>, vector<1x768xf32>
    %add3A_199 = vector.broadcast %get3A_198 : vector<1x768xf32> to vector<2000x768xf32>
    %add3A_200 = arith.addf %dot_general3A_195, %add3A_199 : vector<2000x768xf32>
    %convert_element_type3A_201 = arith.truncf %add3A_173 : vector<2000x256xf32> to vector<2000x256xbf16>
    %get3A_202 = arith.constant 0 : index
    %get3A_203 = arith.constant 0 : index
    %get3A_204 = vector.load %arg6[%get3A_202, %get3A_203] : memref<768x256xbf16, #tpu.memory_space<vmem>>, vector<768x256xbf16>
    %dot_general3A_205 = arith.constant dense<0.000000e+00> : vector<2000x768xf32>
    %dot_general3A_206 = tpu.matmul %convert_element_type3A_201, %get3A_204, %dot_general3A_205 {dimension_numbers = #tpu.dot_dimension_numbers<[1], [1], [0], [0], [0, 0, 1, 0], [], []>, transpose_lhs_hint = false} : vector<2000x256xbf16>, vector<768x256xbf16>, vector<2000x768xf32> -> vector<2000x768xf32>
    %get3A_207 = arith.constant 0 : index
    %get3A_208 = arith.constant 0 : index
    %get3A_209 = vector.load %arg7[%get3A_207, %get3A_208] : memref<1x768xf32, #tpu.memory_space<vmem>>, vector<1x768xf32>
    %add3A_210 = vector.broadcast %get3A_209 : vector<1x768xf32> to vector<2000x768xf32>
    %add3A_211 = arith.addf %dot_general3A_206, %add3A_210 : vector<2000x768xf32>
    %slice3A_212 = vector.extract_strided_slice %add3A_200 {offsets = [0, 0], sizes = [2000, 512], strides = [1, 1]} : vector<2000x768xf32> to vector<2000x512xf32>
    %slice3A_213 = vector.extract_strided_slice %add3A_211 {offsets = [0, 0], sizes = [2000, 512], strides = [1, 1]} : vector<2000x768xf32> to vector<2000x512xf32>
    %add3A_214 = arith.addf %slice3A_212, %slice3A_213 : vector<2000x512xf32>
    %mul3A_215 = arith.constant 5.000000e-01 : f32
    %mul3A_216 = vector.broadcast %mul3A_215 : f32 to vector<2000x512xf32>
    %mul3A_217 = arith.mulf %mul3A_216, %add3A_214 : vector<2000x512xf32>
    %tanh3A_218 = math.tanh %mul3A_217 : vector<2000x512xf32>
    %mul3A_219 = arith.constant 5.000000e-01 : f32
    %mul3A_220 = vector.broadcast %mul3A_219 : f32 to vector<2000x512xf32>
    %mul3A_221 = arith.mulf %mul3A_220, %tanh3A_218 : vector<2000x512xf32>
    %add3A_222 = arith.constant 5.000000e-01 : f32
    %add3A_223 = vector.broadcast %add3A_222 : f32 to vector<2000x512xf32>
    %add3A_224 = arith.addf %mul3A_221, %add3A_223 : vector<2000x512xf32>
    %slice3A_225 = vector.extract_strided_slice %add3A_224 {offsets = [0, 0], sizes = [2000, 256], strides = [1, 1]} : vector<2000x512xf32> to vector<2000x256xf32>
    %slice3A_226 = vector.extract_strided_slice %add3A_224 {offsets = [0, 256], sizes = [2000, 256], strides = [1, 1]} : vector<2000x512xf32> to vector<2000x256xf32>
    %slice3A_227 = vector.extract_strided_slice %add3A_200 {offsets = [0, 512], sizes = [2000, 256], strides = [1, 1]} : vector<2000x768xf32> to vector<2000x256xf32>
    %slice3A_228 = vector.extract_strided_slice %add3A_211 {offsets = [0, 512], sizes = [2000, 256], strides = [1, 1]} : vector<2000x768xf32> to vector<2000x256xf32>
    %mul3A_229 = arith.mulf %slice3A_225, %slice3A_228 : vector<2000x256xf32>
    %add3A_230 = arith.addf %slice3A_227, %mul3A_229 : vector<2000x256xf32>
    %tanh3A_231 = math.tanh %add3A_230 : vector<2000x256xf32>
    %sub3A_232 = arith.subf %add3A_173, %tanh3A_231 : vector<2000x256xf32>
    %mul3A_233 = arith.mulf %slice3A_226, %sub3A_232 : vector<2000x256xf32>
    %add3A_234 = arith.addf %mul3A_233, %tanh3A_231 : vector<2000x256xf32>
    %get3A_235 = arith.constant 0 : index
    %get3A_236 = arith.constant 0 : index
    %get3A_237 = vector.load %arg3[%get3A_235, %get3A_236] : memref<2000x256xbf16, #tpu.memory_space<vmem>>, vector<2000x256xbf16>
    %get3A_238 = arith.constant 0 : index
    %get3A_239 = arith.constant 0 : index
    %get3A_240 = vector.load %arg8[%get3A_238, %get3A_239] : memref<256x256xbf16, #tpu.memory_space<vmem>>, vector<256x256xbf16>
    %dot_general3A_241 = arith.constant dense<0.000000e+00> : vector<2000x256xf32>
    %dot_general3A_242 = tpu.matmul %get3A_237, %get3A_240, %dot_general3A_241 {dimension_numbers = #tpu.dot_dimension_numbers<[1], [1], [0], [0], [0, 0, 1, 0], [], []>, transpose_lhs_hint = false} : vector<2000x256xbf16>, vector<256x256xbf16>, vector<2000x256xf32> -> vector<2000x256xf32>
    %get3A_243 = arith.constant 0 : index
    %get3A_244 = arith.constant 0 : index
    %get3A_245 = vector.load %arg9[%get3A_243, %get3A_244] : memref<1x256xf32, #tpu.memory_space<vmem>>, vector<1x256xf32>
    %add3A_246 = vector.broadcast %get3A_245 : vector<1x256xf32> to vector<2000x256xf32>
    %add3A_247 = arith.addf %dot_general3A_242, %add3A_246 : vector<2000x256xf32>
    %convert_element_type3A_248 = arith.truncf %add3A_234 : vector<2000x256xf32> to vector<2000x256xbf16>
    %get3A_249 = arith.constant 0 : index
    %get3A_250 = arith.constant 0 : index
    %get3A_251 = vector.load %arg10[%get3A_249, %get3A_250] : memref<256x256xbf16, #tpu.memory_space<vmem>>, vector<256x256xbf16>
    %dot_general3A_252 = arith.constant dense<0.000000e+00> : vector<2000x256xf32>
    %dot_general3A_253 = tpu.matmul %convert_element_type3A_248, %get3A_251, %dot_general3A_252 {dimension_numbers = #tpu.dot_dimension_numbers<[1], [1], [0], [0], [0, 0, 1, 0], [], []>, transpose_lhs_hint = false} : vector<2000x256xbf16>, vector<256x256xbf16>, vector<2000x256xf32> -> vector<2000x256xf32>
    %add3A_254 = arith.addf %add3A_247, %dot_general3A_253 : vector<2000x256xf32>
    %swap3A = arith.constant 0 : index
    %swap3A_255 = arith.constant 0 : index
    %swap3A_256 = vector.load %arg11[%swap3A, %swap3A_255] : memref<2000x256xf32, #tpu.memory_space<vmem>>, vector<2000x256xf32>
    tpu.vector_store %arg11[%swap3A, %swap3A_255], %add3A_254 {strides = array<i32>} : memref<2000x256xf32, #tpu.memory_space<vmem>>, vector<2000x256xf32>,
    return
  }
  func.func @transform_0(%arg0: i32) -> (i32, i32, i32) {
    %c0_i32 = arith.constant 0 : i32
    %c0_i32_0 = arith.constant 0 : i32
    %c0_i32_1 = arith.constant 0 : i32
    return %c0_i32, %arg0, %c0_i32_0 : i32, i32, i32
  }
  func.func @transform_1(%arg0: i32) -> (i32, i32) {
    %c0_i32 = arith.constant 0 : i32
    %c0_i32_0 = arith.constant 0 : i32
    return %arg0, %c0_i32 : i32, i32
  }
  func.func @transform_2(%arg0: i32) -> (i32, i32) {
    %c0_i32 = arith.constant 0 : i32
    %c0_i32_0 = arith.constant 0 : i32
    return %arg0, %c0_i32 : i32, i32
  }
  func.func @transform_3(%arg0: i32) -> (i32, i32) {
    %c0_i32 = arith.constant 0 : i32
    %c0_i32_0 = arith.constant 0 : i32
    %c0_i32_1 = arith.constant 0 : i32
    return %c0_i32, %c0_i32_0 : i32, i32
  }
  func.func @transform_4(%arg0: i32) -> (i32, i32) {
    %c0_i32 = arith.constant 0 : i32
    %c0_i32_0 = arith.constant 0 : i32
    %c0_i32_1 = arith.constant 0 : i32
    return %c0_i32, %c0_i32_0 : i32, i32
  }
  func.func @transform_5(%arg0: i32) -> (i32, i32) {
    %c0_i32 = arith.constant 0 : i32
    %c0_i32_0 = arith.constant 0 : i32
    %c0_i32_1 = arith.constant 0 : i32
    return %c0_i32, %c0_i32_0 : i32, i32
  }
  func.func @transform_6(%arg0: i32) -> (i32, i32) {
    %c0_i32 = arith.constant 0 : i32
    %c0_i32_0 = arith.constant 0 : i32
    %c0_i32_1 = arith.constant 0 : i32
    return %c0_i32, %c0_i32_0 : i32, i32
  }
  func.func @transform_7(%arg0: i32) -> (i32, i32) {
    %c0_i32 = arith.constant 0 : i32
    %c0_i32_0 = arith.constant 0 : i32
    %c0_i32_1 = arith.constant 0 : i32
    return %c0_i32, %c0_i32_0 : i32, i32
  }
  func.func @transform_8(%arg0: i32) -> (i32, i32) {
    %c0_i32 = arith.constant 0 : i32
    %c0_i32_0 = arith.constant 0 : i32
    %c0_i32_1 = arith.constant 0 : i32
    return %c0_i32, %c0_i32_0 : i32, i32
  }
  func.func @transform_9(%arg0: i32) -> (i32, i32) {
    %c0_i32 = arith.constant 0 : i32
    %c0_i32_0 = arith.constant 0 : i32
    %c0_i32_1 = arith.constant 0 : i32
    return %c0_i32, %c0_i32_0 : i32, i32
  }
  func.func @transform_10(%arg0: i32) -> (i32, i32) {
    %c0_i32 = arith.constant 0 : i32
    %c0_i32_0 = arith.constant 0 : i32
    return %arg0, %c0_i32 : i32, i32
  }
}

</mosaic_0001>

<sc_bundles>
// kernel: kernel.11.cloned.1.call-start
scs
__scs_entry_jumppad:
0x0: {  	(pc) =	sbr.rel $0x88, $3  }
0x1: {  	(tag) =	ssettag $0x0;
	lr =	simm.s32 $0x1  }
0x2: {  	[smem:$0x3F97] =	sst lr;
	_ =	strace $0xD0000000  }
0x3: {  	_ = 	snop  }
0x4: {  	_ = 	snop  }
0x5: {  	_ = 	snop  }
0x6: {  	_ = 	snop  }
0x7: {  	_ = 	snop  }
__scs_overlays_trampoline_lowered:
0x8: {  	[smem:$0x3FA6] =	sst s0  }
0x9: {  	[smem:$0x3FA7] =	sst s1  }
0xa: {  	[smem:$0x3FA8] =	sst s2  }
0xb: {  	[smem:$0x3FA9] =	sst s3  }
0xc: {  	[smem:$0x3FAA] =	sst s4  }
0xd: {  	[smem:$0x3FAB] =	sst s5  }
0xe: {  	[smem:$0x3FAC] =	sst s6  }
0xf: {  	[smem:$0x3FAD] =	sst s7  }
0x10: {  	[smem:$0x3FAE] =	sst s8  }
0x11: {  	[smem:$0x3FAF] =	sst s9;
	s0 =	simm.s32 @!p0 $0x0  }
0x12: {  	s1 =	sld [smem:$0x3F95];
	s0 =	simm.s32 @p0 $0x1  }
0x13: {  	[smem:$0x3FB0] =	sst s0;
	s0 =	simm.s32 @!p1 $0x0  }
0x14: {  	s2 =	sld [smem:$0x3F94];
	s0 =	simm.s32 @p1 $0x1  }
0x15: {  	[smem:$0x3FB1] =	sst s0;
	s0 =	simm.s32 @!p2 $0x0  }
0x16: {  	s3 =	sld [smem:$0x3FDB];
	s0 =	simm.s32 @p2 $0x1  }
0x17: {  	s4 =	simm.s32 $0x1BF5;
	[smem:$0x3FB3] =	sst s0  }
0x18: {  	s0 =	sld [smem:$0x3F96];
	_ =	swait.ge [sflag:s4], $0x0  }
0x19: {  	s7 =	sld [smem:$0x3F97]  }
0x1a: {  	s8 =	sadd.s32 $0xFFFFE003, lr  }
0x1b: {  	s9 =	sadd.s32 $0xFFFFFEF7, lr;
	s5 =	simm.s32 $0xFFFFFFFF;
	p2 =	slt.u32 s8, $0xFFFFF086  }
0x1c: {  	p1 =	slt.u32 s9, $0xF7A;
	s5 =	simm.s32 @!p2 $0x0  }
0x1d: {  	s5 =	simm.s32 @p1 $0x1;
	p0 =	seq.s32 s7, s2  }
0x1e: {  	s7 =	smul.u32 @!p0 $0xF7A, s2;
	p2 =	seq.s32 @!p0 s5, $0x0  }
0x1f: {  	s9 =	smul.u32 $0xF7A, s1;
	s8 =	simm.s32 @!p0 $0x1BF5;
	p2 =	por !p2, p0  }
0x20: {  	[sflag:s8] =	ssyncset.s32 @!p0 $0xFFFFF086;
	s6 =	sadd.s32 @!p0 s3, s7;
	s7 =	simm.s32 @!p0 $0x108  }
0x21: {  	s3 =	sadd.s32 s3, s9;
	s6 =	sadd.s32 @!p0 $0x88, s6;
	s7 =	simm.s32 @p2 $0x1082  }
0x22: {  	[simem:s7], [sflag:s8] =	dma.local @!p0 [hbm:s6], $0xF7A  }
0x23: {  	s9 =	sor.u32 $0xD0000000, s2;
	s6 =	simm.s32 $0x108;
	_ =	swait.ge @!p0 [sflag:s8], $0x0  }
0x24: {  	s3 =	sadd.s32 $0x88, s3;
	s6 =	simm.s32 @!p1 $0x1082;
	[sflag:s4] =	ssyncset.s32 $0xFFFFF086  }
0x25: {  	[simem:s6], [sflag:s4] =	dma.local [hbm:s3], $0xF7A  }
0x26: {  	[smem:$0x3F97] =	sst s1;
	(tag) =	ssettag s2;
	_ =	strace s9  }
0x27: {  	s1 =	sld [smem:$0x3FA7]  }
0x28: {  	s2 =	sld [smem:$0x3FA8]  }
0x29: {  	s4 =	sld [smem:$0x3FAA]  }
0x2a: {  	p0 =	seq.s32 s5, $0x0;
	s5 =	sld [smem:$0x3FAB]  }
0x2b: {  	s6 =	sld [smem:$0x3FAC]  }
0x2c: {  	s7 =	sld [smem:$0x3FAD]  }
0x2d: {  	s3 =	simm.s32 $0x108;
	s8 =	sld [smem:$0x3FAE]  }
0x2e: {  	s3 =	simm.s32 @!p0 $0x1082;
	s9 =	sld [smem:$0x3FAF]  }
0x2f: {  	lr =	sadd.s32 s0, s3;
	s0 =	sld [smem:$0x3FA6]  }
0x30: {  	s3 =	sld [smem:$0x3FA9]  }
0x31: {  	[smem:$0x3FB2] =	sst s10  }
0x32: {  	s10 =	sld [smem:$0x3FB0];
	_ =	sdelay $0x3  }
0x33: {  	p0 =	seq.s32 s10, $0x1;
	s10 =	sld [smem:$0x3FB2];
	_ =	sdelay $0x3  }
0x34: {  	[smem:$0x3FB2] =	sst s10  }
0x35: {  	s10 =	sld [smem:$0x3FB1];
	_ =	sdelay $0x3  }
0x36: {  	p1 =	seq.s32 s10, $0x1;
	s10 =	sld [smem:$0x3FB2];
	_ =	sdelay $0x3  }
0x37: {  	[smem:$0x3FB2] =	sst s10  }
0x38: {  	s10 =	sld [smem:$0x3FB3]  }
0x39: {  	_ = 	snop;
	(pc) =	sbr.ind lr, $3  }
0x3a: {  	_ = 	snop  }
0x3b: {  	_ = 	snop  }
0x3c: {  	p2 =	seq.s32 s10, $0x1;
	s10 =	sld [smem:$0x3FB2]  }
0x3d: {  	_ =	shalt  }
0x3e: {  	_ =	shalt  }
0x3f: {  	_ =	shalt  }
0x40: {  	_ =	shalt  }
0x41: {  	_ =	shalt  }
0x42: {  	_ =	shalt  }
0x43: {  	_ =	shalt  }
0x44: {  	_ =	shalt  }
0x45: {  	_ =	shalt  }
0x46: {  	_ =	shalt  }
0x47: {  	_ =	shalt  }
0x48: {  	_ =	shalt  }
0x49: {  	_ =	shalt  }
0x4a: {  	_ =	shalt  }
0x4b: {  	_ =	shalt  }
0x4c: {  	_ =	shalt  }
0x4d: {  	_ =	shalt  }
0x4e: {  	_ =	shalt  }
0x4f: {  	_ =	shalt  }
0x50: {  	_ =	shalt  }
0x51: {  	_ =	shalt  }
0x52: {  	_ =	shalt  }
0x53: {  	_ =	shalt  }
0x54: {  	_ =	shalt  }
0x55: {  	_ =	shalt  }
0x56: {  	_ =	shalt  }
0x57: {  	_ =	shalt  }
0x58: {  	_ =	shalt  }
0x59: {  	_ =	shalt  }
0x5a: {  	_ =	shalt  }
0x5b: {  	_ =	shalt  }
0x5c: {  	_ =	shalt  }
0x5d: {  	_ =	shalt  }
0x5e: {  	_ =	shalt  }
0x5f: {  	_ =	shalt  }
0x60: {  	_ =	shalt  }
0x61: {  	_ =	shalt  }
0x62: {  	_ =	shalt  }
0x63: {  	_ =	shalt  }
0x64: {  	_ =	shalt  }
0x65: {  	_ =	shalt  }
0x66: {  	_ =	shalt  }
0x67: {  	_ =	shalt  }
0x68: {  	_ =	shalt  }
0x69: {  	_ =	shalt  }
0x6a: {  	_ =	shalt  }
0x6b: {  	_ =	shalt  }
0x6c: {  	_ =	shalt  }
0x6d: {  	_ =	shalt  }
0x6e: {  	_ =	shalt  }
0x6f: {  	_ =	shalt  }
0x70: {  	_ =	shalt  }
0x71: {  	_ =	shalt  }
0x72: {  	_ =	shalt  }
0x73: {  	_ =	shalt  }
0x74: {  	_ =	shalt  }
0x75: {  	_ =	shalt  }
0x76: {  	_ =	shalt  }
0x77: {  	_ =	shalt  }
0x78: {  	_ =	shalt  }
0x79: {  	_ =	shalt  }
0x7a: {  	_ =	shalt  }
0x7b: {  	_ =	shalt  }
0x7c: {  	_ =	shalt  }
0x7d: {  	_ =	shalt  }
0x7e: {  	_ =	shalt  }
0x7f: {  	_ =	shalt  }
0x80: {  	_ =	shalt  }
0x81: {  	_ =	shalt  }
0x82: {  	_ =	shalt  }
0x83: {  	_ =	shalt  }
0x84: {  	_ =	shalt  }
0x85: {  	_ =	shalt  }
0x86: {  	_ =	shalt  }
0x87: {  	_ =	shalt  }
.Lfunc_end0:
.L_simem_size_0:
called_computation_lowered:
.L_overlay_start_0:
0x88: {  	s2 =	sld [smem:$0x3FD9]  }
0x89: {  	s3 =	sld [smem:$0x3FFE];
	_ =	sdelay $0x1  }
0x8a: {  	s1 =	srdreg.scid  }
0x8b: {  	s0 =	sand.u32 $0x1, s1  }
0x8c: {  	s16 =	sshll.u32 s0, $0xA;
	s2 =	sadd.s32 s3, s2  }
0x8d: {  	s2 =	sadd.s32 s2, s16  }
0x8e: {  	[smem:$0x3FBE] =	sst s2  }
0x8f: {  	_ = 	snop  }
0x90: {  	(tm) =	ssettm $0x1  }
0x91: {  	s17 =	sld [smem:$0x3FFB];
	_ =	sdelay $0x3  }
0x92: {  	_ =	strace s17  }
0x93: {  	s2 =	sld [smem:$0x3FFC];
	_ =	sdelay $0x3  }
0x94: {  	_ =	strace s2  }
0x95: {  	s2 =	sld [smem:$0x3FFD];
	_ =	sdelay $0x3  }
0x96: {  	_ =	strace s2  }
0x97: {  	_ =	strace $0x8FFFFFFF  }
0x98: {  	s18 =	sld [smem:$0x3FDB];
	_ =	sdelay $0x1  }
0x99: {  	s19 =	simm.s32 $_scs_section_size  }
0x9a: {  	s4 =	simm.s32 $_size__tile_overlayer_lowered;
	s5 =	simm.s32 $_tile_overlayer_lowered  }
0x9b: {  	s22 =	simm.s32 $0x1BFF;
	s21 =	sshll.u32 s5, $0x1;
	s2 =	sadd.s32 s19, s18  }
0x9c: {  	s6 =	simm.s32 $0x0;
	s20 =	sshll.u32 s4, $0x1;
	s4 =	sadd.s32 s21, s2  }
0x9d: {  	[timem:s6], [sflag:s22] =	dma.local [hbm:s4], s20  }
0x9e: {  	_ =	swait.ge [sflag:s22], s20  }
0x9f: {  	s3 =	ssub.s32 $0x0, s20;
	[sflag:s22] =	ssyncset.done $0x0  }
0xa0: {  	[sflag:s22] =	ssyncadd.s32 s3;
	_ =	sdelay $0x1  }
0xa1: {  	s23 =	simm.s32 $0x1B8B  }
0xa2: {  	_ =	swait.ge [sflag:s23], $0x1  }
0xa3: {  	[sflag:s23] =	ssyncset.done $0x0  }
0xa4: {  	s25 =	simm.s32 $0x1B8E;
	s24 =	sld [smem:$0x3FFE];
	[sflag:s23] =	ssyncadd.s32 $0xFFFFFFFF  }
0xa5: {  	s26 =	simm.s32 $execute0_lowered;
	[smem:$0x3FD2] =	sst s25  }
0xa6: {  	s4 =	sshll.u32 s26, $0x1;
	_ =	strace $0x80000046;
	[dreg:$0x1] =	wrdreg $0xFFFFFFFF  }
0xa7: {  	s28 =	simm.s32 $_size_execute0_lowered;
	s2 =	sadd.s32 s2, s4;
	[dreg:$0x0] =	wrdreg $0x0  }
0xa8: {  	s4 =	sshll.u32 s28, $0x1;
	[dreg:$0x2] =	wrdreg s2  }
0xa9: {  	[dreg:$0x3] =	wrdreg s4  }
0xaa: {  	[dreg:$0x4] =	wrdreg $0xC0  }
0xab: {  	_ =	task [dreg:s6], $0x5FFFF  }
0xac: {  	[dreg:$0x1] =	wrdreg $0xFFFFFFFF  }
0xad: {  	[dreg:$0x0] =	wrdreg $0x60  }
0xae: {  	[dreg:$0x2] =	wrdreg s24  }
0xaf: {  	[dreg:$0x3] =	wrdreg $0x9  }
0xb0: {  	_ =	task.clear_ibuf [dreg:s6], $0x4FFFF;
	_ =	strace $0x90000046  }
0xb1: {  	s29 =	simm.s32 $0x9;
	_ =	strace $0x80000048  }
0xb2: {  	_ =	swait.ge [sflag:s29], $0x1  }
0xb3: {  	[sflag:s29] =	ssyncadd.s32 $0xFFFFFFFF  }
0xb4: {  	_ =	strace $0x90000048  }
0xb5: {  	_ =	sfence  }
0xb6: {  	s30 =	sld [smem:$0x0];
	_ =	sdelay $0x2  }
0xb7: {  	s31 =	sshll.u32 s1, $0xD;
	s1 =	sshrl.u32 s1, $0x2  }
0xb8: {  	s3 =	sand.u32 $0x4000, s31;
	s1 =	sadd.s32 s1, s30  }
0xb9: {  	s0 =	sor.u32 s3, s0;
	s1 =	sshll.u32 s1, $0x11  }
0xba: {  	s0 =	sor.u32 s1, s0  }
0xbb: {  	s0 =	sadd.s32 $0x8F2B, s0  }
0xbc: {  	[sflag:s0] =	ssyncadd.remote.s32 $0x1  }
0xbd: {  	_ =	sfence.sel $0xFFFF  }
0xbe: {  	[dreg:$0x0] =	wrdreg $0xFFFFFFFF;
	(pc) =	sbr.abs _section_cstart, $3  }
0xbf: {  	[dreg:$0x1] =	wrdreg $0xFFFFFFFF  }
0xc0: {  	_ =	task.clear_ibuf [dreg:s6], $0x2FFFF;
	_ =	strace $0x9FFFFFFF  }
0xc1: {  	(tm) =	ssettm $0x7FFFFFFF  }
tec
execute0_lowered:
.L_overlay_start_1:
0x0: {  	(tag) =	ssettag $0x1  }
0x1: {  	s0 =	srdreg.scid;
	s21 =	stileid.u32  }
0x2: {  	s0 =	sand.u32 $0x1, s0;
	s1 =	sshll.u32 s21, $0x1;
	s2 =	sshrl.u32 s21, $0x2  }
0x3: {  	s1 =	sor.u32 s0, s1;
	s2 =	smul.u32 $0x2800, s2  }
0x4: {  	s3 =	sshll.u32 s1, $0x7;
	s4 =	smul.u32 $0xA00, s1  }
0x5: {  	s6 =	rddreg [dreg:$0x0];
	s1 =	smul.u32 $0x5000, s1;
	s3 =	sand.u32 $0x380, s3  }
0x6: {  	s5 =	sadd.s32 $0x2AC00, s6;
	s3 =	sor.u32 s2, s3;
	s2 =	simm.s32 $0x0  }
0x7: {  	s22 =	sadd.s32 s5, s4;
	s1 =	sshrl.u32 s1, $0x3;
	s3 =	sshrl.u32 s3, $0x3  }
0x8: {  	[smem:$0x7FF] =	sst s2;
	s1 =	sadd.s32 s5, s1;
	s3 =	sadd.s32 s3, s6  }
0x9: {  	_ =	strace $0x80000047;
	[dreg:$0x3] =	wrdreg s22;
	s23 =	sadd.s32 $0x14000, s1  }
0xa: {  	s3 =	sadd.s32 $0x2600, s3;
	[dreg:$0x4] =	wrdreg s23  }
0xb: {  	s24 =	simm.s32 $0x80;
	[dreg:$0x2] =	wrdreg s3  }
0xc: {  	s25 =	simm.s32 $0x400;
	s3 =	simm.s32 $0x3;
	s7 =	rddreg [dreg:$0x2]  }
0xd: {  	[tilespmem:s2], [sflag:$0x3] =	stream.strided.gather [hbm4b:s7+s24], $0x500, s25, s24, $0x38;
	[tilespmem:$0xA500] =	vst v63  }
0xe: {  	_ =	swait.ge [sflag:s3], $0x500  }
0xf: {  	s8 =	simm.s32 $0x500;
	[sflag:s3] =	ssyncset.done $0x0  }
0x10: {  	s6 =	sadd.s32 $0x3A00, s6;
	s7 =	simm.s32 $0xA0;
	[sflag:s3] =	ssyncadd.s32 $0xFFFFFB00  }
0x11: {  	[tilespmem:s8], [sflag:$0x1] =	stream.indirect.gather [hbm4b:s6+s7], $0x80, s2, s7, $0xb8;
	[tilespmem:$0xA500] =	vst v63  }
0x12: {  	s9 =	simm.s32 $0x5500;
	s10 =	simm.s32 $0x1  }
0x13: {  	[tilespmem:s9], [sflag:$0x2] =	stream.indirect.gather [hbm4b:s6+s7], $0x80, s7, s7, $0xb8;
	[tilespmem:$0xA500] =	vst v63  }
0x14: {  	_ =	swait.ge [sflag:s10], $0x5000  }
0x15: {  	[sflag:s10] =	ssyncset.done $0x0  }
0x16: {  	s11 =	rddreg [dreg:$0x3];
	[sflag:s10] =	ssyncadd.s32 $0xFFFFB000  }
0x17: {  	[hbm4b:s11+s2] =	stream.linear.scatter [tilespmem:s8], [sflag:$0x3], $0x5000, $0x38;
	[tilespmem:$0xA500] =	vst v63  }
0x18: {  	_ =	swait.ge [sflag:s3], $0x5000  }
0x19: {  	[sflag:s3] =	ssyncset.done $0x0  }
0x1a: {  	s26 =	simm.s32 $0x140;
	s12 =	simm.s32 $0x2;
	[sflag:s3] =	ssyncadd.s32 $0xFFFFB000  }
0x1b: {  	[tilespmem:s8], [sflag:$0x1] =	stream.indirect.gather [hbm4b:s6+s7], $0x80, s26, s7, $0xb8;
	[tilespmem:$0xA500] =	vst v63  }
0x1c: {  	_ =	swait.ge [sflag:s12], $0x5000  }
0x1d: {  	[sflag:s12] =	ssyncset.done $0x0  }
0x1e: {  	s13 =	rddreg [dreg:$0x4];
	[sflag:s12] =	ssyncadd.s32 $0xFFFFB000  }
0x1f: {  	[hbm4b:s13+s2] =	stream.linear.scatter [tilespmem:s9], [sflag:$0x3], $0x5000, $0x38;
	[tilespmem:$0xA500] =	vst v63  }
0x20: {  	_ =	swait.ge [sflag:s3], $0x5000  }
0x21: {  	[sflag:s3] =	ssyncset.done $0x0  }
0x22: {  	s13 =	simm.s32 $0x1E0;
	[sflag:s3] =	ssyncadd.s32 $0xFFFFB000  }
0x23: {  	[tilespmem:s9], [sflag:$0x2] =	stream.indirect.gather [hbm4b:s6+s7], $0x80, s13, s7, $0xb8;
	[tilespmem:$0xA500] =	vst v63  }
0x24: {  	_ =	swait.ge [sflag:s10], $0x5000  }
0x25: {  	[sflag:s10] =	ssyncset.done $0x0  }
0x26: {  	s14 =	sadd.s32 $0x28000, s1;
	[sflag:s10] =	ssyncadd.s32 $0xFFFFB000  }
0x27: {  	[hbm4b:s14+s2] =	stream.linear.scatter [tilespmem:s8], [sflag:$0x3], $0x5000, $0x38;
	[tilespmem:$0xA500] =	vst v63  }
0x28: {  	_ =	swait.ge [sflag:s3], $0x5000  }
0x29: {  	[sflag:s3] =	ssyncset.done $0x0  }
0x2a: {  	s15 =	simm.s32 $0x280;
	[sflag:s3] =	ssyncadd.s32 $0xFFFFB000  }
0x2b: {  	[tilespmem:s8], [sflag:$0x1] =	stream.indirect.gather [hbm4b:s6+s7], $0x80, s15, s7, $0xb8;
	[tilespmem:$0xA500] =	vst v63  }
0x2c: {  	_ =	swait.ge [sflag:s12], $0x5000  }
0x2d: {  	[sflag:s12] =	ssyncset.done $0x0  }
0x2e: {  	s16 =	sadd.s32 $0x3C000, s1;
	[sflag:s12] =	ssyncadd.s32 $0xFFFFB000  }
0x2f: {  	[hbm4b:s16+s2] =	stream.linear.scatter [tilespmem:s9], [sflag:$0x3], $0x5000, $0x38;
	[tilespmem:$0xA500] =	vst v63  }
0x30: {  	_ =	swait.ge [sflag:s3], $0x5000  }
0x31: {  	[sflag:s3] =	ssyncset.done $0x0  }
0x32: {  	s17 =	simm.s32 $0x320;
	[sflag:s3] =	ssyncadd.s32 $0xFFFFB000  }
0x33: {  	[tilespmem:s9], [sflag:$0x2] =	stream.indirect.gather [hbm4b:s6+s7], $0x80, s17, s7, $0xb8;
	[tilespmem:$0xA500] =	vst v63  }
0x34: {  	_ =	swait.ge [sflag:s10], $0x5000  }
0x35: {  	[sflag:s10] =	ssyncset.done $0x0  }
0x36: {  	s18 =	sadd.s32 $0x50000, s1;
	[sflag:s10] =	ssyncadd.s32 $0xFFFFB000  }
0x37: {  	[hbm4b:s18+s2] =	stream.linear.scatter [tilespmem:s8], [sflag:$0x3], $0x5000, $0x38;
	[tilespmem:$0xA500] =	vst v63  }
0x38: {  	_ =	swait.ge [sflag:s3], $0x5000  }
0x39: {  	[sflag:s3] =	ssyncset.done $0x0  }
0x3a: {  	s19 =	simm.s32 $0x3C0;
	[sflag:s3] =	ssyncadd.s32 $0xFFFFB000  }
0x3b: {  	[tilespmem:s8], [sflag:$0x1] =	stream.indirect.gather [hbm4b:s6+s7], $0x80, s19, s7, $0xb8;
	[tilespmem:$0xA500] =	vst v63  }
0x3c: {  	_ =	swait.ge [sflag:s12], $0x5000  }
0x3d: {  	[sflag:s12] =	ssyncset.done $0x0  }
0x3e: {  	p0 =	sgt.u32 s21, $0xC;
	s20 =	sadd.s32 $0x64000, s1;
	[sflag:s12] =	ssyncadd.s32 $0xFFFFB000  }
0x3f: {  	[hbm4b:s20+s2] =	stream.linear.scatter [tilespmem:s9], [sflag:$0x3], $0x5000, $0x38;
	[tilespmem:$0xA500] =	vst v63  }
0x40: {  	s21 =	simm.s32 @!p0 $0x5500;
	_ =	swait.ge [sflag:s3], $0x5000  }
0x41: {  	s0 =	ssub.s32 $0x2, s0;
	s22 =	simm.s32 @!p0 $0xA0;
	[sflag:s3] =	ssyncset.done $0x0  }
0x42: {  	s23 =	simm.s32 @!p0 $0x460;
	s24 =	simm.s32 @!p0 $0x1;
	[sflag:s3] =	ssyncadd.s32 $0xFFFFB000  }
0x43: {  	[tilespmem:s21], [sflag:$0x2] =	stream.indirect.gather @!p0 [hbm4b:s6+s22], $0x80, s23, s22, $0xb8;
	[tilespmem:$0xA500] =	vst v63  }
0x44: {  	s28 =	simm.s32 @!p0 $0x500;
	s31 =	sshrl.u32 s0, $0x1;
	_ =	swait.ge @!p0 [sflag:s24], $0x5000  }
0x45: {  	s29 =	simm.s32 @!p0 $0x3;
	s0 =	ssub.s32 s0, s31;
	[sflag:s24] =	ssyncset.done @!p0 $0x0  }
0x46: {  	s25 =	sadd.s32 $0x78000, s1;
	s26 =	simm.s32 @!p0 $0x0;
	[sflag:s24] =	ssyncadd.s32 @!p0 $0xFFFFB000  }
0x47: {  	[hbm4b:s25+s26] =	stream.linear.scatter @!p0 [tilespmem:s28], [sflag:$0x3], $0x5000, $0x38;
	[tilespmem:$0xA500] =	vst v63  }
0x48: {  	s0 =	smax.u32 s0, $0x1;
	_ =	swait.ge @!p0 [sflag:s29], $0x5000  }
0x49: {  	s30 =	simm.s32 @!p0 $0x2;
	s0 =	sadd.s32 $0xFFFFFFFF, s0;
	[sflag:s29] =	ssyncset.done @!p0 $0x0  }
0x4a: {  	s30 =	simm.s32 @p0 $0x1;
	p1 =	sne.s32 s0, $0x0;
	[sflag:s29] =	ssyncadd.s32 @!p0 $0xFFFFB000  }
.Ltmp0:
0x4b: {  	_ =	swait.ge [sflag:s30], $0x5000;
	(pc) =	sbr.rel @!p1 .LBB2_3-.Ltmp0, $4  }
0x4c: {  	s31 =	sadd.s32 $0x8C000, s1;
	s1 =	simm.s32 @!p0 $0x5500;
	[sflag:s30] =	ssyncset.done $0x0  }
0x4d: {  	s31 =	smov.u32 @p0 s25;
	s1 =	simm.s32 @p0 $0x500;
	[sflag:s30] =	ssyncadd.s32 $0xFFFFB000  }
0x4e: {  	[hbm4b:s31+s2] =	stream.linear.scatter [tilespmem:s1], [sflag:$0x3], $0x5000, $0x38;
	[tilespmem:$0xA500] =	vst v63  }
0x4f: {  	_ =	swait.ge [sflag:s3], $0x5000  }
0x50: {  	s5 =	simm.s32 $0x80;
	s11 =	simm.s32 $0x400  }
.LBB2_2:
0x51: {  	[sflag:s3] =	ssyncset.done $0x0  }
0x52: {  	s4 =	rddreg [dreg:$0x2];
	[sflag:s3] =	ssyncadd.s32 $0xFFFFB000  }
0x53: {  	[tilespmem:s2], [sflag:$0x3] =	stream.strided.gather [hbm4b:s4+s5], $0x500, s11, s5, $0x38;
	[tilespmem:$0xA500] =	vst v63  }
0x54: {  	_ =	swait.ge [sflag:s3], $0x500  }
0x55: {  	[sflag:s3] =	ssyncset.done $0x0  }
0x56: {  	[sflag:s3] =	ssyncadd.s32 $0xFFFFFB00  }
0x57: {  	[tilespmem:s8], [sflag:$0x1] =	stream.indirect.gather [hbm4b:s6+s7], $0x80, s2, s7, $0xb8;
	[tilespmem:$0xA500] =	vst v63  }
0x58: {  	_ = 	snop  }
0x59: {  	[tilespmem:s9], [sflag:$0x2] =	stream.indirect.gather [hbm4b:s6+s7], $0x80, s7, s7, $0xb8;
	[tilespmem:$0xA500] =	vst v63  }
0x5a: {  	_ =	swait.ge [sflag:s10], $0x5000  }
0x5b: {  	[sflag:s10] =	ssyncset.done $0x0  }
0x5c: {  	s4 =	rddreg [dreg:$0x3];
	[sflag:s10] =	ssyncadd.s32 $0xFFFFB000  }
0x5d: {  	[hbm4b:s4+s2] =	stream.linear.scatter [tilespmem:s8], [sflag:$0x3], $0x5000, $0x38;
	[tilespmem:$0xA500] =	vst v63  }
0x5e: {  	_ =	swait.ge [sflag:s3], $0x5000  }
0x5f: {  	[sflag:s3] =	ssyncset.done $0x0  }
0x60: {  	s4 =	simm.s32 $0x140;
	[sflag:s3] =	ssyncadd.s32 $0xFFFFB000  }
0x61: {  	[tilespmem:s8], [sflag:$0x1] =	stream.indirect.gather [hbm4b:s6+s7], $0x80, s4, s7, $0xb8;
	[tilespmem:$0xA500] =	vst v63  }
0x62: {  	_ =	swait.ge [sflag:s12], $0x5000  }
0x63: {  	[sflag:s12] =	ssyncset.done $0x0  }
0x64: {  	s4 =	rddreg [dreg:$0x4];
	[sflag:s12] =	ssyncadd.s32 $0xFFFFB000  }
0x65: {  	[hbm4b:s4+s2] =	stream.linear.scatter [tilespmem:s9], [sflag:$0x3], $0x5000, $0x38;
	[tilespmem:$0xA500] =	vst v63  }
0x66: {  	_ =	swait.ge [sflag:s3], $0x5000  }
0x67: {  	[sflag:s3] =	ssyncset.done $0x0  }
0x68: {  	[sflag:s3] =	ssyncadd.s32 $0xFFFFB000  }
0x69: {  	[tilespmem:s9], [sflag:$0x2] =	stream.indirect.gather [hbm4b:s6+s7], $0x80, s13, s7, $0xb8;
	[tilespmem:$0xA500] =	vst v63  }
0x6a: {  	_ =	swait.ge [sflag:s10], $0x5000  }
0x6b: {  	[sflag:s10] =	ssyncset.done $0x0  }
0x6c: {  	[sflag:s10] =	ssyncadd.s32 $0xFFFFB000  }
0x6d: {  	[hbm4b:s14+s2] =	stream.linear.scatter [tilespmem:s8], [sflag:$0x3], $0x5000, $0x38;
	[tilespmem:$0xA500] =	vst v63  }
0x6e: {  	_ =	swait.ge [sflag:s3], $0x5000  }
0x6f: {  	[sflag:s3] =	ssyncset.done $0x0  }
0x70: {  	[sflag:s3] =	ssyncadd.s32 $0xFFFFB000  }
0x71: {  	[tilespmem:s8], [sflag:$0x1] =	stream.indirect.gather [hbm4b:s6+s7], $0x80, s15, s7, $0xb8;
	[tilespmem:$0xA500] =	vst v63  }
0x72: {  	_ =	swait.ge [sflag:s12], $0x5000  }
0x73: {  	[sflag:s12] =	ssyncset.done $0x0  }
0x74: {  	[sflag:s12] =	ssyncadd.s32 $0xFFFFB000  }
0x75: {  	[hbm4b:s16+s2] =	stream.linear.scatter [tilespmem:s9], [sflag:$0x3], $0x5000, $0x38;
	[tilespmem:$0xA500] =	vst v63  }
0x76: {  	_ =	swait.ge [sflag:s3], $0x5000  }
0x77: {  	[sflag:s3] =	ssyncset.done $0x0  }
0x78: {  	[sflag:s3] =	ssyncadd.s32 $0xFFFFB000  }
0x79: {  	[tilespmem:s9], [sflag:$0x2] =	stream.indirect.gather [hbm4b:s6+s7], $0x80, s17, s7, $0xb8;
	[tilespmem:$0xA500] =	vst v63  }
0x7a: {  	_ =	swait.ge [sflag:s10], $0x5000  }
0x7b: {  	[sflag:s10] =	ssyncset.done $0x0  }
0x7c: {  	[sflag:s10] =	ssyncadd.s32 $0xFFFFB000  }
0x7d: {  	[hbm4b:s18+s2] =	stream.linear.scatter [tilespmem:s8], [sflag:$0x3], $0x5000, $0x38;
	[tilespmem:$0xA500] =	vst v63  }
0x7e: {  	_ =	swait.ge [sflag:s3], $0x5000  }
0x7f: {  	[sflag:s3] =	ssyncset.done $0x0  }
0x80: {  	[sflag:s3] =	ssyncadd.s32 $0xFFFFB000  }
0x81: {  	[tilespmem:s8], [sflag:$0x1] =	stream.indirect.gather [hbm4b:s6+s7], $0x80, s19, s7, $0xb8;
	[tilespmem:$0xA500] =	vst v63  }
0x82: {  	_ =	swait.ge [sflag:s12], $0x5000  }
0x83: {  	[sflag:s12] =	ssyncset.done $0x0  }
0x84: {  	[sflag:s12] =	ssyncadd.s32 $0xFFFFB000  }
0x85: {  	[hbm4b:s20+s2] =	stream.linear.scatter [tilespmem:s9], [sflag:$0x3], $0x5000, $0x38;
	[tilespmem:$0xA500] =	vst v63  }
0x86: {  	_ =	swait.ge [sflag:s3], $0x5000  }
0x87: {  	[sflag:s3] =	ssyncset.done $0x0  }
0x88: {  	[sflag:s3] =	ssyncadd.s32 $0xFFFFB000  }
0x89: {  	[tilespmem:s21], [sflag:$0x2] =	stream.indirect.gather @!p0 [hbm4b:s6+s22], $0x80, s23, s22, $0xb8;
	[tilespmem:$0xA500] =	vst v63  }
0x8a: {  	_ =	swait.ge @!p0 [sflag:s24], $0x5000  }
0x8b: {  	[sflag:s24] =	ssyncset.done @!p0 $0x0  }
0x8c: {  	[sflag:s24] =	ssyncadd.s32 @!p0 $0xFFFFB000  }
0x8d: {  	[hbm4b:s25+s26] =	stream.linear.scatter @!p0 [tilespmem:s28], [sflag:$0x3], $0x5000, $0x38;
	[tilespmem:$0xA500] =	vst v63  }
0x8e: {  	_ =	swait.ge @!p0 [sflag:s29], $0x5000  }
0x8f: {  	s0 =	sadd.s32 $0xFFFFFFFF, s0;
	[sflag:s29] =	ssyncset.done @!p0 $0x0  }
0x90: {  	p1 =	sne.s32 s0, $0x0;
	[sflag:s29] =	ssyncadd.s32 @!p0 $0xFFFFB000  }
.Ltmp1:
0x91: {  	_ =	swait.ge [sflag:s30], $0x5000;
	(pc) =	sbr.rel @p1 .LBB2_2-.Ltmp1, $4  }
0x92: {  	[sflag:s30] =	ssyncset.done $0x0  }
0x93: {  	[sflag:s30] =	ssyncadd.s32 $0xFFFFB000  }
0x94: {  	[hbm4b:s31+s2] =	stream.linear.scatter [tilespmem:s1], [sflag:$0x3], $0x5000, $0x38;
	[tilespmem:$0xA500] =	vst v63  }
0x95: {  	_ =	swait.ge [sflag:s3], $0x5000  }
.LBB2_3:
0x96: {  	[sflag:s3] =	ssyncset.done $0x0  }
0x97: {  	[sflag:s3] =	ssyncadd.s32 $0xFFFFB000  }
0x98: {  	_ =	sfence.sel $0x180000  }
0x99: {  	[bflag:$0x0] =	sbarrier.arrive $0xFFFF  }
0x9a: {  	_ =	strace $0x90000047  }
0x9b: {  	s0 =	stileid.u32;
	[bflag:$0x2] =	sbarrier.arrive $0xFFFF  }
0x9c: {  	p0 =	sne.s32 s0, $0x0;
	s0 =	rddreg [dreg:$0x1]  }
0x9d: {  	s0 =	sadd.s32 @!p0 $0x100000, s0  }
0x9e: {  	[sflag:s0] =	ssyncadd.tile.s32 @!p0 $0x1;
	_ =	shalt  }
.Lfunc_end2:
_tile_overlayer_lowered:
.L_overlay_start_2:
0x9f: {  	(tag) =	ssettag $0x2  }
0xa0: {  	s0 =	rddreg [dreg:$0x0];
	s2 =	stileid.u32  }
0xa1: {  	s1 =	rddreg [dreg:$0x1];
	p0 =	sne.s32 s2, $0x0  }
0xa2: {  	s3 =	rddreg [dreg:$0x2];
	[bflag:$0x3] =	sbarrier.arrive $0xFFFF;
	s2 =	simm.s32 @!p0 $0x1C03  }
0xa3: {  	[timem:s3], [sflag:s2] =	dma.local @!p0 [hbm:s0], s1  }
0xa4: {  	s0 =	simm.s32 @!p0 $0x3  }
0xa5: {  	_ =	swait.ge @!p0 [sflag:s0], s1  }
0xa6: {  	s1 =	ssub.s32 @!p0 $0x0, s1;
	[sflag:s0] =	ssyncset.done @!p0 $0x0  }
0xa7: {  	[sflag:s0] =	ssyncadd.s32 @!p0 s1  }
0xa8: {  	[bflag:$0x3] =	sbarrier.arrive $0xFFFF  }
0xa9: {  	_ =	shalt  }

// kernel: kernel.14.cloned.1.call-start
scs
__scs_entry_jumppad:
0x0: {  	(pc) =	sbr.rel $0x88, $3  }
0x1: {  	(tag) =	ssettag $0x0;
	lr =	simm.s32 $0x1  }
0x2: {  	[smem:$0x3F97] =	sst lr;
	_ =	strace $0xD0000000  }
0x3: {  	_ = 	snop  }
0x4: {  	_ = 	snop  }
0x5: {  	_ = 	snop  }
0x6: {  	_ = 	snop  }
0x7: {  	_ = 	snop  }
__scs_overlays_trampoline_lowered:
0x8: {  	[smem:$0x3FA6] =	sst s0  }
0x9: {  	[smem:$0x3FA7] =	sst s1  }
0xa: {  	[smem:$0x3FA8] =	sst s2  }
0xb: {  	[smem:$0x3FA9] =	sst s3  }
0xc: {  	[smem:$0x3FAA] =	sst s4  }
0xd: {  	[smem:$0x3FAB] =	sst s5  }
0xe: {  	[smem:$0x3FAC] =	sst s6  }
0xf: {  	[smem:$0x3FAD] =	sst s7  }
0x10: {  	[smem:$0x3FAE] =	sst s8  }
0x11: {  	[smem:$0x3FAF] =	sst s9;
	s0 =	simm.s32 @!p0 $0x0  }
0x12: {  	s1 =	sld [smem:$0x3F95];
	s0 =	simm.s32 @p0 $0x1  }
0x13: {  	[smem:$0x3FB0] =	sst s0;
	s0 =	simm.s32 @!p1 $0x0  }
0x14: {  	s2 =	sld [smem:$0x3F94];
	s0 =	simm.s32 @p1 $0x1  }
0x15: {  	[smem:$0x3FB1] =	sst s0;
	s0 =	simm.s32 @!p2 $0x0  }
0x16: {  	s3 =	sld [smem:$0x3FDB];
	s0 =	simm.s32 @p2 $0x1  }
0x17: {  	s4 =	simm.s32 $0x1BF5;
	[smem:$0x3FB3] =	sst s0  }
0x18: {  	s0 =	sld [smem:$0x3F96];
	_ =	swait.ge [sflag:s4], $0x0  }
0x19: {  	s7 =	sld [smem:$0x3F97]  }
0x1a: {  	s8 =	sadd.s32 $0xFFFFE003, lr  }
0x1b: {  	s9 =	sadd.s32 $0xFFFFFEF7, lr;
	s5 =	simm.s32 $0xFFFFFFFF;
	p2 =	slt.u32 s8, $0xFFFFF086  }
0x1c: {  	p1 =	slt.u32 s9, $0xF7A;
	s5 =	simm.s32 @!p2 $0x0  }
0x1d: {  	s5 =	simm.s32 @p1 $0x1;
	p0 =	seq.s32 s7, s2  }
0x1e: {  	s7 =	smul.u32 @!p0 $0xF7A, s2;
	p2 =	seq.s32 @!p0 s5, $0x0  }
0x1f: {  	s9 =	smul.u32 $0xF7A, s1;
	s8 =	simm.s32 @!p0 $0x1BF5;
	p2 =	por !p2, p0  }
0x20: {  	[sflag:s8] =	ssyncset.s32 @!p0 $0xFFFFF086;
	s6 =	sadd.s32 @!p0 s3, s7;
	s7 =	simm.s32 @!p0 $0x108  }
0x21: {  	s3 =	sadd.s32 s3, s9;
	s6 =	sadd.s32 @!p0 $0x88, s6;
	s7 =	simm.s32 @p2 $0x1082  }
0x22: {  	[simem:s7], [sflag:s8] =	dma.local @!p0 [hbm:s6], $0xF7A  }
0x23: {  	s9 =	sor.u32 $0xD0000000, s2;
	s6 =	simm.s32 $0x108;
	_ =	swait.ge @!p0 [sflag:s8], $0x0  }
0x24: {  	s3 =	sadd.s32 $0x88, s3;
	s6 =	simm.s32 @!p1 $0x1082;
	[sflag:s4] =	ssyncset.s32 $0xFFFFF086  }
0x25: {  	[simem:s6], [sflag:s4] =	dma.local [hbm:s3], $0xF7A  }
0x26: {  	[smem:$0x3F97] =	sst s1;
	(tag) =	ssettag s2;
	_ =	strace s9  }
0x27: {  	s1 =	sld [smem:$0x3FA7]  }
0x28: {  	s2 =	sld [smem:$0x3FA8]  }
0x29: {  	s4 =	sld [smem:$0x3FAA]  }
0x2a: {  	p0 =	seq.s32 s5, $0x0;
	s5 =	sld [smem:$0x3FAB]  }
0x2b: {  	s6 =	sld [smem:$0x3FAC]  }
0x2c: {  	s7 =	sld [smem:$0x3FAD]  }
0x2d: {  	s3 =	simm.s32 $0x108;
	s8 =	sld [smem:$0x3FAE]  }
0x2e: {  	s3 =	simm.s32 @!p0 $0x1082;
	s9 =	sld [smem:$0x3FAF]  }
0x2f: {  	lr =	sadd.s32 s0, s3;
	s0 =	sld [smem:$0x3FA6]  }
0x30: {  	s3 =	sld [smem:$0x3FA9]  }
0x31: {  	[smem:$0x3FB2] =	sst s10  }
0x32: {  	s10 =	sld [smem:$0x3FB0];
	_ =	sdelay $0x3  }
0x33: {  	p0 =	seq.s32 s10, $0x1;
	s10 =	sld [smem:$0x3FB2];
	_ =	sdelay $0x3  }
0x34: {  	[smem:$0x3FB2] =	sst s10  }
0x35: {  	s10 =	sld [smem:$0x3FB1];
	_ =	sdelay $0x3  }
0x36: {  	p1 =	seq.s32 s10, $0x1;
	s10 =	sld [smem:$0x3FB2];
	_ =	sdelay $0x3  }
0x37: {  	[smem:$0x3FB2] =	sst s10  }
0x38: {  	s10 =	sld [smem:$0x3FB3]  }
0x39: {  	_ = 	snop;
	(pc) =	sbr.ind lr, $3  }
0x3a: {  	_ = 	snop  }
0x3b: {  	_ = 	snop  }
0x3c: {  	p2 =	seq.s32 s10, $0x1;
	s10 =	sld [smem:$0x3FB2]  }
0x3d: {  	_ =	shalt  }
0x3e: {  	_ =	shalt  }
0x3f: {  	_ =	shalt  }
0x40: {  	_ =	shalt  }
0x41: {  	_ =	shalt  }
0x42: {  	_ =	shalt  }
0x43: {  	_ =	shalt  }
0x44: {  	_ =	shalt  }
0x45: {  	_ =	shalt  }
0x46: {  	_ =	shalt  }
0x47: {  	_ =	shalt  }
0x48: {  	_ =	shalt  }
0x49: {  	_ =	shalt  }
0x4a: {  	_ =	shalt  }
0x4b: {  	_ =	shalt  }
0x4c: {  	_ =	shalt  }
0x4d: {  	_ =	shalt  }
0x4e: {  	_ =	shalt  }
0x4f: {  	_ =	shalt  }
0x50: {  	_ =	shalt  }
0x51: {  	_ =	shalt  }
0x52: {  	_ =	shalt  }
0x53: {  	_ =	shalt  }
0x54: {  	_ =	shalt  }
0x55: {  	_ =	shalt  }
0x56: {  	_ =	shalt  }
0x57: {  	_ =	shalt  }
0x58: {  	_ =	shalt  }
0x59: {  	_ =	shalt  }
0x5a: {  	_ =	shalt  }
0x5b: {  	_ =	shalt  }
0x5c: {  	_ =	shalt  }
0x5d: {  	_ =	shalt  }
0x5e: {  	_ =	shalt  }
0x5f: {  	_ =	shalt  }
0x60: {  	_ =	shalt  }
0x61: {  	_ =	shalt  }
0x62: {  	_ =	shalt  }
0x63: {  	_ =	shalt  }
0x64: {  	_ =	shalt  }
0x65: {  	_ =	shalt  }
0x66: {  	_ =	shalt  }
0x67: {  	_ =	shalt  }
0x68: {  	_ =	shalt  }
0x69: {  	_ =	shalt  }
0x6a: {  	_ =	shalt  }
0x6b: {  	_ =	shalt  }
0x6c: {  	_ =	shalt  }
0x6d: {  	_ =	shalt  }
0x6e: {  	_ =	shalt  }
0x6f: {  	_ =	shalt  }
0x70: {  	_ =	shalt  }
0x71: {  	_ =	shalt  }
0x72: {  	_ =	shalt  }
0x73: {  	_ =	shalt  }
0x74: {  	_ =	shalt  }
0x75: {  	_ =	shalt  }
0x76: {  	_ =	shalt  }
0x77: {  	_ =	shalt  }
0x78: {  	_ =	shalt  }
0x79: {  	_ =	shalt  }
0x7a: {  	_ =	shalt  }
0x7b: {  	_ =	shalt  }
0x7c: {  	_ =	shalt  }
0x7d: {  	_ =	shalt  }
0x7e: {  	_ =	shalt  }
0x7f: {  	_ =	shalt  }
0x80: {  	_ =	shalt  }
0x81: {  	_ =	shalt  }
0x82: {  	_ =	shalt  }
0x83: {  	_ =	shalt  }
0x84: {  	_ =	shalt  }
0x85: {  	_ =	shalt  }
0x86: {  	_ =	shalt  }
0x87: {  	_ =	shalt  }
.Lfunc_end0:
.L_simem_size_0:
called_computation.1_lowered:
.L_overlay_start_0:
0x88: {  	s2 =	sld [smem:$0x3FD9]  }
0x89: {  	s3 =	sld [smem:$0x3FFE];
	_ =	sdelay $0x1  }
0x8a: {  	s1 =	srdreg.scid  }
0x8b: {  	s0 =	sand.u32 $0x1, s1  }
0x8c: {  	s17 =	sshll.u32 s0, $0xA;
	s2 =	sadd.s32 s3, s2  }
0x8d: {  	s2 =	sadd.s32 s2, s17  }
0x8e: {  	[smem:$0x3FBE] =	sst s2  }
0x8f: {  	_ = 	snop  }
0x90: {  	s18 =	sld [smem:$0x3FD0];
	(tm) =	ssettm $0x1  }
0x91: {  	s19 =	sld [smem:$0x3FFB];
	_ =	sdelay $0x3  }
0x92: {  	_ =	strace s19  }
0x93: {  	s2 =	sld [smem:$0x3FFC];
	_ =	sdelay $0x3  }
0x94: {  	_ =	strace s2  }
0x95: {  	s2 =	sld [smem:$0x3FFD];
	_ =	sdelay $0x3  }
0x96: {  	_ =	strace s2  }
0x97: {  	_ =	strace $0x8FFFFFFF  }
0x98: {  	s20 =	sld [smem:$0x3FDB];
	_ =	sdelay $0x1  }
0x99: {  	s4 =	simm.s32 $_scs_section_size  }
0x9a: {  	s5 =	simm.s32 $_size__tile_overlayer_lowered;
	s6 =	simm.s32 $_tile_overlayer_lowered  }
0x9b: {  	s7 =	simm.s32 $0x1BFF;
	s21 =	sshll.u32 s6, $0x1;
	s4 =	sadd.s32 s4, s20  }
0x9c: {  	s22 =	simm.s32 $0x0;
	s5 =	sshll.u32 s5, $0x1;
	s6 =	sadd.s32 s21, s4  }
0x9d: {  	[timem:s22], [sflag:s7] =	dma.local [hbm:s6], s5  }
0x9e: {  	_ =	swait.ge [sflag:s7], s5  }
0x9f: {  	s5 =	ssub.s32 $0x0, s5;
	[sflag:s7] =	ssyncset.done $0x0  }
0xa0: {  	[sflag:s7] =	ssyncadd.s32 s5;
	_ =	sdelay $0x1  }
0xa1: {  	s23 =	simm.s32 $0x1B8B  }
0xa2: {  	_ =	swait.ge [sflag:s23], $0x1  }
0xa3: {  	[sflag:s23] =	ssyncset.done $0x0  }
0xa4: {  	[sflag:s23] =	ssyncadd.s32 $0xFFFFFFFF  }
0xa5: {  	s5 =	sld [smem:$0x0]  }
0xa6: {  	s6 =	sand.u32 $0xFFFFFFFE, s1  }
0xa7: {  	p0 =	sne.s32 s1, s6  }
0xa8: {  	s6 =	sshll.u32 @p0 s6, $0xE  }
0xa9: {  	s6 =	sadd.s32 @p0 $0x11B8D, s6;
	s7 =	sshll.u32 @p0 s5, $0x11  }
0xaa: {  	s6 =	sor.u32 @p0 s7, s6  }
0xab: {  	[sflag:s6] =	ssyncadd.remote.s32 @p0 $0x1;
	_ =	sdelay $0x1  }
0xac: {  	s6 =	simm.s32 @p0 $0x1B8D  }
0xad: {  	_ =	swait.eq @p0 [sflag:s6], $0x1  }
0xae: {  	[sflag:s6] =	ssyncadd.s32 @p0 $0xFFFFFFFF  }
0xaf: {  	s7 =	sshll.u32 @!p0 s1, $0xE  }
0xb0: {  	s7 =	sor.u32 @!p0 $0x4000, s7;
	s6 =	simm.s32 @!p0 $0x1B8D  }
0xb1: {  	s5 =	sshll.u32 @!p0 s5, $0x11;
	s7 =	sadd.s32 @!p0 $0x11B8D, s7;
	_ =	swait.eq @!p0 [sflag:s6], $0x1  }
0xb2: {  	s5 =	sor.u32 @!p0 s5, s7;
	[sflag:s6] =	ssyncadd.s32 @!p0 $0xFFFFFFFF  }
0xb3: {  	s25 =	simm.s32 $0x1B8E;
	s24 =	sld [smem:$0x3FFE];
	[sflag:s5] =	ssyncadd.remote.s32 @!p0 $0x1  }
0xb4: {  	s26 =	simm.s32 $execute0_lowered;
	[smem:$0x3FD2] =	sst s25  }
0xb5: {  	s6 =	sshll.u32 s26, $0x1;
	_ =	strace $0x80000049;
	[dreg:$0x1] =	wrdreg $0xFFFFFFFF  }
0xb6: {  	s28 =	simm.s32 $_size_execute0_lowered;
	s4 =	sadd.s32 s4, s6;
	[dreg:$0x0] =	wrdreg $0x0  }
0xb7: {  	s6 =	sshll.u32 s28, $0x1;
	[dreg:$0x2] =	wrdreg s4  }
0xb8: {  	[dreg:$0x3] =	wrdreg s6  }
0xb9: {  	[dreg:$0x4] =	wrdreg $0xC0  }
0xba: {  	_ =	task [dreg:s22], $0x5FFFF  }
0xbb: {  	[dreg:$0x1] =	wrdreg $0xFFFFFFFF  }
0xbc: {  	[dreg:$0x0] =	wrdreg $0x60  }
0xbd: {  	[dreg:$0x2] =	wrdreg s24  }
0xbe: {  	[dreg:$0x3] =	wrdreg s18  }
0xbf: {  	[dreg:$0x4] =	wrdreg $0xA  }
0xc0: {  	_ =	task.clear_ibuf [dreg:s22], $0x5FFFF;
	_ =	strace $0x90000049  }
0xc1: {  	s29 =	simm.s32 $0xA;
	_ =	strace $0x8000004B  }
0xc2: {  	_ =	swait.ge [sflag:s29], $0x1  }
0xc3: {  	[sflag:s29] =	ssyncadd.s32 $0xFFFFFFFF  }
0xc4: {  	_ =	strace $0x9000004B  }
0xc5: {  	_ =	sfence  }
0xc6: {  	s30 =	sld [smem:$0x0];
	_ =	sdelay $0x2  }
0xc7: {  	s31 =	sshll.u32 s1, $0xD;
	s1 =	sshrl.u32 s1, $0x2  }
0xc8: {  	s4 =	sand.u32 $0x4000, s31;
	s1 =	sadd.s32 s1, s30  }
0xc9: {  	s0 =	sor.u32 s4, s0;
	s1 =	sshll.u32 s1, $0x11  }
0xca: {  	s0 =	sor.u32 s1, s0  }
0xcb: {  	s0 =	sadd.s32 $0x8F2B, s0  }
0xcc: {  	[sflag:s0] =	ssyncadd.remote.s32 $0x1  }
0xcd: {  	_ =	sfence.sel $0xFFFF  }
0xce: {  	[dreg:$0x0] =	wrdreg $0xFFFFFFFF;
	(pc) =	sbr.abs _section_cstart, $3  }
0xcf: {  	[dreg:$0x1] =	wrdreg $0xFFFFFFFF  }
0xd0: {  	_ =	task.clear_ibuf [dreg:s22], $0x2FFFF;
	_ =	strace $0x9FFFFFFF  }
0xd1: {  	(tm) =	ssettm $0x7FFFFFFF  }
tec
execute0_lowered:
.L_overlay_start_1:
0x0: {  	(tag) =	ssettag $0x1  }
0x1: {  	s0 =	srdreg.scid  }
0x2: {  	s21 =	stileid.u32;
	s6 =	rddreg [dreg:$0x0]  }
0x3: {  	s0 =	sand.u32 $0x1, s0;
	s1 =	sshll.u32 s21, $0x1;
	s2 =	sshrl.u32 s21, $0x2  }
0x4: {  	s3 =	rddreg [dreg:$0x1];
	s1 =	sor.u32 s0, s1;
	s4 =	smul.u32 $0x2800, s2  }
0x5: {  	s2 =	simm.s32 $0x0;
	s18 =	sshll.u32 s1, $0x7;
	s19 =	smul.u32 $0xA00, s1  }
0x6: {  	[smem:$0x7FF] =	sst s2;
	s1 =	smul.u32 $0x5000, s1;
	s5 =	sand.u32 $0x380, s18  }
0x7: {  	s7 =	sadd.s32 $0xC7000, s6;
	_ =	strace $0x8000004A;
	s4 =	sor.u32 s4, s5  }
0x8: {  	s20 =	sadd.s32 s7, s19;
	s1 =	sshrl.u32 s1, $0x3;
	s4 =	sshrl.u32 s4, $0x3  }
0x9: {  	[dreg:$0x4] =	wrdreg s20;
	s1 =	sadd.s32 s7, s1;
	s3 =	sadd.s32 s3, s4  }
0xa: {  	s22 =	sadd.s32 $0x14000, s1;
	[dreg:$0x3] =	wrdreg s3  }
0xb: {  	s24 =	simm.s32 $0x80;
	[dreg:$0x5] =	wrdreg s22  }
0xc: {  	s25 =	simm.s32 $0x400;
	s3 =	simm.s32 $0x3;
	s23 =	rddreg [dreg:$0x3]  }
0xd: {  	[tilespmem:s2], [sflag:$0x3] =	stream.strided.gather [hbm4b:s23+s24], $0x500, s25, s24, $0x38;
	[tilespmem:$0xA500] =	vst v63  }
0xe: {  	_ =	swait.ge [sflag:s3], $0x500  }
0xf: {  	s8 =	simm.s32 $0x500;
	[sflag:s3] =	ssyncset.done $0x0  }
0x10: {  	s6 =	sadd.s32 $0x3A00, s6;
	s7 =	simm.s32 $0xA0;
	[sflag:s3] =	ssyncadd.s32 $0xFFFFFB00  }
0x11: {  	[tilespmem:s8], [sflag:$0x1] =	stream.indirect.gather [hbm4b:s6+s7], $0x80, s2, s7, $0xb8;
	[tilespmem:$0xA500] =	vst v63  }
0x12: {  	s9 =	simm.s32 $0x5500;
	s10 =	simm.s32 $0x1  }
0x13: {  	[tilespmem:s9], [sflag:$0x2] =	stream.indirect.gather [hbm4b:s6+s7], $0x80, s7, s7, $0xb8;
	[tilespmem:$0xA500] =	vst v63  }
0x14: {  	_ =	swait.ge [sflag:s10], $0x5000  }
0x15: {  	[sflag:s10] =	ssyncset.done $0x0  }
0x16: {  	s11 =	rddreg [dreg:$0x4];
	[sflag:s10] =	ssyncadd.s32 $0xFFFFB000  }
0x17: {  	[hbm4b:s11+s2] =	stream.linear.scatter [tilespmem:s8], [sflag:$0x3], $0x5000, $0x38;
	[tilespmem:$0xA500] =	vst v63  }
0x18: {  	_ =	swait.ge [sflag:s3], $0x5000  }
0x19: {  	[sflag:s3] =	ssyncset.done $0x0  }
0x1a: {  	s26 =	simm.s32 $0x140;
	s12 =	simm.s32 $0x2;
	[sflag:s3] =	ssyncadd.s32 $0xFFFFB000  }
0x1b: {  	[tilespmem:s8], [sflag:$0x1] =	stream.indirect.gather [hbm4b:s6+s7], $0x80, s26, s7, $0xb8;
	[tilespmem:$0xA500] =	vst v63  }
0x1c: {  	_ =	swait.ge [sflag:s12], $0x5000  }
0x1d: {  	[sflag:s12] =	ssyncset.done $0x0  }
0x1e: {  	s13 =	rddreg [dreg:$0x5];
	[sflag:s12] =	ssyncadd.s32 $0xFFFFB000  }
0x1f: {  	[hbm4b:s13+s2] =	stream.linear.scatter [tilespmem:s9], [sflag:$0x3], $0x5000, $0x38;
	[tilespmem:$0xA500] =	vst v63  }
0x20: {  	_ =	swait.ge [sflag:s3], $0x5000  }
0x21: {  	[sflag:s3] =	ssyncset.done $0x0  }
0x22: {  	s13 =	simm.s32 $0x1E0;
	[sflag:s3] =	ssyncadd.s32 $0xFFFFB000  }
0x23: {  	[tilespmem:s9], [sflag:$0x2] =	stream.indirect.gather [hbm4b:s6+s7], $0x80, s13, s7, $0xb8;
	[tilespmem:$0xA500] =	vst v63  }
0x24: {  	_ =	swait.ge [sflag:s10], $0x5000  }
0x25: {  	[sflag:s10] =	ssyncset.done $0x0  }
0x26: {  	s14 =	sadd.s32 $0x28000, s1;
	[sflag:s10] =	ssyncadd.s32 $0xFFFFB000  }
0x27: {  	[hbm4b:s14+s2] =	stream.linear.scatter [tilespmem:s8], [sflag:$0x3], $0x5000, $0x38;
	[tilespmem:$0xA500] =	vst v63  }
0x28: {  	_ =	swait.ge [sflag:s3], $0x5000  }
0x29: {  	[sflag:s3] =	ssyncset.done $0x0  }
0x2a: {  	s15 =	simm.s32 $0x280;
	[sflag:s3] =	ssyncadd.s32 $0xFFFFB000  }
0x2b: {  	[tilespmem:s8], [sflag:$0x1] =	stream.indirect.gather [hbm4b:s6+s7], $0x80, s15, s7, $0xb8;
	[tilespmem:$0xA500] =	vst v63  }
0x2c: {  	_ =	swait.ge [sflag:s12], $0x5000  }
0x2d: {  	[sflag:s12] =	ssyncset.done $0x0  }
0x2e: {  	s16 =	sadd.s32 $0x3C000, s1;
	[sflag:s12] =	ssyncadd.s32 $0xFFFFB000  }
0x2f: {  	[hbm4b:s16+s2] =	stream.linear.scatter [tilespmem:s9], [sflag:$0x3], $0x5000, $0x38;
	[tilespmem:$0xA500] =	vst v63  }
0x30: {  	_ =	swait.ge [sflag:s3], $0x5000  }
0x31: {  	[sflag:s3] =	ssyncset.done $0x0  }
0x32: {  	s17 =	simm.s32 $0x320;
	[sflag:s3] =	ssyncadd.s32 $0xFFFFB000  }
0x33: {  	[tilespmem:s9], [sflag:$0x2] =	stream.indirect.gather [hbm4b:s6+s7], $0x80, s17, s7, $0xb8;
	[tilespmem:$0xA500] =	vst v63  }
0x34: {  	_ =	swait.ge [sflag:s10], $0x5000  }
0x35: {  	[sflag:s10] =	ssyncset.done $0x0  }
0x36: {  	s18 =	sadd.s32 $0x50000, s1;
	[sflag:s10] =	ssyncadd.s32 $0xFFFFB000  }
0x37: {  	[hbm4b:s18+s2] =	stream.linear.scatter [tilespmem:s8], [sflag:$0x3], $0x5000, $0x38;
	[tilespmem:$0xA500] =	vst v63  }
0x38: {  	_ =	swait.ge [sflag:s3], $0x5000  }
0x39: {  	[sflag:s3] =	ssyncset.done $0x0  }
0x3a: {  	s19 =	simm.s32 $0x3C0;
	[sflag:s3] =	ssyncadd.s32 $0xFFFFB000  }
0x3b: {  	[tilespmem:s8], [sflag:$0x1] =	stream.indirect.gather [hbm4b:s6+s7], $0x80, s19, s7, $0xb8;
	[tilespmem:$0xA500] =	vst v63  }
0x3c: {  	_ =	swait.ge [sflag:s12], $0x5000  }
0x3d: {  	[sflag:s12] =	ssyncset.done $0x0  }
0x3e: {  	p0 =	sgt.u32 s21, $0xC;
	s20 =	sadd.s32 $0x64000, s1;
	[sflag:s12] =	ssyncadd.s32 $0xFFFFB000  }
0x3f: {  	[hbm4b:s20+s2] =	stream.linear.scatter [tilespmem:s9], [sflag:$0x3], $0x5000, $0x38;
	[tilespmem:$0xA500] =	vst v63  }
0x40: {  	s21 =	simm.s32 @!p0 $0x5500;
	_ =	swait.ge [sflag:s3], $0x5000  }
0x41: {  	s0 =	ssub.s32 $0x2, s0;
	s22 =	simm.s32 @!p0 $0xA0;
	[sflag:s3] =	ssyncset.done $0x0  }
0x42: {  	s23 =	simm.s32 @!p0 $0x460;
	s24 =	simm.s32 @!p0 $0x1;
	[sflag:s3] =	ssyncadd.s32 $0xFFFFB000  }
0x43: {  	[tilespmem:s21], [sflag:$0x2] =	stream.indirect.gather @!p0 [hbm4b:s6+s22], $0x80, s23, s22, $0xb8;
	[tilespmem:$0xA500] =	vst v63  }
0x44: {  	s28 =	simm.s32 @!p0 $0x500;
	s31 =	sshrl.u32 s0, $0x1;
	_ =	swait.ge @!p0 [sflag:s24], $0x5000  }
0x45: {  	s29 =	simm.s32 @!p0 $0x3;
	s0 =	ssub.s32 s0, s31;
	[sflag:s24] =	ssyncset.done @!p0 $0x0  }
0x46: {  	s25 =	sadd.s32 $0x78000, s1;
	s26 =	simm.s32 @!p0 $0x0;
	[sflag:s24] =	ssyncadd.s32 @!p0 $0xFFFFB000  }
0x47: {  	[hbm4b:s25+s26] =	stream.linear.scatter @!p0 [tilespmem:s28], [sflag:$0x3], $0x5000, $0x38;
	[tilespmem:$0xA500] =	vst v63  }
0x48: {  	s0 =	smax.u32 s0, $0x1;
	_ =	swait.ge @!p0 [sflag:s29], $0x5000  }
0x49: {  	s30 =	simm.s32 @!p0 $0x2;
	s0 =	sadd.s32 $0xFFFFFFFF, s0;
	[sflag:s29] =	ssyncset.done @!p0 $0x0  }
0x4a: {  	s30 =	simm.s32 @p0 $0x1;
	p1 =	sne.s32 s0, $0x0;
	[sflag:s29] =	ssyncadd.s32 @!p0 $0xFFFFB000  }
.Ltmp0:
0x4b: {  	_ =	swait.ge [sflag:s30], $0x5000;
	(pc) =	sbr.rel @!p1 .LBB2_3-.Ltmp0, $4  }
0x4c: {  	s31 =	sadd.s32 $0x8C000, s1;
	s1 =	simm.s32 @!p0 $0x5500;
	[sflag:s30] =	ssyncset.done $0x0  }
0x4d: {  	s31 =	smov.u32 @p0 s25;
	s1 =	simm.s32 @p0 $0x500;
	[sflag:s30] =	ssyncadd.s32 $0xFFFFB000  }
0x4e: {  	[hbm4b:s31+s2] =	stream.linear.scatter [tilespmem:s1], [sflag:$0x3], $0x5000, $0x38;
	[tilespmem:$0xA500] =	vst v63  }
0x4f: {  	_ =	swait.ge [sflag:s3], $0x5000  }
0x50: {  	s5 =	simm.s32 $0x80;
	s11 =	simm.s32 $0x400  }
.LBB2_2:
0x51: {  	[sflag:s3] =	ssyncset.done $0x0  }
0x52: {  	s4 =	rddreg [dreg:$0x3];
	[sflag:s3] =	ssyncadd.s32 $0xFFFFB000  }
0x53: {  	[tilespmem:s2], [sflag:$0x3] =	stream.strided.gather [hbm4b:s4+s5], $0x500, s11, s5, $0x38;
	[tilespmem:$0xA500] =	vst v63  }
0x54: {  	_ =	swait.ge [sflag:s3], $0x500  }
0x55: {  	[sflag:s3] =	ssyncset.done $0x0  }
0x56: {  	[sflag:s3] =	ssyncadd.s32 $0xFFFFFB00  }
0x57: {  	[tilespmem:s8], [sflag:$0x1] =	stream.indirect.gather [hbm4b:s6+s7], $0x80, s2, s7, $0xb8;
	[tilespmem:$0xA500] =	vst v63  }
0x58: {  	_ = 	snop  }
0x59: {  	[tilespmem:s9], [sflag:$0x2] =	stream.indirect.gather [hbm4b:s6+s7], $0x80, s7, s7, $0xb8;
	[tilespmem:$0xA500] =	vst v63  }
0x5a: {  	_ =	swait.ge [sflag:s10], $0x5000  }
0x5b: {  	[sflag:s10] =	ssyncset.done $0x0  }
0x5c: {  	s4 =	rddreg [dreg:$0x4];
	[sflag:s10] =	ssyncadd.s32 $0xFFFFB000  }
0x5d: {  	[hbm4b:s4+s2] =	stream.linear.scatter [tilespmem:s8], [sflag:$0x3], $0x5000, $0x38;
	[tilespmem:$0xA500] =	vst v63  }
0x5e: {  	_ =	swait.ge [sflag:s3], $0x5000  }
0x5f: {  	[sflag:s3] =	ssyncset.done $0x0  }
0x60: {  	s4 =	simm.s32 $0x140;
	[sflag:s3] =	ssyncadd.s32 $0xFFFFB000  }
0x61: {  	[tilespmem:s8], [sflag:$0x1] =	stream.indirect.gather [hbm4b:s6+s7], $0x80, s4, s7, $0xb8;
	[tilespmem:$0xA500] =	vst v63  }
0x62: {  	_ =	swait.ge [sflag:s12], $0x5000  }
0x63: {  	[sflag:s12] =	ssyncset.done $0x0  }
0x64: {  	s4 =	rddreg [dreg:$0x5];
	[sflag:s12] =	ssyncadd.s32 $0xFFFFB000  }
0x65: {  	[hbm4b:s4+s2] =	stream.linear.scatter [tilespmem:s9], [sflag:$0x3], $0x5000, $0x38;
	[tilespmem:$0xA500] =	vst v63  }
0x66: {  	_ =	swait.ge [sflag:s3], $0x5000  }
0x67: {  	[sflag:s3] =	ssyncset.done $0x0  }
0x68: {  	[sflag:s3] =	ssyncadd.s32 $0xFFFFB000  }
0x69: {  	[tilespmem:s9], [sflag:$0x2] =	stream.indirect.gather [hbm4b:s6+s7], $0x80, s13, s7, $0xb8;
	[tilespmem:$0xA500] =	vst v63  }
0x6a: {  	_ =	swait.ge [sflag:s10], $0x5000  }
0x6b: {  	[sflag:s10] =	ssyncset.done $0x0  }
0x6c: {  	[sflag:s10] =	ssyncadd.s32 $0xFFFFB000  }
0x6d: {  	[hbm4b:s14+s2] =	stream.linear.scatter [tilespmem:s8], [sflag:$0x3], $0x5000, $0x38;
	[tilespmem:$0xA500] =	vst v63  }
0x6e: {  	_ =	swait.ge [sflag:s3], $0x5000  }
0x6f: {  	[sflag:s3] =	ssyncset.done $0x0  }
0x70: {  	[sflag:s3] =	ssyncadd.s32 $0xFFFFB000  }
0x71: {  	[tilespmem:s8], [sflag:$0x1] =	stream.indirect.gather [hbm4b:s6+s7], $0x80, s15, s7, $0xb8;
	[tilespmem:$0xA500] =	vst v63  }
0x72: {  	_ =	swait.ge [sflag:s12], $0x5000  }
0x73: {  	[sflag:s12] =	ssyncset.done $0x0  }
0x74: {  	[sflag:s12] =	ssyncadd.s32 $0xFFFFB000  }
0x75: {  	[hbm4b:s16+s2] =	stream.linear.scatter [tilespmem:s9], [sflag:$0x3], $0x5000, $0x38;
	[tilespmem:$0xA500] =	vst v63  }
0x76: {  	_ =	swait.ge [sflag:s3], $0x5000  }
0x77: {  	[sflag:s3] =	ssyncset.done $0x0  }
0x78: {  	[sflag:s3] =	ssyncadd.s32 $0xFFFFB000  }
0x79: {  	[tilespmem:s9], [sflag:$0x2] =	stream.indirect.gather [hbm4b:s6+s7], $0x80, s17, s7, $0xb8;
	[tilespmem:$0xA500] =	vst v63  }
0x7a: {  	_ =	swait.ge [sflag:s10], $0x5000  }
0x7b: {  	[sflag:s10] =	ssyncset.done $0x0  }
0x7c: {  	[sflag:s10] =	ssyncadd.s32 $0xFFFFB000  }
0x7d: {  	[hbm4b:s18+s2] =	stream.linear.scatter [tilespmem:s8], [sflag:$0x3], $0x5000, $0x38;
	[tilespmem:$0xA500] =	vst v63  }
0x7e: {  	_ =	swait.ge [sflag:s3], $0x5000  }
0x7f: {  	[sflag:s3] =	ssyncset.done $0x0  }
0x80: {  	[sflag:s3] =	ssyncadd.s32 $0xFFFFB000  }
0x81: {  	[tilespmem:s8], [sflag:$0x1] =	stream.indirect.gather [hbm4b:s6+s7], $0x80, s19, s7, $0xb8;
	[tilespmem:$0xA500] =	vst v63  }
0x82: {  	_ =	swait.ge [sflag:s12], $0x5000  }
0x83: {  	[sflag:s12] =	ssyncset.done $0x0  }
0x84: {  	[sflag:s12] =	ssyncadd.s32 $0xFFFFB000  }
0x85: {  	[hbm4b:s20+s2] =	stream.linear.scatter [tilespmem:s9], [sflag:$0x3], $0x5000, $0x38;
	[tilespmem:$0xA500] =	vst v63  }
0x86: {  	_ =	swait.ge [sflag:s3], $0x5000  }
0x87: {  	[sflag:s3] =	ssyncset.done $0x0  }
0x88: {  	[sflag:s3] =	ssyncadd.s32 $0xFFFFB000  }
0x89: {  	[tilespmem:s21], [sflag:$0x2] =	stream.indirect.gather @!p0 [hbm4b:s6+s22], $0x80, s23, s22, $0xb8;
	[tilespmem:$0xA500] =	vst v63  }
0x8a: {  	_ =	swait.ge @!p0 [sflag:s24], $0x5000  }
0x8b: {  	[sflag:s24] =	ssyncset.done @!p0 $0x0  }
0x8c: {  	[sflag:s24] =	ssyncadd.s32 @!p0 $0xFFFFB000  }
0x8d: {  	[hbm4b:s25+s26] =	stream.linear.scatter @!p0 [tilespmem:s28], [sflag:$0x3], $0x5000, $0x38;
	[tilespmem:$0xA500] =	vst v63  }
0x8e: {  	_ =	swait.ge @!p0 [sflag:s29], $0x5000  }
0x8f: {  	s0 =	sadd.s32 $0xFFFFFFFF, s0;
	[sflag:s29] =	ssyncset.done @!p0 $0x0  }
0x90: {  	p1 =	sne.s32 s0, $0x0;
	[sflag:s29] =	ssyncadd.s32 @!p0 $0xFFFFB000  }
.Ltmp1:
0x91: {  	_ =	swait.ge [sflag:s30], $0x5000;
	(pc) =	sbr.rel @p1 .LBB2_2-.Ltmp1, $4  }
0x92: {  	[sflag:s30] =	ssyncset.done $0x0  }
0x93: {  	[sflag:s30] =	ssyncadd.s32 $0xFFFFB000  }
0x94: {  	[hbm4b:s31+s2] =	stream.linear.scatter [tilespmem:s1], [sflag:$0x3], $0x5000, $0x38;
	[tilespmem:$0xA500] =	vst v63  }
0x95: {  	_ =	swait.ge [sflag:s3], $0x5000  }
.LBB2_3:
0x96: {  	[sflag:s3] =	ssyncset.done $0x0  }
0x97: {  	[sflag:s3] =	ssyncadd.s32 $0xFFFFB000  }
0x98: {  	_ =	sfence.sel $0x180000  }
0x99: {  	[bflag:$0x0] =	sbarrier.arrive $0xFFFF  }
0x9a: {  	_ =	strace $0x9000004A  }
0x9b: {  	s0 =	stileid.u32;
	[bflag:$0x2] =	sbarrier.arrive $0xFFFF  }
0x9c: {  	p0 =	sne.s32 s0, $0x0;
	s0 =	rddreg [dreg:$0x2]  }
0x9d: {  	s0 =	sadd.s32 @!p0 $0x100000, s0  }
0x9e: {  	[sflag:s0] =	ssyncadd.tile.s32 @!p0 $0x1;
	_ =	shalt  }
.Lfunc_end2:
_tile_overlayer_lowered:
.L_overlay_start_2:
0x9f: {  	(tag) =	ssettag $0x2  }
0xa0: {  	s0 =	rddreg [dreg:$0x0];
	s2 =	stileid.u32  }
0xa1: {  	s1 =	rddreg [dreg:$0x1];
	p0 =	sne.s32 s2, $0x0  }
0xa2: {  	s3 =	rddreg [dreg:$0x2];
	[bflag:$0x3] =	sbarrier.arrive $0xFFFF;
	s2 =	simm.s32 @!p0 $0x1C03  }
0xa3: {  	[timem:s3], [sflag:s2] =	dma.local @!p0 [hbm:s0], s1  }
0xa4: {  	s0 =	simm.s32 @!p0 $0x3  }
0xa5: {  	_ =	swait.ge @!p0 [sflag:s0], s1  }
0xa6: {  	s1 =	ssub.s32 @!p0 $0x0, s1;
	[sflag:s0] =	ssyncset.done @!p0 $0x0  }
0xa7: {  	[sflag:s0] =	ssyncadd.s32 @!p0 s1  }
0xa8: {  	[bflag:$0x3] =	sbarrier.arrive $0xFFFF  }
0xa9: {  	_ =	shalt  }

// kernel: kernel.17.cloned.1.call-start
scs
__scs_entry_jumppad:
0x0: {  	(pc) =	sbr.rel $0x88, $3  }
0x1: {  	(tag) =	ssettag $0x0;
	lr =	simm.s32 $0x1  }
0x2: {  	[smem:$0x3F97] =	sst lr;
	_ =	strace $0xD0000000  }
0x3: {  	_ = 	snop  }
0x4: {  	_ = 	snop  }
0x5: {  	_ = 	snop  }
0x6: {  	_ = 	snop  }
0x7: {  	_ = 	snop  }
__scs_overlays_trampoline_lowered:
0x8: {  	[smem:$0x3FA6] =	sst s0  }
0x9: {  	[smem:$0x3FA7] =	sst s1  }
0xa: {  	[smem:$0x3FA8] =	sst s2  }
0xb: {  	[smem:$0x3FA9] =	sst s3  }
0xc: {  	[smem:$0x3FAA] =	sst s4  }
0xd: {  	[smem:$0x3FAB] =	sst s5  }
0xe: {  	[smem:$0x3FAC] =	sst s6  }
0xf: {  	[smem:$0x3FAD] =	sst s7  }
0x10: {  	[smem:$0x3FAE] =	sst s8  }
0x11: {  	[smem:$0x3FAF] =	sst s9;
	s0 =	simm.s32 @!p0 $0x0  }
0x12: {  	s1 =	sld [smem:$0x3F95];
	s0 =	simm.s32 @p0 $0x1  }
0x13: {  	[smem:$0x3FB0] =	sst s0;
	s0 =	simm.s32 @!p1 $0x0  }
0x14: {  	s2 =	sld [smem:$0x3F94];
	s0 =	simm.s32 @p1 $0x1  }
0x15: {  	[smem:$0x3FB1] =	sst s0;
	s0 =	simm.s32 @!p2 $0x0  }
0x16: {  	s3 =	sld [smem:$0x3FDB];
	s0 =	simm.s32 @p2 $0x1  }
0x17: {  	s4 =	simm.s32 $0x1BF5;
	[smem:$0x3FB3] =	sst s0  }
0x18: {  	s0 =	sld [smem:$0x3F96];
	_ =	swait.ge [sflag:s4], $0x0  }
0x19: {  	s7 =	sld [smem:$0x3F97]  }
0x1a: {  	s8 =	sadd.s32 $0xFFFFE003, lr  }
0x1b: {  	s9 =	sadd.s32 $0xFFFFFEF7, lr;
	s5 =	simm.s32 $0xFFFFFFFF;
	p2 =	slt.u32 s8, $0xFFFFF086  }
0x1c: {  	p1 =	slt.u32 s9, $0xF7A;
	s5 =	simm.s32 @!p2 $0x0  }
0x1d: {  	s5 =	simm.s32 @p1 $0x1;
	p0 =	seq.s32 s7, s2  }
0x1e: {  	s7 =	smul.u32 @!p0 $0xF7A, s2;
	p2 =	seq.s32 @!p0 s5, $0x0  }
0x1f: {  	s9 =	smul.u32 $0xF7A, s1;
	s8 =	simm.s32 @!p0 $0x1BF5;
	p2 =	por !p2, p0  }
0x20: {  	[sflag:s8] =	ssyncset.s32 @!p0 $0xFFFFF086;
	s6 =	sadd.s32 @!p0 s3, s7;
	s7 =	simm.s32 @!p0 $0x108  }
0x21: {  	s3 =	sadd.s32 s3, s9;
	s6 =	sadd.s32 @!p0 $0x88, s6;
	s7 =	simm.s32 @p2 $0x1082  }
0x22: {  	[simem:s7], [sflag:s8] =	dma.local @!p0 [hbm:s6], $0xF7A  }
0x23: {  	s9 =	sor.u32 $0xD0000000, s2;
	s6 =	simm.s32 $0x108;
	_ =	swait.ge @!p0 [sflag:s8], $0x0  }
0x24: {  	s3 =	sadd.s32 $0x88, s3;
	s6 =	simm.s32 @!p1 $0x1082;
	[sflag:s4] =	ssyncset.s32 $0xFFFFF086  }
0x25: {  	[simem:s6], [sflag:s4] =	dma.local [hbm:s3], $0xF7A  }
0x26: {  	[smem:$0x3F97] =	sst s1;
	(tag) =	ssettag s2;
	_ =	strace s9  }
0x27: {  	s1 =	sld [smem:$0x3FA7]  }
0x28: {  	s2 =	sld [smem:$0x3FA8]  }
0x29: {  	s4 =	sld [smem:$0x3FAA]  }
0x2a: {  	p0 =	seq.s32 s5, $0x0;
	s5 =	sld [smem:$0x3FAB]  }
0x2b: {  	s6 =	sld [smem:$0x3FAC]  }
0x2c: {  	s7 =	sld [smem:$0x3FAD]  }
0x2d: {  	s3 =	simm.s32 $0x108;
	s8 =	sld [smem:$0x3FAE]  }
0x2e: {  	s3 =	simm.s32 @!p0 $0x1082;
	s9 =	sld [smem:$0x3FAF]  }
0x2f: {  	lr =	sadd.s32 s0, s3;
	s0 =	sld [smem:$0x3FA6]  }
0x30: {  	s3 =	sld [smem:$0x3FA9]  }
0x31: {  	[smem:$0x3FB2] =	sst s10  }
0x32: {  	s10 =	sld [smem:$0x3FB0];
	_ =	sdelay $0x3  }
0x33: {  	p0 =	seq.s32 s10, $0x1;
	s10 =	sld [smem:$0x3FB2];
	_ =	sdelay $0x3  }
0x34: {  	[smem:$0x3FB2] =	sst s10  }
0x35: {  	s10 =	sld [smem:$0x3FB1];
	_ =	sdelay $0x3  }
0x36: {  	p1 =	seq.s32 s10, $0x1;
	s10 =	sld [smem:$0x3FB2];
	_ =	sdelay $0x3  }
0x37: {  	[smem:$0x3FB2] =	sst s10  }
0x38: {  	s10 =	sld [smem:$0x3FB3]  }
0x39: {  	_ = 	snop;
	(pc) =	sbr.ind lr, $3  }
0x3a: {  	_ = 	snop  }
0x3b: {  	_ = 	snop  }
0x3c: {  	p2 =	seq.s32 s10, $0x1;
	s10 =	sld [smem:$0x3FB2]  }
0x3d: {  	_ =	shalt  }
0x3e: {  	_ =	shalt  }
0x3f: {  	_ =	shalt  }
0x40: {  	_ =	shalt  }
0x41: {  	_ =	shalt  }
0x42: {  	_ =	shalt  }
0x43: {  	_ =	shalt  }
0x44: {  	_ =	shalt  }
0x45: {  	_ =	shalt  }
0x46: {  	_ =	shalt  }
0x47: {  	_ =	shalt  }
0x48: {  	_ =	shalt  }
0x49: {  	_ =	shalt  }
0x4a: {  	_ =	shalt  }
0x4b: {  	_ =	shalt  }
0x4c: {  	_ =	shalt  }
0x4d: {  	_ =	shalt  }
0x4e: {  	_ =	shalt  }
0x4f: {  	_ =	shalt  }
0x50: {  	_ =	shalt  }
0x51: {  	_ =	shalt  }
0x52: {  	_ =	shalt  }
0x53: {  	_ =	shalt  }
0x54: {  	_ =	shalt  }
0x55: {  	_ =	shalt  }
0x56: {  	_ =	shalt  }
0x57: {  	_ =	shalt  }
0x58: {  	_ =	shalt  }
0x59: {  	_ =	shalt  }
0x5a: {  	_ =	shalt  }
0x5b: {  	_ =	shalt  }
0x5c: {  	_ =	shalt  }
0x5d: {  	_ =	shalt  }
0x5e: {  	_ =	shalt  }
0x5f: {  	_ =	shalt  }
0x60: {  	_ =	shalt  }
0x61: {  	_ =	shalt  }
0x62: {  	_ =	shalt  }
0x63: {  	_ =	shalt  }
0x64: {  	_ =	shalt  }
0x65: {  	_ =	shalt  }
0x66: {  	_ =	shalt  }
0x67: {  	_ =	shalt  }
0x68: {  	_ =	shalt  }
0x69: {  	_ =	shalt  }
0x6a: {  	_ =	shalt  }
0x6b: {  	_ =	shalt  }
0x6c: {  	_ =	shalt  }
0x6d: {  	_ =	shalt  }
0x6e: {  	_ =	shalt  }
0x6f: {  	_ =	shalt  }
0x70: {  	_ =	shalt  }
0x71: {  	_ =	shalt  }
0x72: {  	_ =	shalt  }
0x73: {  	_ =	shalt  }
0x74: {  	_ =	shalt  }
0x75: {  	_ =	shalt  }
0x76: {  	_ =	shalt  }
0x77: {  	_ =	shalt  }
0x78: {  	_ =	shalt  }
0x79: {  	_ =	shalt  }
0x7a: {  	_ =	shalt  }
0x7b: {  	_ =	shalt  }
0x7c: {  	_ =	shalt  }
0x7d: {  	_ =	shalt  }
0x7e: {  	_ =	shalt  }
0x7f: {  	_ =	shalt  }
0x80: {  	_ =	shalt  }
0x81: {  	_ =	shalt  }
0x82: {  	_ =	shalt  }
0x83: {  	_ =	shalt  }
0x84: {  	_ =	shalt  }
0x85: {  	_ =	shalt  }
0x86: {  	_ =	shalt  }
0x87: {  	_ =	shalt  }
.Lfunc_end0:
.L_simem_size_0:
called_computation.2_lowered:
.L_overlay_start_0:
0x88: {  	s2 =	sld [smem:$0x3FD9]  }
0x89: {  	s3 =	sld [smem:$0x3FFE];
	_ =	sdelay $0x1  }
0x8a: {  	s1 =	srdreg.scid  }
0x8b: {  	s0 =	sand.u32 $0x1, s1  }
0x8c: {  	s17 =	sshll.u32 s0, $0xA;
	s2 =	sadd.s32 s3, s2  }
0x8d: {  	s2 =	sadd.s32 s2, s17  }
0x8e: {  	[smem:$0x3FBE] =	sst s2  }
0x8f: {  	_ = 	snop  }
0x90: {  	(tm) =	ssettm $0x1  }
0x91: {  	s18 =	sld [smem:$0x3FFB];
	_ =	sdelay $0x3  }
0x92: {  	_ =	strace s18  }
0x93: {  	s2 =	sld [smem:$0x3FFC];
	_ =	sdelay $0x3  }
0x94: {  	_ =	strace s2  }
0x95: {  	s2 =	sld [smem:$0x3FFD];
	_ =	sdelay $0x3  }
0x96: {  	_ =	strace s2  }
0x97: {  	_ =	strace $0x8FFFFFFF  }
0x98: {  	s19 =	sld [smem:$0x3FDB];
	_ =	sdelay $0x1  }
0x99: {  	s20 =	simm.s32 $_scs_section_size  }
0x9a: {  	s4 =	simm.s32 $_size__tile_overlayer_lowered;
	s5 =	simm.s32 $_tile_overlayer_lowered  }
0x9b: {  	s6 =	simm.s32 $0x1BFF;
	s21 =	sshll.u32 s5, $0x1;
	s3 =	sadd.s32 s20, s19  }
0x9c: {  	s22 =	simm.s32 $0x0;
	s4 =	sshll.u32 s4, $0x1;
	s5 =	sadd.s32 s21, s3  }
0x9d: {  	[timem:s22], [sflag:s6] =	dma.local [hbm:s5], s4  }
0x9e: {  	_ =	swait.ge [sflag:s6], s4  }
0x9f: {  	s4 =	ssub.s32 $0x0, s4;
	[sflag:s6] =	ssyncset.done $0x0  }
0xa0: {  	[sflag:s6] =	ssyncadd.s32 s4;
	_ =	sdelay $0x1  }
0xa1: {  	s23 =	simm.s32 $0x1B8B  }
0xa2: {  	_ =	swait.ge [sflag:s23], $0x1  }
0xa3: {  	[sflag:s23] =	ssyncset.done $0x0  }
0xa4: {  	[sflag:s23] =	ssyncadd.s32 $0xFFFFFFFF  }
0xa5: {  	s4 =	sld [smem:$0x0]  }
0xa6: {  	s5 =	sand.u32 $0xFFFFFFFE, s1  }
0xa7: {  	p0 =	sne.s32 s1, s5  }
0xa8: {  	s5 =	sshll.u32 @p0 s5, $0xE  }
0xa9: {  	s5 =	sadd.s32 @p0 $0x11B8D, s5;
	s6 =	sshll.u32 @p0 s4, $0x11  }
0xaa: {  	s5 =	sor.u32 @p0 s6, s5  }
0xab: {  	[sflag:s5] =	ssyncadd.remote.s32 @p0 $0x1;
	_ =	sdelay $0x1  }
0xac: {  	s5 =	simm.s32 @p0 $0x1B8D  }
0xad: {  	_ =	swait.eq @p0 [sflag:s5], $0x1  }
0xae: {  	[sflag:s5] =	ssyncadd.s32 @p0 $0xFFFFFFFF  }
0xaf: {  	s6 =	sshll.u32 @!p0 s1, $0xE  }
0xb0: {  	s6 =	sor.u32 @!p0 $0x4000, s6;
	s5 =	simm.s32 @!p0 $0x1B8D  }
0xb1: {  	s4 =	sshll.u32 @!p0 s4, $0x11;
	s6 =	sadd.s32 @!p0 $0x11B8D, s6;
	_ =	swait.eq @!p0 [sflag:s5], $0x1  }
0xb2: {  	s4 =	sor.u32 @!p0 s4, s6;
	[sflag:s5] =	ssyncadd.s32 @!p0 $0xFFFFFFFF  }
0xb3: {  	s25 =	simm.s32 $0x1B8E;
	s24 =	sld [smem:$0x3FFE];
	[sflag:s4] =	ssyncadd.remote.s32 @!p0 $0x1  }
0xb4: {  	s26 =	simm.s32 $execute0_lowered;
	[smem:$0x3FD2] =	sst s25  }
0xb5: {  	s5 =	sshll.u32 s26, $0x1;
	_ =	strace $0x8000004C;
	[dreg:$0x1] =	wrdreg $0xFFFFFFFF  }
0xb6: {  	s28 =	simm.s32 $_size_execute0_lowered;
	s3 =	sadd.s32 s3, s5;
	[dreg:$0x0] =	wrdreg $0x0  }
0xb7: {  	s5 =	sshll.u32 s28, $0x1;
	[dreg:$0x2] =	wrdreg s3  }
0xb8: {  	[dreg:$0x3] =	wrdreg s5  }
0xb9: {  	[dreg:$0x4] =	wrdreg $0xC0  }
0xba: {  	_ =	task [dreg:s22], $0x5FFFF  }
0xbb: {  	[dreg:$0x1] =	wrdreg $0xFFFFFFFF  }
0xbc: {  	[dreg:$0x0] =	wrdreg $0x60  }
0xbd: {  	[dreg:$0x2] =	wrdreg s24  }
0xbe: {  	[dreg:$0x3] =	wrdreg $0xB  }
0xbf: {  	_ =	task.clear_ibuf [dreg:s22], $0x4FFFF;
	_ =	strace $0x9000004C  }
0xc0: {  	s29 =	simm.s32 $0xB;
	_ =	strace $0x8000004E  }
0xc1: {  	_ =	swait.ge [sflag:s29], $0x1  }
0xc2: {  	[sflag:s29] =	ssyncadd.s32 $0xFFFFFFFF  }
0xc3: {  	_ =	strace $0x9000004E  }
0xc4: {  	_ =	sfence  }
0xc5: {  	s30 =	sld [smem:$0x0];
	_ =	sdelay $0x2  }
0xc6: {  	s31 =	sshll.u32 s1, $0xD;
	s1 =	sshrl.u32 s1, $0x2  }
0xc7: {  	s4 =	sand.u32 $0x4000, s31;
	s1 =	sadd.s32 s1, s30  }
0xc8: {  	s0 =	sor.u32 s4, s0;
	s1 =	sshll.u32 s1, $0x11  }
0xc9: {  	s0 =	sor.u32 s1, s0  }
0xca: {  	s0 =	sadd.s32 $0x8F2B, s0  }
0xcb: {  	[sflag:s0] =	ssyncadd.remote.s32 $0x1  }
0xcc: {  	_ =	sfence.sel $0xFFFF  }
0xcd: {  	[dreg:$0x0] =	wrdreg $0xFFFFFFFF;
	(pc) =	sbr.abs _section_cstart, $3  }
0xce: {  	[dreg:$0x1] =	wrdreg $0xFFFFFFFF  }
0xcf: {  	_ =	task.clear_ibuf [dreg:s22], $0x2FFFF;
	_ =	strace $0x9FFFFFFF  }
0xd0: {  	(tm) =	ssettm $0x7FFFFFFF  }
0xd1: {  	_ =	shalt  }
tec
execute0_lowered:
.L_overlay_start_1:
0x0: {  	(tag) =	ssettag $0x1  }
0x1: {  	s0 =	srdreg.scid;
	s21 =	stileid.u32  }
0x2: {  	s0 =	sand.u32 $0x1, s0;
	s1 =	sshll.u32 s21, $0x1;
	s2 =	sshrl.u32 s21, $0x2  }
0x3: {  	s1 =	sor.u32 s0, s1;
	s3 =	smul.u32 $0x2800, s2  }
0x4: {  	s6 =	rddreg [dreg:$0x0];
	s20 =	smul.u32 $0xA00, s1  }
0x5: {  	s2 =	simm.s32 $0x0;
	s19 =	sshll.u32 s1, $0x7;
	s1 =	smul.u32 $0x5000, s1  }
0x6: {  	s5 =	sadd.s32 $0x164800, s6;
	[smem:$0x7FF] =	sst s2;
	s4 =	sand.u32 $0x380, s19  }
0x7: {  	_ =	strace $0x8000004D;
	s3 =	sor.u32 s3, s4;
	s1 =	sshrl.u32 s1, $0x3  }
0x8: {  	s22 =	sadd.s32 s5, s20;
	s3 =	sshrl.u32 s3, $0x3;
	s1 =	sadd.s32 s5, s1  }
0x9: {  	[dreg:$0x3] =	wrdreg s22;
	s3 =	sadd.s32 s3, s6;
	s23 =	sadd.s32 $0x14000, s1  }
0xa: {  	s3 =	sadd.s32 $0x163400, s3;
	[dreg:$0x4] =	wrdreg s23  }
0xb: {  	s24 =	simm.s32 $0x80;
	[dreg:$0x2] =	wrdreg s3  }
0xc: {  	s25 =	simm.s32 $0x400;
	s3 =	simm.s32 $0x3;
	s7 =	rddreg [dreg:$0x2]  }
0xd: {  	[tilespmem:s2], [sflag:$0x3] =	stream.strided.gather [hbm4b:s7+s24], $0x500, s25, s24, $0x38;
	[tilespmem:$0xA500] =	vst v63  }
0xe: {  	_ =	swait.ge [sflag:s3], $0x500  }
0xf: {  	s8 =	simm.s32 $0x500;
	[sflag:s3] =	ssyncset.done $0x0  }
0x10: {  	s6 =	sadd.s32 $0x3A00, s6;
	s7 =	simm.s32 $0xA0;
	[sflag:s3] =	ssyncadd.s32 $0xFFFFFB00  }
0x11: {  	[tilespmem:s8], [sflag:$0x1] =	stream.indirect.gather [hbm4b:s6+s7], $0x80, s2, s7, $0xb8;
	[tilespmem:$0xA500] =	vst v63  }
0x12: {  	s9 =	simm.s32 $0x5500;
	s10 =	simm.s32 $0x1  }
0x13: {  	[tilespmem:s9], [sflag:$0x2] =	stream.indirect.gather [hbm4b:s6+s7], $0x80, s7, s7, $0xb8;
	[tilespmem:$0xA500] =	vst v63  }
0x14: {  	_ =	swait.ge [sflag:s10], $0x5000  }
0x15: {  	[sflag:s10] =	ssyncset.done $0x0  }
0x16: {  	s11 =	rddreg [dreg:$0x3];
	[sflag:s10] =	ssyncadd.s32 $0xFFFFB000  }
0x17: {  	[hbm4b:s11+s2] =	stream.linear.scatter [tilespmem:s8], [sflag:$0x3], $0x5000, $0x38;
	[tilespmem:$0xA500] =	vst v63  }
0x18: {  	_ =	swait.ge [sflag:s3], $0x5000  }
0x19: {  	[sflag:s3] =	ssyncset.done $0x0  }
0x1a: {  	s26 =	simm.s32 $0x140;
	s12 =	simm.s32 $0x2;
	[sflag:s3] =	ssyncadd.s32 $0xFFFFB000  }
0x1b: {  	[tilespmem:s8], [sflag:$0x1] =	stream.indirect.gather [hbm4b:s6+s7], $0x80, s26, s7, $0xb8;
	[tilespmem:$0xA500] =	vst v63  }
0x1c: {  	_ =	swait.ge [sflag:s12], $0x5000  }
0x1d: {  	[sflag:s12] =	ssyncset.done $0x0  }
0x1e: {  	s13 =	rddreg [dreg:$0x4];
	[sflag:s12] =	ssyncadd.s32 $0xFFFFB000  }
0x1f: {  	[hbm4b:s13+s2] =	stream.linear.scatter [tilespmem:s9], [sflag:$0x3], $0x5000, $0x38;
	[tilespmem:$0xA500] =	vst v63  }
0x20: {  	_ =	swait.ge [sflag:s3], $0x5000  }
0x21: {  	[sflag:s3] =	ssyncset.done $0x0  }
0x22: {  	s13 =	simm.s32 $0x1E0;
	[sflag:s3] =	ssyncadd.s32 $0xFFFFB000  }
0x23: {  	[tilespmem:s9], [sflag:$0x2] =	stream.indirect.gather [hbm4b:s6+s7], $0x80, s13, s7, $0xb8;
	[tilespmem:$0xA500] =	vst v63  }
0x24: {  	_ =	swait.ge [sflag:s10], $0x5000  }
0x25: {  	[sflag:s10] =	ssyncset.done $0x0  }
0x26: {  	s14 =	sadd.s32 $0x28000, s1;
	[sflag:s10] =	ssyncadd.s32 $0xFFFFB000  }
0x27: {  	[hbm4b:s14+s2] =	stream.linear.scatter [tilespmem:s8], [sflag:$0x3], $0x5000, $0x38;
	[tilespmem:$0xA500] =	vst v63  }
0x28: {  	_ =	swait.ge [sflag:s3], $0x5000  }
0x29: {  	[sflag:s3] =	ssyncset.done $0x0  }
0x2a: {  	s15 =	simm.s32 $0x280;
	[sflag:s3] =	ssyncadd.s32 $0xFFFFB000  }
0x2b: {  	[tilespmem:s8], [sflag:$0x1] =	stream.indirect.gather [hbm4b:s6+s7], $0x80, s15, s7, $0xb8;
	[tilespmem:$0xA500] =	vst v63  }
0x2c: {  	_ =	swait.ge [sflag:s12], $0x5000  }
0x2d: {  	[sflag:s12] =	ssyncset.done $0x0  }
0x2e: {  	s16 =	sadd.s32 $0x3C000, s1;
	[sflag:s12] =	ssyncadd.s32 $0xFFFFB000  }
0x2f: {  	[hbm4b:s16+s2] =	stream.linear.scatter [tilespmem:s9], [sflag:$0x3], $0x5000, $0x38;
	[tilespmem:$0xA500] =	vst v63  }
0x30: {  	_ =	swait.ge [sflag:s3], $0x5000  }
0x31: {  	[sflag:s3] =	ssyncset.done $0x0  }
0x32: {  	s17 =	simm.s32 $0x320;
	[sflag:s3] =	ssyncadd.s32 $0xFFFFB000  }
0x33: {  	[tilespmem:s9], [sflag:$0x2] =	stream.indirect.gather [hbm4b:s6+s7], $0x80, s17, s7, $0xb8;
	[tilespmem:$0xA500] =	vst v63  }
0x34: {  	_ =	swait.ge [sflag:s10], $0x5000  }
0x35: {  	[sflag:s10] =	ssyncset.done $0x0  }
0x36: {  	s18 =	sadd.s32 $0x50000, s1;
	[sflag:s10] =	ssyncadd.s32 $0xFFFFB000  }
0x37: {  	[hbm4b:s18+s2] =	stream.linear.scatter [tilespmem:s8], [sflag:$0x3], $0x5000, $0x38;
	[tilespmem:$0xA500] =	vst v63  }
0x38: {  	_ =	swait.ge [sflag:s3], $0x5000  }
0x39: {  	[sflag:s3] =	ssyncset.done $0x0  }
0x3a: {  	s19 =	simm.s32 $0x3C0;
	[sflag:s3] =	ssyncadd.s32 $0xFFFFB000  }
0x3b: {  	[tilespmem:s8], [sflag:$0x1] =	stream.indirect.gather [hbm4b:s6+s7], $0x80, s19, s7, $0xb8;
	[tilespmem:$0xA500] =	vst v63  }
0x3c: {  	_ =	swait.ge [sflag:s12], $0x5000  }
0x3d: {  	[sflag:s12] =	ssyncset.done $0x0  }
0x3e: {  	p0 =	sgt.u32 s21, $0xC;
	s20 =	sadd.s32 $0x64000, s1;
	[sflag:s12] =	ssyncadd.s32 $0xFFFFB000  }
0x3f: {  	[hbm4b:s20+s2] =	stream.linear.scatter [tilespmem:s9], [sflag:$0x3], $0x5000, $0x38;
	[tilespmem:$0xA500] =	vst v63  }
0x40: {  	s21 =	simm.s32 @!p0 $0x5500;
	_ =	swait.ge [sflag:s3], $0x5000  }
0x41: {  	s0 =	ssub.s32 $0x2, s0;
	s22 =	simm.s32 @!p0 $0xA0;
	[sflag:s3] =	ssyncset.done $0x0  }
0x42: {  	s23 =	simm.s32 @!p0 $0x460;
	s24 =	simm.s32 @!p0 $0x1;
	[sflag:s3] =	ssyncadd.s32 $0xFFFFB000  }
0x43: {  	[tilespmem:s21], [sflag:$0x2] =	stream.indirect.gather @!p0 [hbm4b:s6+s22], $0x80, s23, s22, $0xb8;
	[tilespmem:$0xA500] =	vst v63  }
0x44: {  	s28 =	simm.s32 @!p0 $0x500;
	s31 =	sshrl.u32 s0, $0x1;
	_ =	swait.ge @!p0 [sflag:s24], $0x5000  }
0x45: {  	s29 =	simm.s32 @!p0 $0x3;
	s0 =	ssub.s32 s0, s31;
	[sflag:s24] =	ssyncset.done @!p0 $0x0  }
0x46: {  	s25 =	sadd.s32 $0x78000, s1;
	s26 =	simm.s32 @!p0 $0x0;
	[sflag:s24] =	ssyncadd.s32 @!p0 $0xFFFFB000  }
0x47: {  	[hbm4b:s25+s26] =	stream.linear.scatter @!p0 [tilespmem:s28], [sflag:$0x3], $0x5000, $0x38;
	[tilespmem:$0xA500] =	vst v63  }
0x48: {  	s0 =	smax.u32 s0, $0x1;
	_ =	swait.ge @!p0 [sflag:s29], $0x5000  }
0x49: {  	s30 =	simm.s32 @!p0 $0x2;
	s0 =	sadd.s32 $0xFFFFFFFF, s0;
	[sflag:s29] =	ssyncset.done @!p0 $0x0  }
0x4a: {  	s30 =	simm.s32 @p0 $0x1;
	p1 =	sne.s32 s0, $0x0;
	[sflag:s29] =	ssyncadd.s32 @!p0 $0xFFFFB000  }
.Ltmp0:
0x4b: {  	_ =	swait.ge [sflag:s30], $0x5000;
	(pc) =	sbr.rel @!p1 .LBB2_3-.Ltmp0, $4  }
0x4c: {  	s31 =	sadd.s32 $0x8C000, s1;
	s1 =	simm.s32 @!p0 $0x5500;
	[sflag:s30] =	ssyncset.done $0x0  }
0x4d: {  	s31 =	smov.u32 @p0 s25;
	s1 =	simm.s32 @p0 $0x500;
	[sflag:s30] =	ssyncadd.s32 $0xFFFFB000  }
0x4e: {  	[hbm4b:s31+s2] =	stream.linear.scatter [tilespmem:s1], [sflag:$0x3], $0x5000, $0x38;
	[tilespmem:$0xA500] =	vst v63  }
0x4f: {  	_ =	swait.ge [sflag:s3], $0x5000  }
0x50: {  	s5 =	simm.s32 $0x80;
	s11 =	simm.s32 $0x400  }
.LBB2_2:
0x51: {  	[sflag:s3] =	ssyncset.done $0x0  }
0x52: {  	s4 =	rddreg [dreg:$0x2];
	[sflag:s3] =	ssyncadd.s32 $0xFFFFB000  }
0x53: {  	[tilespmem:s2], [sflag:$0x3] =	stream.strided.gather [hbm4b:s4+s5], $0x500, s11, s5, $0x38;
	[tilespmem:$0xA500] =	vst v63  }
0x54: {  	_ =	swait.ge [sflag:s3], $0x500  }
0x55: {  	[sflag:s3] =	ssyncset.done $0x0  }
0x56: {  	[sflag:s3] =	ssyncadd.s32 $0xFFFFFB00  }
0x57: {  	[tilespmem:s8], [sflag:$0x1] =	stream.indirect.gather [hbm4b:s6+s7], $0x80, s2, s7, $0xb8;
	[tilespmem:$0xA500] =	vst v63  }
0x58: {  	_ = 	snop  }
0x59: {  	[tilespmem:s9], [sflag:$0x2] =	stream.indirect.gather [hbm4b:s6+s7], $0x80, s7, s7, $0xb8;
	[tilespmem:$0xA500] =	vst v63  }
0x5a: {  	_ =	swait.ge [sflag:s10], $0x5000  }
0x5b: {  	[sflag:s10] =	ssyncset.done $0x0  }
0x5c: {  	s4 =	rddreg [dreg:$0x3];
	[sflag:s10] =	ssyncadd.s32 $0xFFFFB000  }
0x5d: {  	[hbm4b:s4+s2] =	stream.linear.scatter [tilespmem:s8], [sflag:$0x3], $0x5000, $0x38;
	[tilespmem:$0xA500] =	vst v63  }
0x5e: {  	_ =	swait.ge [sflag:s3], $0x5000  }
0x5f: {  	[sflag:s3] =	ssyncset.done $0x0  }
0x60: {  	s4 =	simm.s32 $0x140;
	[sflag:s3] =	ssyncadd.s32 $0xFFFFB000  }
0x61: {  	[tilespmem:s8], [sflag:$0x1] =	stream.indirect.gather [hbm4b:s6+s7], $0x80, s4, s7, $0xb8;
	[tilespmem:$0xA500] =	vst v63  }
0x62: {  	_ =	swait.ge [sflag:s12], $0x5000  }
0x63: {  	[sflag:s12] =	ssyncset.done $0x0  }
0x64: {  	s4 =	rddreg [dreg:$0x4];
	[sflag:s12] =	ssyncadd.s32 $0xFFFFB000  }
0x65: {  	[hbm4b:s4+s2] =	stream.linear.scatter [tilespmem:s9], [sflag:$0x3], $0x5000, $0x38;
	[tilespmem:$0xA500] =	vst v63  }
0x66: {  	_ =	swait.ge [sflag:s3], $0x5000  }
0x67: {  	[sflag:s3] =	ssyncset.done $0x0  }
0x68: {  	[sflag:s3] =	ssyncadd.s32 $0xFFFFB000  }
0x69: {  	[tilespmem:s9], [sflag:$0x2] =	stream.indirect.gather [hbm4b:s6+s7], $0x80, s13, s7, $0xb8;
	[tilespmem:$0xA500] =	vst v63  }
0x6a: {  	_ =	swait.ge [sflag:s10], $0x5000  }
0x6b: {  	[sflag:s10] =	ssyncset.done $0x0  }
0x6c: {  	[sflag:s10] =	ssyncadd.s32 $0xFFFFB000  }
0x6d: {  	[hbm4b:s14+s2] =	stream.linear.scatter [tilespmem:s8], [sflag:$0x3], $0x5000, $0x38;
	[tilespmem:$0xA500] =	vst v63  }
0x6e: {  	_ =	swait.ge [sflag:s3], $0x5000  }
0x6f: {  	[sflag:s3] =	ssyncset.done $0x0  }
0x70: {  	[sflag:s3] =	ssyncadd.s32 $0xFFFFB000  }
0x71: {  	[tilespmem:s8], [sflag:$0x1] =	stream.indirect.gather [hbm4b:s6+s7], $0x80, s15, s7, $0xb8;
	[tilespmem:$0xA500] =	vst v63  }
0x72: {  	_ =	swait.ge [sflag:s12], $0x5000  }
0x73: {  	[sflag:s12] =	ssyncset.done $0x0  }
0x74: {  	[sflag:s12] =	ssyncadd.s32 $0xFFFFB000  }
0x75: {  	[hbm4b:s16+s2] =	stream.linear.scatter [tilespmem:s9], [sflag:$0x3], $0x5000, $0x38;
	[tilespmem:$0xA500] =	vst v63  }
0x76: {  	_ =	swait.ge [sflag:s3], $0x5000  }
0x77: {  	[sflag:s3] =	ssyncset.done $0x0  }
0x78: {  	[sflag:s3] =	ssyncadd.s32 $0xFFFFB000  }
0x79: {  	[tilespmem:s9], [sflag:$0x2] =	stream.indirect.gather [hbm4b:s6+s7], $0x80, s17, s7, $0xb8;
	[tilespmem:$0xA500] =	vst v63  }
0x7a: {  	_ =	swait.ge [sflag:s10], $0x5000  }
0x7b: {  	[sflag:s10] =	ssyncset.done $0x0  }
0x7c: {  	[sflag:s10] =	ssyncadd.s32 $0xFFFFB000  }
0x7d: {  	[hbm4b:s18+s2] =	stream.linear.scatter [tilespmem:s8], [sflag:$0x3], $0x5000, $0x38;
	[tilespmem:$0xA500] =	vst v63  }
0x7e: {  	_ =	swait.ge [sflag:s3], $0x5000  }
0x7f: {  	[sflag:s3] =	ssyncset.done $0x0  }
0x80: {  	[sflag:s3] =	ssyncadd.s32 $0xFFFFB000  }
0x81: {  	[tilespmem:s8], [sflag:$0x1] =	stream.indirect.gather [hbm4b:s6+s7], $0x80, s19, s7, $0xb8;
	[tilespmem:$0xA500] =	vst v63  }
0x82: {  	_ =	swait.ge [sflag:s12], $0x5000  }
0x83: {  	[sflag:s12] =	ssyncset.done $0x0  }
0x84: {  	[sflag:s12] =	ssyncadd.s32 $0xFFFFB000  }
0x85: {  	[hbm4b:s20+s2] =	stream.linear.scatter [tilespmem:s9], [sflag:$0x3], $0x5000, $0x38;
	[tilespmem:$0xA500] =	vst v63  }
0x86: {  	_ =	swait.ge [sflag:s3], $0x5000  }
0x87: {  	[sflag:s3] =	ssyncset.done $0x0  }
0x88: {  	[sflag:s3] =	ssyncadd.s32 $0xFFFFB000  }
0x89: {  	[tilespmem:s21], [sflag:$0x2] =	stream.indirect.gather @!p0 [hbm4b:s6+s22], $0x80, s23, s22, $0xb8;
	[tilespmem:$0xA500] =	vst v63  }
0x8a: {  	_ =	swait.ge @!p0 [sflag:s24], $0x5000  }
0x8b: {  	[sflag:s24] =	ssyncset.done @!p0 $0x0  }
0x8c: {  	[sflag:s24] =	ssyncadd.s32 @!p0 $0xFFFFB000  }
0x8d: {  	[hbm4b:s25+s26] =	stream.linear.scatter @!p0 [tilespmem:s28], [sflag:$0x3], $0x5000, $0x38;
	[tilespmem:$0xA500] =	vst v63  }
0x8e: {  	_ =	swait.ge @!p0 [sflag:s29], $0x5000  }
0x8f: {  	s0 =	sadd.s32 $0xFFFFFFFF, s0;
	[sflag:s29] =	ssyncset.done @!p0 $0x0  }
0x90: {  	p1 =	sne.s32 s0, $0x0;
	[sflag:s29] =	ssyncadd.s32 @!p0 $0xFFFFB000  }
.Ltmp1:
0x91: {  	_ =	swait.ge [sflag:s30], $0x5000;
	(pc) =	sbr.rel @p1 .LBB2_2-.Ltmp1, $4  }
0x92: {  	[sflag:s30] =	ssyncset.done $0x0  }
0x93: {  	[sflag:s30] =	ssyncadd.s32 $0xFFFFB000  }
0x94: {  	[hbm4b:s31+s2] =	stream.linear.scatter [tilespmem:s1], [sflag:$0x3], $0x5000, $0x38;
	[tilespmem:$0xA500] =	vst v63  }
0x95: {  	_ =	swait.ge [sflag:s3], $0x5000  }
.LBB2_3:
0x96: {  	[sflag:s3] =	ssyncset.done $0x0  }
0x97: {  	[sflag:s3] =	ssyncadd.s32 $0xFFFFB000  }
0x98: {  	_ =	sfence.sel $0x180000  }
0x99: {  	[bflag:$0x0] =	sbarrier.arrive $0xFFFF  }
0x9a: {  	_ =	strace $0x9000004D  }
0x9b: {  	s0 =	stileid.u32;
	[bflag:$0x2] =	sbarrier.arrive $0xFFFF  }
0x9c: {  	p0 =	sne.s32 s0, $0x0;
	s0 =	rddreg [dreg:$0x1]  }
0x9d: {  	s0 =	sadd.s32 @!p0 $0x100000, s0  }
0x9e: {  	[sflag:s0] =	ssyncadd.tile.s32 @!p0 $0x1;
	_ =	shalt  }
.Lfunc_end2:
_tile_overlayer_lowered:
.L_overlay_start_2:
0x9f: {  	(tag) =	ssettag $0x2  }
0xa0: {  	s0 =	rddreg [dreg:$0x0];
	s2 =	stileid.u32  }
0xa1: {  	s1 =	rddreg [dreg:$0x1];
	p0 =	sne.s32 s2, $0x0  }
0xa2: {  	s3 =	rddreg [dreg:$0x2];
	[bflag:$0x3] =	sbarrier.arrive $0xFFFF;
	s2 =	simm.s32 @!p0 $0x1C03  }
0xa3: {  	[timem:s3], [sflag:s2] =	dma.local @!p0 [hbm:s0], s1  }
0xa4: {  	s0 =	simm.s32 @!p0 $0x3  }
0xa5: {  	_ =	swait.ge @!p0 [sflag:s0], s1  }
0xa6: {  	s1 =	ssub.s32 @!p0 $0x0, s1;
	[sflag:s0] =	ssyncset.done @!p0 $0x0  }
0xa7: {  	[sflag:s0] =	ssyncadd.s32 @!p0 s1  }
0xa8: {  	[bflag:$0x3] =	sbarrier.arrive $0xFFFF  }
0xa9: {  	_ =	shalt  }

// kernel: kernel.20.cloned.1.call-start
scs
__scs_entry_jumppad:
0x0: {  	(pc) =	sbr.rel $0x88, $3  }
0x1: {  	(tag) =	ssettag $0x0;
	lr =	simm.s32 $0x1  }
0x2: {  	[smem:$0x3F97] =	sst lr;
	_ =	strace $0xD0000000  }
0x3: {  	_ = 	snop  }
0x4: {  	_ = 	snop  }
0x5: {  	_ = 	snop  }
0x6: {  	_ = 	snop  }
0x7: {  	_ = 	snop  }
__scs_overlays_trampoline_lowered:
0x8: {  	[smem:$0x3FA6] =	sst s0  }
0x9: {  	[smem:$0x3FA7] =	sst s1  }
0xa: {  	[smem:$0x3FA8] =	sst s2  }
0xb: {  	[smem:$0x3FA9] =	sst s3  }
0xc: {  	[smem:$0x3FAA] =	sst s4  }
0xd: {  	[smem:$0x3FAB] =	sst s5  }
0xe: {  	[smem:$0x3FAC] =	sst s6  }
0xf: {  	[smem:$0x3FAD] =	sst s7  }
0x10: {  	[smem:$0x3FAE] =	sst s8  }
0x11: {  	[smem:$0x3FAF] =	sst s9;
	s0 =	simm.s32 @!p0 $0x0  }
0x12: {  	s1 =	sld [smem:$0x3F95];
	s0 =	simm.s32 @p0 $0x1  }
0x13: {  	[smem:$0x3FB0] =	sst s0;
	s0 =	simm.s32 @!p1 $0x0  }
0x14: {  	s2 =	sld [smem:$0x3F94];
	s0 =	simm.s32 @p1 $0x1  }
0x15: {  	[smem:$0x3FB1] =	sst s0;
	s0 =	simm.s32 @!p2 $0x0  }
0x16: {  	s3 =	sld [smem:$0x3FDB];
	s0 =	simm.s32 @p2 $0x1  }
0x17: {  	s4 =	simm.s32 $0x1BF5;
	[smem:$0x3FB3] =	sst s0  }
0x18: {  	s0 =	sld [smem:$0x3F96];
	_ =	swait.ge [sflag:s4], $0x0  }
0x19: {  	s7 =	sld [smem:$0x3F97]  }
0x1a: {  	s8 =	sadd.s32 $0xFFFFE003, lr  }
0x1b: {  	s9 =	sadd.s32 $0xFFFFFEF7, lr;
	s5 =	simm.s32 $0xFFFFFFFF;
	p2 =	slt.u32 s8, $0xFFFFF086  }
0x1c: {  	p1 =	slt.u32 s9, $0xF7A;
	s5 =	simm.s32 @!p2 $0x0  }
0x1d: {  	s5 =	simm.s32 @p1 $0x1;
	p0 =	seq.s32 s7, s2  }
0x1e: {  	s7 =	smul.u32 @!p0 $0xF7A, s2;
	p2 =	seq.s32 @!p0 s5, $0x0  }
0x1f: {  	s9 =	smul.u32 $0xF7A, s1;
	s8 =	simm.s32 @!p0 $0x1BF5;
	p2 =	por !p2, p0  }
0x20: {  	[sflag:s8] =	ssyncset.s32 @!p0 $0xFFFFF086;
	s6 =	sadd.s32 @!p0 s3, s7;
	s7 =	simm.s32 @!p0 $0x108  }
0x21: {  	s3 =	sadd.s32 s3, s9;
	s6 =	sadd.s32 @!p0 $0x88, s6;
	s7 =	simm.s32 @p2 $0x1082  }
0x22: {  	[simem:s7], [sflag:s8] =	dma.local @!p0 [hbm:s6], $0xF7A  }
0x23: {  	s9 =	sor.u32 $0xD0000000, s2;
	s6 =	simm.s32 $0x108;
	_ =	swait.ge @!p0 [sflag:s8], $0x0  }
0x24: {  	s3 =	sadd.s32 $0x88, s3;
	s6 =	simm.s32 @!p1 $0x1082;
	[sflag:s4] =	ssyncset.s32 $0xFFFFF086  }
0x25: {  	[simem:s6], [sflag:s4] =	dma.local [hbm:s3], $0xF7A  }
0x26: {  	[smem:$0x3F97] =	sst s1;
	(tag) =	ssettag s2;
	_ =	strace s9  }
0x27: {  	s1 =	sld [smem:$0x3FA7]  }
0x28: {  	s2 =	sld [smem:$0x3FA8]  }
0x29: {  	s4 =	sld [smem:$0x3FAA]  }
0x2a: {  	p0 =	seq.s32 s5, $0x0;
	s5 =	sld [smem:$0x3FAB]  }
0x2b: {  	s6 =	sld [smem:$0x3FAC]  }
0x2c: {  	s7 =	sld [smem:$0x3FAD]  }
0x2d: {  	s3 =	simm.s32 $0x108;
	s8 =	sld [smem:$0x3FAE]  }
0x2e: {  	s3 =	simm.s32 @!p0 $0x1082;
	s9 =	sld [smem:$0x3FAF]  }
0x2f: {  	lr =	sadd.s32 s0, s3;
	s0 =	sld [smem:$0x3FA6]  }
0x30: {  	s3 =	sld [smem:$0x3FA9]  }
0x31: {  	[smem:$0x3FB2] =	sst s10  }
0x32: {  	s10 =	sld [smem:$0x3FB0];
	_ =	sdelay $0x3  }
0x33: {  	p0 =	seq.s32 s10, $0x1;
	s10 =	sld [smem:$0x3FB2];
	_ =	sdelay $0x3  }
0x34: {  	[smem:$0x3FB2] =	sst s10  }
0x35: {  	s10 =	sld [smem:$0x3FB1];
	_ =	sdelay $0x3  }
0x36: {  	p1 =	seq.s32 s10, $0x1;
	s10 =	sld [smem:$0x3FB2];
	_ =	sdelay $0x3  }
0x37: {  	[smem:$0x3FB2] =	sst s10  }
0x38: {  	s10 =	sld [smem:$0x3FB3]  }
0x39: {  	_ = 	snop;
	(pc) =	sbr.ind lr, $3  }
0x3a: {  	_ = 	snop  }
0x3b: {  	_ = 	snop  }
0x3c: {  	p2 =	seq.s32 s10, $0x1;
	s10 =	sld [smem:$0x3FB2]  }
0x3d: {  	_ =	shalt  }
0x3e: {  	_ =	shalt  }
0x3f: {  	_ =	shalt  }
0x40: {  	_ =	shalt  }
0x41: {  	_ =	shalt  }
0x42: {  	_ =	shalt  }
0x43: {  	_ =	shalt  }
0x44: {  	_ =	shalt  }
0x45: {  	_ =	shalt  }
0x46: {  	_ =	shalt  }
0x47: {  	_ =	shalt  }
0x48: {  	_ =	shalt  }
0x49: {  	_ =	shalt  }
0x4a: {  	_ =	shalt  }
0x4b: {  	_ =	shalt  }
0x4c: {  	_ =	shalt  }
0x4d: {  	_ =	shalt  }
0x4e: {  	_ =	shalt  }
0x4f: {  	_ =	shalt  }
0x50: {  	_ =	shalt  }
0x51: {  	_ =	shalt  }
0x52: {  	_ =	shalt  }
0x53: {  	_ =	shalt  }
0x54: {  	_ =	shalt  }
0x55: {  	_ =	shalt  }
0x56: {  	_ =	shalt  }
0x57: {  	_ =	shalt  }
0x58: {  	_ =	shalt  }
0x59: {  	_ =	shalt  }
0x5a: {  	_ =	shalt  }
0x5b: {  	_ =	shalt  }
0x5c: {  	_ =	shalt  }
0x5d: {  	_ =	shalt  }
0x5e: {  	_ =	shalt  }
0x5f: {  	_ =	shalt  }
0x60: {  	_ =	shalt  }
0x61: {  	_ =	shalt  }
0x62: {  	_ =	shalt  }
0x63: {  	_ =	shalt  }
0x64: {  	_ =	shalt  }
0x65: {  	_ =	shalt  }
0x66: {  	_ =	shalt  }
0x67: {  	_ =	shalt  }
0x68: {  	_ =	shalt  }
0x69: {  	_ =	shalt  }
0x6a: {  	_ =	shalt  }
0x6b: {  	_ =	shalt  }
0x6c: {  	_ =	shalt  }
0x6d: {  	_ =	shalt  }
0x6e: {  	_ =	shalt  }
0x6f: {  	_ =	shalt  }
0x70: {  	_ =	shalt  }
0x71: {  	_ =	shalt  }
0x72: {  	_ =	shalt  }
0x73: {  	_ =	shalt  }
0x74: {  	_ =	shalt  }
0x75: {  	_ =	shalt  }
0x76: {  	_ =	shalt  }
0x77: {  	_ =	shalt  }
0x78: {  	_ =	shalt  }
0x79: {  	_ =	shalt  }
0x7a: {  	_ =	shalt  }
0x7b: {  	_ =	shalt  }
0x7c: {  	_ =	shalt  }
0x7d: {  	_ =	shalt  }
0x7e: {  	_ =	shalt  }
0x7f: {  	_ =	shalt  }
0x80: {  	_ =	shalt  }
0x81: {  	_ =	shalt  }
0x82: {  	_ =	shalt  }
0x83: {  	_ =	shalt  }
0x84: {  	_ =	shalt  }
0x85: {  	_ =	shalt  }
0x86: {  	_ =	shalt  }
0x87: {  	_ =	shalt  }
.Lfunc_end0:
.L_simem_size_0:
called_computation.3_lowered:
.L_overlay_start_0:
0x88: {  	s2 =	sld [smem:$0x3FD9]  }
0x89: {  	s3 =	sld [smem:$0x3FFE];
	_ =	sdelay $0x1  }
0x8a: {  	s1 =	srdreg.scid  }
0x8b: {  	s0 =	sand.u32 $0x1, s1  }
0x8c: {  	s17 =	sshll.u32 s0, $0xA;
	s2 =	sadd.s32 s3, s2  }
0x8d: {  	s2 =	sadd.s32 s2, s17  }
0x8e: {  	[smem:$0x3FBE] =	sst s2  }
0x8f: {  	_ = 	snop  }
0x90: {  	(tm) =	ssettm $0x1  }
0x91: {  	s18 =	sld [smem:$0x3FFB];
	_ =	sdelay $0x3  }
0x92: {  	_ =	strace s18  }
0x93: {  	s2 =	sld [smem:$0x3FFC];
	_ =	sdelay $0x3  }
0x94: {  	_ =	strace s2  }
0x95: {  	s2 =	sld [smem:$0x3FFD];
	_ =	sdelay $0x3  }
0x96: {  	_ =	strace s2  }
0x97: {  	_ =	strace $0x8FFFFFFF  }
0x98: {  	s19 =	sld [smem:$0x3FDB];
	_ =	sdelay $0x1  }
0x99: {  	s20 =	simm.s32 $_scs_section_size  }
0x9a: {  	s4 =	simm.s32 $_size__tile_overlayer_lowered;
	s5 =	simm.s32 $_tile_overlayer_lowered  }
0x9b: {  	s6 =	simm.s32 $0x1BFF;
	s21 =	sshll.u32 s5, $0x1;
	s3 =	sadd.s32 s20, s19  }
0x9c: {  	s22 =	simm.s32 $0x0;
	s4 =	sshll.u32 s4, $0x1;
	s5 =	sadd.s32 s21, s3  }
0x9d: {  	[timem:s22], [sflag:s6] =	dma.local [hbm:s5], s4  }
0x9e: {  	_ =	swait.ge [sflag:s6], s4  }
0x9f: {  	s4 =	ssub.s32 $0x0, s4;
	[sflag:s6] =	ssyncset.done $0x0  }
0xa0: {  	[sflag:s6] =	ssyncadd.s32 s4;
	_ =	sdelay $0x1  }
0xa1: {  	s23 =	simm.s32 $0x1B8B  }
0xa2: {  	_ =	swait.ge [sflag:s23], $0x1  }
0xa3: {  	[sflag:s23] =	ssyncset.done $0x0  }
0xa4: {  	[sflag:s23] =	ssyncadd.s32 $0xFFFFFFFF  }
0xa5: {  	s4 =	sld [smem:$0x0]  }
0xa6: {  	s5 =	sand.u32 $0xFFFFFFFE, s1  }
0xa7: {  	p0 =	sne.s32 s1, s5  }
0xa8: {  	s5 =	sshll.u32 @p0 s5, $0xE  }
0xa9: {  	s5 =	sadd.s32 @p0 $0x11B8D, s5;
	s6 =	sshll.u32 @p0 s4, $0x11  }
0xaa: {  	s5 =	sor.u32 @p0 s6, s5  }
0xab: {  	[sflag:s5] =	ssyncadd.remote.s32 @p0 $0x1;
	_ =	sdelay $0x1  }
0xac: {  	s5 =	simm.s32 @p0 $0x1B8D  }
0xad: {  	_ =	swait.eq @p0 [sflag:s5], $0x1  }
0xae: {  	[sflag:s5] =	ssyncadd.s32 @p0 $0xFFFFFFFF  }
0xaf: {  	s6 =	sshll.u32 @!p0 s1, $0xE  }
0xb0: {  	s6 =	sor.u32 @!p0 $0x4000, s6;
	s5 =	simm.s32 @!p0 $0x1B8D  }
0xb1: {  	s4 =	sshll.u32 @!p0 s4, $0x11;
	s6 =	sadd.s32 @!p0 $0x11B8D, s6;
	_ =	swait.eq @!p0 [sflag:s5], $0x1  }
0xb2: {  	s4 =	sor.u32 @!p0 s4, s6;
	[sflag:s5] =	ssyncadd.s32 @!p0 $0xFFFFFFFF  }
0xb3: {  	s25 =	simm.s32 $0x1B8E;
	s24 =	sld [smem:$0x3FFE];
	[sflag:s4] =	ssyncadd.remote.s32 @!p0 $0x1  }
0xb4: {  	s26 =	simm.s32 $execute0_lowered;
	[smem:$0x3FD2] =	sst s25  }
0xb5: {  	s5 =	sshll.u32 s26, $0x1;
	_ =	strace $0x8000004F;
	[dreg:$0x1] =	wrdreg $0xFFFFFFFF  }
0xb6: {  	s28 =	simm.s32 $_size_execute0_lowered;
	s3 =	sadd.s32 s3, s5;
	[dreg:$0x0] =	wrdreg $0x0  }
0xb7: {  	s5 =	sshll.u32 s28, $0x1;
	[dreg:$0x2] =	wrdreg s3  }
0xb8: {  	[dreg:$0x3] =	wrdreg s5  }
0xb9: {  	[dreg:$0x4] =	wrdreg $0xC0  }
0xba: {  	_ =	task [dreg:s22], $0x5FFFF  }
0xbb: {  	[dreg:$0x1] =	wrdreg $0xFFFFFFFF  }
0xbc: {  	[dreg:$0x0] =	wrdreg $0x60  }
0xbd: {  	[dreg:$0x2] =	wrdreg s24  }
0xbe: {  	[dreg:$0x3] =	wrdreg $0xC  }
0xbf: {  	_ =	task.clear_ibuf [dreg:s22], $0x4FFFF;
	_ =	strace $0x9000004F  }
0xc0: {  	s29 =	simm.s32 $0xC;
	_ =	strace $0x80000051  }
0xc1: {  	_ =	swait.ge [sflag:s29], $0x1  }
0xc2: {  	[sflag:s29] =	ssyncadd.s32 $0xFFFFFFFF  }
0xc3: {  	_ =	strace $0x90000051  }
0xc4: {  	_ =	sfence  }
0xc5: {  	s30 =	sld [smem:$0x0];
	_ =	sdelay $0x2  }
0xc6: {  	s31 =	sshll.u32 s1, $0xD;
	s1 =	sshrl.u32 s1, $0x2  }
0xc7: {  	s4 =	sand.u32 $0x4000, s31;
	s1 =	sadd.s32 s1, s30  }
0xc8: {  	s0 =	sor.u32 s4, s0;
	s1 =	sshll.u32 s1, $0x11  }
0xc9: {  	s0 =	sor.u32 s1, s0  }
0xca: {  	s0 =	sadd.s32 $0x8F2B, s0  }
0xcb: {  	[sflag:s0] =	ssyncadd.remote.s32 $0x1  }
0xcc: {  	_ =	sfence.sel $0xFFFF  }
0xcd: {  	[dreg:$0x0] =	wrdreg $0xFFFFFFFF;
	(pc) =	sbr.abs _section_cstart, $3  }
0xce: {  	[dreg:$0x1] =	wrdreg $0xFFFFFFFF  }
0xcf: {  	_ =	task.clear_ibuf [dreg:s22], $0x2FFFF;
	_ =	strace $0x9FFFFFFF  }
0xd0: {  	(tm) =	ssettm $0x7FFFFFFF  }
0xd1: {  	_ =	shalt  }
tec
execute0_lowered:
.L_overlay_start_1:
0x0: {  	(tag) =	ssettag $0x1  }
0x1: {  	s0 =	srdreg.scid;
	s21 =	stileid.u32  }
0x2: {  	s0 =	sand.u32 $0x1, s0;
	s1 =	sshll.u32 s21, $0x1;
	s2 =	sshrl.u32 s21, $0x2  }
0x3: {  	s1 =	sor.u32 s0, s1;
	s3 =	smul.u32 $0x2800, s2  }
0x4: {  	s6 =	rddreg [dreg:$0x0];
	s20 =	smul.u32 $0xA00, s1  }
0x5: {  	s2 =	simm.s32 $0x0;
	s19 =	sshll.u32 s1, $0x7;
	s1 =	smul.u32 $0x5000, s1  }
0x6: {  	s5 =	sadd.s32 $0x202000, s6;
	[smem:$0x7FF] =	sst s2;
	s4 =	sand.u32 $0x380, s19  }
0x7: {  	_ =	strace $0x80000050;
	s3 =	sor.u32 s3, s4;
	s1 =	sshrl.u32 s1, $0x3  }
0x8: {  	s22 =	sadd.s32 s5, s20;
	s3 =	sshrl.u32 s3, $0x3;
	s1 =	sadd.s32 s5, s1  }
0x9: {  	[dreg:$0x3] =	wrdreg s22;
	s3 =	sadd.s32 s3, s6;
	s23 =	sadd.s32 $0x14000, s1  }
0xa: {  	s3 =	sadd.s32 $0x200C00, s3;
	[dreg:$0x4] =	wrdreg s23  }
0xb: {  	s24 =	simm.s32 $0x80;
	[dreg:$0x2] =	wrdreg s3  }
0xc: {  	s25 =	simm.s32 $0x400;
	s3 =	simm.s32 $0x3;
	s7 =	rddreg [dreg:$0x2]  }
0xd: {  	[tilespmem:s2], [sflag:$0x3] =	stream.strided.gather [hbm4b:s7+s24], $0x500, s25, s24, $0x38;
	[tilespmem:$0xA500] =	vst v63  }
0xe: {  	_ =	swait.ge [sflag:s3], $0x500  }
0xf: {  	s8 =	simm.s32 $0x500;
	[sflag:s3] =	ssyncset.done $0x0  }
0x10: {  	s6 =	sadd.s32 $0x3A00, s6;
	s7 =	simm.s32 $0xA0;
	[sflag:s3] =	ssyncadd.s32 $0xFFFFFB00  }
0x11: {  	[tilespmem:s8], [sflag:$0x1] =	stream.indirect.gather [hbm4b:s6+s7], $0x80, s2, s7, $0xb8;
	[tilespmem:$0xA500] =	vst v63  }
0x12: {  	s9 =	simm.s32 $0x5500;
	s10 =	simm.s32 $0x1  }
0x13: {  	[tilespmem:s9], [sflag:$0x2] =	stream.indirect.gather [hbm4b:s6+s7], $0x80, s7, s7, $0xb8;
	[tilespmem:$0xA500] =	vst v63  }
0x14: {  	_ =	swait.ge [sflag:s10], $0x5000  }
0x15: {  	[sflag:s10] =	ssyncset.done $0x0  }
0x16: {  	s11 =	rddreg [dreg:$0x3];
	[sflag:s10] =	ssyncadd.s32 $0xFFFFB000  }
0x17: {  	[hbm4b:s11+s2] =	stream.linear.scatter [tilespmem:s8], [sflag:$0x3], $0x5000, $0x38;
	[tilespmem:$0xA500] =	vst v63  }
0x18: {  	_ =	swait.ge [sflag:s3], $0x5000  }
0x19: {  	[sflag:s3] =	ssyncset.done $0x0  }
0x1a: {  	s26 =	simm.s32 $0x140;
	s12 =	simm.s32 $0x2;
	[sflag:s3] =	ssyncadd.s32 $0xFFFFB000  }
0x1b: {  	[tilespmem:s8], [sflag:$0x1] =	stream.indirect.gather [hbm4b:s6+s7], $0x80, s26, s7, $0xb8;
	[tilespmem:$0xA500] =	vst v63  }
0x1c: {  	_ =	swait.ge [sflag:s12], $0x5000  }
0x1d: {  	[sflag:s12] =	ssyncset.done $0x0  }
0x1e: {  	s13 =	rddreg [dreg:$0x4];
	[sflag:s12] =	ssyncadd.s32 $0xFFFFB000  }
0x1f: {  	[hbm4b:s13+s2] =	stream.linear.scatter [tilespmem:s9], [sflag:$0x3], $0x5000, $0x38;
	[tilespmem:$0xA500] =	vst v63  }
0x20: {  	_ =	swait.ge [sflag:s3], $0x5000  }
0x21: {  	[sflag:s3] =	ssyncset.done $0x0  }
0x22: {  	s13 =	simm.s32 $0x1E0;
	[sflag:s3] =	ssyncadd.s32 $0xFFFFB000  }
0x23: {  	[tilespmem:s9], [sflag:$0x2] =	stream.indirect.gather [hbm4b:s6+s7], $0x80, s13, s7, $0xb8;
	[tilespmem:$0xA500] =	vst v63  }
0x24: {  	_ =	swait.ge [sflag:s10], $0x5000  }
0x25: {  	[sflag:s10] =	ssyncset.done $0x0  }
0x26: {  	s14 =	sadd.s32 $0x28000, s1;
	[sflag:s10] =	ssyncadd.s32 $0xFFFFB000  }
0x27: {  	[hbm4b:s14+s2] =	stream.linear.scatter [tilespmem:s8], [sflag:$0x3], $0x5000, $0x38;
	[tilespmem:$0xA500] =	vst v63  }
0x28: {  	_ =	swait.ge [sflag:s3], $0x5000  }
0x29: {  	[sflag:s3] =	ssyncset.done $0x0  }
0x2a: {  	s15 =	simm.s32 $0x280;
	[sflag:s3] =	ssyncadd.s32 $0xFFFFB000  }
0x2b: {  	[tilespmem:s8], [sflag:$0x1] =	stream.indirect.gather [hbm4b:s6+s7], $0x80, s15, s7, $0xb8;
	[tilespmem:$0xA500] =	vst v63  }
0x2c: {  	_ =	swait.ge [sflag:s12], $0x5000  }
0x2d: {  	[sflag:s12] =	ssyncset.done $0x0  }
0x2e: {  	s16 =	sadd.s32 $0x3C000, s1;
	[sflag:s12] =	ssyncadd.s32 $0xFFFFB000  }
0x2f: {  	[hbm4b:s16+s2] =	stream.linear.scatter [tilespmem:s9], [sflag:$0x3], $0x5000, $0x38;
	[tilespmem:$0xA500] =	vst v63  }
0x30: {  	_ =	swait.ge [sflag:s3], $0x5000  }
0x31: {  	[sflag:s3] =	ssyncset.done $0x0  }
0x32: {  	s17 =	simm.s32 $0x320;
	[sflag:s3] =	ssyncadd.s32 $0xFFFFB000  }
0x33: {  	[tilespmem:s9], [sflag:$0x2] =	stream.indirect.gather [hbm4b:s6+s7], $0x80, s17, s7, $0xb8;
	[tilespmem:$0xA500] =	vst v63  }
0x34: {  	_ =	swait.ge [sflag:s10], $0x5000  }
0x35: {  	[sflag:s10] =	ssyncset.done $0x0  }
0x36: {  	s18 =	sadd.s32 $0x50000, s1;
	[sflag:s10] =	ssyncadd.s32 $0xFFFFB000  }
0x37: {  	[hbm4b:s18+s2] =	stream.linear.scatter [tilespmem:s8], [sflag:$0x3], $0x5000, $0x38;
	[tilespmem:$0xA500] =	vst v63  }
0x38: {  	_ =	swait.ge [sflag:s3], $0x5000  }
0x39: {  	[sflag:s3] =	ssyncset.done $0x0  }
0x3a: {  	s19 =	simm.s32 $0x3C0;
	[sflag:s3] =	ssyncadd.s32 $0xFFFFB000  }
0x3b: {  	[tilespmem:s8], [sflag:$0x1] =	stream.indirect.gather [hbm4b:s6+s7], $0x80, s19, s7, $0xb8;
	[tilespmem:$0xA500] =	vst v63  }
0x3c: {  	_ =	swait.ge [sflag:s12], $0x5000  }
0x3d: {  	[sflag:s12] =	ssyncset.done $0x0  }
0x3e: {  	p0 =	sgt.u32 s21, $0xC;
	s20 =	sadd.s32 $0x64000, s1;
	[sflag:s12] =	ssyncadd.s32 $0xFFFFB000  }
0x3f: {  	[hbm4b:s20+s2] =	stream.linear.scatter [tilespmem:s9], [sflag:$0x3], $0x5000, $0x38;
	[tilespmem:$0xA500] =	vst v63  }
0x40: {  	s21 =	simm.s32 @!p0 $0x5500;
	_ =	swait.ge [sflag:s3], $0x5000  }
0x41: {  	s0 =	ssub.s32 $0x2, s0;
	s22 =	simm.s32 @!p0 $0xA0;
	[sflag:s3] =	ssyncset.done $0x0  }
0x42: {  	s23 =	simm.s32 @!p0 $0x460;
	s24 =	simm.s32 @!p0 $0x1;
	[sflag:s3] =	ssyncadd.s32 $0xFFFFB000  }
0x43: {  	[tilespmem:s21], [sflag:$0x2] =	stream.indirect.gather @!p0 [hbm4b:s6+s22], $0x80, s23, s22, $0xb8;
	[tilespmem:$0xA500] =	vst v63  }
0x44: {  	s28 =	simm.s32 @!p0 $0x500;
	s31 =	sshrl.u32 s0, $0x1;
	_ =	swait.ge @!p0 [sflag:s24], $0x5000  }
0x45: {  	s29 =	simm.s32 @!p0 $0x3;
	s0 =	ssub.s32 s0, s31;
	[sflag:s24] =	ssyncset.done @!p0 $0x0  }
0x46: {  	s25 =	sadd.s32 $0x78000, s1;
	s26 =	simm.s32 @!p0 $0x0;
	[sflag:s24] =	ssyncadd.s32 @!p0 $0xFFFFB000  }
0x47: {  	[hbm4b:s25+s26] =	stream.linear.scatter @!p0 [tilespmem:s28], [sflag:$0x3], $0x5000, $0x38;
	[tilespmem:$0xA500] =	vst v63  }
0x48: {  	s0 =	smax.u32 s0, $0x1;
	_ =	swait.ge @!p0 [sflag:s29], $0x5000  }
0x49: {  	s30 =	simm.s32 @!p0 $0x2;
	s0 =	sadd.s32 $0xFFFFFFFF, s0;
	[sflag:s29] =	ssyncset.done @!p0 $0x0  }
0x4a: {  	s30 =	simm.s32 @p0 $0x1;
	p1 =	sne.s32 s0, $0x0;
	[sflag:s29] =	ssyncadd.s32 @!p0 $0xFFFFB000  }
.Ltmp0:
0x4b: {  	_ =	swait.ge [sflag:s30], $0x5000;
	(pc) =	sbr.rel @!p1 .LBB2_3-.Ltmp0, $4  }
0x4c: {  	s31 =	sadd.s32 $0x8C000, s1;
	s1 =	simm.s32 @!p0 $0x5500;
	[sflag:s30] =	ssyncset.done $0x0  }
0x4d: {  	s31 =	smov.u32 @p0 s25;
	s1 =	simm.s32 @p0 $0x500;
	[sflag:s30] =	ssyncadd.s32 $0xFFFFB000  }
0x4e: {  	[hbm4b:s31+s2] =	stream.linear.scatter [tilespmem:s1], [sflag:$0x3], $0x5000, $0x38;
	[tilespmem:$0xA500] =	vst v63  }
0x4f: {  	_ =	swait.ge [sflag:s3], $0x5000  }
0x50: {  	s5 =	simm.s32 $0x80;
	s11 =	simm.s32 $0x400  }
.LBB2_2:
0x51: {  	[sflag:s3] =	ssyncset.done $0x0  }
0x52: {  	s4 =	rddreg [dreg:$0x2];
	[sflag:s3] =	ssyncadd.s32 $0xFFFFB000  }
0x53: {  	[tilespmem:s2], [sflag:$0x3] =	stream.strided.gather [hbm4b:s4+s5], $0x500, s11, s5, $0x38;
	[tilespmem:$0xA500] =	vst v63  }
0x54: {  	_ =	swait.ge [sflag:s3], $0x500  }
0x55: {  	[sflag:s3] =	ssyncset.done $0x0  }
0x56: {  	[sflag:s3] =	ssyncadd.s32 $0xFFFFFB00  }
0x57: {  	[tilespmem:s8], [sflag:$0x1] =	stream.indirect.gather [hbm4b:s6+s7], $0x80, s2, s7, $0xb8;
	[tilespmem:$0xA500] =	vst v63  }
0x58: {  	_ = 	snop  }
0x59: {  	[tilespmem:s9], [sflag:$0x2] =	stream.indirect.gather [hbm4b:s6+s7], $0x80, s7, s7, $0xb8;
	[tilespmem:$0xA500] =	vst v63  }
0x5a: {  	_ =	swait.ge [sflag:s10], $0x5000  }
0x5b: {  	[sflag:s10] =	ssyncset.done $0x0  }
0x5c: {  	s4 =	rddreg [dreg:$0x3];
	[sflag:s10] =	ssyncadd.s32 $0xFFFFB000  }
0x5d: {  	[hbm4b:s4+s2] =	stream.linear.scatter [tilespmem:s8], [sflag:$0x3], $0x5000, $0x38;
	[tilespmem:$0xA500] =	vst v63  }
0x5e: {  	_ =	swait.ge [sflag:s3], $0x5000  }
0x5f: {  	[sflag:s3] =	ssyncset.done $0x0  }
0x60: {  	s4 =	simm.s32 $0x140;
	[sflag:s3] =	ssyncadd.s32 $0xFFFFB000  }
0x61: {  	[tilespmem:s8], [sflag:$0x1] =	stream.indirect.gather [hbm4b:s6+s7], $0x80, s4, s7, $0xb8;
	[tilespmem:$0xA500] =	vst v63  }
0x62: {  	_ =	swait.ge [sflag:s12], $0x5000  }
0x63: {  	[sflag:s12] =	ssyncset.done $0x0  }
0x64: {  	s4 =	rddreg [dreg:$0x4];
	[sflag:s12] =	ssyncadd.s32 $0xFFFFB000  }
0x65: {  	[hbm4b:s4+s2] =	stream.linear.scatter [tilespmem:s9], [sflag:$0x3], $0x5000, $0x38;
	[tilespmem:$0xA500] =	vst v63  }
0x66: {  	_ =	swait.ge [sflag:s3], $0x5000  }
0x67: {  	[sflag:s3] =	ssyncset.done $0x0  }
0x68: {  	[sflag:s3] =	ssyncadd.s32 $0xFFFFB000  }
0x69: {  	[tilespmem:s9], [sflag:$0x2] =	stream.indirect.gather [hbm4b:s6+s7], $0x80, s13, s7, $0xb8;
	[tilespmem:$0xA500] =	vst v63  }
0x6a: {  	_ =	swait.ge [sflag:s10], $0x5000  }
0x6b: {  	[sflag:s10] =	ssyncset.done $0x0  }
0x6c: {  	[sflag:s10] =	ssyncadd.s32 $0xFFFFB000  }
0x6d: {  	[hbm4b:s14+s2] =	stream.linear.scatter [tilespmem:s8], [sflag:$0x3], $0x5000, $0x38;
	[tilespmem:$0xA500] =	vst v63  }
0x6e: {  	_ =	swait.ge [sflag:s3], $0x5000  }
0x6f: {  	[sflag:s3] =	ssyncset.done $0x0  }
0x70: {  	[sflag:s3] =	ssyncadd.s32 $0xFFFFB000  }
0x71: {  	[tilespmem:s8], [sflag:$0x1] =	stream.indirect.gather [hbm4b:s6+s7], $0x80, s15, s7, $0xb8;
	[tilespmem:$0xA500] =	vst v63  }
0x72: {  	_ =	swait.ge [sflag:s12], $0x5000  }
0x73: {  	[sflag:s12] =	ssyncset.done $0x0  }
0x74: {  	[sflag:s12] =	ssyncadd.s32 $0xFFFFB000  }
0x75: {  	[hbm4b:s16+s2] =	stream.linear.scatter [tilespmem:s9], [sflag:$0x3], $0x5000, $0x38;
	[tilespmem:$0xA500] =	vst v63  }
0x76: {  	_ =	swait.ge [sflag:s3], $0x5000  }
0x77: {  	[sflag:s3] =	ssyncset.done $0x0  }
0x78: {  	[sflag:s3] =	ssyncadd.s32 $0xFFFFB000  }
0x79: {  	[tilespmem:s9], [sflag:$0x2] =	stream.indirect.gather [hbm4b:s6+s7], $0x80, s17, s7, $0xb8;
	[tilespmem:$0xA500] =	vst v63  }
0x7a: {  	_ =	swait.ge [sflag:s10], $0x5000  }
0x7b: {  	[sflag:s10] =	ssyncset.done $0x0  }
0x7c: {  	[sflag:s10] =	ssyncadd.s32 $0xFFFFB000  }
0x7d: {  	[hbm4b:s18+s2] =	stream.linear.scatter [tilespmem:s8], [sflag:$0x3], $0x5000, $0x38;
	[tilespmem:$0xA500] =	vst v63  }
0x7e: {  	_ =	swait.ge [sflag:s3], $0x5000  }
0x7f: {  	[sflag:s3] =	ssyncset.done $0x0  }
0x80: {  	[sflag:s3] =	ssyncadd.s32 $0xFFFFB000  }
0x81: {  	[tilespmem:s8], [sflag:$0x1] =	stream.indirect.gather [hbm4b:s6+s7], $0x80, s19, s7, $0xb8;
	[tilespmem:$0xA500] =	vst v63  }
0x82: {  	_ =	swait.ge [sflag:s12], $0x5000  }
0x83: {  	[sflag:s12] =	ssyncset.done $0x0  }
0x84: {  	[sflag:s12] =	ssyncadd.s32 $0xFFFFB000  }
0x85: {  	[hbm4b:s20+s2] =	stream.linear.scatter [tilespmem:s9], [sflag:$0x3], $0x5000, $0x38;
	[tilespmem:$0xA500] =	vst v63  }
0x86: {  	_ =	swait.ge [sflag:s3], $0x5000  }
0x87: {  	[sflag:s3] =	ssyncset.done $0x0  }
0x88: {  	[sflag:s3] =	ssyncadd.s32 $0xFFFFB000  }
0x89: {  	[tilespmem:s21], [sflag:$0x2] =	stream.indirect.gather @!p0 [hbm4b:s6+s22], $0x80, s23, s22, $0xb8;
	[tilespmem:$0xA500] =	vst v63  }
0x8a: {  	_ =	swait.ge @!p0 [sflag:s24], $0x5000  }
0x8b: {  	[sflag:s24] =	ssyncset.done @!p0 $0x0  }
0x8c: {  	[sflag:s24] =	ssyncadd.s32 @!p0 $0xFFFFB000  }
0x8d: {  	[hbm4b:s25+s26] =	stream.linear.scatter @!p0 [tilespmem:s28], [sflag:$0x3], $0x5000, $0x38;
	[tilespmem:$0xA500] =	vst v63  }
0x8e: {  	_ =	swait.ge @!p0 [sflag:s29], $0x5000  }
0x8f: {  	s0 =	sadd.s32 $0xFFFFFFFF, s0;
	[sflag:s29] =	ssyncset.done @!p0 $0x0  }
0x90: {  	p1 =	sne.s32 s0, $0x0;
	[sflag:s29] =	ssyncadd.s32 @!p0 $0xFFFFB000  }
.Ltmp1:
0x91: {  	_ =	swait.ge [sflag:s30], $0x5000;
	(pc) =	sbr.rel @p1 .LBB2_2-.Ltmp1, $4  }
0x92: {  	[sflag:s30] =	ssyncset.done $0x0  }
0x93: {  	[sflag:s30] =	ssyncadd.s32 $0xFFFFB000  }
0x94: {  	[hbm4b:s31+s2] =	stream.linear.scatter [tilespmem:s1], [sflag:$0x3], $0x5000, $0x38;
	[tilespmem:$0xA500] =	vst v63  }
0x95: {  	_ =	swait.ge [sflag:s3], $0x5000  }
.LBB2_3:
0x96: {  	[sflag:s3] =	ssyncset.done $0x0  }
0x97: {  	[sflag:s3] =	ssyncadd.s32 $0xFFFFB000  }
0x98: {  	_ =	sfence.sel $0x180000  }
0x99: {  	[bflag:$0x0] =	sbarrier.arrive $0xFFFF  }
0x9a: {  	_ =	strace $0x90000050  }
0x9b: {  	s0 =	stileid.u32;
	[bflag:$0x2] =	sbarrier.arrive $0xFFFF  }
0x9c: {  	p0 =	sne.s32 s0, $0x0;
	s0 =	rddreg [dreg:$0x1]  }
0x9d: {  	s0 =	sadd.s32 @!p0 $0x100000, s0  }
0x9e: {  	[sflag:s0] =	ssyncadd.tile.s32 @!p0 $0x1;
	_ =	shalt  }
.Lfunc_end2:
_tile_overlayer_lowered:
.L_overlay_start_2:
0x9f: {  	(tag) =	ssettag $0x2  }
0xa0: {  	s0 =	rddreg [dreg:$0x0];
	s2 =	stileid.u32  }
0xa1: {  	s1 =	rddreg [dreg:$0x1];
	p0 =	sne.s32 s2, $0x0  }
0xa2: {  	s3 =	rddreg [dreg:$0x2];
	[bflag:$0x3] =	sbarrier.arrive $0xFFFF;
	s2 =	simm.s32 @!p0 $0x1C03  }
0xa3: {  	[timem:s3], [sflag:s2] =	dma.local @!p0 [hbm:s0], s1  }
0xa4: {  	s0 =	simm.s32 @!p0 $0x3  }
0xa5: {  	_ =	swait.ge @!p0 [sflag:s0], s1  }
0xa6: {  	s1 =	ssub.s32 @!p0 $0x0, s1;
	[sflag:s0] =	ssyncset.done @!p0 $0x0  }
0xa7: {  	[sflag:s0] =	ssyncadd.s32 @!p0 s1  }
0xa8: {  	[bflag:$0x3] =	sbarrier.arrive $0xFFFF  }
0xa9: {  	_ =	shalt  }

</sc_bundles>
